<compile_context>
chip_gen: v7x
topology: tpu7x:2x2x1
jax: 0.10.2.dev20260603
libtpu: 0.0.44.dev20260713+nightly
codegen_flags: <defaults>
</compile_context>

<pallas_src>
import dataclasses
import functools

import jax
import jax.numpy as jnp
from jax import lax
from jax.experimental import pallas as pl
from jax.experimental.pallas import tpu as pltpu
from jax.experimental.pallas import tpu_sc as plsc

N = 10000
D = 128
E = 320000
NC = 2
NS = 16
NW = NC * NS
CPT = D // NW
CPT_A = D // NS
EH = E // NC
EP = E // NW
SCH_A = 4000
SCH_B = 4000

_mesh = plsc.VectorSubcoreMesh(core_axis_name="c", subcore_axis_name="s")

_sc_params = pltpu.CompilerParams()
if "needs_layout_passes" in pltpu.CompilerParams.__dataclass_fields__:
    _sc_params = dataclasses.replace(_sc_params, needs_layout_passes=False)


def _normalize_body(x_ref, y_ref):
    xb = x_ref[...]
    n2 = jnp.sum(xb * xb, axis=1, keepdims=True)
    inv = jnp.where(n2 > 0, lax.rsqrt(n2), 0.0)
    y_ref[...] = xb * inv


def _tc_normalize(x):
    return pl.pallas_call(
        _normalize_body,
        out_shape=jax.ShapeDtypeStruct((N, D), jnp.float32),
        grid=(10,),
        in_specs=[pl.BlockSpec((N // 10, D), lambda i: (i, 0))],
        out_specs=pl.BlockSpec((N // 10, D), lambda i: (i, 0)),
    )(x)


@functools.partial(
    pl.kernel,
    mesh=_mesh,
    compiler_params=_sc_params,
    out_type=jax.ShapeDtypeStruct((NS * E,), jnp.float32),
    scratch_types=[
        pltpu.VMEM((CPT_A, N), jnp.float32),
        pltpu.VMEM((SCH_A,), jnp.int32),
        pltpu.VMEM((SCH_A,), jnp.int32),
        pltpu.VMEM((SCH_A,), jnp.int32),
        pltpu.VMEM((SCH_A,), jnp.int32),
        pltpu.VMEM((SCH_A,), jnp.float32),
        pltpu.VMEM((SCH_A,), jnp.float32),
        pltpu.SemaphoreType.DMA,
        pltpu.SemaphoreType.DMA,
        pltpu.SemaphoreType.DMA,
        pltpu.SemaphoreType.DMA,
        pltpu.SemaphoreType.DMA,
        pltpu.SemaphoreType.DMA,
    ],
)
def _sc_dots(yt_hbm, row_hbm, col_hbm, part_hbm, ytloc,
             rowb0, rowb1, colb0, colb1, pbuf0, pbuf1,
             sr0, sr1, sc0, sc1, sp0, sp1):
    cid = lax.axis_index("c")
    sid = lax.axis_index("s")
    ebase = cid * EH
    nsch = EH // SCH_A

    pltpu.sync_copy(yt_hbm.at[pl.ds(sid * CPT_A, CPT_A)], ytloc)

    def _in_copies(sc, rb, cb, sr, scm):
        off = ebase + sc * SCH_A
        return (pltpu.make_async_copy(row_hbm.at[pl.ds(off, SCH_A)], rb, sr),
                pltpu.make_async_copy(col_hbm.at[pl.ds(off, SCH_A)], cb, scm))

    def _out_copy(sc, pb, sp):
        off = sc * SCH_A
        return pltpu.make_async_copy(
            pb, part_hbm.at[pl.ds(sid * E + ebase + off, SCH_A)], sp)

    def _start_in(sc, rb, cb, sr, scm):
        off = ebase + sc * SCH_A
        pltpu.async_copy(row_hbm.at[pl.ds(off, SCH_A)], rb, sr)
        pltpu.async_copy(col_hbm.at[pl.ds(off, SCH_A)], cb, scm)

    def _compute(rb, cb, pb):
        @plsc.parallel_loop(0, SCH_A // 16, unroll=8)
        def _group(g):
            e16 = g * 16
            ridx = rb[pl.ds(e16, 16)]
            cidx = cb[pl.ds(e16, 16)]
            acc = jnp.zeros((16,), jnp.float32)
            for j in range(CPT_A):
                jv = jnp.full((16,), j, jnp.int32)
                va = plsc.load_gather(ytloc, [jv, ridx])
                vb = plsc.load_gather(ytloc, [jv, cidx])
                acc = acc + va * vb
            pb[pl.ds(e16, 16)] = acc

    _start_in(0, rowb0, colb0, sr0, sc0)

    @pl.loop(0, nsch)
    def _sch(sc):
        @pl.when(sc % 2 == 0)
        def _even():
            @pl.when(sc + 1 < nsch)
            def _pf():
                _start_in(sc + 1, rowb1, colb1, sr1, sc1)
            for c in _in_copies(sc, rowb0, colb0, sr0, sc0):
                c.wait()

            @pl.when(sc >= 2)
            def _wo():
                _out_copy(sc - 2, pbuf0, sp0).wait()
            _compute(rowb0, colb0, pbuf0)
            pltpu.async_copy(
                pbuf0, part_hbm.at[pl.ds(sid * E + ebase + sc * SCH_A, SCH_A)],
                sp0)

        @pl.when(sc % 2 == 1)
        def _odd():
            @pl.when(sc + 1 < nsch)
            def _pf():
                _start_in(sc + 1, rowb0, colb0, sr0, sc0)
            for c in _in_copies(sc, rowb1, colb1, sr1, sc1):
                c.wait()

            @pl.when(sc >= 2)
            def _wo():
                _out_copy(sc - 2, pbuf1, sp1).wait()
            _compute(rowb1, colb1, pbuf1)
            pltpu.async_copy(
                pbuf1, part_hbm.at[pl.ds(sid * E + ebase + sc * SCH_A, SCH_A)],
                sp1)

    _out_copy(nsch - 2, pbuf0, sp0).wait()
    _out_copy(nsch - 1, pbuf1, sp1).wait()


def _exp_body(b_ref, p_ref, ex_ref):
    s = jnp.sum(p_ref[...], axis=0, keepdims=True)
    ex_ref[...] = jnp.exp(b_ref[0, 0] * s)


def _tc_exp(part, beta2d):
    nblk = 20
    return pl.pallas_call(
        _exp_body,
        out_shape=jax.ShapeDtypeStruct((1, E), jnp.float32),
        grid=(nblk,),
        in_specs=[
            pl.BlockSpec((1, 1), lambda i: (0, 0)),
            pl.BlockSpec((NS, E // nblk), lambda i: (0, i)),
        ],
        out_specs=pl.BlockSpec((1, E // nblk), lambda i: (0, i)),
    )(beta2d, part)


@functools.partial(
    pl.kernel,
    mesh=_mesh,
    compiler_params=_sc_params,
    out_type=jax.ShapeDtypeStruct((NW, N), jnp.float32),
    scratch_types=[
        pltpu.VMEM((EP,), jnp.int32),
        pltpu.VMEM((EP,), jnp.float32),
        pltpu.VMEM((N,), jnp.float32),
    ],
)
def _sc_denom(row_hbm, ex_hbm, dpart_hbm, rowb, exb, dloc):
    cid = lax.axis_index("c")
    sid = lax.axis_index("s")
    wid = cid * NS + sid
    base = wid * EP

    pltpu.sync_copy(row_hbm.at[pl.ds(base, EP)], rowb)
    pltpu.sync_copy(ex_hbm.at[pl.ds(base, EP)], exb)

    @pl.loop(0, N, step=16)
    def _zero(i):
        dloc[pl.ds(i, 16)] = jnp.zeros((16,), jnp.float32)

    @plsc.parallel_loop(0, EP // 16, unroll=8)
    def _group(g):
        e16 = g * 16
        ridx = rowb[pl.ds(e16, 16)]
        ex = exb[pl.ds(e16, 16)]
        plsc.addupdate_scatter(dloc, [ridx], ex)

    pltpu.sync_copy(dloc, dpart_hbm.at[wid])


def _invdenom_body(dp_ref, inv_ref):
    s = jnp.sum(dp_ref[...], axis=0, keepdims=True)
    inv_ref[...] = 1.0 / s


def _tc_invdenom(dpart):
    return pl.pallas_call(
        _invdenom_body,
        out_shape=jax.ShapeDtypeStruct((1, N), jnp.float32),
        grid=(1,),
        in_specs=[pl.BlockSpec((NW, N), lambda i: (0, 0))],
        out_specs=pl.BlockSpec((1, N), lambda i: (0, 0)),
    )(dpart)


@functools.partial(
    pl.kernel,
    mesh=_mesh,
    compiler_params=_sc_params,
    out_type=jax.ShapeDtypeStruct((D, N), jnp.float32),
    scratch_types=[
        pltpu.VMEM((CPT, N), jnp.float32),
        pltpu.VMEM((CPT, N), jnp.float32),
        pltpu.VMEM((N,), jnp.float32),
        pltpu.VMEM((SCH_B,), jnp.int32),
        pltpu.VMEM((SCH_B,), jnp.int32),
        pltpu.VMEM((SCH_B,), jnp.int32),
        pltpu.VMEM((SCH_B,), jnp.int32),
        pltpu.VMEM((SCH_B,), jnp.float32),
        pltpu.VMEM((SCH_B,), jnp.float32),
        pltpu.SemaphoreType.DMA,
        pltpu.SemaphoreType.DMA,
        pltpu.SemaphoreType.DMA,
        pltpu.SemaphoreType.DMA,
        pltpu.SemaphoreType.DMA,
        pltpu.SemaphoreType.DMA,
    ],
)
def _sc_scatter(xt_hbm, row_hbm, col_hbm, ex_hbm, invd_hbm, outt_hbm,
                xtloc, otloc, invloc, rowb0, rowb1, colb0, colb1, exb0, exb1,
                sr0, sr1, sc0, sc1, se0, se1):
    cid = lax.axis_index("c")
    sid = lax.axis_index("s")
    wid = cid * NS + sid
    nsch = E // SCH_B

    pltpu.sync_copy(xt_hbm.at[pl.ds(wid * CPT, CPT)], xtloc)
    pltpu.sync_copy(invd_hbm.at[0], invloc)

    @pl.loop(0, N, step=16)
    def _zero(i):
        for j in range(CPT):
            otloc[j, pl.ds(i, 16)] = jnp.zeros((16,), jnp.float32)

    def _in_copies(sc, rb, cb, eb, sr, scm, se):
        off = sc * SCH_B
        return (pltpu.make_async_copy(row_hbm.at[pl.ds(off, SCH_B)], rb, sr),
                pltpu.make_async_copy(col_hbm.at[pl.ds(off, SCH_B)], cb, scm),
                pltpu.make_async_copy(ex_hbm.at[pl.ds(off, SCH_B)], eb, se))

    def _start_in(sc, rb, cb, eb, sr, scm, se):
        off = sc * SCH_B
        pltpu.async_copy(row_hbm.at[pl.ds(off, SCH_B)], rb, sr)
        pltpu.async_copy(col_hbm.at[pl.ds(off, SCH_B)], cb, scm)
        pltpu.async_copy(ex_hbm.at[pl.ds(off, SCH_B)], eb, se)

    def _compute(rb, cb, eb):
        @plsc.parallel_loop(0, SCH_B // 16, unroll=8)
        def _group(g):
            e16 = g * 16
            ridx = rb[pl.ds(e16, 16)]
            cidx = cb[pl.ds(e16, 16)]
            w = eb[pl.ds(e16, 16)] * plsc.load_gather(invloc, [ridx])
            for j in range(CPT):
                jv = jnp.full((16,), j, jnp.int32)
                v = plsc.load_gather(xtloc, [jv, cidx]) * w
                plsc.addupdate_scatter(otloc, [jv, ridx], v)

    _start_in(0, rowb0, colb0, exb0, sr0, sc0, se0)

    @pl.loop(0, nsch)
    def _sch(sc):
        @pl.when(sc % 2 == 0)
        def _even():
            @pl.when(sc + 1 < nsch)
            def _pf():
                _start_in(sc + 1, rowb1, colb1, exb1, sr1, sc1, se1)
            for c in _in_copies(sc, rowb0, colb0, exb0, sr0, sc0, se0):
                c.wait()
            _compute(rowb0, colb0, exb0)

        @pl.when(sc % 2 == 1)
        def _odd():
            @pl.when(sc + 1 < nsch)
            def _pf():
                _start_in(sc + 1, rowb0, colb0, exb0, sr0, sc0, se0)
            for c in _in_copies(sc, rowb1, colb1, exb1, sr1, sc1, se1):
                c.wait()
            _compute(rowb1, colb1, exb1)

    pltpu.sync_copy(otloc, outt_hbm.at[pl.ds(wid * CPT, CPT)])


def kernel(x, beta, edge_index):
    row = edge_index[0].astype(jnp.int32)
    col = edge_index[1].astype(jnp.int32)
    beta2d = beta.reshape(1, 1).astype(jnp.float32)
    y = _tc_normalize(x)
    yt = y.T
    xt = x.T
    part = _sc_dots(yt, row, col)
    ex2d = _tc_exp(part.reshape(NS, E), beta2d)
    ex = ex2d.reshape(E)
    dpart = _sc_denom(row, ex)
    invd = _tc_invdenom(dpart)
    outt = _sc_scatter(xt, row, col, ex, invd)
    return outt.T

# --- scband reference (transcript-rebuilt; emitter-appended) ---
"""Pipeline reference for scband-agnnconv-3178275799598 (READ-ONLY COPY).

The authoritative reference and input builder live on the scoring server;
editing this copy changes nothing except your own understanding.
"""

import jax, jax.numpy as jnp
import numpy as np

N_NODES = 10000
D_FEAT = 128
N_EDGES = 320000


def setup_inputs(seed: int = 0) -> dict:
    key = jax.random.key(seed)
    k1, k2 = jax.random.split(key)
    x = jax.random.normal(k1, (N_NODES, D_FEAT), dtype=jnp.float32)
    edge_index = jax.random.randint(k2, (2, N_EDGES), 0, N_NODES, dtype=jnp.int64)
    beta = jnp.ones((1,), dtype=jnp.float32)  # learned scalar, initializer='ones'
    return {"x": x, "beta": beta, "edge_index": edge_index}


def reference(x, beta, edge_index):
    # AGNNConv: attention coefficients = beta * cosine_similarity(x[row], x[col])
    # followed by per-row sparse softmax and sparse @ dense matmul.
    row = edge_index[0]
    col = edge_index[1]
    A = jnp.take(x, row, axis=0)
    B = jnp.take(x, col, axis=0)
    inner = jnp.sum(A * B, axis=1)
    normA = jnp.linalg.norm(A, ord=2, axis=1)
    normB = jnp.linalg.norm(B, ord=2, axis=1)
    sim = beta[0] * (inner / (normA * normB + 1e-07))
    n = x.shape[0]
    # sparse softmax per row (tf.sparse.softmax semantics)
    row_max = jax.ops.segment_max(sim, row, num_segments=n)
    row_max = jnp.where(jnp.isfinite(row_max), row_max, 0.0)
    ex = jnp.exp(sim - jnp.take(row_max, row, axis=0))
    denom = jax.ops.segment_sum(ex, row, num_segments=n)
    P = ex / jnp.take(denom, row, axis=0)
    # sparse_dense_matmul: out[row] += P * x[col]
    out = jax.ops.segment_sum(P[:, None] * jnp.take(x, col, axis=0), row, num_segments=n)
    return out

if __name__ == "__main__":
    import jax
    _d = setup_inputs()
    print(jax.jit(kernel)(*tuple(_d.values())))

</pallas_src>

<mosaic_0001>
#map = affine_map<(d0, d1) -> (0)>
#map1 = affine_map<(d0, d1) -> (0, 0)>
module attributes {stable_mosaic.version = 14 : i64} {
  func.func @_sc_denom(%arg0: i32, %arg1: i32, %arg2: memref<320000xi32, #tpu.memory_space<hbm>>, %arg3: memref<320000xf32, #tpu.memory_space<hbm>>, %arg4: memref<32x10000xf32, #tpu.memory_space<hbm>>, %arg5: memref<10000xi32, #tpu.memory_space<vmem>>, %arg6: memref<10000xf32, #tpu.memory_space<vmem>>, %arg7: memref<10000xf32, #tpu.memory_space<vmem>>) attributes {dimension_semantics = [#tpu.dimension_semantics<core_parallel>, #tpu.dimension_semantics<subcore_parallel>], iteration_bounds = array<i64: 2, 16>, scalar_prefetch = 0 : i64, scratch_operands = 3 : i64, tpu.core_type = #tpu.core_type<sc_vector_subcore>, window_params = [{transform_indices = #map}, {transform_indices = #map}, {transform_indices = #map1}]} {
    %mul3A = arith.constant 16 : i32
    %mul3A_0 = arith.muli %arg0, %mul3A : i32
    %add3A = arith.addi %mul3A_0, %arg1 : i32
    %mul3A_1 = arith.constant 10000 : i32
    %mul3A_2 = arith.muli %add3A, %mul3A_1 : i32
    "tpu.region"() ({
      %run_scoped3A = tpu.sem_alloc : memref<!tpu.dma_semaphore, #tpu.memory_space<semaphore_mem>>
      %dma_start3A = tpu.memref_slice %arg2[%mul3A_2] : memref<320000xi32, #tpu.memory_space<hbm>> -> memref<10000xi32, #tpu.memory_space<hbm>>
      %dma_start3A_9 = tpu.memref_slice %arg2[%mul3A_2] : memref<320000xi32, #tpu.memory_space<hbm>> -> memref<10000xi32, #tpu.memory_space<hbm>>
      tpu.enqueue_dma source(%dma_start3A_9 : memref<10000xi32, #tpu.memory_space<hbm>>) target(%arg5 : memref<10000xi32, #tpu.memory_space<vmem>>) target_semaphore(%run_scoped3A : memref<!tpu.dma_semaphore, #tpu.memory_space<semaphore_mem>>)
      %dma_wait3A = tpu.memref_slice %arg2[%mul3A_2] : memref<320000xi32, #tpu.memory_space<hbm>> -> memref<10000xi32, #tpu.memory_space<hbm>>
      %dma_wait3A_10 = tpu.memref_slice %arg2[%mul3A_2] : memref<320000xi32, #tpu.memory_space<hbm>> -> memref<10000xi32, #tpu.memory_space<hbm>>
      tpu.wait_dma2 semaphore(%run_scoped3A : memref<!tpu.dma_semaphore, #tpu.memory_space<semaphore_mem>>) src(%dma_wait3A_10 : memref<10000xi32, #tpu.memory_space<hbm>>) dst(%arg5 : memref<10000xi32, #tpu.memory_space<vmem>>)
      tpu.yield
    }) : () -> ()
    "tpu.region"() ({
      %run_scoped3A = tpu.sem_alloc : memref<!tpu.dma_semaphore, #tpu.memory_space<semaphore_mem>>
      %dma_start3A = tpu.memref_slice %arg3[%mul3A_2] : memref<320000xf32, #tpu.memory_space<hbm>> -> memref<10000xf32, #tpu.memory_space<hbm>>
      %dma_start3A_9 = tpu.memref_slice %arg3[%mul3A_2] : memref<320000xf32, #tpu.memory_space<hbm>> -> memref<10000xf32, #tpu.memory_space<hbm>>
      tpu.enqueue_dma source(%dma_start3A_9 : memref<10000xf32, #tpu.memory_space<hbm>>) target(%arg6 : memref<10000xf32, #tpu.memory_space<vmem>>) target_semaphore(%run_scoped3A : memref<!tpu.dma_semaphore, #tpu.memory_space<semaphore_mem>>)
      %dma_wait3A = tpu.memref_slice %arg3[%mul3A_2] : memref<320000xf32, #tpu.memory_space<hbm>> -> memref<10000xf32, #tpu.memory_space<hbm>>
      %dma_wait3A_10 = tpu.memref_slice %arg3[%mul3A_2] : memref<320000xf32, #tpu.memory_space<hbm>> -> memref<10000xf32, #tpu.memory_space<hbm>>
      tpu.wait_dma2 semaphore(%run_scoped3A : memref<!tpu.dma_semaphore, #tpu.memory_space<semaphore_mem>>) src(%dma_wait3A_10 : memref<10000xf32, #tpu.memory_space<hbm>>) dst(%arg6 : memref<10000xf32, #tpu.memory_space<vmem>>)
      tpu.yield
    }) : () -> ()
    %scan3A = arith.constant 0 : i32
    %scan3A_3 = arith.constant 625 : i32
    %scan3A_4 = arith.addi %scan3A, %scan3A_3 : i32
    %scan3A_5 = arith.constant 1 : i32
    scf.for %scan3A_9 = %scan3A to %scan3A_4 step %scan3A_5  : i32 {
      %mul3A_10 = arith.constant 16 : i32
      %mul3A_11 = arith.muli %scan3A_9, %mul3A_10 : i32
      %add3A_12 = arith.constant 0 : i32
      %add3A_13 = arith.addi %add3A_12, %mul3A_11 : i32
      %broadcast_in_dim3A = arith.constant 0.000000e+00 : f32
      %broadcast_in_dim3A_14 = vector.broadcast %broadcast_in_dim3A : f32 to vector<16xf32>
      %swap3A = arith.index_cast %add3A_13 : i32 to index
      %swap3A_15 = tpu.vector_load %arg7[%swap3A] {strides = array<i32>} : memref<10000xf32, #tpu.memory_space<vmem>>, vector<16xf32>,
      tpu.vector_store %arg7[%swap3A], %broadcast_in_dim3A_14 {strides = array<i32>} : memref<10000xf32, #tpu.memory_space<vmem>>, vector<16xf32>,
    }
    %scan3A_6 = arith.constant 625 : i32
    %parallel_loop3A = arith.constant 0 : i32
    %parallel_loop3A_7 = arith.constant 625 : i32
    %parallel_loop3A_8 = arith.constant 1 : i32
    scf.for %parallel_loop3A_9 = %parallel_loop3A to %parallel_loop3A_7 step %parallel_loop3A_8  : i32 {
      %parallel_loop3A_10 = arith.constant 16 : i32
      %parallel_loop3A_11 = arith.muli %parallel_loop3A_9, %parallel_loop3A_10 : i32
      %parallel_loop3A_12 = arith.index_cast %parallel_loop3A_11 : i32 to index
      %parallel_loop3A_13 = tpu.vector_load %arg5[%parallel_loop3A_12] {strides = array<i32>} : memref<10000xi32, #tpu.memory_space<vmem>>, vector<16xi32>,
      %parallel_loop3A_14 = arith.index_cast %parallel_loop3A_11 : i32 to index
      %parallel_loop3A_15 = tpu.vector_load %arg6[%parallel_loop3A_14] {strides = array<i32>} : memref<10000xf32, #tpu.memory_space<vmem>>, vector<16xf32>,
      tpu.vector_store_idx %arg7[%parallel_loop3A_13], %parallel_loop3A_15 {add = true} : memref<10000xf32, #tpu.memory_space<vmem>>[vector<16xi32>], vector<16xf32>,
    } {sc.loop_unroll_factor = 8 : i64, sc.parallel_access}
    "tpu.region"() ({
      %run_scoped3A = tpu.sem_alloc : memref<!tpu.dma_semaphore, #tpu.memory_space<semaphore_mem>>
      %dma_start3A = arith.constant 0 : i32
      %dma_start3A_9 = tpu.memref_slice %arg4[%add3A, %dma_start3A] : memref<32x10000xf32, #tpu.memory_space<hbm>> -> memref<1x10000xf32, #tpu.memory_space<hbm>>
      %dma_start3A_10 = tpu.memref_squeeze %dma_start3A_9 : memref<1x10000xf32, #tpu.memory_space<hbm>> -> memref<10000xf32, #tpu.memory_space<hbm>>
      %dma_start3A_11 = arith.constant 0 : i32
      %dma_start3A_12 = tpu.memref_slice %arg4[%add3A, %dma_start3A_11] : memref<32x10000xf32, #tpu.memory_space<hbm>> -> memref<1x10000xf32, #tpu.memory_space<hbm>>
      %dma_start3A_13 = tpu.memref_squeeze %dma_start3A_12 : memref<1x10000xf32, #tpu.memory_space<hbm>> -> memref<10000xf32, #tpu.memory_space<hbm>>
      tpu.enqueue_dma source(%arg7 : memref<10000xf32, #tpu.memory_space<vmem>>) target(%dma_start3A_13 : memref<10000xf32, #tpu.memory_space<hbm>>) target_semaphore(%run_scoped3A : memref<!tpu.dma_semaphore, #tpu.memory_space<semaphore_mem>>)
      %dma_wait3A = arith.constant 0 : i32
      %dma_wait3A_14 = tpu.memref_slice %arg4[%add3A, %dma_wait3A] : memref<32x10000xf32, #tpu.memory_space<hbm>> -> memref<1x10000xf32, #tpu.memory_space<hbm>>
      %dma_wait3A_15 = tpu.memref_squeeze %dma_wait3A_14 : memref<1x10000xf32, #tpu.memory_space<hbm>> -> memref<10000xf32, #tpu.memory_space<hbm>>
      %dma_wait3A_16 = arith.constant 0 : i32
      %dma_wait3A_17 = tpu.memref_slice %arg4[%add3A, %dma_wait3A_16] : memref<32x10000xf32, #tpu.memory_space<hbm>> -> memref<1x10000xf32, #tpu.memory_space<hbm>>
      %dma_wait3A_18 = tpu.memref_squeeze %dma_wait3A_17 : memref<1x10000xf32, #tpu.memory_space<hbm>> -> memref<10000xf32, #tpu.memory_space<hbm>>
      tpu.wait_dma2 semaphore(%run_scoped3A : memref<!tpu.dma_semaphore, #tpu.memory_space<semaphore_mem>>) src(%arg7 : memref<10000xf32, #tpu.memory_space<vmem>>) dst(%dma_wait3A_18 : memref<10000xf32, #tpu.memory_space<hbm>>)
      tpu.yield
    }) : () -> ()
    return
  }
}

#map = affine_map<(d0, d1) -> (0, 0)>
#map1 = affine_map<(d0, d1) -> (0)>
module attributes {stable_mosaic.version = 14 : i64} {
  func.func @_sc_dots(%arg0: i32, %arg1: i32, %arg2: memref<128x10000xf32, #tpu.memory_space<hbm>>, %arg3: memref<320000xi32, #tpu.memory_space<hbm>>, %arg4: memref<320000xi32, #tpu.memory_space<hbm>>, %arg5: memref<5120000xf32, #tpu.memory_space<hbm>>, %arg6: memref<8x10000xf32, #tpu.memory_space<vmem>>, %arg7: memref<4000xi32, #tpu.memory_space<vmem>>, %arg8: memref<4000xi32, #tpu.memory_space<vmem>>, %arg9: memref<4000xi32, #tpu.memory_space<vmem>>, %arg10: memref<4000xi32, #tpu.memory_space<vmem>>, %arg11: memref<4000xf32, #tpu.memory_space<vmem>>, %arg12: memref<4000xf32, #tpu.memory_space<vmem>>, %arg13: memref<!tpu.dma_semaphore, #tpu.memory_space<semaphore_mem>>, %arg14: memref<!tpu.dma_semaphore, #tpu.memory_space<semaphore_mem>>, %arg15: memref<!tpu.dma_semaphore, #tpu.memory_space<semaphore_mem>>, %arg16: memref<!tpu.dma_semaphore, #tpu.memory_space<semaphore_mem>>, %arg17: memref<!tpu.dma_semaphore, #tpu.memory_space<semaphore_mem>>, %arg18: memref<!tpu.dma_semaphore, #tpu.memory_space<semaphore_mem>>) attributes {dimension_semantics = [#tpu.dimension_semantics<core_parallel>, #tpu.dimension_semantics<subcore_parallel>], iteration_bounds = array<i64: 2, 16>, scalar_prefetch = 0 : i64, scratch_operands = 13 : i64, tpu.core_type = #tpu.core_type<sc_vector_subcore>, window_params = [{transform_indices = #map}, {transform_indices = #map1}, {transform_indices = #map1}, {transform_indices = #map1}]} {
    %mul3A = arith.constant 160000 : i32
    %mul3A_0 = arith.muli %arg0, %mul3A : i32
    %mul3A_1 = arith.constant 8 : i32
    %mul3A_2 = arith.muli %arg1, %mul3A_1 : i32
    "tpu.region"() ({
      %run_scoped3A = tpu.sem_alloc : memref<!tpu.dma_semaphore, #tpu.memory_space<semaphore_mem>>
      %dma_start3A_24 = arith.constant 0 : i32
      %dma_start3A_25 = tpu.memref_slice %arg2[%mul3A_2, %dma_start3A_24] : memref<128x10000xf32, #tpu.memory_space<hbm>> -> memref<8x10000xf32, #tpu.memory_space<hbm>>
      %dma_start3A_26 = arith.constant 0 : i32
      %dma_start3A_27 = tpu.memref_slice %arg2[%mul3A_2, %dma_start3A_26] : memref<128x10000xf32, #tpu.memory_space<hbm>> -> memref<8x10000xf32, #tpu.memory_space<hbm>>
      tpu.enqueue_dma source(%dma_start3A_27 : memref<8x10000xf32, #tpu.memory_space<hbm>>) target(%arg6 : memref<8x10000xf32, #tpu.memory_space<vmem>>) target_semaphore(%run_scoped3A : memref<!tpu.dma_semaphore, #tpu.memory_space<semaphore_mem>>)
      %dma_wait3A_28 = arith.constant 0 : i32
      %dma_wait3A_29 = tpu.memref_slice %arg2[%mul3A_2, %dma_wait3A_28] : memref<128x10000xf32, #tpu.memory_space<hbm>> -> memref<8x10000xf32, #tpu.memory_space<hbm>>
      %dma_wait3A_30 = arith.constant 0 : i32
      %dma_wait3A_31 = tpu.memref_slice %arg2[%mul3A_2, %dma_wait3A_30] : memref<128x10000xf32, #tpu.memory_space<hbm>> -> memref<8x10000xf32, #tpu.memory_space<hbm>>
      tpu.wait_dma2 semaphore(%run_scoped3A : memref<!tpu.dma_semaphore, #tpu.memory_space<semaphore_mem>>) src(%dma_wait3A_31 : memref<8x10000xf32, #tpu.memory_space<hbm>>) dst(%arg6 : memref<8x10000xf32, #tpu.memory_space<vmem>>)
      tpu.yield
    }) : () -> ()
    %add3A = arith.constant 0 : i32
    %add3A_3 = arith.addi %mul3A_0, %add3A : i32
    %dma_start3A = tpu.memref_slice %arg3[%add3A_3] : memref<320000xi32, #tpu.memory_space<hbm>> -> memref<4000xi32, #tpu.memory_space<hbm>>
    %dma_start3A_4 = tpu.memref_slice %arg3[%add3A_3] : memref<320000xi32, #tpu.memory_space<hbm>> -> memref<4000xi32, #tpu.memory_space<hbm>>
    tpu.enqueue_dma source(%dma_start3A_4 : memref<4000xi32, #tpu.memory_space<hbm>>) target(%arg7 : memref<4000xi32, #tpu.memory_space<vmem>>) target_semaphore(%arg13 : memref<!tpu.dma_semaphore, #tpu.memory_space<semaphore_mem>>)
    %dma_start3A_5 = tpu.memref_slice %arg4[%add3A_3] : memref<320000xi32, #tpu.memory_space<hbm>> -> memref<4000xi32, #tpu.memory_space<hbm>>
    %dma_start3A_6 = tpu.memref_slice %arg4[%add3A_3] : memref<320000xi32, #tpu.memory_space<hbm>> -> memref<4000xi32, #tpu.memory_space<hbm>>
    tpu.enqueue_dma source(%dma_start3A_6 : memref<4000xi32, #tpu.memory_space<hbm>>) target(%arg9 : memref<4000xi32, #tpu.memory_space<vmem>>) target_semaphore(%arg15 : memref<!tpu.dma_semaphore, #tpu.memory_space<semaphore_mem>>)
    %scan3A = arith.constant 0 : i32
    %scan3A_7 = arith.constant 40 : i32
    %scan3A_8 = arith.addi %scan3A, %scan3A_7 : i32
    %scan3A_9 = arith.constant 1 : i32
    scf.for %scan3A_24 = %scan3A to %scan3A_8 step %scan3A_9  : i32 {
      %mul3A_25 = arith.constant 1 : i32
      %mul3A_26 = arith.muli %scan3A_24, %mul3A_25 : i32
      %add3A_27 = arith.constant 0 : i32
      %add3A_28 = arith.addi %add3A_27, %mul3A_26 : i32
      %jit3A = arith.constant 2 : i32
      %eq3A = arith.constant 0 : i32
      %eq3A_29 = arith.cmpi eq, %jit3A, %eq3A : i32
      %jit3A_30 = arith.constant 1 : i32
      %select_n3A = arith.select %eq3A_29, %jit3A_30, %jit3A : i32
      %rem3A = arith.remsi %add3A_28, %select_n3A : i32
      %ne3A = arith.constant 0 : i32
      %ne3A_31 = arith.cmpi ne, %rem3A, %ne3A : i32
      %lt3A = arith.constant 0 : i32
      %lt3A_32 = arith.cmpi slt, %rem3A, %lt3A : i32
      %lt3A_33 = arith.constant 0 : i32
      %lt3A_34 = arith.cmpi slt, %select_n3A, %lt3A_33 : i32
      %ne3A_35 = arith.xori %lt3A_32, %lt3A_34 : i1
      %and3A = arith.andi %ne3A_35, %ne3A_31 : i1
      %add3A_36 = arith.addi %rem3A, %select_n3A : i32
      %select_n3A_37 = arith.select %and3A, %add3A_36, %rem3A : i32
      %eq3A_38 = arith.constant 0 : i32
      %eq3A_39 = arith.cmpi eq, %select_n3A_37, %eq3A_38 : i32
      %convert_element_type3A = arith.extui %eq3A_39 : i1 to i32
      %cond3A = arith.constant 0 : i32
      %cond3A_40 = arith.cmpi ne, %convert_element_type3A, %cond3A : i32
      scf.if %cond3A_40 {
        %add3A_62 = arith.constant 1 : i32
        %add3A_63 = arith.addi %add3A_28, %add3A_62 : i32
        %lt3A_64 = arith.constant 40 : i32
        %lt3A_65 = arith.cmpi slt, %add3A_63, %lt3A_64 : i32
        %convert_element_type3A_66 = arith.extui %lt3A_65 : i1 to i32
        %cond3A_67 = arith.constant 0 : i32
        %cond3A_68 = arith.cmpi ne, %convert_element_type3A_66, %cond3A_67 : i32
        scf.if %cond3A_68 {
          %add3A_90 = arith.constant 1 : i32
          %add3A_91 = arith.addi %add3A_28, %add3A_90 : i32
          %mul3A_92 = arith.constant 4000 : i32
          %mul3A_93 = arith.muli %add3A_91, %mul3A_92 : i32
          %add3A_94 = arith.addi %mul3A_0, %mul3A_93 : i32
          %dma_start3A_95 = tpu.memref_slice %arg3[%add3A_94] : memref<320000xi32, #tpu.memory_space<hbm>> -> memref<4000xi32, #tpu.memory_space<hbm>>
          %dma_start3A_96 = tpu.memref_slice %arg3[%add3A_94] : memref<320000xi32, #tpu.memory_space<hbm>> -> memref<4000xi32, #tpu.memory_space<hbm>>
          tpu.enqueue_dma source(%dma_start3A_96 : memref<4000xi32, #tpu.memory_space<hbm>>) target(%arg8 : memref<4000xi32, #tpu.memory_space<vmem>>) target_semaphore(%arg14 : memref<!tpu.dma_semaphore, #tpu.memory_space<semaphore_mem>>)
          %dma_start3A_97 = tpu.memref_slice %arg4[%add3A_94] : memref<320000xi32, #tpu.memory_space<hbm>> -> memref<4000xi32, #tpu.memory_space<hbm>>
          %dma_start3A_98 = tpu.memref_slice %arg4[%add3A_94] : memref<320000xi32, #tpu.memory_space<hbm>> -> memref<4000xi32, #tpu.memory_space<hbm>>
          tpu.enqueue_dma source(%dma_start3A_98 : memref<4000xi32, #tpu.memory_space<hbm>>) target(%arg10 : memref<4000xi32, #tpu.memory_space<vmem>>) target_semaphore(%arg16 : memref<!tpu.dma_semaphore, #tpu.memory_space<semaphore_mem>>)
        } else {
        }
        %mul3A_69 = arith.constant 4000 : i32
        %mul3A_70 = arith.muli %add3A_28, %mul3A_69 : i32
        %add3A_71 = arith.addi %mul3A_0, %mul3A_70 : i32
        %dma_wait3A_72 = tpu.memref_slice %arg3[%add3A_71] : memref<320000xi32, #tpu.memory_space<hbm>> -> memref<4000xi32, #tpu.memory_space<hbm>>
        %dma_wait3A_73 = tpu.memref_slice %arg3[%add3A_71] : memref<320000xi32, #tpu.memory_space<hbm>> -> memref<4000xi32, #tpu.memory_space<hbm>>
        tpu.wait_dma2 semaphore(%arg13 : memref<!tpu.dma_semaphore, #tpu.memory_space<semaphore_mem>>) src(%dma_wait3A_73 : memref<4000xi32, #tpu.memory_space<hbm>>) dst(%arg7 : memref<4000xi32, #tpu.memory_space<vmem>>)
        %dma_wait3A_74 = tpu.memref_slice %arg4[%add3A_71] : memref<320000xi32, #tpu.memory_space<hbm>> -> memref<4000xi32, #tpu.memory_space<hbm>>
        %dma_wait3A_75 = tpu.memref_slice %arg4[%add3A_71] : memref<320000xi32, #tpu.memory_space<hbm>> -> memref<4000xi32, #tpu.memory_space<hbm>>
        tpu.wait_dma2 semaphore(%arg15 : memref<!tpu.dma_semaphore, #tpu.memory_space<semaphore_mem>>) src(%dma_wait3A_75 : memref<4000xi32, #tpu.memory_space<hbm>>) dst(%arg9 : memref<4000xi32, #tpu.memory_space<vmem>>)
        %ge3A = arith.constant 2 : i32
        %ge3A_76 = arith.cmpi sge, %add3A_28, %ge3A : i32
        %convert_element_type3A_77 = arith.extui %ge3A_76 : i1 to i32
        %cond3A_78 = arith.constant 0 : i32
        %cond3A_79 = arith.cmpi ne, %convert_element_type3A_77, %cond3A_78 : i32
        scf.if %cond3A_79 {
          %sub3A = arith.constant 2 : i32
          %sub3A_90 = arith.subi %add3A_28, %sub3A : i32
          %mul3A_91 = arith.constant 4000 : i32
          %mul3A_92 = arith.muli %sub3A_90, %mul3A_91 : i32
          %mul3A_93 = arith.constant 320000 : i32
          %mul3A_94 = arith.muli %arg1, %mul3A_93 : i32
          %add3A_95 = arith.addi %mul3A_94, %mul3A_0 : i32
          %add3A_96 = arith.addi %add3A_95, %mul3A_92 : i32
          %dma_wait3A_97 = tpu.memref_slice %arg5[%add3A_96] : memref<5120000xf32, #tpu.memory_space<hbm>> -> memref<4000xf32, #tpu.memory_space<hbm>>
          %dma_wait3A_98 = tpu.memref_slice %arg5[%add3A_96] : memref<5120000xf32, #tpu.memory_space<hbm>> -> memref<4000xf32, #tpu.memory_space<hbm>>
          tpu.wait_dma2 semaphore(%arg17 : memref<!tpu.dma_semaphore, #tpu.memory_space<semaphore_mem>>) src(%arg11 : memref<4000xf32, #tpu.memory_space<vmem>>) dst(%dma_wait3A_98 : memref<4000xf32, #tpu.memory_space<hbm>>)
        } else {
        }
        %parallel_loop3A = arith.constant 0 : i32
        %parallel_loop3A_80 = arith.constant 250 : i32
        %parallel_loop3A_81 = arith.constant 1 : i32
        scf.for %parallel_loop3A_90 = %parallel_loop3A to %parallel_loop3A_80 step %parallel_loop3A_81  : i32 {
          %parallel_loop3A_91 = arith.constant 16 : i32
          %parallel_loop3A_92 = arith.muli %parallel_loop3A_90, %parallel_loop3A_91 : i32
          %parallel_loop3A_93 = arith.index_cast %parallel_loop3A_92 : i32 to index
          %parallel_loop3A_94 = tpu.vector_load %arg7[%parallel_loop3A_93] {strides = array<i32>} : memref<4000xi32, #tpu.memory_space<vmem>>, vector<16xi32>,
          %parallel_loop3A_95 = arith.index_cast %parallel_loop3A_92 : i32 to index
          %parallel_loop3A_96 = tpu.vector_load %arg9[%parallel_loop3A_95] {strides = array<i32>} : memref<4000xi32, #tpu.memory_space<vmem>>, vector<16xi32>,
          %parallel_loop3A_97 = arith.constant 0.000000e+00 : f32
          %parallel_loop3A_98 = vector.broadcast %parallel_loop3A_97 : f32 to vector<16xf32>
          %parallel_loop3A_99 = arith.constant 0 : i32
          %parallel_loop3A_100 = vector.broadcast %parallel_loop3A_99 : i32 to vector<16xi32>
          %parallel_loop3A_101 = tpu.vector_load_idx %arg6[%parallel_loop3A_100, %parallel_loop3A_94] : memref<8x10000xf32, #tpu.memory_space<vmem>>[vector<16xi32>, vector<16xi32>], vector<16xf32>,
          %parallel_loop3A_102 = tpu.vector_load_idx %arg6[%parallel_loop3A_100, %parallel_loop3A_96] : memref<8x10000xf32, #tpu.memory_space<vmem>>[vector<16xi32>, vector<16xi32>], vector<16xf32>,
          %parallel_loop3A_103 = arith.mulf %parallel_loop3A_101, %parallel_loop3A_102 : vector<16xf32>
          %parallel_loop3A_104 = arith.addf %parallel_loop3A_98, %parallel_loop3A_103 : vector<16xf32>
          %parallel_loop3A_105 = arith.constant 1 : i32
          %parallel_loop3A_106 = vector.broadcast %parallel_loop3A_105 : i32 to vector<16xi32>
          %parallel_loop3A_107 = tpu.vector_load_idx %arg6[%parallel_loop3A_106, %parallel_loop3A_94] : memref<8x10000xf32, #tpu.memory_space<vmem>>[vector<16xi32>, vector<16xi32>], vector<16xf32>,
          %parallel_loop3A_108 = tpu.vector_load_idx %arg6[%parallel_loop3A_106, %parallel_loop3A_96] : memref<8x10000xf32, #tpu.memory_space<vmem>>[vector<16xi32>, vector<16xi32>], vector<16xf32>,
          %parallel_loop3A_109 = arith.mulf %parallel_loop3A_107, %parallel_loop3A_108 : vector<16xf32>
          %parallel_loop3A_110 = arith.addf %parallel_loop3A_104, %parallel_loop3A_109 : vector<16xf32>
          %parallel_loop3A_111 = arith.constant 2 : i32
          %parallel_loop3A_112 = vector.broadcast %parallel_loop3A_111 : i32 to vector<16xi32>
          %parallel_loop3A_113 = tpu.vector_load_idx %arg6[%parallel_loop3A_112, %parallel_loop3A_94] : memref<8x10000xf32, #tpu.memory_space<vmem>>[vector<16xi32>, vector<16xi32>], vector<16xf32>,
          %parallel_loop3A_114 = tpu.vector_load_idx %arg6[%parallel_loop3A_112, %parallel_loop3A_96] : memref<8x10000xf32, #tpu.memory_space<vmem>>[vector<16xi32>, vector<16xi32>], vector<16xf32>,
          %parallel_loop3A_115 = arith.mulf %parallel_loop3A_113, %parallel_loop3A_114 : vector<16xf32>
          %parallel_loop3A_116 = arith.addf %parallel_loop3A_110, %parallel_loop3A_115 : vector<16xf32>
          %parallel_loop3A_117 = arith.constant 3 : i32
          %parallel_loop3A_118 = vector.broadcast %parallel_loop3A_117 : i32 to vector<16xi32>
          %parallel_loop3A_119 = tpu.vector_load_idx %arg6[%parallel_loop3A_118, %parallel_loop3A_94] : memref<8x10000xf32, #tpu.memory_space<vmem>>[vector<16xi32>, vector<16xi32>], vector<16xf32>,
          %parallel_loop3A_120 = tpu.vector_load_idx %arg6[%parallel_loop3A_118, %parallel_loop3A_96] : memref<8x10000xf32, #tpu.memory_space<vmem>>[vector<16xi32>, vector<16xi32>], vector<16xf32>,
          %parallel_loop3A_121 = arith.mulf %parallel_loop3A_119, %parallel_loop3A_120 : vector<16xf32>
          %parallel_loop3A_122 = arith.addf %parallel_loop3A_116, %parallel_loop3A_121 : vector<16xf32>
          %parallel_loop3A_123 = arith.constant 4 : i32
          %parallel_loop3A_124 = vector.broadcast %parallel_loop3A_123 : i32 to vector<16xi32>
          %parallel_loop3A_125 = tpu.vector_load_idx %arg6[%parallel_loop3A_124, %parallel_loop3A_94] : memref<8x10000xf32, #tpu.memory_space<vmem>>[vector<16xi32>, vector<16xi32>], vector<16xf32>,
          %parallel_loop3A_126 = tpu.vector_load_idx %arg6[%parallel_loop3A_124, %parallel_loop3A_96] : memref<8x10000xf32, #tpu.memory_space<vmem>>[vector<16xi32>, vector<16xi32>], vector<16xf32>,
          %parallel_loop3A_127 = arith.mulf %parallel_loop3A_125, %parallel_loop3A_126 : vector<16xf32>
          %parallel_loop3A_128 = arith.addf %parallel_loop3A_122, %parallel_loop3A_127 : vector<16xf32>
          %parallel_loop3A_129 = arith.constant 5 : i32
          %parallel_loop3A_130 = vector.broadcast %parallel_loop3A_129 : i32 to vector<16xi32>
          %parallel_loop3A_131 = tpu.vector_load_idx %arg6[%parallel_loop3A_130, %parallel_loop3A_94] : memref<8x10000xf32, #tpu.memory_space<vmem>>[vector<16xi32>, vector<16xi32>], vector<16xf32>,
          %parallel_loop3A_132 = tpu.vector_load_idx %arg6[%parallel_loop3A_130, %parallel_loop3A_96] : memref<8x10000xf32, #tpu.memory_space<vmem>>[vector<16xi32>, vector<16xi32>], vector<16xf32>,
          %parallel_loop3A_133 = arith.mulf %parallel_loop3A_131, %parallel_loop3A_132 : vector<16xf32>
          %parallel_loop3A_134 = arith.addf %parallel_loop3A_128, %parallel_loop3A_133 : vector<16xf32>
          %parallel_loop3A_135 = arith.constant 6 : i32
          %parallel_loop3A_136 = vector.broadcast %parallel_loop3A_135 : i32 to vector<16xi32>
          %parallel_loop3A_137 = tpu.vector_load_idx %arg6[%parallel_loop3A_136, %parallel_loop3A_94] : memref<8x10000xf32, #tpu.memory_space<vmem>>[vector<16xi32>, vector<16xi32>], vector<16xf32>,
          %parallel_loop3A_138 = tpu.vector_load_idx %arg6[%parallel_loop3A_136, %parallel_loop3A_96] : memref<8x10000xf32, #tpu.memory_space<vmem>>[vector<16xi32>, vector<16xi32>], vector<16xf32>,
          %parallel_loop3A_139 = arith.mulf %parallel_loop3A_137, %parallel_loop3A_138 : vector<16xf32>
          %parallel_loop3A_140 = arith.addf %parallel_loop3A_134, %parallel_loop3A_139 : vector<16xf32>
          %parallel_loop3A_141 = arith.constant 7 : i32
          %parallel_loop3A_142 = vector.broadcast %parallel_loop3A_141 : i32 to vector<16xi32>
          %parallel_loop3A_143 = tpu.vector_load_idx %arg6[%parallel_loop3A_142, %parallel_loop3A_94] : memref<8x10000xf32, #tpu.memory_space<vmem>>[vector<16xi32>, vector<16xi32>], vector<16xf32>,
          %parallel_loop3A_144 = tpu.vector_load_idx %arg6[%parallel_loop3A_142, %parallel_loop3A_96] : memref<8x10000xf32, #tpu.memory_space<vmem>>[vector<16xi32>, vector<16xi32>], vector<16xf32>,
          %parallel_loop3A_145 = arith.mulf %parallel_loop3A_143, %parallel_loop3A_144 : vector<16xf32>
          %parallel_loop3A_146 = arith.addf %parallel_loop3A_140, %parallel_loop3A_145 : vector<16xf32>
          %parallel_loop3A_147 = arith.index_cast %parallel_loop3A_92 : i32 to index
          %parallel_loop3A_148 = tpu.vector_load %arg11[%parallel_loop3A_147] {strides = array<i32>} : memref<4000xf32, #tpu.memory_space<vmem>>, vector<16xf32>,
          tpu.vector_store %arg11[%parallel_loop3A_147], %parallel_loop3A_146 {strides = array<i32>} : memref<4000xf32, #tpu.memory_space<vmem>>, vector<16xf32>,
        } {sc.loop_unroll_factor = 8 : i64, sc.parallel_access}
        %mul3A_82 = arith.constant 320000 : i32
        %mul3A_83 = arith.muli %arg1, %mul3A_82 : i32
        %add3A_84 = arith.addi %mul3A_83, %mul3A_0 : i32
        %mul3A_85 = arith.constant 4000 : i32
        %mul3A_86 = arith.muli %add3A_28, %mul3A_85 : i32
        %add3A_87 = arith.addi %add3A_84, %mul3A_86 : i32
        %dma_start3A_88 = tpu.memref_slice %arg5[%add3A_87] : memref<5120000xf32, #tpu.memory_space<hbm>> -> memref<4000xf32, #tpu.memory_space<hbm>>
        %dma_start3A_89 = tpu.memref_slice %arg5[%add3A_87] : memref<5120000xf32, #tpu.memory_space<hbm>> -> memref<4000xf32, #tpu.memory_space<hbm>>
        tpu.enqueue_dma source(%arg11 : memref<4000xf32, #tpu.memory_space<vmem>>) target(%dma_start3A_89 : memref<4000xf32, #tpu.memory_space<hbm>>) target_semaphore(%arg17 : memref<!tpu.dma_semaphore, #tpu.memory_space<semaphore_mem>>)
      } else {
      }
      %jit3A_41 = arith.constant 2 : i32
      %eq3A_42 = arith.constant 0 : i32
      %eq3A_43 = arith.cmpi eq, %jit3A_41, %eq3A_42 : i32
      %jit3A_44 = arith.constant 1 : i32
      %select_n3A_45 = arith.select %eq3A_43, %jit3A_44, %jit3A_41 : i32
      %rem3A_46 = arith.remsi %add3A_28, %select_n3A_45 : i32
      %ne3A_47 = arith.constant 0 : i32
      %ne3A_48 = arith.cmpi ne, %rem3A_46, %ne3A_47 : i32
      %lt3A_49 = arith.constant 0 : i32
      %lt3A_50 = arith.cmpi slt, %rem3A_46, %lt3A_49 : i32
      %lt3A_51 = arith.constant 0 : i32
      %lt3A_52 = arith.cmpi slt, %select_n3A_45, %lt3A_51 : i32
      %ne3A_53 = arith.xori %lt3A_50, %lt3A_52 : i1
      %and3A_54 = arith.andi %ne3A_53, %ne3A_48 : i1
      %add3A_55 = arith.addi %rem3A_46, %select_n3A_45 : i32
      %select_n3A_56 = arith.select %and3A_54, %add3A_55, %rem3A_46 : i32
      %eq3A_57 = arith.constant 1 : i32
      %eq3A_58 = arith.cmpi eq, %select_n3A_56, %eq3A_57 : i32
      %convert_element_type3A_59 = arith.extui %eq3A_58 : i1 to i32
      %cond3A_60 = arith.constant 0 : i32
      %cond3A_61 = arith.cmpi ne, %convert_element_type3A_59, %cond3A_60 : i32
      scf.if %cond3A_61 {
        %add3A_62 = arith.constant 1 : i32
        %add3A_63 = arith.addi %add3A_28, %add3A_62 : i32
        %lt3A_64 = arith.constant 40 : i32
        %lt3A_65 = arith.cmpi slt, %add3A_63, %lt3A_64 : i32
        %convert_element_type3A_66 = arith.extui %lt3A_65 : i1 to i32
        %cond3A_67 = arith.constant 0 : i32
        %cond3A_68 = arith.cmpi ne, %convert_element_type3A_66, %cond3A_67 : i32
        scf.if %cond3A_68 {
          %add3A_90 = arith.constant 1 : i32
          %add3A_91 = arith.addi %add3A_28, %add3A_90 : i32
          %mul3A_92 = arith.constant 4000 : i32
          %mul3A_93 = arith.muli %add3A_91, %mul3A_92 : i32
          %add3A_94 = arith.addi %mul3A_0, %mul3A_93 : i32
          %dma_start3A_95 = tpu.memref_slice %arg3[%add3A_94] : memref<320000xi32, #tpu.memory_space<hbm>> -> memref<4000xi32, #tpu.memory_space<hbm>>
          %dma_start3A_96 = tpu.memref_slice %arg3[%add3A_94] : memref<320000xi32, #tpu.memory_space<hbm>> -> memref<4000xi32, #tpu.memory_space<hbm>>
          tpu.enqueue_dma source(%dma_start3A_96 : memref<4000xi32, #tpu.memory_space<hbm>>) target(%arg7 : memref<4000xi32, #tpu.memory_space<vmem>>) target_semaphore(%arg13 : memref<!tpu.dma_semaphore, #tpu.memory_space<semaphore_mem>>)
          %dma_start3A_97 = tpu.memref_slice %arg4[%add3A_94] : memref<320000xi32, #tpu.memory_space<hbm>> -> memref<4000xi32, #tpu.memory_space<hbm>>
          %dma_start3A_98 = tpu.memref_slice %arg4[%add3A_94] : memref<320000xi32, #tpu.memory_space<hbm>> -> memref<4000xi32, #tpu.memory_space<hbm>>
          tpu.enqueue_dma source(%dma_start3A_98 : memref<4000xi32, #tpu.memory_space<hbm>>) target(%arg9 : memref<4000xi32, #tpu.memory_space<vmem>>) target_semaphore(%arg15 : memref<!tpu.dma_semaphore, #tpu.memory_space<semaphore_mem>>)
        } else {
        }
        %mul3A_69 = arith.constant 4000 : i32
        %mul3A_70 = arith.muli %add3A_28, %mul3A_69 : i32
        %add3A_71 = arith.addi %mul3A_0, %mul3A_70 : i32
        %dma_wait3A_72 = tpu.memref_slice %arg3[%add3A_71] : memref<320000xi32, #tpu.memory_space<hbm>> -> memref<4000xi32, #tpu.memory_space<hbm>>
        %dma_wait3A_73 = tpu.memref_slice %arg3[%add3A_71] : memref<320000xi32, #tpu.memory_space<hbm>> -> memref<4000xi32, #tpu.memory_space<hbm>>
        tpu.wait_dma2 semaphore(%arg14 : memref<!tpu.dma_semaphore, #tpu.memory_space<semaphore_mem>>) src(%dma_wait3A_73 : memref<4000xi32, #tpu.memory_space<hbm>>) dst(%arg8 : memref<4000xi32, #tpu.memory_space<vmem>>)
        %dma_wait3A_74 = tpu.memref_slice %arg4[%add3A_71] : memref<320000xi32, #tpu.memory_space<hbm>> -> memref<4000xi32, #tpu.memory_space<hbm>>
        %dma_wait3A_75 = tpu.memref_slice %arg4[%add3A_71] : memref<320000xi32, #tpu.memory_space<hbm>> -> memref<4000xi32, #tpu.memory_space<hbm>>
        tpu.wait_dma2 semaphore(%arg16 : memref<!tpu.dma_semaphore, #tpu.memory_space<semaphore_mem>>) src(%dma_wait3A_75 : memref<4000xi32, #tpu.memory_space<hbm>>) dst(%arg10 : memref<4000xi32, #tpu.memory_space<vmem>>)
        %ge3A = arith.constant 2 : i32
        %ge3A_76 = arith.cmpi sge, %add3A_28, %ge3A : i32
        %convert_element_type3A_77 = arith.extui %ge3A_76 : i1 to i32
        %cond3A_78 = arith.constant 0 : i32
        %cond3A_79 = arith.cmpi ne, %convert_element_type3A_77, %cond3A_78 : i32
        scf.if %cond3A_79 {
          %sub3A = arith.constant 2 : i32
          %sub3A_90 = arith.subi %add3A_28, %sub3A : i32
          %mul3A_91 = arith.constant 4000 : i32
          %mul3A_92 = arith.muli %sub3A_90, %mul3A_91 : i32
          %mul3A_93 = arith.constant 320000 : i32
          %mul3A_94 = arith.muli %arg1, %mul3A_93 : i32
          %add3A_95 = arith.addi %mul3A_94, %mul3A_0 : i32
          %add3A_96 = arith.addi %add3A_95, %mul3A_92 : i32
          %dma_wait3A_97 = tpu.memref_slice %arg5[%add3A_96] : memref<5120000xf32, #tpu.memory_space<hbm>> -> memref<4000xf32, #tpu.memory_space<hbm>>
          %dma_wait3A_98 = tpu.memref_slice %arg5[%add3A_96] : memref<5120000xf32, #tpu.memory_space<hbm>> -> memref<4000xf32, #tpu.memory_space<hbm>>
          tpu.wait_dma2 semaphore(%arg18 : memref<!tpu.dma_semaphore, #tpu.memory_space<semaphore_mem>>) src(%arg12 : memref<4000xf32, #tpu.memory_space<vmem>>) dst(%dma_wait3A_98 : memref<4000xf32, #tpu.memory_space<hbm>>)
        } else {
        }
        %parallel_loop3A = arith.constant 0 : i32
        %parallel_loop3A_80 = arith.constant 250 : i32
        %parallel_loop3A_81 = arith.constant 1 : i32
        scf.for %parallel_loop3A_90 = %parallel_loop3A to %parallel_loop3A_80 step %parallel_loop3A_81  : i32 {
          %parallel_loop3A_91 = arith.constant 16 : i32
          %parallel_loop3A_92 = arith.muli %parallel_loop3A_90, %parallel_loop3A_91 : i32
          %parallel_loop3A_93 = arith.index_cast %parallel_loop3A_92 : i32 to index
          %parallel_loop3A_94 = tpu.vector_load %arg8[%parallel_loop3A_93] {strides = array<i32>} : memref<4000xi32, #tpu.memory_space<vmem>>, vector<16xi32>,
          %parallel_loop3A_95 = arith.index_cast %parallel_loop3A_92 : i32 to index
          %parallel_loop3A_96 = tpu.vector_load %arg10[%parallel_loop3A_95] {strides = array<i32>} : memref<4000xi32, #tpu.memory_space<vmem>>, vector<16xi32>,
          %parallel_loop3A_97 = arith.constant 0.000000e+00 : f32
          %parallel_loop3A_98 = vector.broadcast %parallel_loop3A_97 : f32 to vector<16xf32>
          %parallel_loop3A_99 = arith.constant 0 : i32
          %parallel_loop3A_100 = vector.broadcast %parallel_loop3A_99 : i32 to vector<16xi32>
          %parallel_loop3A_101 = tpu.vector_load_idx %arg6[%parallel_loop3A_100, %parallel_loop3A_94] : memref<8x10000xf32, #tpu.memory_space<vmem>>[vector<16xi32>, vector<16xi32>], vector<16xf32>,
          %parallel_loop3A_102 = tpu.vector_load_idx %arg6[%parallel_loop3A_100, %parallel_loop3A_96] : memref<8x10000xf32, #tpu.memory_space<vmem>>[vector<16xi32>, vector<16xi32>], vector<16xf32>,
          %parallel_loop3A_103 = arith.mulf %parallel_loop3A_101, %parallel_loop3A_102 : vector<16xf32>
          %parallel_loop3A_104 = arith.addf %parallel_loop3A_98, %parallel_loop3A_103 : vector<16xf32>
          %parallel_loop3A_105 = arith.constant 1 : i32
          %parallel_loop3A_106 = vector.broadcast %parallel_loop3A_105 : i32 to vector<16xi32>
          %parallel_loop3A_107 = tpu.vector_load_idx %arg6[%parallel_loop3A_106, %parallel_loop3A_94] : memref<8x10000xf32, #tpu.memory_space<vmem>>[vector<16xi32>, vector<16xi32>], vector<16xf32>,
          %parallel_loop3A_108 = tpu.vector_load_idx %arg6[%parallel_loop3A_106, %parallel_loop3A_96] : memref<8x10000xf32, #tpu.memory_space<vmem>>[vector<16xi32>, vector<16xi32>], vector<16xf32>,
          %parallel_loop3A_109 = arith.mulf %parallel_loop3A_107, %parallel_loop3A_108 : vector<16xf32>
          %parallel_loop3A_110 = arith.addf %parallel_loop3A_104, %parallel_loop3A_109 : vector<16xf32>
          %parallel_loop3A_111 = arith.constant 2 : i32
          %parallel_loop3A_112 = vector.broadcast %parallel_loop3A_111 : i32 to vector<16xi32>
          %parallel_loop3A_113 = tpu.vector_load_idx %arg6[%parallel_loop3A_112, %parallel_loop3A_94] : memref<8x10000xf32, #tpu.memory_space<vmem>>[vector<16xi32>, vector<16xi32>], vector<16xf32>,
          %parallel_loop3A_114 = tpu.vector_load_idx %arg6[%parallel_loop3A_112, %parallel_loop3A_96] : memref<8x10000xf32, #tpu.memory_space<vmem>>[vector<16xi32>, vector<16xi32>], vector<16xf32>,
          %parallel_loop3A_115 = arith.mulf %parallel_loop3A_113, %parallel_loop3A_114 : vector<16xf32>
          %parallel_loop3A_116 = arith.addf %parallel_loop3A_110, %parallel_loop3A_115 : vector<16xf32>
          %parallel_loop3A_117 = arith.constant 3 : i32
          %parallel_loop3A_118 = vector.broadcast %parallel_loop3A_117 : i32 to vector<16xi32>
          %parallel_loop3A_119 = tpu.vector_load_idx %arg6[%parallel_loop3A_118, %parallel_loop3A_94] : memref<8x10000xf32, #tpu.memory_space<vmem>>[vector<16xi32>, vector<16xi32>], vector<16xf32>,
          %parallel_loop3A_120 = tpu.vector_load_idx %arg6[%parallel_loop3A_118, %parallel_loop3A_96] : memref<8x10000xf32, #tpu.memory_space<vmem>>[vector<16xi32>, vector<16xi32>], vector<16xf32>,
          %parallel_loop3A_121 = arith.mulf %parallel_loop3A_119, %parallel_loop3A_120 : vector<16xf32>
          %parallel_loop3A_122 = arith.addf %parallel_loop3A_116, %parallel_loop3A_121 : vector<16xf32>
          %parallel_loop3A_123 = arith.constant 4 : i32
          %parallel_loop3A_124 = vector.broadcast %parallel_loop3A_123 : i32 to vector<16xi32>
          %parallel_loop3A_125 = tpu.vector_load_idx %arg6[%parallel_loop3A_124, %parallel_loop3A_94] : memref<8x10000xf32, #tpu.memory_space<vmem>>[vector<16xi32>, vector<16xi32>], vector<16xf32>,
          %parallel_loop3A_126 = tpu.vector_load_idx %arg6[%parallel_loop3A_124, %parallel_loop3A_96] : memref<8x10000xf32, #tpu.memory_space<vmem>>[vector<16xi32>, vector<16xi32>], vector<16xf32>,
          %parallel_loop3A_127 = arith.mulf %parallel_loop3A_125, %parallel_loop3A_126 : vector<16xf32>
          %parallel_loop3A_128 = arith.addf %parallel_loop3A_122, %parallel_loop3A_127 : vector<16xf32>
          %parallel_loop3A_129 = arith.constant 5 : i32
          %parallel_loop3A_130 = vector.broadcast %parallel_loop3A_129 : i32 to vector<16xi32>
          %parallel_loop3A_131 = tpu.vector_load_idx %arg6[%parallel_loop3A_130, %parallel_loop3A_94] : memref<8x10000xf32, #tpu.memory_space<vmem>>[vector<16xi32>, vector<16xi32>], vector<16xf32>,
          %parallel_loop3A_132 = tpu.vector_load_idx %arg6[%parallel_loop3A_130, %parallel_loop3A_96] : memref<8x10000xf32, #tpu.memory_space<vmem>>[vector<16xi32>, vector<16xi32>], vector<16xf32>,
          %parallel_loop3A_133 = arith.mulf %parallel_loop3A_131, %parallel_loop3A_132 : vector<16xf32>
          %parallel_loop3A_134 = arith.addf %parallel_loop3A_128, %parallel_loop3A_133 : vector<16xf32>
          %parallel_loop3A_135 = arith.constant 6 : i32
          %parallel_loop3A_136 = vector.broadcast %parallel_loop3A_135 : i32 to vector<16xi32>
          %parallel_loop3A_137 = tpu.vector_load_idx %arg6[%parallel_loop3A_136, %parallel_loop3A_94] : memref<8x10000xf32, #tpu.memory_space<vmem>>[vector<16xi32>, vector<16xi32>], vector<16xf32>,
          %parallel_loop3A_138 = tpu.vector_load_idx %arg6[%parallel_loop3A_136, %parallel_loop3A_96] : memref<8x10000xf32, #tpu.memory_space<vmem>>[vector<16xi32>, vector<16xi32>], vector<16xf32>,
          %parallel_loop3A_139 = arith.mulf %parallel_loop3A_137, %parallel_loop3A_138 : vector<16xf32>
          %parallel_loop3A_140 = arith.addf %parallel_loop3A_134, %parallel_loop3A_139 : vector<16xf32>
          %parallel_loop3A_141 = arith.constant 7 : i32
          %parallel_loop3A_142 = vector.broadcast %parallel_loop3A_141 : i32 to vector<16xi32>
          %parallel_loop3A_143 = tpu.vector_load_idx %arg6[%parallel_loop3A_142, %parallel_loop3A_94] : memref<8x10000xf32, #tpu.memory_space<vmem>>[vector<16xi32>, vector<16xi32>], vector<16xf32>,
          %parallel_loop3A_144 = tpu.vector_load_idx %arg6[%parallel_loop3A_142, %parallel_loop3A_96] : memref<8x10000xf32, #tpu.memory_space<vmem>>[vector<16xi32>, vector<16xi32>], vector<16xf32>,
          %parallel_loop3A_145 = arith.mulf %parallel_loop3A_143, %parallel_loop3A_144 : vector<16xf32>
          %parallel_loop3A_146 = arith.addf %parallel_loop3A_140, %parallel_loop3A_145 : vector<16xf32>
          %parallel_loop3A_147 = arith.index_cast %parallel_loop3A_92 : i32 to index
          %parallel_loop3A_148 = tpu.vector_load %arg12[%parallel_loop3A_147] {strides = array<i32>} : memref<4000xf32, #tpu.memory_space<vmem>>, vector<16xf32>,
          tpu.vector_store %arg12[%parallel_loop3A_147], %parallel_loop3A_146 {strides = array<i32>} : memref<4000xf32, #tpu.memory_space<vmem>>, vector<16xf32>,
        } {sc.loop_unroll_factor = 8 : i64, sc.parallel_access}
        %mul3A_82 = arith.constant 320000 : i32
        %mul3A_83 = arith.muli %arg1, %mul3A_82 : i32
        %add3A_84 = arith.addi %mul3A_83, %mul3A_0 : i32
        %mul3A_85 = arith.constant 4000 : i32
        %mul3A_86 = arith.muli %add3A_28, %mul3A_85 : i32
        %add3A_87 = arith.addi %add3A_84, %mul3A_86 : i32
        %dma_start3A_88 = tpu.memref_slice %arg5[%add3A_87] : memref<5120000xf32, #tpu.memory_space<hbm>> -> memref<4000xf32, #tpu.memory_space<hbm>>
        %dma_start3A_89 = tpu.memref_slice %arg5[%add3A_87] : memref<5120000xf32, #tpu.memory_space<hbm>> -> memref<4000xf32, #tpu.memory_space<hbm>>
        tpu.enqueue_dma source(%arg12 : memref<4000xf32, #tpu.memory_space<vmem>>) target(%dma_start3A_89 : memref<4000xf32, #tpu.memory_space<hbm>>) target_semaphore(%arg18 : memref<!tpu.dma_semaphore, #tpu.memory_space<semaphore_mem>>)
      } else {
      }
    }
    %scan3A_10 = arith.constant 40 : i32
    %mul3A_11 = arith.constant 320000 : i32
    %mul3A_12 = arith.muli %arg1, %mul3A_11 : i32
    %add3A_13 = arith.addi %mul3A_12, %mul3A_0 : i32
    %add3A_14 = arith.constant 152000 : i32
    %add3A_15 = arith.addi %add3A_13, %add3A_14 : i32
    %dma_wait3A = tpu.memref_slice %arg5[%add3A_15] : memref<5120000xf32, #tpu.memory_space<hbm>> -> memref<4000xf32, #tpu.memory_space<hbm>>
    %dma_wait3A_16 = tpu.memref_slice %arg5[%add3A_15] : memref<5120000xf32, #tpu.memory_space<hbm>> -> memref<4000xf32, #tpu.memory_space<hbm>>
    tpu.wait_dma2 semaphore(%arg17 : memref<!tpu.dma_semaphore, #tpu.memory_space<semaphore_mem>>) src(%arg11 : memref<4000xf32, #tpu.memory_space<vmem>>) dst(%dma_wait3A_16 : memref<4000xf32, #tpu.memory_space<hbm>>)
    %mul3A_17 = arith.constant 320000 : i32
    %mul3A_18 = arith.muli %arg1, %mul3A_17 : i32
    %add3A_19 = arith.addi %mul3A_18, %mul3A_0 : i32
    %add3A_20 = arith.constant 156000 : i32
    %add3A_21 = arith.addi %add3A_19, %add3A_20 : i32
    %dma_wait3A_22 = tpu.memref_slice %arg5[%add3A_21] : memref<5120000xf32, #tpu.memory_space<hbm>> -> memref<4000xf32, #tpu.memory_space<hbm>>
    %dma_wait3A_23 = tpu.memref_slice %arg5[%add3A_21] : memref<5120000xf32, #tpu.memory_space<hbm>> -> memref<4000xf32, #tpu.memory_space<hbm>>
    tpu.wait_dma2 semaphore(%arg18 : memref<!tpu.dma_semaphore, #tpu.memory_space<semaphore_mem>>) src(%arg12 : memref<4000xf32, #tpu.memory_space<vmem>>) dst(%dma_wait3A_23 : memref<4000xf32, #tpu.memory_space<hbm>>)
    return
  }
}

#map = affine_map<(d0, d1) -> (0, 0)>
#map1 = affine_map<(d0, d1) -> (0)>
module attributes {stable_mosaic.version = 14 : i64} {
  func.func @_sc_scatter(%arg0: i32, %arg1: i32, %arg2: memref<128x10000xf32, #tpu.memory_space<hbm>>, %arg3: memref<320000xi32, #tpu.memory_space<hbm>>, %arg4: memref<320000xi32, #tpu.memory_space<hbm>>, %arg5: memref<320000xf32, #tpu.memory_space<hbm>>, %arg6: memref<1x10000xf32, #tpu.memory_space<hbm>>, %arg7: memref<128x10000xf32, #tpu.memory_space<hbm>>, %arg8: memref<4x10000xf32, #tpu.memory_space<vmem>>, %arg9: memref<4x10000xf32, #tpu.memory_space<vmem>>, %arg10: memref<10000xf32, #tpu.memory_space<vmem>>, %arg11: memref<4000xi32, #tpu.memory_space<vmem>>, %arg12: memref<4000xi32, #tpu.memory_space<vmem>>, %arg13: memref<4000xi32, #tpu.memory_space<vmem>>, %arg14: memref<4000xi32, #tpu.memory_space<vmem>>, %arg15: memref<4000xf32, #tpu.memory_space<vmem>>, %arg16: memref<4000xf32, #tpu.memory_space<vmem>>, %arg17: memref<!tpu.dma_semaphore, #tpu.memory_space<semaphore_mem>>, %arg18: memref<!tpu.dma_semaphore, #tpu.memory_space<semaphore_mem>>, %arg19: memref<!tpu.dma_semaphore, #tpu.memory_space<semaphore_mem>>, %arg20: memref<!tpu.dma_semaphore, #tpu.memory_space<semaphore_mem>>, %arg21: memref<!tpu.dma_semaphore, #tpu.memory_space<semaphore_mem>>, %arg22: memref<!tpu.dma_semaphore, #tpu.memory_space<semaphore_mem>>) attributes {dimension_semantics = [#tpu.dimension_semantics<core_parallel>, #tpu.dimension_semantics<subcore_parallel>], iteration_bounds = array<i64: 2, 16>, scalar_prefetch = 0 : i64, scratch_operands = 15 : i64, tpu.core_type = #tpu.core_type<sc_vector_subcore>, window_params = [{transform_indices = #map}, {transform_indices = #map1}, {transform_indices = #map1}, {transform_indices = #map1}, {transform_indices = #map}, {transform_indices = #map}]} {
    %mul3A = arith.constant 16 : i32
    %mul3A_0 = arith.muli %arg0, %mul3A : i32
    %add3A = arith.addi %mul3A_0, %arg1 : i32
    %mul3A_1 = arith.constant 4 : i32
    %mul3A_2 = arith.muli %add3A, %mul3A_1 : i32
    "tpu.region"() ({
      %run_scoped3A_25 = tpu.sem_alloc : memref<!tpu.dma_semaphore, #tpu.memory_space<semaphore_mem>>
      %dma_start3A_26 = arith.constant 0 : i32
      %dma_start3A_27 = tpu.memref_slice %arg2[%mul3A_2, %dma_start3A_26] : memref<128x10000xf32, #tpu.memory_space<hbm>> -> memref<4x10000xf32, #tpu.memory_space<hbm>>
      %dma_start3A_28 = arith.constant 0 : i32
      %dma_start3A_29 = tpu.memref_slice %arg2[%mul3A_2, %dma_start3A_28] : memref<128x10000xf32, #tpu.memory_space<hbm>> -> memref<4x10000xf32, #tpu.memory_space<hbm>>
      tpu.enqueue_dma source(%dma_start3A_29 : memref<4x10000xf32, #tpu.memory_space<hbm>>) target(%arg8 : memref<4x10000xf32, #tpu.memory_space<vmem>>) target_semaphore(%run_scoped3A_25 : memref<!tpu.dma_semaphore, #tpu.memory_space<semaphore_mem>>)
      %dma_wait3A = arith.constant 0 : i32
      %dma_wait3A_30 = tpu.memref_slice %arg2[%mul3A_2, %dma_wait3A] : memref<128x10000xf32, #tpu.memory_space<hbm>> -> memref<4x10000xf32, #tpu.memory_space<hbm>>
      %dma_wait3A_31 = arith.constant 0 : i32
      %dma_wait3A_32 = tpu.memref_slice %arg2[%mul3A_2, %dma_wait3A_31] : memref<128x10000xf32, #tpu.memory_space<hbm>> -> memref<4x10000xf32, #tpu.memory_space<hbm>>
      tpu.wait_dma2 semaphore(%run_scoped3A_25 : memref<!tpu.dma_semaphore, #tpu.memory_space<semaphore_mem>>) src(%dma_wait3A_32 : memref<4x10000xf32, #tpu.memory_space<hbm>>) dst(%arg8 : memref<4x10000xf32, #tpu.memory_space<vmem>>)
      tpu.yield
    }) : () -> ()
    %run_scoped3A = arith.constant 0 : i32
    "tpu.region"() ({
      %run_scoped3A_25 = tpu.sem_alloc : memref<!tpu.dma_semaphore, #tpu.memory_space<semaphore_mem>>
      %dma_start3A_26 = arith.constant 0 : i32
      %dma_start3A_27 = tpu.memref_slice %arg6[%run_scoped3A, %dma_start3A_26] : memref<1x10000xf32, #tpu.memory_space<hbm>> -> memref<1x10000xf32, #tpu.memory_space<hbm>>
      %dma_start3A_28 = tpu.memref_squeeze %dma_start3A_27 : memref<1x10000xf32, #tpu.memory_space<hbm>> -> memref<10000xf32, #tpu.memory_space<hbm>>
      %dma_start3A_29 = arith.constant 0 : i32
      %dma_start3A_30 = tpu.memref_slice %arg6[%run_scoped3A, %dma_start3A_29] : memref<1x10000xf32, #tpu.memory_space<hbm>> -> memref<1x10000xf32, #tpu.memory_space<hbm>>
      %dma_start3A_31 = tpu.memref_squeeze %dma_start3A_30 : memref<1x10000xf32, #tpu.memory_space<hbm>> -> memref<10000xf32, #tpu.memory_space<hbm>>
      tpu.enqueue_dma source(%dma_start3A_31 : memref<10000xf32, #tpu.memory_space<hbm>>) target(%arg10 : memref<10000xf32, #tpu.memory_space<vmem>>) target_semaphore(%run_scoped3A_25 : memref<!tpu.dma_semaphore, #tpu.memory_space<semaphore_mem>>)
      %dma_wait3A = arith.constant 0 : i32
      %dma_wait3A_32 = tpu.memref_slice %arg6[%run_scoped3A, %dma_wait3A] : memref<1x10000xf32, #tpu.memory_space<hbm>> -> memref<1x10000xf32, #tpu.memory_space<hbm>>
      %dma_wait3A_33 = tpu.memref_squeeze %dma_wait3A_32 : memref<1x10000xf32, #tpu.memory_space<hbm>> -> memref<10000xf32, #tpu.memory_space<hbm>>
      %dma_wait3A_34 = arith.constant 0 : i32
      %dma_wait3A_35 = tpu.memref_slice %arg6[%run_scoped3A, %dma_wait3A_34] : memref<1x10000xf32, #tpu.memory_space<hbm>> -> memref<1x10000xf32, #tpu.memory_space<hbm>>
      %dma_wait3A_36 = tpu.memref_squeeze %dma_wait3A_35 : memref<1x10000xf32, #tpu.memory_space<hbm>> -> memref<10000xf32, #tpu.memory_space<hbm>>
      tpu.wait_dma2 semaphore(%run_scoped3A_25 : memref<!tpu.dma_semaphore, #tpu.memory_space<semaphore_mem>>) src(%dma_wait3A_36 : memref<10000xf32, #tpu.memory_space<hbm>>) dst(%arg10 : memref<10000xf32, #tpu.memory_space<vmem>>)
      tpu.yield
    }) : () -> ()
    %scan3A = arith.constant 0 : i32
    %scan3A_3 = arith.constant 625 : i32
    %scan3A_4 = arith.addi %scan3A, %scan3A_3 : i32
    %scan3A_5 = arith.constant 1 : i32
    scf.for %scan3A_25 = %scan3A to %scan3A_4 step %scan3A_5  : i32 {
      %mul3A_26 = arith.constant 16 : i32
      %mul3A_27 = arith.muli %scan3A_25, %mul3A_26 : i32
      %add3A_28 = arith.constant 0 : i32
      %add3A_29 = arith.addi %add3A_28, %mul3A_27 : i32
      %broadcast_in_dim3A = arith.constant 0.000000e+00 : f32
      %broadcast_in_dim3A_30 = vector.broadcast %broadcast_in_dim3A : f32 to vector<16xf32>
      %swap3A = arith.constant 0 : i32
      %swap3A_31 = arith.index_cast %swap3A : i32 to index
      %swap3A_32 = arith.index_cast %add3A_29 : i32 to index
      %swap3A_33 = tpu.vector_load %arg9[%swap3A_31, %swap3A_32] {strides = array<i32>} : memref<4x10000xf32, #tpu.memory_space<vmem>>, vector<16xf32>,
      tpu.vector_store %arg9[%swap3A_31, %swap3A_32], %broadcast_in_dim3A_30 {strides = array<i32>} : memref<4x10000xf32, #tpu.memory_space<vmem>>, vector<16xf32>,
      %broadcast_in_dim3A_34 = arith.constant 0.000000e+00 : f32
      %broadcast_in_dim3A_35 = vector.broadcast %broadcast_in_dim3A_34 : f32 to vector<16xf32>
      %swap3A_36 = arith.constant 1 : i32
      %swap3A_37 = arith.index_cast %swap3A_36 : i32 to index
      %swap3A_38 = arith.index_cast %add3A_29 : i32 to index
      %swap3A_39 = tpu.vector_load %arg9[%swap3A_37, %swap3A_38] {strides = array<i32>} : memref<4x10000xf32, #tpu.memory_space<vmem>>, vector<16xf32>,
      tpu.vector_store %arg9[%swap3A_37, %swap3A_38], %broadcast_in_dim3A_35 {strides = array<i32>} : memref<4x10000xf32, #tpu.memory_space<vmem>>, vector<16xf32>,
      %broadcast_in_dim3A_40 = arith.constant 0.000000e+00 : f32
      %broadcast_in_dim3A_41 = vector.broadcast %broadcast_in_dim3A_40 : f32 to vector<16xf32>
      %swap3A_42 = arith.constant 2 : i32
      %swap3A_43 = arith.index_cast %swap3A_42 : i32 to index
      %swap3A_44 = arith.index_cast %add3A_29 : i32 to index
      %swap3A_45 = tpu.vector_load %arg9[%swap3A_43, %swap3A_44] {strides = array<i32>} : memref<4x10000xf32, #tpu.memory_space<vmem>>, vector<16xf32>,
      tpu.vector_store %arg9[%swap3A_43, %swap3A_44], %broadcast_in_dim3A_41 {strides = array<i32>} : memref<4x10000xf32, #tpu.memory_space<vmem>>, vector<16xf32>,
      %broadcast_in_dim3A_46 = arith.constant 0.000000e+00 : f32
      %broadcast_in_dim3A_47 = vector.broadcast %broadcast_in_dim3A_46 : f32 to vector<16xf32>
      %swap3A_48 = arith.constant 3 : i32
      %swap3A_49 = arith.index_cast %swap3A_48 : i32 to index
      %swap3A_50 = arith.index_cast %add3A_29 : i32 to index
      %swap3A_51 = tpu.vector_load %arg9[%swap3A_49, %swap3A_50] {strides = array<i32>} : memref<4x10000xf32, #tpu.memory_space<vmem>>, vector<16xf32>,
      tpu.vector_store %arg9[%swap3A_49, %swap3A_50], %broadcast_in_dim3A_47 {strides = array<i32>} : memref<4x10000xf32, #tpu.memory_space<vmem>>, vector<16xf32>,
    }
    %scan3A_6 = arith.constant 625 : i32
    %dma_start3A = arith.constant 0 : i32
    %dma_start3A_7 = tpu.memref_slice %arg3[%dma_start3A] : memref<320000xi32, #tpu.memory_space<hbm>> -> memref<4000xi32, #tpu.memory_space<hbm>>
    %dma_start3A_8 = arith.constant 0 : i32
    %dma_start3A_9 = tpu.memref_slice %arg3[%dma_start3A_8] : memref<320000xi32, #tpu.memory_space<hbm>> -> memref<4000xi32, #tpu.memory_space<hbm>>
    tpu.enqueue_dma source(%dma_start3A_9 : memref<4000xi32, #tpu.memory_space<hbm>>) target(%arg11 : memref<4000xi32, #tpu.memory_space<vmem>>) target_semaphore(%arg17 : memref<!tpu.dma_semaphore, #tpu.memory_space<semaphore_mem>>)
    %dma_start3A_10 = arith.constant 0 : i32
    %dma_start3A_11 = tpu.memref_slice %arg4[%dma_start3A_10] : memref<320000xi32, #tpu.memory_space<hbm>> -> memref<4000xi32, #tpu.memory_space<hbm>>
    %dma_start3A_12 = arith.constant 0 : i32
    %dma_start3A_13 = tpu.memref_slice %arg4[%dma_start3A_12] : memref<320000xi32, #tpu.memory_space<hbm>> -> memref<4000xi32, #tpu.memory_space<hbm>>
    tpu.enqueue_dma source(%dma_start3A_13 : memref<4000xi32, #tpu.memory_space<hbm>>) target(%arg13 : memref<4000xi32, #tpu.memory_space<vmem>>) target_semaphore(%arg19 : memref<!tpu.dma_semaphore, #tpu.memory_space<semaphore_mem>>)
    %dma_start3A_14 = arith.constant 0 : i32
    %dma_start3A_15 = tpu.memref_slice %arg5[%dma_start3A_14] : memref<320000xf32, #tpu.memory_space<hbm>> -> memref<4000xf32, #tpu.memory_space<hbm>>
    %dma_start3A_16 = arith.constant 0 : i32
    %dma_start3A_17 = tpu.memref_slice %arg5[%dma_start3A_16] : memref<320000xf32, #tpu.memory_space<hbm>> -> memref<4000xf32, #tpu.memory_space<hbm>>
    tpu.enqueue_dma source(%dma_start3A_17 : memref<4000xf32, #tpu.memory_space<hbm>>) target(%arg15 : memref<4000xf32, #tpu.memory_space<vmem>>) target_semaphore(%arg21 : memref<!tpu.dma_semaphore, #tpu.memory_space<semaphore_mem>>)
    %scan3A_18 = arith.constant 0 : i32
    %scan3A_19 = arith.constant 80 : i32
    %scan3A_20 = arith.addi %scan3A_18, %scan3A_19 : i32
    %scan3A_21 = arith.constant 1 : i32
    scf.for %scan3A_25 = %scan3A_18 to %scan3A_20 step %scan3A_21  : i32 {
      %mul3A_26 = arith.constant 1 : i32
      %mul3A_27 = arith.muli %scan3A_25, %mul3A_26 : i32
      %add3A_28 = arith.constant 0 : i32
      %add3A_29 = arith.addi %add3A_28, %mul3A_27 : i32
      %jit3A = arith.constant 2 : i32
      %eq3A = arith.constant 0 : i32
      %eq3A_30 = arith.cmpi eq, %jit3A, %eq3A : i32
      %jit3A_31 = arith.constant 1 : i32
      %select_n3A = arith.select %eq3A_30, %jit3A_31, %jit3A : i32
      %rem3A = arith.remsi %add3A_29, %select_n3A : i32
      %ne3A = arith.constant 0 : i32
      %ne3A_32 = arith.cmpi ne, %rem3A, %ne3A : i32
      %lt3A = arith.constant 0 : i32
      %lt3A_33 = arith.cmpi slt, %rem3A, %lt3A : i32
      %lt3A_34 = arith.constant 0 : i32
      %lt3A_35 = arith.cmpi slt, %select_n3A, %lt3A_34 : i32
      %ne3A_36 = arith.xori %lt3A_33, %lt3A_35 : i1
      %and3A = arith.andi %ne3A_36, %ne3A_32 : i1
      %add3A_37 = arith.addi %rem3A, %select_n3A : i32
      %select_n3A_38 = arith.select %and3A, %add3A_37, %rem3A : i32
      %eq3A_39 = arith.constant 0 : i32
      %eq3A_40 = arith.cmpi eq, %select_n3A_38, %eq3A_39 : i32
      %convert_element_type3A = arith.extui %eq3A_40 : i1 to i32
      %cond3A = arith.constant 0 : i32
      %cond3A_41 = arith.cmpi ne, %convert_element_type3A, %cond3A : i32
      scf.if %cond3A_41 {
        %add3A_63 = arith.constant 1 : i32
        %add3A_64 = arith.addi %add3A_29, %add3A_63 : i32
        %lt3A_65 = arith.constant 80 : i32
        %lt3A_66 = arith.cmpi slt, %add3A_64, %lt3A_65 : i32
        %convert_element_type3A_67 = arith.extui %lt3A_66 : i1 to i32
        %cond3A_68 = arith.constant 0 : i32
        %cond3A_69 = arith.cmpi ne, %convert_element_type3A_67, %cond3A_68 : i32
        scf.if %cond3A_69 {
          %add3A_79 = arith.constant 1 : i32
          %add3A_80 = arith.addi %add3A_29, %add3A_79 : i32
          %mul3A_81 = arith.constant 4000 : i32
          %mul3A_82 = arith.muli %add3A_80, %mul3A_81 : i32
          %dma_start3A_83 = tpu.memref_slice %arg3[%mul3A_82] : memref<320000xi32, #tpu.memory_space<hbm>> -> memref<4000xi32, #tpu.memory_space<hbm>>
          %dma_start3A_84 = tpu.memref_slice %arg3[%mul3A_82] : memref<320000xi32, #tpu.memory_space<hbm>> -> memref<4000xi32, #tpu.memory_space<hbm>>
          tpu.enqueue_dma source(%dma_start3A_84 : memref<4000xi32, #tpu.memory_space<hbm>>) target(%arg12 : memref<4000xi32, #tpu.memory_space<vmem>>) target_semaphore(%arg18 : memref<!tpu.dma_semaphore, #tpu.memory_space<semaphore_mem>>)
          %dma_start3A_85 = tpu.memref_slice %arg4[%mul3A_82] : memref<320000xi32, #tpu.memory_space<hbm>> -> memref<4000xi32, #tpu.memory_space<hbm>>
          %dma_start3A_86 = tpu.memref_slice %arg4[%mul3A_82] : memref<320000xi32, #tpu.memory_space<hbm>> -> memref<4000xi32, #tpu.memory_space<hbm>>
          tpu.enqueue_dma source(%dma_start3A_86 : memref<4000xi32, #tpu.memory_space<hbm>>) target(%arg14 : memref<4000xi32, #tpu.memory_space<vmem>>) target_semaphore(%arg20 : memref<!tpu.dma_semaphore, #tpu.memory_space<semaphore_mem>>)
          %dma_start3A_87 = tpu.memref_slice %arg5[%mul3A_82] : memref<320000xf32, #tpu.memory_space<hbm>> -> memref<4000xf32, #tpu.memory_space<hbm>>
          %dma_start3A_88 = tpu.memref_slice %arg5[%mul3A_82] : memref<320000xf32, #tpu.memory_space<hbm>> -> memref<4000xf32, #tpu.memory_space<hbm>>
          tpu.enqueue_dma source(%dma_start3A_88 : memref<4000xf32, #tpu.memory_space<hbm>>) target(%arg16 : memref<4000xf32, #tpu.memory_space<vmem>>) target_semaphore(%arg22 : memref<!tpu.dma_semaphore, #tpu.memory_space<semaphore_mem>>)
        } else {
        }
        %mul3A_70 = arith.constant 4000 : i32
        %mul3A_71 = arith.muli %add3A_29, %mul3A_70 : i32
        %dma_wait3A = tpu.memref_slice %arg3[%mul3A_71] : memref<320000xi32, #tpu.memory_space<hbm>> -> memref<4000xi32, #tpu.memory_space<hbm>>
        %dma_wait3A_72 = tpu.memref_slice %arg3[%mul3A_71] : memref<320000xi32, #tpu.memory_space<hbm>> -> memref<4000xi32, #tpu.memory_space<hbm>>
        tpu.wait_dma2 semaphore(%arg17 : memref<!tpu.dma_semaphore, #tpu.memory_space<semaphore_mem>>) src(%dma_wait3A_72 : memref<4000xi32, #tpu.memory_space<hbm>>) dst(%arg11 : memref<4000xi32, #tpu.memory_space<vmem>>)
        %dma_wait3A_73 = tpu.memref_slice %arg4[%mul3A_71] : memref<320000xi32, #tpu.memory_space<hbm>> -> memref<4000xi32, #tpu.memory_space<hbm>>
        %dma_wait3A_74 = tpu.memref_slice %arg4[%mul3A_71] : memref<320000xi32, #tpu.memory_space<hbm>> -> memref<4000xi32, #tpu.memory_space<hbm>>
        tpu.wait_dma2 semaphore(%arg19 : memref<!tpu.dma_semaphore, #tpu.memory_space<semaphore_mem>>) src(%dma_wait3A_74 : memref<4000xi32, #tpu.memory_space<hbm>>) dst(%arg13 : memref<4000xi32, #tpu.memory_space<vmem>>)
        %dma_wait3A_75 = tpu.memref_slice %arg5[%mul3A_71] : memref<320000xf32, #tpu.memory_space<hbm>> -> memref<4000xf32, #tpu.memory_space<hbm>>
        %dma_wait3A_76 = tpu.memref_slice %arg5[%mul3A_71] : memref<320000xf32, #tpu.memory_space<hbm>> -> memref<4000xf32, #tpu.memory_space<hbm>>
        tpu.wait_dma2 semaphore(%arg21 : memref<!tpu.dma_semaphore, #tpu.memory_space<semaphore_mem>>) src(%dma_wait3A_76 : memref<4000xf32, #tpu.memory_space<hbm>>) dst(%arg15 : memref<4000xf32, #tpu.memory_space<vmem>>)
        %parallel_loop3A = arith.constant 0 : i32
        %parallel_loop3A_77 = arith.constant 250 : i32
        %parallel_loop3A_78 = arith.constant 1 : i32
        scf.for %parallel_loop3A_79 = %parallel_loop3A to %parallel_loop3A_77 step %parallel_loop3A_78  : i32 {
          %parallel_loop3A_80 = arith.constant 16 : i32
          %parallel_loop3A_81 = arith.muli %parallel_loop3A_79, %parallel_loop3A_80 : i32
          %parallel_loop3A_82 = arith.index_cast %parallel_loop3A_81 : i32 to index
          %parallel_loop3A_83 = tpu.vector_load %arg11[%parallel_loop3A_82] {strides = array<i32>} : memref<4000xi32, #tpu.memory_space<vmem>>, vector<16xi32>,
          %parallel_loop3A_84 = arith.index_cast %parallel_loop3A_81 : i32 to index
          %parallel_loop3A_85 = tpu.vector_load %arg13[%parallel_loop3A_84] {strides = array<i32>} : memref<4000xi32, #tpu.memory_space<vmem>>, vector<16xi32>,
          %parallel_loop3A_86 = arith.index_cast %parallel_loop3A_81 : i32 to index
          %parallel_loop3A_87 = tpu.vector_load %arg15[%parallel_loop3A_86] {strides = array<i32>} : memref<4000xf32, #tpu.memory_space<vmem>>, vector<16xf32>,
          %parallel_loop3A_88 = tpu.vector_load_idx %arg10[%parallel_loop3A_83] : memref<10000xf32, #tpu.memory_space<vmem>>[vector<16xi32>], vector<16xf32>,
          %parallel_loop3A_89 = arith.mulf %parallel_loop3A_87, %parallel_loop3A_88 : vector<16xf32>
          %parallel_loop3A_90 = arith.constant 0 : i32
          %parallel_loop3A_91 = vector.broadcast %parallel_loop3A_90 : i32 to vector<16xi32>
          %parallel_loop3A_92 = tpu.vector_load_idx %arg8[%parallel_loop3A_91, %parallel_loop3A_85] : memref<4x10000xf32, #tpu.memory_space<vmem>>[vector<16xi32>, vector<16xi32>], vector<16xf32>,
          %parallel_loop3A_93 = arith.mulf %parallel_loop3A_92, %parallel_loop3A_89 : vector<16xf32>
          tpu.vector_store_idx %arg9[%parallel_loop3A_91, %parallel_loop3A_83], %parallel_loop3A_93 {add = true} : memref<4x10000xf32, #tpu.memory_space<vmem>>[vector<16xi32>, vector<16xi32>], vector<16xf32>,
          %parallel_loop3A_94 = arith.constant 1 : i32
          %parallel_loop3A_95 = vector.broadcast %parallel_loop3A_94 : i32 to vector<16xi32>
          %parallel_loop3A_96 = tpu.vector_load_idx %arg8[%parallel_loop3A_95, %parallel_loop3A_85] : memref<4x10000xf32, #tpu.memory_space<vmem>>[vector<16xi32>, vector<16xi32>], vector<16xf32>,
          %parallel_loop3A_97 = arith.mulf %parallel_loop3A_96, %parallel_loop3A_89 : vector<16xf32>
          tpu.vector_store_idx %arg9[%parallel_loop3A_95, %parallel_loop3A_83], %parallel_loop3A_97 {add = true} : memref<4x10000xf32, #tpu.memory_space<vmem>>[vector<16xi32>, vector<16xi32>], vector<16xf32>,
          %parallel_loop3A_98 = arith.constant 2 : i32
          %parallel_loop3A_99 = vector.broadcast %parallel_loop3A_98 : i32 to vector<16xi32>
          %parallel_loop3A_100 = tpu.vector_load_idx %arg8[%parallel_loop3A_99, %parallel_loop3A_85] : memref<4x10000xf32, #tpu.memory_space<vmem>>[vector<16xi32>, vector<16xi32>], vector<16xf32>,
          %parallel_loop3A_101 = arith.mulf %parallel_loop3A_100, %parallel_loop3A_89 : vector<16xf32>
          tpu.vector_store_idx %arg9[%parallel_loop3A_99, %parallel_loop3A_83], %parallel_loop3A_101 {add = true} : memref<4x10000xf32, #tpu.memory_space<vmem>>[vector<16xi32>, vector<16xi32>], vector<16xf32>,
          %parallel_loop3A_102 = arith.constant 3 : i32
          %parallel_loop3A_103 = vector.broadcast %parallel_loop3A_102 : i32 to vector<16xi32>
          %parallel_loop3A_104 = tpu.vector_load_idx %arg8[%parallel_loop3A_103, %parallel_loop3A_85] : memref<4x10000xf32, #tpu.memory_space<vmem>>[vector<16xi32>, vector<16xi32>], vector<16xf32>,
          %parallel_loop3A_105 = arith.mulf %parallel_loop3A_104, %parallel_loop3A_89 : vector<16xf32>
          tpu.vector_store_idx %arg9[%parallel_loop3A_103, %parallel_loop3A_83], %parallel_loop3A_105 {add = true} : memref<4x10000xf32, #tpu.memory_space<vmem>>[vector<16xi32>, vector<16xi32>], vector<16xf32>,
        } {sc.loop_unroll_factor = 8 : i64, sc.parallel_access}
      } else {
      }
      %jit3A_42 = arith.constant 2 : i32
      %eq3A_43 = arith.constant 0 : i32
      %eq3A_44 = arith.cmpi eq, %jit3A_42, %eq3A_43 : i32
      %jit3A_45 = arith.constant 1 : i32
      %select_n3A_46 = arith.select %eq3A_44, %jit3A_45, %jit3A_42 : i32
      %rem3A_47 = arith.remsi %add3A_29, %select_n3A_46 : i32
      %ne3A_48 = arith.constant 0 : i32
      %ne3A_49 = arith.cmpi ne, %rem3A_47, %ne3A_48 : i32
      %lt3A_50 = arith.constant 0 : i32
      %lt3A_51 = arith.cmpi slt, %rem3A_47, %lt3A_50 : i32
      %lt3A_52 = arith.constant 0 : i32
      %lt3A_53 = arith.cmpi slt, %select_n3A_46, %lt3A_52 : i32
      %ne3A_54 = arith.xori %lt3A_51, %lt3A_53 : i1
      %and3A_55 = arith.andi %ne3A_54, %ne3A_49 : i1
      %add3A_56 = arith.addi %rem3A_47, %select_n3A_46 : i32
      %select_n3A_57 = arith.select %and3A_55, %add3A_56, %rem3A_47 : i32
      %eq3A_58 = arith.constant 1 : i32
      %eq3A_59 = arith.cmpi eq, %select_n3A_57, %eq3A_58 : i32
      %convert_element_type3A_60 = arith.extui %eq3A_59 : i1 to i32
      %cond3A_61 = arith.constant 0 : i32
      %cond3A_62 = arith.cmpi ne, %convert_element_type3A_60, %cond3A_61 : i32
      scf.if %cond3A_62 {
        %add3A_63 = arith.constant 1 : i32
        %add3A_64 = arith.addi %add3A_29, %add3A_63 : i32
        %lt3A_65 = arith.constant 80 : i32
        %lt3A_66 = arith.cmpi slt, %add3A_64, %lt3A_65 : i32
        %convert_element_type3A_67 = arith.extui %lt3A_66 : i1 to i32
        %cond3A_68 = arith.constant 0 : i32
        %cond3A_69 = arith.cmpi ne, %convert_element_type3A_67, %cond3A_68 : i32
        scf.if %cond3A_69 {
          %add3A_79 = arith.constant 1 : i32
          %add3A_80 = arith.addi %add3A_29, %add3A_79 : i32
          %mul3A_81 = arith.constant 4000 : i32
          %mul3A_82 = arith.muli %add3A_80, %mul3A_81 : i32
          %dma_start3A_83 = tpu.memref_slice %arg3[%mul3A_82] : memref<320000xi32, #tpu.memory_space<hbm>> -> memref<4000xi32, #tpu.memory_space<hbm>>
          %dma_start3A_84 = tpu.memref_slice %arg3[%mul3A_82] : memref<320000xi32, #tpu.memory_space<hbm>> -> memref<4000xi32, #tpu.memory_space<hbm>>
          tpu.enqueue_dma source(%dma_start3A_84 : memref<4000xi32, #tpu.memory_space<hbm>>) target(%arg11 : memref<4000xi32, #tpu.memory_space<vmem>>) target_semaphore(%arg17 : memref<!tpu.dma_semaphore, #tpu.memory_space<semaphore_mem>>)
          %dma_start3A_85 = tpu.memref_slice %arg4[%mul3A_82] : memref<320000xi32, #tpu.memory_space<hbm>> -> memref<4000xi32, #tpu.memory_space<hbm>>
          %dma_start3A_86 = tpu.memref_slice %arg4[%mul3A_82] : memref<320000xi32, #tpu.memory_space<hbm>> -> memref<4000xi32, #tpu.memory_space<hbm>>
          tpu.enqueue_dma source(%dma_start3A_86 : memref<4000xi32, #tpu.memory_space<hbm>>) target(%arg13 : memref<4000xi32, #tpu.memory_space<vmem>>) target_semaphore(%arg19 : memref<!tpu.dma_semaphore, #tpu.memory_space<semaphore_mem>>)
          %dma_start3A_87 = tpu.memref_slice %arg5[%mul3A_82] : memref<320000xf32, #tpu.memory_space<hbm>> -> memref<4000xf32, #tpu.memory_space<hbm>>
          %dma_start3A_88 = tpu.memref_slice %arg5[%mul3A_82] : memref<320000xf32, #tpu.memory_space<hbm>> -> memref<4000xf32, #tpu.memory_space<hbm>>
          tpu.enqueue_dma source(%dma_start3A_88 : memref<4000xf32, #tpu.memory_space<hbm>>) target(%arg15 : memref<4000xf32, #tpu.memory_space<vmem>>) target_semaphore(%arg21 : memref<!tpu.dma_semaphore, #tpu.memory_space<semaphore_mem>>)
        } else {
        }
        %mul3A_70 = arith.constant 4000 : i32
        %mul3A_71 = arith.muli %add3A_29, %mul3A_70 : i32
        %dma_wait3A = tpu.memref_slice %arg3[%mul3A_71] : memref<320000xi32, #tpu.memory_space<hbm>> -> memref<4000xi32, #tpu.memory_space<hbm>>
        %dma_wait3A_72 = tpu.memref_slice %arg3[%mul3A_71] : memref<320000xi32, #tpu.memory_space<hbm>> -> memref<4000xi32, #tpu.memory_space<hbm>>
        tpu.wait_dma2 semaphore(%arg18 : memref<!tpu.dma_semaphore, #tpu.memory_space<semaphore_mem>>) src(%dma_wait3A_72 : memref<4000xi32, #tpu.memory_space<hbm>>) dst(%arg12 : memref<4000xi32, #tpu.memory_space<vmem>>)
        %dma_wait3A_73 = tpu.memref_slice %arg4[%mul3A_71] : memref<320000xi32, #tpu.memory_space<hbm>> -> memref<4000xi32, #tpu.memory_space<hbm>>
        %dma_wait3A_74 = tpu.memref_slice %arg4[%mul3A_71] : memref<320000xi32, #tpu.memory_space<hbm>> -> memref<4000xi32, #tpu.memory_space<hbm>>
        tpu.wait_dma2 semaphore(%arg20 : memref<!tpu.dma_semaphore, #tpu.memory_space<semaphore_mem>>) src(%dma_wait3A_74 : memref<4000xi32, #tpu.memory_space<hbm>>) dst(%arg14 : memref<4000xi32, #tpu.memory_space<vmem>>)
        %dma_wait3A_75 = tpu.memref_slice %arg5[%mul3A_71] : memref<320000xf32, #tpu.memory_space<hbm>> -> memref<4000xf32, #tpu.memory_space<hbm>>
        %dma_wait3A_76 = tpu.memref_slice %arg5[%mul3A_71] : memref<320000xf32, #tpu.memory_space<hbm>> -> memref<4000xf32, #tpu.memory_space<hbm>>
        tpu.wait_dma2 semaphore(%arg22 : memref<!tpu.dma_semaphore, #tpu.memory_space<semaphore_mem>>) src(%dma_wait3A_76 : memref<4000xf32, #tpu.memory_space<hbm>>) dst(%arg16 : memref<4000xf32, #tpu.memory_space<vmem>>)
        %parallel_loop3A = arith.constant 0 : i32
        %parallel_loop3A_77 = arith.constant 250 : i32
        %parallel_loop3A_78 = arith.constant 1 : i32
        scf.for %parallel_loop3A_79 = %parallel_loop3A to %parallel_loop3A_77 step %parallel_loop3A_78  : i32 {
          %parallel_loop3A_80 = arith.constant 16 : i32
          %parallel_loop3A_81 = arith.muli %parallel_loop3A_79, %parallel_loop3A_80 : i32
          %parallel_loop3A_82 = arith.index_cast %parallel_loop3A_81 : i32 to index
          %parallel_loop3A_83 = tpu.vector_load %arg12[%parallel_loop3A_82] {strides = array<i32>} : memref<4000xi32, #tpu.memory_space<vmem>>, vector<16xi32>,
          %parallel_loop3A_84 = arith.index_cast %parallel_loop3A_81 : i32 to index
          %parallel_loop3A_85 = tpu.vector_load %arg14[%parallel_loop3A_84] {strides = array<i32>} : memref<4000xi32, #tpu.memory_space<vmem>>, vector<16xi32>,
          %parallel_loop3A_86 = arith.index_cast %parallel_loop3A_81 : i32 to index
          %parallel_loop3A_87 = tpu.vector_load %arg16[%parallel_loop3A_86] {strides = array<i32>} : memref<4000xf32, #tpu.memory_space<vmem>>, vector<16xf32>,
          %parallel_loop3A_88 = tpu.vector_load_idx %arg10[%parallel_loop3A_83] : memref<10000xf32, #tpu.memory_space<vmem>>[vector<16xi32>], vector<16xf32>,
          %parallel_loop3A_89 = arith.mulf %parallel_loop3A_87, %parallel_loop3A_88 : vector<16xf32>
          %parallel_loop3A_90 = arith.constant 0 : i32
          %parallel_loop3A_91 = vector.broadcast %parallel_loop3A_90 : i32 to vector<16xi32>
          %parallel_loop3A_92 = tpu.vector_load_idx %arg8[%parallel_loop3A_91, %parallel_loop3A_85] : memref<4x10000xf32, #tpu.memory_space<vmem>>[vector<16xi32>, vector<16xi32>], vector<16xf32>,
          %parallel_loop3A_93 = arith.mulf %parallel_loop3A_92, %parallel_loop3A_89 : vector<16xf32>
          tpu.vector_store_idx %arg9[%parallel_loop3A_91, %parallel_loop3A_83], %parallel_loop3A_93 {add = true} : memref<4x10000xf32, #tpu.memory_space<vmem>>[vector<16xi32>, vector<16xi32>], vector<16xf32>,
          %parallel_loop3A_94 = arith.constant 1 : i32
          %parallel_loop3A_95 = vector.broadcast %parallel_loop3A_94 : i32 to vector<16xi32>
          %parallel_loop3A_96 = tpu.vector_load_idx %arg8[%parallel_loop3A_95, %parallel_loop3A_85] : memref<4x10000xf32, #tpu.memory_space<vmem>>[vector<16xi32>, vector<16xi32>], vector<16xf32>,
          %parallel_loop3A_97 = arith.mulf %parallel_loop3A_96, %parallel_loop3A_89 : vector<16xf32>
          tpu.vector_store_idx %arg9[%parallel_loop3A_95, %parallel_loop3A_83], %parallel_loop3A_97 {add = true} : memref<4x10000xf32, #tpu.memory_space<vmem>>[vector<16xi32>, vector<16xi32>], vector<16xf32>,
          %parallel_loop3A_98 = arith.constant 2 : i32
          %parallel_loop3A_99 = vector.broadcast %parallel_loop3A_98 : i32 to vector<16xi32>
          %parallel_loop3A_100 = tpu.vector_load_idx %arg8[%parallel_loop3A_99, %parallel_loop3A_85] : memref<4x10000xf32, #tpu.memory_space<vmem>>[vector<16xi32>, vector<16xi32>], vector<16xf32>,
          %parallel_loop3A_101 = arith.mulf %parallel_loop3A_100, %parallel_loop3A_89 : vector<16xf32>
          tpu.vector_store_idx %arg9[%parallel_loop3A_99, %parallel_loop3A_83], %parallel_loop3A_101 {add = true} : memref<4x10000xf32, #tpu.memory_space<vmem>>[vector<16xi32>, vector<16xi32>], vector<16xf32>,
          %parallel_loop3A_102 = arith.constant 3 : i32
          %parallel_loop3A_103 = vector.broadcast %parallel_loop3A_102 : i32 to vector<16xi32>
          %parallel_loop3A_104 = tpu.vector_load_idx %arg8[%parallel_loop3A_103, %parallel_loop3A_85] : memref<4x10000xf32, #tpu.memory_space<vmem>>[vector<16xi32>, vector<16xi32>], vector<16xf32>,
          %parallel_loop3A_105 = arith.mulf %parallel_loop3A_104, %parallel_loop3A_89 : vector<16xf32>
          tpu.vector_store_idx %arg9[%parallel_loop3A_103, %parallel_loop3A_83], %parallel_loop3A_105 {add = true} : memref<4x10000xf32, #tpu.memory_space<vmem>>[vector<16xi32>, vector<16xi32>], vector<16xf32>,
        } {sc.loop_unroll_factor = 8 : i64, sc.parallel_access}
      } else {
      }
    }
    %scan3A_22 = arith.constant 80 : i32
    %mul3A_23 = arith.constant 4 : i32
    %mul3A_24 = arith.muli %add3A, %mul3A_23 : i32
    "tpu.region"() ({
      %run_scoped3A_25 = tpu.sem_alloc : memref<!tpu.dma_semaphore, #tpu.memory_space<semaphore_mem>>
      %dma_start3A_26 = arith.constant 0 : i32
      %dma_start3A_27 = tpu.memref_slice %arg7[%mul3A_24, %dma_start3A_26] : memref<128x10000xf32, #tpu.memory_space<hbm>> -> memref<4x10000xf32, #tpu.memory_space<hbm>>
      %dma_start3A_28 = arith.constant 0 : i32
      %dma_start3A_29 = tpu.memref_slice %arg7[%mul3A_24, %dma_start3A_28] : memref<128x10000xf32, #tpu.memory_space<hbm>> -> memref<4x10000xf32, #tpu.memory_space<hbm>>
      tpu.enqueue_dma source(%arg9 : memref<4x10000xf32, #tpu.memory_space<vmem>>) target(%dma_start3A_29 : memref<4x10000xf32, #tpu.memory_space<hbm>>) target_semaphore(%run_scoped3A_25 : memref<!tpu.dma_semaphore, #tpu.memory_space<semaphore_mem>>)
      %dma_wait3A = arith.constant 0 : i32
      %dma_wait3A_30 = tpu.memref_slice %arg7[%mul3A_24, %dma_wait3A] : memref<128x10000xf32, #tpu.memory_space<hbm>> -> memref<4x10000xf32, #tpu.memory_space<hbm>>
      %dma_wait3A_31 = arith.constant 0 : i32
      %dma_wait3A_32 = tpu.memref_slice %arg7[%mul3A_24, %dma_wait3A_31] : memref<128x10000xf32, #tpu.memory_space<hbm>> -> memref<4x10000xf32, #tpu.memory_space<hbm>>
      tpu.wait_dma2 semaphore(%run_scoped3A_25 : memref<!tpu.dma_semaphore, #tpu.memory_space<semaphore_mem>>) src(%arg9 : memref<4x10000xf32, #tpu.memory_space<vmem>>) dst(%dma_wait3A_32 : memref<4x10000xf32, #tpu.memory_space<hbm>>)
      tpu.yield
    }) : () -> ()
    return
  }
}

module attributes {stable_mosaic.version = 14 : i64} {
  func.func @_normalize_body(%arg0: i32, %arg1: memref<1000x128xf32, #tpu.memory_space<vmem>>, %arg2: memref<1000x128xf32, #tpu.memory_space<vmem>>) attributes {dimension_semantics = [#tpu.dimension_semantics<arbitrary>], iteration_bounds = array<i64: 10>, scalar_prefetch = 0 : i64, scratch_operands = 0 : i64, tpu.core_type = #tpu.core_type<tc>, window_params = [{transform_indices = @transform_0, window_bounds = array<i64: 1000, 128>}, {transform_indices = @transform_1, window_bounds = array<i64: 1000, 128>}]} {
    %get3A = arith.constant 0 : index
    %get3A_0 = arith.constant 0 : index
    %get3A_1 = vector.load %arg1[%get3A, %get3A_0] : memref<1000x128xf32, #tpu.memory_space<vmem>>, vector<1000x128xf32>
    %mul3A = arith.mulf %get3A_1, %get3A_1 : vector<1000x128xf32>
    %reduce_sum3A = arith.constant dense<0.000000e+00> : vector<1000xf32>
    %reduce_sum3A_2 = vector.multi_reduction <add>, %mul3A, %reduce_sum3A [1] : vector<1000x128xf32> to vector<1000xf32>
    %broadcast_in_dim3A = vector.shape_cast %reduce_sum3A_2 : vector<1000xf32> to vector<1000x1xf32>
    %gt3A = arith.constant 0.000000e+00 : f32
    %gt3A_3 = vector.broadcast %gt3A : f32 to vector<1000x1xf32>
    %gt3A_4 = arith.cmpf ogt, %broadcast_in_dim3A, %gt3A_3 : vector<1000x1xf32>
    %rsqrt3A = math.rsqrt %broadcast_in_dim3A : vector<1000x1xf32>
    %jit3A = arith.constant 0.000000e+00 : f32
    %broadcast_in_dim3A_5 = vector.broadcast %jit3A : f32 to vector<1000x1xf32>
    %select_n3A = arith.select %gt3A_4, %rsqrt3A, %broadcast_in_dim3A_5 : vector<1000x1xi1>, vector<1000x1xf32>
    %mul3A_6 = vector.broadcast %select_n3A : vector<1000x1xf32> to vector<1000x128xf32>
    %mul3A_7 = arith.mulf %get3A_1, %mul3A_6 : vector<1000x128xf32>
    %swap3A = arith.constant 0 : index
    %swap3A_8 = arith.constant 0 : index
    %swap3A_9 = vector.load %arg2[%swap3A, %swap3A_8] : memref<1000x128xf32, #tpu.memory_space<vmem>>, vector<1000x128xf32>
    tpu.vector_store %arg2[%swap3A, %swap3A_8], %mul3A_7 {strides = array<i32>} : memref<1000x128xf32, #tpu.memory_space<vmem>>, vector<1000x128xf32>,
    return
  }
  func.func @transform_0(%arg0: i32) -> (i32, i32) {
    %c0_i32 = arith.constant 0 : i32
    %c0_i32_0 = arith.constant 0 : i32
    return %arg0, %c0_i32 : i32, i32
  }
  func.func @transform_1(%arg0: i32) -> (i32, i32) {
    %c0_i32 = arith.constant 0 : i32
    %c0_i32_0 = arith.constant 0 : i32
    return %arg0, %c0_i32 : i32, i32
  }
}

module attributes {stable_mosaic.version = 14 : i64} {
  func.func @_exp_body(%arg0: i32, %arg1: memref<1x1xf32, #tpu.memory_space<vmem>>, %arg2: memref<16x16000xf32, #tpu.memory_space<vmem>>, %arg3: memref<1x16000xf32, #tpu.memory_space<vmem>>) attributes {dimension_semantics = [#tpu.dimension_semantics<arbitrary>], iteration_bounds = array<i64: 20>, scalar_prefetch = 0 : i64, scratch_operands = 0 : i64, tpu.core_type = #tpu.core_type<tc>, window_params = [{pipeline_mode = #tpu.pipeline_mode<synchronous>, transform_indices = @transform_0, window_bounds = array<i64: 1, 1>}, {transform_indices = @transform_1, window_bounds = array<i64: 16, 16000>}, {transform_indices = @transform_2, window_bounds = array<i64: 1, 16000>}]} {
    %get3A = arith.constant 0 : index
    %get3A_0 = arith.constant 0 : index
    %get3A_1 = vector.load %arg2[%get3A, %get3A_0] : memref<16x16000xf32, #tpu.memory_space<vmem>>, vector<16x16000xf32>
    %reduce_sum3A = arith.constant dense<0.000000e+00> : vector<16000xf32>
    %reduce_sum3A_2 = vector.multi_reduction <add>, %get3A_1, %reduce_sum3A [0] : vector<16x16000xf32> to vector<16000xf32>
    %broadcast_in_dim3A = vector.shape_cast %reduce_sum3A_2 : vector<16000xf32> to vector<1x16000xf32>
    %get3A_3 = arith.constant 0 : index
    %get3A_4 = arith.constant 0 : index
    %get3A_5 = vector.load %arg1[%get3A_3, %get3A_4] : memref<1x1xf32, #tpu.memory_space<vmem>>, vector<1x1xf32>
    %get3A_6 = vector.extract %get3A_5[0, 0] : f32 from vector<1x1xf32>
    %mul3A = vector.broadcast %get3A_6 : f32 to vector<1x16000xf32>
    %mul3A_7 = arith.mulf %mul3A, %broadcast_in_dim3A : vector<1x16000xf32>
    %exp3A = math.exp %mul3A_7 : vector<1x16000xf32>
    %swap3A = arith.constant 0 : index
    %swap3A_8 = arith.constant 0 : index
    %swap3A_9 = vector.load %arg3[%swap3A, %swap3A_8] : memref<1x16000xf32, #tpu.memory_space<vmem>>, vector<1x16000xf32>
    tpu.vector_store %arg3[%swap3A, %swap3A_8], %exp3A {strides = array<i32>} : memref<1x16000xf32, #tpu.memory_space<vmem>>, vector<1x16000xf32>,
    return
  }
  func.func @transform_0(%arg0: i32) -> (i32, i32) {
    %c0_i32 = arith.constant 0 : i32
    %c0_i32_0 = arith.constant 0 : i32
    %c0_i32_1 = arith.constant 0 : i32
    return %c0_i32, %c0_i32_0 : i32, i32
  }
  func.func @transform_1(%arg0: i32) -> (i32, i32) {
    %c0_i32 = arith.constant 0 : i32
    %c0_i32_0 = arith.constant 0 : i32
    return %c0_i32, %arg0 : i32, i32
  }
  func.func @transform_2(%arg0: i32) -> (i32, i32) {
    %c0_i32 = arith.constant 0 : i32
    %c0_i32_0 = arith.constant 0 : i32
    return %c0_i32, %arg0 : i32, i32
  }
}

module attributes {stable_mosaic.version = 14 : i64} {
  func.func @_invdenom_body(%arg0: i32, %arg1: memref<32x10000xf32, #tpu.memory_space<vmem>>, %arg2: memref<1x10000xf32, #tpu.memory_space<vmem>>) attributes {dimension_semantics = [#tpu.dimension_semantics<arbitrary>], iteration_bounds = array<i64: 1>, scalar_prefetch = 0 : i64, scratch_operands = 0 : i64, tpu.core_type = #tpu.core_type<tc>, window_params = [{pipeline_mode = #tpu.pipeline_mode<synchronous>, transform_indices = @transform_0, window_bounds = array<i64: 32, 10000>}, {pipeline_mode = #tpu.pipeline_mode<synchronous>, transform_indices = @transform_1, window_bounds = array<i64: 1, 10000>}]} {
    %get3A = arith.constant 0 : index
    %get3A_0 = arith.constant 0 : index
    %get3A_1 = vector.load %arg1[%get3A, %get3A_0] : memref<32x10000xf32, #tpu.memory_space<vmem>>, vector<32x10000xf32>
    %reduce_sum3A = arith.constant dense<0.000000e+00> : vector<10000xf32>
    %reduce_sum3A_2 = vector.multi_reduction <add>, %get3A_1, %reduce_sum3A [0] : vector<32x10000xf32> to vector<10000xf32>
    %broadcast_in_dim3A = vector.shape_cast %reduce_sum3A_2 : vector<10000xf32> to vector<1x10000xf32>
    %div3A = arith.constant 1.000000e+00 : f32
    %div3A_3 = vector.broadcast %div3A : f32 to vector<1x10000xf32>
    %div3A_4 = arith.divf %div3A_3, %broadcast_in_dim3A : vector<1x10000xf32>
    %swap3A = arith.constant 0 : index
    %swap3A_5 = arith.constant 0 : index
    %swap3A_6 = vector.load %arg2[%swap3A, %swap3A_5] : memref<1x10000xf32, #tpu.memory_space<vmem>>, vector<1x10000xf32>
    tpu.vector_store %arg2[%swap3A, %swap3A_5], %div3A_4 {strides = array<i32>} : memref<1x10000xf32, #tpu.memory_space<vmem>>, vector<1x10000xf32>,
    return
  }
  func.func @transform_0(%arg0: i32) -> (i32, i32) {
    %c0_i32 = arith.constant 0 : i32
    %c0_i32_0 = arith.constant 0 : i32
    %c0_i32_1 = arith.constant 0 : i32
    return %c0_i32, %c0_i32_0 : i32, i32
  }
  func.func @transform_1(%arg0: i32) -> (i32, i32) {
    %c0_i32 = arith.constant 0 : i32
    %c0_i32_0 = arith.constant 0 : i32
    %c0_i32_1 = arith.constant 0 : i32
    return %c0_i32, %c0_i32_0 : i32, i32
  }
}

</mosaic_0001>

<sc_bundles>
// kernel: kernel.11.cloned.1.call-start
scs
__scs_entry_jumppad:
0x0: {  	(pc) =	sbr.rel $0x88, $3  }
0x1: {  	(tag) =	ssettag $0x0;
	lr =	simm.s32 $0x1  }
0x2: {  	[smem:$0x3F9E] =	sst lr;
	_ =	strace $0xD0000000  }
0x3: {  	_ = 	snop  }
0x4: {  	_ = 	snop  }
0x5: {  	_ = 	snop  }
0x6: {  	_ = 	snop  }
0x7: {  	_ = 	snop  }
__scs_overlays_trampoline_lowered:
0x8: {  	[smem:$0x3FAD] =	sst s0  }
0x9: {  	[smem:$0x3FAE] =	sst s1  }
0xa: {  	[smem:$0x3FAF] =	sst s2  }
0xb: {  	[smem:$0x3FB0] =	sst s3  }
0xc: {  	[smem:$0x3FB1] =	sst s4  }
0xd: {  	[smem:$0x3FB2] =	sst s5  }
0xe: {  	[smem:$0x3FB3] =	sst s6  }
0xf: {  	[smem:$0x3FB4] =	sst s7  }
0x10: {  	[smem:$0x3FB5] =	sst s8  }
0x11: {  	[smem:$0x3FB6] =	sst s9;
	s0 =	simm.s32 @!p0 $0x0  }
0x12: {  	s1 =	sld [smem:$0x3F9C];
	s0 =	simm.s32 @p0 $0x1  }
0x13: {  	[smem:$0x3FB7] =	sst s0;
	s0 =	simm.s32 @!p1 $0x0  }
0x14: {  	s2 =	sld [smem:$0x3F9B];
	s0 =	simm.s32 @p1 $0x1  }
0x15: {  	[smem:$0x3FB8] =	sst s0;
	s0 =	simm.s32 @!p2 $0x0  }
0x16: {  	s3 =	sld [smem:$0x3FDB];
	s0 =	simm.s32 @p2 $0x1  }
0x17: {  	s4 =	simm.s32 $0x1BF5;
	[smem:$0x3FBA] =	sst s0  }
0x18: {  	s0 =	sld [smem:$0x3F9D];
	_ =	swait.ge [sflag:s4], $0x0  }
0x19: {  	s7 =	sld [smem:$0x3F9E]  }
0x1a: {  	s8 =	sadd.s32 $0xFFFFE003, lr  }
0x1b: {  	s9 =	sadd.s32 $0xFFFFFEF7, lr;
	s5 =	simm.s32 $0xFFFFFFFF;
	p2 =	slt.u32 s8, $0xFFFFF086  }
0x1c: {  	p1 =	slt.u32 s9, $0xF7A;
	s5 =	simm.s32 @!p2 $0x0  }
0x1d: {  	s5 =	simm.s32 @p1 $0x1;
	p0 =	seq.s32 s7, s2  }
0x1e: {  	s7 =	smul.u32 @!p0 $0xF7A, s2;
	p2 =	seq.s32 @!p0 s5, $0x0  }
0x1f: {  	s9 =	smul.u32 $0xF7A, s1;
	s8 =	simm.s32 @!p0 $0x1BF5;
	p2 =	por !p2, p0  }
0x20: {  	[sflag:s8] =	ssyncset.s32 @!p0 $0xFFFFF086;
	s6 =	sadd.s32 @!p0 s3, s7;
	s7 =	simm.s32 @!p0 $0x108  }
0x21: {  	s3 =	sadd.s32 s3, s9;
	s6 =	sadd.s32 @!p0 $0x88, s6;
	s7 =	simm.s32 @p2 $0x1082  }
0x22: {  	[simem:s7], [sflag:s8] =	dma.local @!p0 [hbm:s6], $0xF7A  }
0x23: {  	s9 =	sor.u32 $0xD0000000, s2;
	s6 =	simm.s32 $0x108;
	_ =	swait.ge @!p0 [sflag:s8], $0x0  }
0x24: {  	s3 =	sadd.s32 $0x88, s3;
	s6 =	simm.s32 @!p1 $0x1082;
	[sflag:s4] =	ssyncset.s32 $0xFFFFF086  }
0x25: {  	[simem:s6], [sflag:s4] =	dma.local [hbm:s3], $0xF7A  }
0x26: {  	[smem:$0x3F9E] =	sst s1;
	(tag) =	ssettag s2;
	_ =	strace s9  }
0x27: {  	s1 =	sld [smem:$0x3FAE]  }
0x28: {  	s2 =	sld [smem:$0x3FAF]  }
0x29: {  	s4 =	sld [smem:$0x3FB1]  }
0x2a: {  	p0 =	seq.s32 s5, $0x0;
	s5 =	sld [smem:$0x3FB2]  }
0x2b: {  	s6 =	sld [smem:$0x3FB3]  }
0x2c: {  	s7 =	sld [smem:$0x3FB4]  }
0x2d: {  	s3 =	simm.s32 $0x108;
	s8 =	sld [smem:$0x3FB5]  }
0x2e: {  	s3 =	simm.s32 @!p0 $0x1082;
	s9 =	sld [smem:$0x3FB6]  }
0x2f: {  	lr =	sadd.s32 s0, s3;
	s0 =	sld [smem:$0x3FAD]  }
0x30: {  	s3 =	sld [smem:$0x3FB0]  }
0x31: {  	[smem:$0x3FB9] =	sst s10  }
0x32: {  	s10 =	sld [smem:$0x3FB7];
	_ =	sdelay $0x3  }
0x33: {  	p0 =	seq.s32 s10, $0x1;
	s10 =	sld [smem:$0x3FB9];
	_ =	sdelay $0x3  }
0x34: {  	[smem:$0x3FB9] =	sst s10  }
0x35: {  	s10 =	sld [smem:$0x3FB8];
	_ =	sdelay $0x3  }
0x36: {  	p1 =	seq.s32 s10, $0x1;
	s10 =	sld [smem:$0x3FB9];
	_ =	sdelay $0x3  }
0x37: {  	[smem:$0x3FB9] =	sst s10  }
0x38: {  	s10 =	sld [smem:$0x3FBA]  }
0x39: {  	_ = 	snop;
	(pc) =	sbr.ind lr, $3  }
0x3a: {  	_ = 	snop  }
0x3b: {  	_ = 	snop  }
0x3c: {  	p2 =	seq.s32 s10, $0x1;
	s10 =	sld [smem:$0x3FB9]  }
0x3d: {  	_ =	shalt  }
0x3e: {  	_ =	shalt  }
0x3f: {  	_ =	shalt  }
0x40: {  	_ =	shalt  }
0x41: {  	_ =	shalt  }
0x42: {  	_ =	shalt  }
0x43: {  	_ =	shalt  }
0x44: {  	_ =	shalt  }
0x45: {  	_ =	shalt  }
0x46: {  	_ =	shalt  }
0x47: {  	_ =	shalt  }
0x48: {  	_ =	shalt  }
0x49: {  	_ =	shalt  }
0x4a: {  	_ =	shalt  }
0x4b: {  	_ =	shalt  }
0x4c: {  	_ =	shalt  }
0x4d: {  	_ =	shalt  }
0x4e: {  	_ =	shalt  }
0x4f: {  	_ =	shalt  }
0x50: {  	_ =	shalt  }
0x51: {  	_ =	shalt  }
0x52: {  	_ =	shalt  }
0x53: {  	_ =	shalt  }
0x54: {  	_ =	shalt  }
0x55: {  	_ =	shalt  }
0x56: {  	_ =	shalt  }
0x57: {  	_ =	shalt  }
0x58: {  	_ =	shalt  }
0x59: {  	_ =	shalt  }
0x5a: {  	_ =	shalt  }
0x5b: {  	_ =	shalt  }
0x5c: {  	_ =	shalt  }
0x5d: {  	_ =	shalt  }
0x5e: {  	_ =	shalt  }
0x5f: {  	_ =	shalt  }
0x60: {  	_ =	shalt  }
0x61: {  	_ =	shalt  }
0x62: {  	_ =	shalt  }
0x63: {  	_ =	shalt  }
0x64: {  	_ =	shalt  }
0x65: {  	_ =	shalt  }
0x66: {  	_ =	shalt  }
0x67: {  	_ =	shalt  }
0x68: {  	_ =	shalt  }
0x69: {  	_ =	shalt  }
0x6a: {  	_ =	shalt  }
0x6b: {  	_ =	shalt  }
0x6c: {  	_ =	shalt  }
0x6d: {  	_ =	shalt  }
0x6e: {  	_ =	shalt  }
0x6f: {  	_ =	shalt  }
0x70: {  	_ =	shalt  }
0x71: {  	_ =	shalt  }
0x72: {  	_ =	shalt  }
0x73: {  	_ =	shalt  }
0x74: {  	_ =	shalt  }
0x75: {  	_ =	shalt  }
0x76: {  	_ =	shalt  }
0x77: {  	_ =	shalt  }
0x78: {  	_ =	shalt  }
0x79: {  	_ =	shalt  }
0x7a: {  	_ =	shalt  }
0x7b: {  	_ =	shalt  }
0x7c: {  	_ =	shalt  }
0x7d: {  	_ =	shalt  }
0x7e: {  	_ =	shalt  }
0x7f: {  	_ =	shalt  }
0x80: {  	_ =	shalt  }
0x81: {  	_ =	shalt  }
0x82: {  	_ =	shalt  }
0x83: {  	_ =	shalt  }
0x84: {  	_ =	shalt  }
0x85: {  	_ =	shalt  }
0x86: {  	_ =	shalt  }
0x87: {  	_ =	shalt  }
.Lfunc_end0:
.L_simem_size_0:
called_computation.1_lowered:
.L_overlay_start_0:
0x88: {  	s2 =	sld [smem:$0x3FD9]  }
0x89: {  	s3 =	sld [smem:$0x3FFE];
	_ =	sdelay $0x1  }
0x8a: {  	s1 =	srdreg.scid  }
0x8b: {  	s0 =	sand.u32 $0x1, s1  }
0x8c: {  	s17 =	sshll.u32 s0, $0xA;
	s2 =	sadd.s32 s3, s2  }
0x8d: {  	s2 =	sadd.s32 s2, s17  }
0x8e: {  	[smem:$0x3FC5] =	sst s2  }
0x8f: {  	_ = 	snop  }
0x90: {  	s2 =	sld [smem:$0x3FD0];
	(tm) =	ssettm $0x1  }
0x91: {  	s18 =	sld [smem:$0x3FFB];
	_ =	sdelay $0x3  }
0x92: {  	_ =	strace s18  }
0x93: {  	s3 =	sld [smem:$0x3FFC];
	_ =	sdelay $0x3  }
0x94: {  	_ =	strace s3  }
0x95: {  	s3 =	sld [smem:$0x3FFD];
	_ =	sdelay $0x3  }
0x96: {  	_ =	strace s3  }
0x97: {  	_ =	strace $0x8FFFFFFF  }
0x98: {  	s19 =	sld [smem:$0x3FDB];
	_ =	sdelay $0x1  }
0x99: {  	s4 =	simm.s32 $_scs_section_size  }
0x9a: {  	s5 =	simm.s32 $_size__tile_overlayer_lowered;
	s6 =	simm.s32 $_tile_overlayer_lowered  }
0x9b: {  	s22 =	simm.s32 $0x1BFF;
	s21 =	sshll.u32 s6, $0x1;
	s3 =	sadd.s32 s4, s19  }
0x9c: {  	s7 =	simm.s32 $0x0;
	s20 =	sshll.u32 s5, $0x1;
	s5 =	sadd.s32 s21, s3  }
0x9d: {  	[timem:s7], [sflag:s22] =	dma.local [hbm:s5], s20  }
0x9e: {  	_ =	swait.ge [sflag:s22], s20  }
0x9f: {  	s4 =	ssub.s32 $0x0, s20;
	[sflag:s22] =	ssyncset.done $0x0  }
0xa0: {  	[sflag:s22] =	ssyncadd.s32 s4;
	_ =	sdelay $0x1  }
0xa1: {  	s23 =	simm.s32 $0x1B8B  }
0xa2: {  	_ =	swait.ge [sflag:s23], $0x1  }
0xa3: {  	[sflag:s23] =	ssyncset.done $0x0  }
0xa4: {  	s25 =	simm.s32 $0x1B8E;
	s24 =	sld [smem:$0x3FFE];
	[sflag:s23] =	ssyncadd.s32 $0xFFFFFFFF  }
0xa5: {  	s26 =	simm.s32 $execute0_lowered;
	[smem:$0x3FD2] =	sst s25  }
0xa6: {  	s5 =	sshll.u32 s26, $0x1;
	_ =	strace $0x80000049;
	[dreg:$0x1] =	wrdreg $0xFFFFFFFF  }
0xa7: {  	s28 =	simm.s32 $_size_execute0_lowered;
	s3 =	sadd.s32 s3, s5;
	[dreg:$0x0] =	wrdreg $0x0  }
0xa8: {  	s5 =	sshll.u32 s28, $0x1;
	[dreg:$0x2] =	wrdreg s3  }
0xa9: {  	[dreg:$0x3] =	wrdreg s5  }
0xaa: {  	[dreg:$0x4] =	wrdreg $0xC0  }
0xab: {  	_ =	task [dreg:s7], $0x5FFFF  }
0xac: {  	[dreg:$0x1] =	wrdreg $0xFFFFFFFF  }
0xad: {  	[dreg:$0x0] =	wrdreg $0x60  }
0xae: {  	[dreg:$0x2] =	wrdreg s24  }
0xaf: {  	[dreg:$0x3] =	wrdreg s2  }
0xb0: {  	[dreg:$0x4] =	wrdreg $0x9  }
0xb1: {  	_ =	task.clear_ibuf [dreg:s7], $0x5FFFF;
	_ =	strace $0x90000049  }
0xb2: {  	s29 =	simm.s32 $0x9;
	_ =	strace $0x8000004B  }
0xb3: {  	_ =	swait.ge [sflag:s29], $0x1  }
0xb4: {  	[sflag:s29] =	ssyncadd.s32 $0xFFFFFFFF  }
0xb5: {  	_ =	strace $0x9000004B  }
0xb6: {  	_ =	sfence  }
0xb7: {  	s30 =	sld [smem:$0x0];
	_ =	sdelay $0x2  }
0xb8: {  	s31 =	sshll.u32 s1, $0xD;
	s1 =	sshrl.u32 s1, $0x2  }
0xb9: {  	s3 =	sand.u32 $0x4000, s31;
	s1 =	sadd.s32 s1, s30  }
0xba: {  	s0 =	sor.u32 s3, s0;
	s1 =	sshll.u32 s1, $0x11  }
0xbb: {  	s0 =	sor.u32 s1, s0  }
0xbc: {  	s0 =	sadd.s32 $0x8F2B, s0  }
0xbd: {  	[sflag:s0] =	ssyncadd.remote.s32 $0x1  }
0xbe: {  	_ =	sfence.sel $0xFFFF  }
0xbf: {  	[dreg:$0x0] =	wrdreg $0xFFFFFFFF;
	(pc) =	sbr.abs _section_cstart, $3  }
0xc0: {  	[dreg:$0x1] =	wrdreg $0xFFFFFFFF  }
0xc1: {  	_ =	task.clear_ibuf [dreg:s7], $0x2FFFF;
	_ =	strace $0x9FFFFFFF  }
0xc2: {  	(tm) =	ssettm $0x7FFFFFFF  }
0xc3: {  	_ =	shalt  }
tec
execute0_lowered:
.L_overlay_start_1:
0x0: {  	(tag) =	ssettag $0x1  }
0x1: {  	s0 =	srdreg.scid;
	s3 =	rddreg [dreg:$0x0]  }
0x2: {  	s5 =	rddreg [dreg:$0x1];
	s1 =	stileid.u32;
	s9 =	simm.s32 $0x4F00  }
0x3: {  	s10 =	simm.s32 $0x80;
	s11 =	simm.s32 $0x400;
	s4 =	sand.u32 $0x1, s0  }
0x4: {  	s12 =	simm.s32 $0x0;
	s0 =	rddreg [dreg:$0x2];
	s2 =	sshll.u32 s4, $0x4  }
0x5: {  	s8 =	sshll.u32 s1, $0x7;
	s4 =	ssub.s32 $0x2, s4;
	s6 =	sor.u32 s1, s2  }
0x6: {  	s8 =	sand.u32 $0x380, s8;
	s7 =	smul.u32 $0x4E2, s6;
	s6 =	sshrl.u32 s6, $0x3  }
0x7: {  	s2 =	simm.s32 $0x0;
	s30 =	sshrl.u32 s4, $0x1;
	s6 =	smul.u32 $0x13C00, s6  }
0x8: {  	[smem:$0x7FF] =	sst s2;
	s31 =	ssub.s32 s4, s30;
	s7 =	sadd.s32 s7, s3  }
0x9: {  	_ =	strace $0x8000004A;
	s6 =	sor.u32 s8, s6;
	s3 =	sadd.s32 $0xA200, s7  }
0xa: {  	s4 =	sadd.s32 $0x14000, s7;
	s7 =	simm.s32 $0x1;
	s6 =	sshrl.u32 s6, $0x3  }
0xb: {  	v0 =	vimm.f32 $0.0e+00;
	s8 =	simm.s32 $0x2780;
	s5 =	sadd.s32 s5, s6;
	s6 =	smax.u32 s31, $0x1  }
.LBB2_1:
0xc: {  	[tilespmem:s2], [sflag:$0x1] =	stream.linear.gather [hbm4b:s3+s2], $0x2710, $0x38;
	[tilespmem:$0x7680] =	vst v63  }
0xd: {  	_ =	swait.ge [sflag:s7], $0x2710  }
0xe: {  	[sflag:s7] =	ssyncset.done $0x0  }
0xf: {  	[sflag:s7] =	ssyncadd.s32 $0xFFFFD8F0  }
0x10: {  	[tilespmem:s8], [sflag:$0x1] =	stream.linear.gather [hbm4b:s4+s2], $0x2710, $0x38;
	[tilespmem:$0x7680] =	vst v63  }
0x11: {  	_ =	swait.ge [sflag:s7], $0x2710  }
0x12: {  	[sflag:s7] =	ssyncset.done $0x0  }
0x13: {  	s13 =	simm.s32 $0x0;
	[sflag:s7] =	ssyncadd.s32 $0xFFFFD8F0  }
.LBB2_2:
0x14: {  	p0 =	sne.s32 s13, $0x9C00  }
.Ltmp0:
0x15: {  	_ = 	snop;
	(pc) =	sbr.rel @p0 .LBB2_2-.Ltmp0, $3  }
0x16: {  	_ =	sdelay $0x1  }
0x17: {  	s14 =	sshra.s32 s13, $0x2  }
0x18: {  	s13 =	sadd.s32 $0x40, s13;
	[tilespmem:s14+$0x4F00] =	vst v0  }
0x19: {  	s14 =	simm.s32 $0x40  }
0x1a: {  	v1 =	vld [tilespmem:s14+$0x30]  }
0x1b: {  	v2 =	vld [tilespmem:s14+$0xFFFFFFD0]  }
0x1c: {  	s13 =	simm.s32 $0x27C0;
	v3 =	vld [tilespmem:s14+$0xFFFFFFE0]  }
0x1d: {  	v4 =	vld [tilespmem:s13+$0x30]  }
0x1e: {  	v5 =	vld [tilespmem:s14+$0xFFFFFFF0]  }
0x1f: {  	v6 =	vld [tilespmem:s14+$0x0]  }
0x20: {  	v7 =	vld [tilespmem:s14+$0x10]  }
0x21: {  	v8 =	vld [tilespmem:s14+$0x20]  }
0x22: {  	v63 =	vld [tilespmem:s13+$0xFFFFFFC0]  }
0x23: {  	v9 =	vld [tilespmem:s13+$0xFFFFFFD0]  }
0x24: {  	v10 =	vld [tilespmem:s13+$0xFFFFFFE0]  }
0x25: {  	v11 =	vld [tilespmem:s13+$0xFFFFFFF0]  }
0x26: {  	v12 =	vld [tilespmem:s13+$0x0]  }
0x27: {  	v13 =	vld [tilespmem:s13+$0x10]  }
0x28: {  	[tilespmem:v1+s9+$0x0] =	vst.idx.add.f32.msk $0xffff, v4  }
0x29: {  	v1 =	vld [tilespmem:s14+$0xFFFFFFC0]  }
0x2a: {  	v14 =	vld [tilespmem:s13+$0x20]  }
0x2b: {  	[tilespmem:v2+s9+$0x0] =	vst.idx.add.f32.msk $0xffff, v9  }
0x2c: {  	[tilespmem:v3+s9+$0x0] =	vst.idx.add.f32.msk $0xffff, v10  }
0x2d: {  	[tilespmem:v5+s9+$0x0] =	vst.idx.add.f32.msk $0xffff, v11  }
0x2e: {  	[tilespmem:v6+s9+$0x0] =	vst.idx.add.f32.msk $0xffff, v12  }
0x2f: {  	[tilespmem:v7+s9+$0x0] =	vst.idx.add.f32.msk $0xffff, v13  }
0x30: {  	[tilespmem:v8+s9+$0x0] =	vst.idx.add.f32.msk $0xffff, v14  }
0x31: {  	s15 =	simm.s32 $0xC0;
	s14 =	simm.s32 $0x0;
	[tilespmem:v1+s9+$0x0] =	vst.idx.add.f32.msk $0xffff, v63  }
.LBB2_4:
0x32: {  	v1 =	vld [tilespmem:s15+$0x30];
	s14 =	sadd.s32 $0x8, s14  }
0x33: {  	v2 =	vld [tilespmem:s15+$0xFFFFFFD0];
	p0 =	slt.u32 s14, $0x268  }
0x34: {  	s13 =	sadd.s32 $0x80, s13;
	v3 =	vld [tilespmem:s15+$0xFFFFFFE0]  }
0x35: {  	v4 =	vld [tilespmem:s13+$0x30]  }
0x36: {  	v5 =	vld [tilespmem:s15+$0xFFFFFFF0]  }
0x37: {  	v6 =	vld [tilespmem:s15+$0x0]  }
0x38: {  	v7 =	vld [tilespmem:s15+$0x10]  }
0x39: {  	v8 =	vld [tilespmem:s15+$0x20]  }
0x3a: {  	[tilespmem:v1+s9+$0x0] =	vst.idx.add.f32.msk $0xffff, v4  }
0x3b: {  	v1 =	vld [tilespmem:s15+$0xFFFFFFC0]  }
0x3c: {  	v4 =	vld [tilespmem:s13+$0xFFFFFFC0]  }
0x3d: {  	v9 =	vld [tilespmem:s13+$0xFFFFFFD0]  }
0x3e: {  	v10 =	vld [tilespmem:s13+$0xFFFFFFE0]  }
0x3f: {  	v11 =	vld [tilespmem:s13+$0xFFFFFFF0]  }
0x40: {  	v12 =	vld [tilespmem:s13+$0x0]  }
0x41: {  	v13 =	vld [tilespmem:s13+$0x10]  }
0x42: {  	v14 =	vld [tilespmem:s13+$0x20]  }
0x43: {  	[tilespmem:v1+s9+$0x0] =	vst.idx.add.f32.msk $0xffff, v4  }
0x44: {  	[tilespmem:v2+s9+$0x0] =	vst.idx.add.f32.msk $0xffff, v9  }
.Ltmp1:
0x45: {  	[tilespmem:v3+s9+$0x0] =	vst.idx.add.f32.msk $0xffff, v10;
	(pc) =	sbr.rel @p0 .LBB2_4-.Ltmp1, $4  }
0x46: {  	[tilespmem:v5+s9+$0x0] =	vst.idx.add.f32.msk $0xffff, v11  }
0x47: {  	[tilespmem:v6+s9+$0x0] =	vst.idx.add.f32.msk $0xffff, v12  }
0x48: {  	[tilespmem:v7+s9+$0x0] =	vst.idx.add.f32.msk $0xffff, v13  }
0x49: {  	s15 =	sadd.s32 $0x80, s15;
	[tilespmem:v8+s9+$0x0] =	vst.idx.add.f32.msk $0xffff, v14  }
0x4a: {  	v1 =	vld [tilespmem:$0x2700];
	_ =	sdelay $0x2  }
0x4b: {  	v2 =	vld [tilespmem:$0x4E80];
	_ =	sdelay $0x2  }
0x4c: {  	s12 =	sadd.s32 $0x1, s12  }
0x4d: {  	p0 =	sne.s32 s12, s6  }
.Ltmp2:
0x4e: {  	[tilespmem:v1+s9+$0x0] =	vst.idx.add.f32.msk $0xffff, v2;
	(pc) =	sbr.rel @p0 .LBB2_1-.Ltmp2, $4  }
0x4f: {  	[hbm4b:s5+s10] =	stream.strided.scatter [tilespmem:s9], [sflag:$0x1], $0x2780, s11, s10, $0x38;
	[tilespmem:$0x7680] =	vst v63  }
0x50: {  	_ =	swait.ge [sflag:s7], $0x2780  }
0x51: {  	[sflag:s7] =	ssyncset.done $0x0  }
0x52: {  	[sflag:s7] =	ssyncadd.s32 $0xFFFFD880  }
0x53: {  	_ =	sfence.sel $0x180000  }
0x54: {  	[bflag:$0x0] =	sbarrier.arrive $0xFFFF  }
0x55: {  	p0 =	sne.s32 s1, $0x0;
	_ =	strace $0x9000004A  }
0x56: {  	s0 =	sadd.s32 @!p0 $0x100000, s0;
	[bflag:$0x2] =	sbarrier.arrive $0xFFFF  }
0x57: {  	[sflag:s0] =	ssyncadd.tile.s32 @!p0 $0x1;
	_ =	shalt  }
.Lfunc_end2:
_tile_overlayer_lowered:
.L_overlay_start_2:
0x58: {  	(tag) =	ssettag $0x2  }
0x59: {  	s0 =	rddreg [dreg:$0x0];
	s2 =	stileid.u32  }
0x5a: {  	s1 =	rddreg [dreg:$0x1];
	p0 =	sne.s32 s2, $0x0  }
0x5b: {  	s3 =	rddreg [dreg:$0x2];
	[bflag:$0x3] =	sbarrier.arrive $0xFFFF;
	s2 =	simm.s32 @!p0 $0x1C01  }
0x5c: {  	[timem:s3], [sflag:s2] =	dma.local @!p0 [hbm:s0], s1  }
0x5d: {  	s0 =	simm.s32 @!p0 $0x1  }
0x5e: {  	_ =	swait.ge @!p0 [sflag:s0], s1  }
0x5f: {  	s1 =	ssub.s32 @!p0 $0x0, s1;
	[sflag:s0] =	ssyncset.done @!p0 $0x0  }
0x60: {  	[sflag:s0] =	ssyncadd.s32 @!p0 s1  }
0x61: {  	[bflag:$0x3] =	sbarrier.arrive $0xFFFF  }
0x62: {  	_ =	shalt  }

// kernel: kernel.14.cloned.1.call-start
scs
__scs_entry_jumppad:
0x0: {  	(pc) =	sbr.rel $0x88, $3  }
0x1: {  	(tag) =	ssettag $0x0;
	lr =	simm.s32 $0x1  }
0x2: {  	[smem:$0x3F9E] =	sst lr;
	_ =	strace $0xD0000000  }
0x3: {  	_ = 	snop  }
0x4: {  	_ = 	snop  }
0x5: {  	_ = 	snop  }
0x6: {  	_ = 	snop  }
0x7: {  	_ = 	snop  }
__scs_overlays_trampoline_lowered:
0x8: {  	[smem:$0x3FAD] =	sst s0  }
0x9: {  	[smem:$0x3FAE] =	sst s1  }
0xa: {  	[smem:$0x3FAF] =	sst s2  }
0xb: {  	[smem:$0x3FB0] =	sst s3  }
0xc: {  	[smem:$0x3FB1] =	sst s4  }
0xd: {  	[smem:$0x3FB2] =	sst s5  }
0xe: {  	[smem:$0x3FB3] =	sst s6  }
0xf: {  	[smem:$0x3FB4] =	sst s7  }
0x10: {  	[smem:$0x3FB5] =	sst s8  }
0x11: {  	[smem:$0x3FB6] =	sst s9;
	s0 =	simm.s32 @!p0 $0x0  }
0x12: {  	s1 =	sld [smem:$0x3F9C];
	s0 =	simm.s32 @p0 $0x1  }
0x13: {  	[smem:$0x3FB7] =	sst s0;
	s0 =	simm.s32 @!p1 $0x0  }
0x14: {  	s2 =	sld [smem:$0x3F9B];
	s0 =	simm.s32 @p1 $0x1  }
0x15: {  	[smem:$0x3FB8] =	sst s0;
	s0 =	simm.s32 @!p2 $0x0  }
0x16: {  	s3 =	sld [smem:$0x3FDB];
	s0 =	simm.s32 @p2 $0x1  }
0x17: {  	s4 =	simm.s32 $0x1BF5;
	[smem:$0x3FBA] =	sst s0  }
0x18: {  	s0 =	sld [smem:$0x3F9D];
	_ =	swait.ge [sflag:s4], $0x0  }
0x19: {  	s7 =	sld [smem:$0x3F9E]  }
0x1a: {  	s8 =	sadd.s32 $0xFFFFE003, lr  }
0x1b: {  	s9 =	sadd.s32 $0xFFFFFEF7, lr;
	s5 =	simm.s32 $0xFFFFFFFF;
	p2 =	slt.u32 s8, $0xFFFFF086  }
0x1c: {  	p1 =	slt.u32 s9, $0xF7A;
	s5 =	simm.s32 @!p2 $0x0  }
0x1d: {  	s5 =	simm.s32 @p1 $0x1;
	p0 =	seq.s32 s7, s2  }
0x1e: {  	s7 =	smul.u32 @!p0 $0xF7A, s2;
	p2 =	seq.s32 @!p0 s5, $0x0  }
0x1f: {  	s9 =	smul.u32 $0xF7A, s1;
	s8 =	simm.s32 @!p0 $0x1BF5;
	p2 =	por !p2, p0  }
0x20: {  	[sflag:s8] =	ssyncset.s32 @!p0 $0xFFFFF086;
	s6 =	sadd.s32 @!p0 s3, s7;
	s7 =	simm.s32 @!p0 $0x108  }
0x21: {  	s3 =	sadd.s32 s3, s9;
	s6 =	sadd.s32 @!p0 $0x88, s6;
	s7 =	simm.s32 @p2 $0x1082  }
0x22: {  	[simem:s7], [sflag:s8] =	dma.local @!p0 [hbm:s6], $0xF7A  }
0x23: {  	s9 =	sor.u32 $0xD0000000, s2;
	s6 =	simm.s32 $0x108;
	_ =	swait.ge @!p0 [sflag:s8], $0x0  }
0x24: {  	s3 =	sadd.s32 $0x88, s3;
	s6 =	simm.s32 @!p1 $0x1082;
	[sflag:s4] =	ssyncset.s32 $0xFFFFF086  }
0x25: {  	[simem:s6], [sflag:s4] =	dma.local [hbm:s3], $0xF7A  }
0x26: {  	[smem:$0x3F9E] =	sst s1;
	(tag) =	ssettag s2;
	_ =	strace s9  }
0x27: {  	s1 =	sld [smem:$0x3FAE]  }
0x28: {  	s2 =	sld [smem:$0x3FAF]  }
0x29: {  	s4 =	sld [smem:$0x3FB1]  }
0x2a: {  	p0 =	seq.s32 s5, $0x0;
	s5 =	sld [smem:$0x3FB2]  }
0x2b: {  	s6 =	sld [smem:$0x3FB3]  }
0x2c: {  	s7 =	sld [smem:$0x3FB4]  }
0x2d: {  	s3 =	simm.s32 $0x108;
	s8 =	sld [smem:$0x3FB5]  }
0x2e: {  	s3 =	simm.s32 @!p0 $0x1082;
	s9 =	sld [smem:$0x3FB6]  }
0x2f: {  	lr =	sadd.s32 s0, s3;
	s0 =	sld [smem:$0x3FAD]  }
0x30: {  	s3 =	sld [smem:$0x3FB0]  }
0x31: {  	[smem:$0x3FB9] =	sst s10  }
0x32: {  	s10 =	sld [smem:$0x3FB7];
	_ =	sdelay $0x3  }
0x33: {  	p0 =	seq.s32 s10, $0x1;
	s10 =	sld [smem:$0x3FB9];
	_ =	sdelay $0x3  }
0x34: {  	[smem:$0x3FB9] =	sst s10  }
0x35: {  	s10 =	sld [smem:$0x3FB8];
	_ =	sdelay $0x3  }
0x36: {  	p1 =	seq.s32 s10, $0x1;
	s10 =	sld [smem:$0x3FB9];
	_ =	sdelay $0x3  }
0x37: {  	[smem:$0x3FB9] =	sst s10  }
0x38: {  	s10 =	sld [smem:$0x3FBA]  }
0x39: {  	_ = 	snop;
	(pc) =	sbr.ind lr, $3  }
0x3a: {  	_ = 	snop  }
0x3b: {  	_ = 	snop  }
0x3c: {  	p2 =	seq.s32 s10, $0x1;
	s10 =	sld [smem:$0x3FB9]  }
0x3d: {  	_ =	shalt  }
0x3e: {  	_ =	shalt  }
0x3f: {  	_ =	shalt  }
0x40: {  	_ =	shalt  }
0x41: {  	_ =	shalt  }
0x42: {  	_ =	shalt  }
0x43: {  	_ =	shalt  }
0x44: {  	_ =	shalt  }
0x45: {  	_ =	shalt  }
0x46: {  	_ =	shalt  }
0x47: {  	_ =	shalt  }
0x48: {  	_ =	shalt  }
0x49: {  	_ =	shalt  }
0x4a: {  	_ =	shalt  }
0x4b: {  	_ =	shalt  }
0x4c: {  	_ =	shalt  }
0x4d: {  	_ =	shalt  }
0x4e: {  	_ =	shalt  }
0x4f: {  	_ =	shalt  }
0x50: {  	_ =	shalt  }
0x51: {  	_ =	shalt  }
0x52: {  	_ =	shalt  }
0x53: {  	_ =	shalt  }
0x54: {  	_ =	shalt  }
0x55: {  	_ =	shalt  }
0x56: {  	_ =	shalt  }
0x57: {  	_ =	shalt  }
0x58: {  	_ =	shalt  }
0x59: {  	_ =	shalt  }
0x5a: {  	_ =	shalt  }
0x5b: {  	_ =	shalt  }
0x5c: {  	_ =	shalt  }
0x5d: {  	_ =	shalt  }
0x5e: {  	_ =	shalt  }
0x5f: {  	_ =	shalt  }
0x60: {  	_ =	shalt  }
0x61: {  	_ =	shalt  }
0x62: {  	_ =	shalt  }
0x63: {  	_ =	shalt  }
0x64: {  	_ =	shalt  }
0x65: {  	_ =	shalt  }
0x66: {  	_ =	shalt  }
0x67: {  	_ =	shalt  }
0x68: {  	_ =	shalt  }
0x69: {  	_ =	shalt  }
0x6a: {  	_ =	shalt  }
0x6b: {  	_ =	shalt  }
0x6c: {  	_ =	shalt  }
0x6d: {  	_ =	shalt  }
0x6e: {  	_ =	shalt  }
0x6f: {  	_ =	shalt  }
0x70: {  	_ =	shalt  }
0x71: {  	_ =	shalt  }
0x72: {  	_ =	shalt  }
0x73: {  	_ =	shalt  }
0x74: {  	_ =	shalt  }
0x75: {  	_ =	shalt  }
0x76: {  	_ =	shalt  }
0x77: {  	_ =	shalt  }
0x78: {  	_ =	shalt  }
0x79: {  	_ =	shalt  }
0x7a: {  	_ =	shalt  }
0x7b: {  	_ =	shalt  }
0x7c: {  	_ =	shalt  }
0x7d: {  	_ =	shalt  }
0x7e: {  	_ =	shalt  }
0x7f: {  	_ =	shalt  }
0x80: {  	_ =	shalt  }
0x81: {  	_ =	shalt  }
0x82: {  	_ =	shalt  }
0x83: {  	_ =	shalt  }
0x84: {  	_ =	shalt  }
0x85: {  	_ =	shalt  }
0x86: {  	_ =	shalt  }
0x87: {  	_ =	shalt  }
.Lfunc_end0:
.L_simem_size_0:
called_computation.2_lowered:
.L_overlay_start_0:
0x88: {  	s2 =	sld [smem:$0x3FD9]  }
0x89: {  	s3 =	sld [smem:$0x3FFE];
	_ =	sdelay $0x1  }
0x8a: {  	s1 =	srdreg.scid  }
0x8b: {  	s0 =	sand.u32 $0x1, s1  }
0x8c: {  	s17 =	sshll.u32 s0, $0xA;
	s2 =	sadd.s32 s3, s2  }
0x8d: {  	s2 =	sadd.s32 s2, s17  }
0x8e: {  	[smem:$0x3FC5] =	sst s2  }
0x8f: {  	_ = 	snop  }
0x90: {  	s2 =	sld [smem:$0x3FD0];
	(tm) =	ssettm $0x1  }
0x91: {  	s18 =	sld [smem:$0x3FFB];
	_ =	sdelay $0x3  }
0x92: {  	_ =	strace s18  }
0x93: {  	s3 =	sld [smem:$0x3FFC];
	_ =	sdelay $0x3  }
0x94: {  	_ =	strace s3  }
0x95: {  	s3 =	sld [smem:$0x3FFD];
	_ =	sdelay $0x3  }
0x96: {  	_ =	strace s3  }
0x97: {  	_ =	strace $0x8FFFFFFF  }
0x98: {  	s19 =	sld [smem:$0x3FDB];
	_ =	sdelay $0x1  }
0x99: {  	s4 =	simm.s32 $_scs_section_size  }
0x9a: {  	s5 =	simm.s32 $_size__tile_overlayer_lowered;
	s6 =	simm.s32 $_tile_overlayer_lowered  }
0x9b: {  	s22 =	simm.s32 $0x1BFF;
	s21 =	sshll.u32 s6, $0x1;
	s3 =	sadd.s32 s4, s19  }
0x9c: {  	s7 =	simm.s32 $0x0;
	s20 =	sshll.u32 s5, $0x1;
	s5 =	sadd.s32 s21, s3  }
0x9d: {  	[timem:s7], [sflag:s22] =	dma.local [hbm:s5], s20  }
0x9e: {  	_ =	swait.ge [sflag:s22], s20  }
0x9f: {  	s4 =	ssub.s32 $0x0, s20;
	[sflag:s22] =	ssyncset.done $0x0  }
0xa0: {  	[sflag:s22] =	ssyncadd.s32 s4;
	_ =	sdelay $0x1  }
0xa1: {  	s23 =	simm.s32 $0x1B8B  }
0xa2: {  	_ =	swait.ge [sflag:s23], $0x1  }
0xa3: {  	[sflag:s23] =	ssyncset.done $0x0  }
0xa4: {  	s25 =	simm.s32 $0x1B8E;
	s24 =	sld [smem:$0x3FFE];
	[sflag:s23] =	ssyncadd.s32 $0xFFFFFFFF  }
0xa5: {  	s26 =	simm.s32 $execute0_lowered;
	[smem:$0x3FD2] =	sst s25  }
0xa6: {  	s5 =	sshll.u32 s26, $0x1;
	_ =	strace $0x8000004C;
	[dreg:$0x1] =	wrdreg $0xFFFFFFFF  }
0xa7: {  	s28 =	simm.s32 $_size_execute0_lowered;
	s3 =	sadd.s32 s3, s5;
	[dreg:$0x0] =	wrdreg $0x0  }
0xa8: {  	s5 =	sshll.u32 s28, $0x1;
	[dreg:$0x2] =	wrdreg s3  }
0xa9: {  	[dreg:$0x3] =	wrdreg s5  }
0xaa: {  	[dreg:$0x4] =	wrdreg $0xC0  }
0xab: {  	_ =	task [dreg:s7], $0x5FFFF  }
0xac: {  	[dreg:$0x1] =	wrdreg $0xFFFFFFFF  }
0xad: {  	[dreg:$0x0] =	wrdreg $0x60  }
0xae: {  	[dreg:$0x2] =	wrdreg s24  }
0xaf: {  	[dreg:$0x3] =	wrdreg s2  }
0xb0: {  	[dreg:$0x4] =	wrdreg $0x9  }
0xb1: {  	_ =	task.clear_ibuf [dreg:s7], $0x5FFFF;
	_ =	strace $0x9000004C  }
0xb2: {  	s29 =	simm.s32 $0x9;
	_ =	strace $0x8000004E  }
0xb3: {  	_ =	swait.ge [sflag:s29], $0x1  }
0xb4: {  	[sflag:s29] =	ssyncadd.s32 $0xFFFFFFFF  }
0xb5: {  	_ =	strace $0x9000004E  }
0xb6: {  	_ =	sfence  }
0xb7: {  	s30 =	sld [smem:$0x0];
	_ =	sdelay $0x2  }
0xb8: {  	s31 =	sshll.u32 s1, $0xD;
	s1 =	sshrl.u32 s1, $0x2  }
0xb9: {  	s3 =	sand.u32 $0x4000, s31;
	s1 =	sadd.s32 s1, s30  }
0xba: {  	s0 =	sor.u32 s3, s0;
	s1 =	sshll.u32 s1, $0x11  }
0xbb: {  	s0 =	sor.u32 s1, s0  }
0xbc: {  	s0 =	sadd.s32 $0x8F2B, s0  }
0xbd: {  	[sflag:s0] =	ssyncadd.remote.s32 $0x1  }
0xbe: {  	_ =	sfence.sel $0xFFFF  }
0xbf: {  	[dreg:$0x0] =	wrdreg $0xFFFFFFFF;
	(pc) =	sbr.abs _section_cstart, $3  }
0xc0: {  	[dreg:$0x1] =	wrdreg $0xFFFFFFFF  }
0xc1: {  	_ =	task.clear_ibuf [dreg:s7], $0x2FFFF;
	_ =	strace $0x9FFFFFFF  }
0xc2: {  	(tm) =	ssettm $0x7FFFFFFF  }
0xc3: {  	_ =	shalt  }
tec
execute0_lowered:
.L_overlay_start_1:
0x0: {  	(tag) =	ssettag $0x1  }
0x1: {  	s0 =	srdreg.scid;
	s4 =	stileid.u32  }
0x2: {  	s1 =	rddreg [dreg:$0x0];
	s10 =	simm.s32 $0x200;
	s11 =	simm.s32 $0x400  }
0x3: {  	s12 =	simm.s32 $0x7;
	s13 =	simm.s32 $0x13C00;
	s15 =	simm.s32 $0x18380  }
0x4: {  	s16 =	simm.s32 $0x1A380;
	s17 =	simm.s32 $0x2;
	s18 =	simm.s32 $0x4  }
0x5: {  	s19 =	simm.s32 $0x6;
	s20 =	simm.s32 $0x9E00;
	s21 =	simm.s32 $0x17380  }
0x6: {  	s22 =	simm.s32 $0x19380;
	s23 =	simm.s32 $0x1B380;
	s0 =	sand.u32 $0x1, s0  }
0x7: {  	s24 =	simm.s32 $0x1;
	s3 =	sshll.u32 s4, $0x2;
	s2 =	sshll.u32 s0, $0x6  }
0x8: {  	s25 =	simm.s32 $0x3;
	s26 =	simm.s32 $0x5;
	s2 =	sor.u32 s3, s2  }
0x9: {  	s28 =	simm.s32 $0x0;
	s4 =	sshll.u32 s4, $0x9;
	s2 =	sshrl.u32 s2, $0x3  }
0xa: {  	s6 =	sadd.s32 $0x14000, s1;
	s5 =	sand.u32 $0x200, s4;
	s2 =	smul.u32 $0x13C00, s2  }
.Ltmp0:
0xb: {  	s4 =	sadd.s32 $0xA200, s1;
	s0 =	ssub.s32 $0x2, s0;
	(pc) =	sbr.rel .LBB2_1-.Ltmp0, $4  }
0xc: {  	s3 =	simm.s32 $0x0;
	s7 =	sshrl.u32 s0, $0x1;
	s2 =	sor.u32 s5, s2  }
0xd: {  	[smem:$0x7FF] =	sst s3;
	s0 =	ssub.s32 s0, s7;
	s2 =	sshrl.u32 s2, $0x3  }
0xe: {  	_ =	strace $0x8000004D;
	s5 =	sadd.s32 $0x400, s1;
	s1 =	sadd.s32 s2, s1  }
0xf: {  	v0 =	vimm.f32 $0.0e+00;
	s9 =	smax.u32 s0, $0x1;
	s7 =	sadd.s32 $0x1DE00, s1;
	s8 =	sadd.s32 $0x45600, s1  }
.LBB2_15:
0x10: {  	s28 =	sadd.s32 $0x1, s28  }
0x11: {  	p0 =	sne.s32 s28, s9  }
.Ltmp1:
0x12: {  	_ = 	snop;
	(pc) =	sbr.rel @!p0 .LBB2_16-.Ltmp1, $4  }
0x13: {  	[hbm4b:s8+s10] =	stream.strided.scatter [tilespmem:s20], [sflag:$0x7], $0x9E00, s11, s10, $0x38;
	[tilespmem:$0x1C380] =	vst v63  }
0x14: {  	_ =	swait.ge [sflag:s12], $0x9E00  }
0x15: {  	[sflag:s12] =	ssyncset.done $0x0  }
0x16: {  	v0 =	vimm.f32 $0.0e+00;
	[sflag:s12] =	ssyncadd.s32 $0xFFFF6200  }
.LBB2_1:
0x17: {  	[tilespmem:s3], [sflag:$0x7] =	stream.strided.gather [hbm4b:s7+s10], $0x9E00, s11, s10, $0x38;
	[tilespmem:$0x1C380] =	vst v63  }
0x18: {  	_ =	swait.ge [sflag:s12], $0x9E00  }
0x19: {  	[sflag:s12] =	ssyncset.done $0x0  }
0x1a: {  	[sflag:s12] =	ssyncadd.s32 $0xFFFF6200  }
0x1b: {  	s0 =	rddreg [dreg:$0x1]  }
0x1c: {  	[tilespmem:s13], [sflag:$0x7] =	stream.linear.gather [hbm4b:s0+s3], $0x2780, $0x38;
	[tilespmem:$0x1C380] =	vst v63  }
0x1d: {  	_ =	swait.ge [sflag:s12], $0x2780  }
0x1e: {  	s31 =	sand.u32 $0x70, s3;
	s1 =	sand.u32 $0xFE00, s3;
	[sflag:s12] =	ssyncset.done $0x0  }
0x1f: {  	s2 =	sor.u32 s31, s1;
	[sflag:s12] =	ssyncadd.s32 $0xFFFFD880  }
0x20: {  	[tilespmem:s2+$0x9F80] =	vst v0  }
0x21: {  	[tilespmem:s2+$0x9E00] =	vst v0  }
0x22: {  	s1 =	simm.s32 $0x0;
	s0 =	simm.s32 $0x10;
	[tilespmem:s2+$0x9E80] =	vst v0  }
.LBB2_2:
0x23: {  	s14 =	sand.u32 $0x70, s0;
	[tilespmem:s2+$0x9F00] =	vst v0;
	s1 =	sadd.s32 $0x40, s1;
	p0 =	sne.s32 s0, $0x2700  }
.Ltmp2:
0x24: {  	s0 =	sadd.s32 $0x10, s0;
	s2 =	sand.u32 $0xFE00, s1;
	(pc) =	sbr.rel @p0 .LBB2_2-.Ltmp2, $4  }
0x25: {  	s2 =	sor.u32 s14, s2  }
0x26: {  	[tilespmem:s2+$0x9F80] =	vst v0  }
0x27: {  	[tilespmem:s2+$0x9E00] =	vst v0  }
0x28: {  	[tilespmem:s2+$0x9E80] =	vst v0  }
0x29: {  	[tilespmem:s2+$0x9F00] =	vst v0;
	s29 =	simm.s32 $0x0;
	s0 =	simm.s32 $0x16380  }
0x2a: {  	[tilespmem:s0], [sflag:$0x1] =	stream.linear.gather [hbm4b:s4+s29], $0xFA0, $0x38;
	[tilespmem:$0x1C380] =	vst v63  }
.Ltmp3:
0x2b: {  	_ = 	snop;
	(pc) =	sbr.rel .LBB2_4-.Ltmp3, $4  }
0x2c: {  	_ = 	snop  }
0x2d: {  	[tilespmem:s15], [sflag:$0x3] =	stream.linear.gather [hbm4b:s5+s29], $0xFA0, $0x38;
	[tilespmem:$0x1C380] =	vst v63  }
0x2e: {  	_ = 	snop  }
0x2f: {  	[tilespmem:s16], [sflag:$0x5] =	stream.linear.gather [hbm4b:s6+s29], $0xFA0, $0x38;
	[tilespmem:$0x1C380] =	vst v63  }
.LBB2_14:
0x30: {  	s29 =	sadd.s32 $0x1, s29  }
0x31: {  	p0 =	sne.s32 s29, $0x50  }
.Ltmp4:
0x32: {  	_ = 	snop;
	(pc) =	sbr.rel @!p0 .LBB2_15-.Ltmp4, $1  }
0x33: {  	_ =	sdelay $0x3  }
.LBB2_4:
0x34: {  	s30 =	sand.u32 $0x1, s29  }
0x35: {  	p0 =	seq.s32 s30, $0x1  }
.Ltmp5:
0x36: {  	_ = 	snop;
	(pc) =	sbr.rel @p0 .LBB2_10-.Ltmp5, $1  }
0x37: {  	_ =	sdelay $0x3  }
0x38: {  	s0 =	smul.u32 $0xFA0, s29;
	_ =	sdelay $0x1  }
0x39: {  	s0 =	sshrl.u32 s0, $0x3  }
0x3a: {  	s0 =	sadd.s32 $0x1F4, s0  }
0x3b: {  	s1 =	sadd.s32 s4, s0  }
0x3c: {  	[tilespmem:s21], [sflag:$0x2] =	stream.linear.gather [hbm4b:s1+s3], $0xFA0, $0x38;
	[tilespmem:$0x1C380] =	vst v63  }
0x3d: {  	s2 =	sadd.s32 s5, s0  }
0x3e: {  	[tilespmem:s22], [sflag:$0x4] =	stream.linear.gather [hbm4b:s2+s3], $0xFA0, $0x38;
	[tilespmem:$0x1C380] =	vst v63  }
0x3f: {  	s0 =	sadd.s32 s6, s0  }
0x40: {  	[tilespmem:s23], [sflag:$0x6] =	stream.linear.gather [hbm4b:s0+s3], $0xFA0, $0x38;
	[tilespmem:$0x1C380] =	vst v63  }
0x41: {  	_ =	swait.ge [sflag:s24], $0xFA0  }
0x42: {  	[sflag:s24] =	ssyncset.done $0x0  }
0x43: {  	[sflag:s24] =	ssyncadd.s32 $0xFFFFF060  }
0x44: {  	_ =	swait.ge [sflag:s25], $0xFA0  }
0x45: {  	[sflag:s25] =	ssyncset.done $0x0  }
0x46: {  	[sflag:s25] =	ssyncadd.s32 $0xFFFFF060  }
0x47: {  	_ =	swait.ge [sflag:s26], $0xFA0  }
0x48: {  	[sflag:s26] =	ssyncset.done $0x0  }
0x49: {  	s14 =	simm.s32 $0x183C0;
	[sflag:s26] =	ssyncadd.s32 $0xFFFFF060  }
0x4a: {  	v1 =	vld [tilespmem:s14+$0x30]  }
0x4b: {  	s1 =	simm.s32 $0x163C0;
	v2 =	vld [tilespmem:s14+$0xFFFFFFC0]  }
0x4c: {  	v3 =	vld [tilespmem:s1+$0x30]  }
0x4d: {  	v4 =	vld [tilespmem:s14+$0xFFFFFFD0]  }
0x4e: {  	v5 =	vld [tilespmem:s14+$0xFFFFFFE0]  }
0x4f: {  	v6 =	vld [tilespmem:s14+$0xFFFFFFF0]  }
0x50: {  	v8 =	vld [tilespmem:s14+$0x0]  }
0x51: {  	v9 =	vld [tilespmem:s14+$0x10]  }
0x52: {  	v10 =	vld [tilespmem:s14+$0x20]  }
0x53: {  	s0 =	simm.s32 $0x1A3C0;
	v11 =	vld [tilespmem:s1+$0xFFFFFFD0]  }
0x54: {  	v12 =	vld [tilespmem:s0+$0x30]  }
0x55: {  	v14 =	vld [tilespmem:s1+$0xFFFFFFE0];
	v7 =	vshll.u32 v1, $0x2  }
0x56: {  	v16 =	vld [tilespmem:s1+$0xFFFFFFF0];
	v1 =	vand.u32 $0x7F, v1;
	v7 =	vand.u32 $0xFFFFFE00, v7  }
0x57: {  	v17 =	vld [tilespmem:s1+$0x0];
	v7 =	vor.u32 v1, v7  }
0x58: {  	v18 =	vld [tilespmem:s1+$0x10]  }
0x59: {  	v19 =	vld [tilespmem:s1+$0x20]  }
0x5a: {  	v1 =	vld.idx.msk [tilespmem:v3+s13+$0x0], $0xffff  }
0x5b: {  	s31 =	simm.s32 $0x0;
	v20 =	vld [tilespmem:s1+$0xFFFFFFC0]  }
0x5c: {  	v15 =	vshll.u32 v3, $0x2;
	v13 =	vld.idx.msk [tilespmem:v7+s31+$0x0], $0xffff  }
0x5d: {  	v32 =	vld [tilespmem:s0+$0xFFFFFFC0];
	v15 =	vand.u32 $0xFFFFFE00, v15;
	v3 =	vand.u32 $0x7F, v3  }
0x5e: {  	v51 =	vld [tilespmem:s0+$0xFFFFFFF0];
	v15 =	vor.u32 v3, v15  }
0x5f: {  	v53 =	vld [tilespmem:s0+$0x0];
	v12 =	vmul.f32 v1, v12;
	v1 =	vor.u32 $0x80, v7  }
0x60: {  	v55 =	vld [tilespmem:s0+$0x10];
	v27 =	vand.u32 $0x7F, v5;
	v5 =	vshll.u32 v5, $0x2;
	v29 =	vshll.u32 v6, $0x2  }
0x61: {  	v37 =	vld [tilespmem:s0+$0x20];
	v31 =	vand.u32 $0x7F, v6;
	v5 =	vand.u32 $0xFFFFFE00, v5;
	v3 =	vmul.f32 v12, v13  }
0x62: {  	v6 =	vshll.u32 v8, $0x2;
	v33 =	vand.u32 $0x7F, v8;
	v8 =	vor.u32 v27, v5;
	v27 =	vld [tilespmem:s0+$0xFFFFFFE0]  }
0x63: {  	[tilespmem:v15+s20+$0x0] =	vst.idx.add.f32.msk $0xffff, v3  }
0x64: {  	v3 =	vld.idx.msk [tilespmem:v1+s31+$0x0], $0xffff;
	v1 =	vshll.u32 v2, $0x2  }
0x65: {  	v24 =	vand.u32 $0x7F, v4;
	v50 =	vld.idx.msk [tilespmem:v11+s13+$0x0], $0xffff;
	v2 =	vand.u32 $0x7F, v2;
	v1 =	vand.u32 $0xFFFFFE00, v1  }
0x66: {  	v4 =	vshll.u32 v4, $0x2;
	v21 =	vld.idx.msk [tilespmem:v14+s13+$0x0], $0xffff;
	v1 =	vor.u32 v2, v1;
	v2 =	vor.u32 $0x80, v15  }
0x67: {  	v54 =	vshll.u32 v16, $0x2;
	v36 =	vshll.u32 v17, $0x2;
	v22 =	vld.idx.msk [tilespmem:v16+s13+$0x0], $0xffff;
	v26 =	vor.u32 $0x100, v7  }
0x68: {  	v38 =	vshll.u32 v18, $0x2;
	v40 =	vshll.u32 v19, $0x2;
	v4 =	vand.u32 $0xFFFFFE00, v4;
	v23 =	vld.idx.msk [tilespmem:v17+s13+$0x0], $0xffff  }
0x69: {  	v29 =	vand.u32 $0xFFFFFE00, v29;
	v34 =	vand.u32 $0xFFFFFE00, v6;
	v25 =	vld.idx.msk [tilespmem:v18+s13+$0x0], $0xffff;
	v3 =	vmul.f32 v3, v12  }
0x6a: {  	v6 =	vshll.u32 v9, $0x2;
	v36 =	vand.u32 $0xFFFFFE00, v36;
	v38 =	vand.u32 $0xFFFFFE00, v38;
	v28 =	vld.idx.msk [tilespmem:v20+s13+$0x0], $0xffff  }
0x6b: {  	v56 =	vand.u32 $0xFFFFFE00, v40;
	v16 =	vand.u32 $0x7F, v16;
	v17 =	vand.u32 $0x7F, v17;
	[tilespmem:v2+s20+$0x0] =	vst.idx.add.f32.msk $0xffff, v3  }
0x6c: {  	v3 =	vand.u32 $0x7F, v9;
	v9 =	vand.u32 $0xFFFFFE00, v6;
	v6 =	vor.u32 v24, v4;
	v26 =	vld.idx.msk [tilespmem:v26+s31+$0x0], $0xffff  }
0x6d: {  	v30 =	vld.idx.msk [tilespmem:v19+s13+$0x0], $0xffff;
	v52 =	vor.u32 $0x100, v15;
	v7 =	vor.u32 $0x180, v7;
	v4 =	vor.u32 v31, v29  }
0x6e: {  	v2 =	vshll.u32 v10, $0x2;
	v24 =	vld [tilespmem:s0+$0xFFFFFFD0];
	v3 =	vor.u32 v3, v9;
	v9 =	vshll.u32 v11, $0x2  }
0x6f: {  	v10 =	vand.u32 $0x7F, v10;
	v39 =	vld.idx.msk [tilespmem:v1+s31+$0x0], $0xffff;
	v11 =	vand.u32 $0x7F, v11;
	v9 =	vand.u32 $0xFFFFFE00, v9  }
0x70: {  	v35 =	vand.u32 $0xFFFFFE00, v2;
	v2 =	vor.u32 v33, v34;
	v9 =	vor.u32 v11, v9;
	v11 =	vld.idx.msk [tilespmem:v8+s31+$0x0], $0xffff  }
0x71: {  	v5 =	vor.u32 v10, v35;
	v10 =	vshll.u32 v14, $0x2;
	v57 =	vld.idx.msk [tilespmem:v6+s31+$0x0], $0xffff;
	v26 =	vmul.f32 v26, v12  }
0x72: {  	v18 =	vand.u32 $0x7F, v18;
	v14 =	vand.u32 $0x7F, v14;
	v10 =	vand.u32 $0xFFFFFE00, v10;
	v58 =	vld.idx.msk [tilespmem:v4+s31+$0x0], $0xffff  }
0x73: {  	v60 =	vor.u32 v17, v36;
	v34 =	vand.u32 $0xFFFFFE00, v54;
	v10 =	vor.u32 v14, v10;
	[tilespmem:v52+s20+$0x0] =	vst.idx.add.f32.msk $0xffff, v26  }
0x74: {  	v21 =	vmul.f32 v21, v27;
	v63 =	vmul.f32 v22, v51;
	v59 =	vor.u32 v16, v34;
	v7 =	vld.idx.msk [tilespmem:v7+s31+$0x0], $0xffff  }
0x75: {  	v13 =	vmul.f32 v50, v24;
	v61 =	vld.idx.msk [tilespmem:v2+s31+$0x0], $0xffff;
	v26 =	vand.u32 $0x7F, v20;
	v20 =	vshll.u32 v20, $0x2  }
0x76: {  	v15 =	vor.u32 $0x180, v15;
	v62 =	vld.idx.msk [tilespmem:v3+s31+$0x0], $0xffff;
	v11 =	vmul.f32 v21, v11;
	v20 =	vand.u32 $0xFFFFFE00, v20  }
0x77: {  	v18 =	vor.u32 v18, v38;
	v27 =	vld.idx.msk [tilespmem:v5+s31+$0x0], $0xffff;
	v20 =	vor.u32 v26, v20;
	v31 =	vmul.f32 v13, v57  }
0x78: {  	v19 =	vand.u32 $0x7F, v19;
	v26 =	vmul.f32 v28, v32;
	v34 =	vmul.f32 v63, v58;
	[tilespmem:v10+s20+$0x0] =	vst.idx.add.f32.msk $0xffff, v11  }
0x79: {  	v23 =	vmul.f32 v23, v53;
	v35 =	vor.u32 $0x80, v6;
	[tilespmem:v9+s20+$0x0] =	vst.idx.add.f32.msk $0xffff, v31;
	v7 =	vmul.f32 v7, v12  }
0x7a: {  	v19 =	vor.u32 v19, v56;
	v24 =	vmul.f32 v26, v39;
	[tilespmem:v59+s20+$0x0] =	vst.idx.add.f32.msk $0xffff, v34  }
0x7b: {  	v11 =	vmul.f32 v23, v61;
	[tilespmem:v15+s20+$0x0] =	vst.idx.add.f32.msk $0xffff, v7;
	v15 =	vmul.f32 v25, v55  }
0x7c: {  	[tilespmem:v20+s20+$0x0] =	vst.idx.add.f32.msk $0xffff, v24;
	v24 =	vor.u32 $0x80, v1;
	v7 =	vmul.f32 v30, v37  }
0x7d: {  	[tilespmem:v60+s20+$0x0] =	vst.idx.add.f32.msk $0xffff, v11;
	v37 =	vor.u32 $0x80, v2;
	v36 =	vmul.f32 v15, v62  }
0x7e: {  	v17 =	vld.idx.msk [tilespmem:v35+s31+$0x0], $0xffff;
	v25 =	vor.u32 $0x80, v8;
	v11 =	vmul.f32 v7, v27  }
0x7f: {  	v27 =	vor.u32 $0x80, v4;
	[tilespmem:v18+s20+$0x0] =	vst.idx.add.f32.msk $0xffff, v36  }
0x80: {  	v40 =	vor.u32 $0x80, v9;
	[tilespmem:v19+s20+$0x0] =	vst.idx.add.f32.msk $0xffff, v11  }
0x81: {  	v38 =	vor.u32 $0x80, v5;
	v24 =	vld.idx.msk [tilespmem:v24+s31+$0x0], $0xffff  }
0x82: {  	v11 =	vor.u32 $0x80, v3;
	v22 =	vld.idx.msk [tilespmem:v37+s31+$0x0], $0xffff  }
0x83: {  	v39 =	vor.u32 $0x80, v20;
	v17 =	vmul.f32 v17, v13;
	v25 =	vld.idx.msk [tilespmem:v25+s31+$0x0], $0xffff  }
0x84: {  	v43 =	vor.u32 $0x80, v60;
	v27 =	vld.idx.msk [tilespmem:v27+s31+$0x0], $0xffff  }
0x85: {  	v41 =	vor.u32 $0x80, v10;
	[tilespmem:v40+s20+$0x0] =	vst.idx.add.f32.msk $0xffff, v17  }
0x86: {  	v42 =	vor.u32 $0x80, v59;
	v28 =	vld.idx.msk [tilespmem:v38+s31+$0x0], $0xffff;
	v24 =	vmul.f32 v24, v26  }
0x87: {  	v46 =	vor.u32 $0x100, v8;
	v11 =	vld.idx.msk [tilespmem:v11+s31+$0x0], $0xffff;
	v22 =	vmul.f32 v22, v23  }
0x88: {  	v48 =	vor.u32 $0x100, v4;
	[tilespmem:v39+s20+$0x0] =	vst.idx.add.f32.msk $0xffff, v24;
	v24 =	vmul.f32 v25, v21  }
0x89: {  	v44 =	vor.u32 $0x80, v18;
	v45 =	vmul.f32 v27, v63;
	[tilespmem:v43+s20+$0x0] =	vst.idx.add.f32.msk $0xffff, v22  }
0x8a: {  	v25 =	vor.u32 $0x80, v19;
	[tilespmem:v41+s20+$0x0] =	vst.idx.add.f32.msk $0xffff, v24  }
0x8b: {  	v27 =	vor.u32 $0x100, v1;
	[tilespmem:v42+s20+$0x0] =	vst.idx.add.f32.msk $0xffff, v45  }
0x8c: {  	v49 =	vor.u32 $0x100, v3;
	v11 =	vmul.f32 v11, v15;
	v17 =	vld.idx.msk [tilespmem:v46+s31+$0x0], $0xffff  }
0x8d: {  	v47 =	vmul.f32 v28, v7;
	v24 =	vor.u32 $0x100, v6;
	v28 =	vld.idx.msk [tilespmem:v48+s31+$0x0], $0xffff  }
0x8e: {  	[tilespmem:v44+s20+$0x0] =	vst.idx.add.f32.msk $0xffff, v11;
	v11 =	vor.u32 $0x100, v2  }
0x8f: {  	v52 =	vor.u32 $0x100, v10;
	[tilespmem:v25+s20+$0x0] =	vst.idx.add.f32.msk $0xffff, v47  }
0x90: {  	v25 =	vld.idx.msk [tilespmem:v27+s31+$0x0], $0xffff;
	v27 =	vor.u32 $0x100, v5  }
0x91: {  	v8 =	vor.u32 $0x180, v8;
	v22 =	vld.idx.msk [tilespmem:v49+s31+$0x0], $0xffff  }
0x92: {  	v50 =	vor.u32 $0x100, v20;
	v24 =	vld.idx.msk [tilespmem:v24+s31+$0x0], $0xffff;
	v17 =	vmul.f32 v17, v21  }
0x93: {  	v55 =	vor.u32 $0x100, v18;
	v11 =	vld.idx.msk [tilespmem:v11+s31+$0x0], $0xffff  }
0x94: {  	v51 =	vor.u32 $0x100, v9;
	[tilespmem:v52+s20+$0x0] =	vst.idx.add.f32.msk $0xffff, v17  }
0x95: {  	v1 =	vor.u32 $0x180, v1;
	v25 =	vmul.f32 v25, v26;
	v27 =	vld.idx.msk [tilespmem:v27+s31+$0x0], $0xffff  }
0x96: {  	v3 =	vor.u32 $0x180, v3;
	v56 =	vmul.f32 v22, v15;
	v57 =	vld.idx.msk [tilespmem:v8+s31+$0x0], $0xffff  }
0x97: {  	v6 =	vor.u32 $0x180, v6;
	v24 =	vmul.f32 v24, v13;
	[tilespmem:v50+s20+$0x0] =	vst.idx.add.f32.msk $0xffff, v25  }
0x98: {  	v53 =	vor.u32 $0x100, v59;
	[tilespmem:v55+s20+$0x0] =	vst.idx.add.f32.msk $0xffff, v56  }
0x99: {  	v54 =	vor.u32 $0x100, v60;
	[tilespmem:v51+s20+$0x0] =	vst.idx.add.f32.msk $0xffff, v24  }
0x9a: {  	v4 =	vor.u32 $0x180, v4;
	v1 =	vld.idx.msk [tilespmem:v1+s31+$0x0], $0xffff  }
0x9b: {  	v14 =	vor.u32 $0x180, v59;
	v25 =	vor.u32 $0x100, v19;
	v24 =	vmul.f32 v28, v63;
	v59 =	vld.idx.msk [tilespmem:v3+s31+$0x0], $0xffff  }
0x9c: {  	v2 =	vor.u32 $0x180, v2;
	v11 =	vmul.f32 v11, v23;
	v6 =	vld.idx.msk [tilespmem:v6+s31+$0x0], $0xffff  }
0x9d: {  	v10 =	vor.u32 $0x180, v10;
	[tilespmem:v53+s20+$0x0] =	vst.idx.add.f32.msk $0xffff, v24  }
0x9e: {  	v5 =	vor.u32 $0x180, v5;
	[tilespmem:v54+s20+$0x0] =	vst.idx.add.f32.msk $0xffff, v11;
	v11 =	vmul.f32 v27, v7  }
0x9f: {  	v9 =	vor.u32 $0x180, v9;
	v4 =	vld.idx.msk [tilespmem:v4+s31+$0x0], $0xffff  }
0xa0: {  	v3 =	vmul.f32 v57, v21;
	[tilespmem:v25+s20+$0x0] =	vst.idx.add.f32.msk $0xffff, v11;
	v11 =	vor.u32 $0x180, v20  }
0xa1: {  	v58 =	vld.idx.msk [tilespmem:v2+s31+$0x0], $0xffff  }
0xa2: {  	[tilespmem:v10+s20+$0x0] =	vst.idx.add.f32.msk $0xffff, v3;
	v2 =	vmul.f32 v6, v13  }
0xa3: {  	v1 =	vmul.f32 v1, v26;
	v8 =	vld.idx.msk [tilespmem:v5+s31+$0x0], $0xffff  }
0xa4: {  	[tilespmem:v9+s20+$0x0] =	vst.idx.add.f32.msk $0xffff, v2;
	v0 =	vmul.f32 v4, v63  }
0xa5: {  	v62 =	vor.u32 $0x180, v19;
	v24 =	vor.u32 $0x180, v18;
	[tilespmem:v11+s20+$0x0] =	vst.idx.add.f32.msk $0xffff, v1  }
0xa6: {  	s2 =	simm.s32 $0x0;
	s14 =	simm.s32 $0x18440;
	v26 =	vor.u32 $0x180, v60;
	v3 =	vmul.f32 v59, v15;
	v6 =	vmul.f32 v58, v23;
	[tilespmem:v14+s20+$0x0] =	vst.idx.add.f32.msk $0xffff, v0  }
.LBB2_6:
0xa7: {  	v9 =	vld [tilespmem:s14+$0x30]  }
0xa8: {  	v0 =	vmul.f32 v8, v7;
	v7 =	vld [tilespmem:s14+$0xFFFFFFC0]  }
0xa9: {  	v10 =	vld [tilespmem:s14+$0xFFFFFFD0]  }
0xaa: {  	v11 =	vld [tilespmem:s14+$0xFFFFFFE0]  }
0xab: {  	v12 =	vld [tilespmem:s14+$0xFFFFFFF0]  }
0xac: {  	v15 =	vld [tilespmem:s14+$0x0]  }
0xad: {  	v16 =	vld [tilespmem:s14+$0x10]  }
0xae: {  	s1 =	sadd.s32 $0x80, s1;
	v49 =	vld [tilespmem:s14+$0x20]  }
0xaf: {  	v8 =	vld [tilespmem:s1+$0x30]  }
0xb0: {  	s0 =	sadd.s32 $0x80, s0;
	v22 =	vld [tilespmem:s1+$0xFFFFFFD0]  }
0xb1: {  	[tilespmem:$0x1FFC0] =	vst v24;
	v24 =	vld [tilespmem:s0+$0x30]  }
0xb2: {  	v28 =	vld [tilespmem:s1+$0xFFFFFFE0];
	v13 =	vshll.u32 v9, $0x2  }
0xb3: {  	v29 =	vld [tilespmem:s1+$0xFFFFFFF0];
	v9 =	vand.u32 $0x7F, v9;
	v13 =	vand.u32 $0xFFFFFE00, v13  }
0xb4: {  	v53 =	vld [tilespmem:s1+$0x20];
	v14 =	vshll.u32 v7, $0x2;
	v9 =	vor.u32 v9, v13  }
0xb5: {  	v54 =	vld [tilespmem:s1+$0xFFFFFFC0];
	v7 =	vand.u32 $0x7F, v7;
	v48 =	vand.u32 $0x7F, v10;
	v10 =	vshll.u32 v10, $0x2  }
0xb6: {  	v61 =	vld [tilespmem:s0+$0xFFFFFFC0];
	v17 =	vand.u32 $0x7F, v11;
	v11 =	vshll.u32 v11, $0x2;
	v19 =	vand.u32 $0x7F, v12  }
0xb7: {  	v23 =	vand.u32 $0x7F, v15;
	v15 =	vshll.u32 v15, $0x2;
	v10 =	vand.u32 $0xFFFFFE00, v10;
	v21 =	vld.idx.msk [tilespmem:v8+s13+$0x0], $0xffff  }
0xb8: {  	[tilespmem:$0x1FFB0] =	vst v26;
	v26 =	vand.u32 $0x7F, v16;
	v25 =	vand.u32 $0xFFFFFE00, v15;
	v15 =	vor.u32 v48, v10;
	v10 =	vld [tilespmem:s1+$0x0]  }
0xb9: {  	v50 =	vshll.u32 v16, $0x2;
	v14 =	vand.u32 $0xFFFFFE00, v14;
	v18 =	vshll.u32 v8, $0x2;
	v27 =	vld.idx.msk [tilespmem:v9+s31+$0x0], $0xffff  }
0xba: {  	v63 =	vld [tilespmem:s0+$0xFFFFFFE0];
	v11 =	vand.u32 $0xFFFFFE00, v11;
	v18 =	vand.u32 $0xFFFFFE00, v18;
	v8 =	vand.u32 $0x7F, v8  }
0xbb: {  	v16 =	vand.u32 $0xFFFFFE00, v50;
	v50 =	vld [tilespmem:s0+$0x0];
	v7 =	vor.u32 v7, v14;
	v18 =	vor.u32 v8, v18  }
0xbc: {  	v20 =	vor.u32 v17, v11;
	v11 =	vor.u32 $0x80, v9;
	v35 =	vld.idx.msk [tilespmem:v29+s13+$0x0], $0xffff;
	v14 =	vmul.f32 v21, v24  }
0xbd: {  	v12 =	vshll.u32 v12, $0x2;
	v51 =	vshll.u32 v49, $0x2;
	v8 =	vld [tilespmem:s1+$0x10];
	v56 =	vshll.u32 v10, $0x2  }
0xbe: {  	v12 =	vand.u32 $0xFFFFFE00, v12;
	v58 =	vand.u32 $0xFFFFFE00, v56;
	v56 =	vld [tilespmem:s0+$0x10];
	v55 =	vmul.f32 v14, v27  }
0xbf: {  	v52 =	vand.u32 $0x7F, v49;
	v21 =	vor.u32 v19, v12;
	v19 =	vor.u32 v23, v25;
	v25 =	vld.idx.msk [tilespmem:v22+s13+$0x0], $0xffff  }
0xc0: {  	v30 =	vand.u32 $0xFFFFFE00, v51;
	v57 =	vand.u32 $0x7F, v22;
	v31 =	vand.u32 $0x7F, v28;
	[tilespmem:v18+s20+$0x0] =	vst.idx.add.f32.msk $0xffff, v55  }
0xc1: {  	v32 =	vshll.u32 v53, $0x2;
	v33 =	vand.u32 $0x7F, v54;
	v34 =	vshll.u32 v54, $0x2;
	v11 =	vld.idx.msk [tilespmem:v11+s31+$0x0], $0xffff  }
0xc2: {  	v60 =	vand.u32 $0x7F, v53;
	v16 =	vor.u32 v26, v16;
	v24 =	vshll.u32 v22, $0x2;
	v23 =	vld.idx.msk [tilespmem:v54+s13+$0x0], $0xffff  }
0xc3: {  	v17 =	vor.u32 v52, v30;
	v37 =	vor.u32 $0x80, v18;
	v12 =	vld [tilespmem:s0+$0xFFFFFFF0];
	v24 =	vand.u32 $0xFFFFFE00, v24  }
0xc4: {  	v59 =	vshll.u32 v8, $0x2;
	v38 =	vand.u32 $0x7F, v8;
	v24 =	vor.u32 v57, v24;
	v57 =	vld [tilespmem:s0+$0x20]  }
0xc5: {  	v30 =	vand.u32 $0xFFFFFE00, v59;
	v59 =	vld.idx.msk [tilespmem:v7+s31+$0x0], $0xffff;
	v27 =	vshll.u32 v29, $0x2;
	v29 =	vand.u32 $0x7F, v29  }
0xc6: {  	v27 =	vand.u32 $0xFFFFFE00, v27;
	v39 =	vld.idx.msk [tilespmem:v8+s13+$0x0], $0xffff;
	v8 =	vor.u32 $0x100, v9;
	v11 =	vmul.f32 v11, v14  }
0xc7: {  	v26 =	vshll.u32 v28, $0x2;
	v34 =	vand.u32 $0xFFFFFE00, v34;
	v27 =	vor.u32 v29, v27;
	v29 =	vld.idx.msk [tilespmem:v53+s13+$0x0], $0xffff  }
0xc8: {  	v32 =	vand.u32 $0xFFFFFE00, v32;
	v26 =	vand.u32 $0xFFFFFE00, v26;
	v33 =	vor.u32 v33, v34;
	[tilespmem:v37+s20+$0x0] =	vst.idx.add.f32.msk $0xffff, v11  }
0xc9: {  	v34 =	vor.u32 $0x80, v15;
	v44 =	vor.u32 $0x80, v17;
	v49 =	vor.u32 $0x100, v7;
	v11 =	vld [tilespmem:s0+$0xFFFFFFD0]  }
0xca: {  	v52 =	vor.u32 $0x180, v9;
	v26 =	vor.u32 v31, v26;
	v36 =	vld.idx.msk [tilespmem:v10+s13+$0x0], $0xffff;
	v10 =	vand.u32 $0x7F, v10  }
0xcb: {  	v31 =	vor.u32 v60, v32;
	v32 =	vor.u32 $0x80, v7;
	v22 =	vor.u32 v10, v58;
	v10 =	vld.idx.msk [tilespmem:v8+s31+$0x0], $0xffff  }
0xcc: {  	v28 =	vld.idx.msk [tilespmem:v28+s13+$0x0], $0xffff;
	v2 =	vor.u32 $0x180, v33;
	v48 =	vor.u32 $0x100, v18;
	v8 =	vmul.f32 v23, v61  }
0xcd: {  	[tilespmem:$0x1FFF0] =	vst v2;
	v2 =	vld.idx.msk [tilespmem:v16+s31+$0x0], $0xffff;
	v13 =	vmul.f32 v39, v56;
	v56 =	vor.u32 $0x180, v7;
	v7 =	vmul.f32 v29, v57  }
0xce: {  	v60 =	vor.u32 $0x100, v17;
	v1 =	vld.idx.msk [tilespmem:v19+s31+$0x0], $0xffff;
	v59 =	vmul.f32 v8, v59;
	v9 =	vmul.f32 v25, v11  }
0xcf: {  	v53 =	vor.u32 $0x100, v15;
	v11 =	vmul.f32 v35, v12;
	v12 =	vmul.f32 v36, v50;
	v50 =	vld.idx.msk [tilespmem:v15+s31+$0x0], $0xffff  }
0xd0: {  	v57 =	vor.u32 $0x180, v15;
	v15 =	vmovc v62;
	v62 =	vor.u32 $0x180, v17;
	v17 =	vld.idx.msk [tilespmem:v17+s31+$0x0], $0xffff;
	v58 =	vmul.f32 v10, v14  }
0xd1: {  	[tilespmem:v33+s20+$0x0] =	vst.idx.add.f32.msk $0xffff, v59  }
0xd2: {  	v40 =	vor.u32 $0x80, v19;
	[tilespmem:v48+s20+$0x0] =	vst.idx.add.f32.msk $0xffff, v58  }
0xd3: {  	v36 =	vld.idx.msk [tilespmem:v52+s31+$0x0], $0xffff  }
0xd4: {  	[tilespmem:$0x1FFE0] =	vst v0;
	v0 =	vor.u32 $0x100, v24;
	v10 =	vmul.f32 v28, v63;
	v63 =	vld.idx.msk [tilespmem:v21+s31+$0x0], $0xffff;
	v1 =	vmul.f32 v12, v1  }
0xd5: {  	[tilespmem:$0x1FFD0] =	vst v0;
	v0 =	vor.u32 $0x180, v18;
	v58 =	vld.idx.msk [tilespmem:v20+s31+$0x0], $0xffff  }
0xd6: {  	v42 =	vor.u32 $0x80, v33;
	v61 =	vor.u32 $0x100, v33;
	[tilespmem:v22+s20+$0x0] =	vst.idx.add.f32.msk $0xffff, v1;
	v33 =	vmul.f32 v9, v50  }
0xd7: {  	v1 =	vmul.f32 v7, v17;
	v40 =	vld.idx.msk [tilespmem:v40+s31+$0x0], $0xffff  }
0xd8: {  	[tilespmem:v24+s20+$0x0] =	vst.idx.add.f32.msk $0xffff, v33;
	v14 =	vmul.f32 v36, v14  }
0xd9: {  	v30 =	vor.u32 v38, v30;
	[tilespmem:v31+s20+$0x0] =	vst.idx.add.f32.msk $0xffff, v1  }
0xda: {  	[tilespmem:v0+s20+$0x0] =	vst.idx.add.f32.msk $0xffff, v14;
	v0 =	vmul.f32 v11, v63  }
0xdb: {  	v58 =	vmul.f32 v10, v58;
	v1 =	vld.idx.msk [tilespmem:v34+s31+$0x0], $0xffff  }
0xdc: {  	v38 =	vor.u32 $0x80, v20;
	[tilespmem:v27+s20+$0x0] =	vst.idx.add.f32.msk $0xffff, v0;
	v0 =	vmul.f32 v13, v2  }
0xdd: {  	[tilespmem:v26+s20+$0x0] =	vst.idx.add.f32.msk $0xffff, v58  }
0xde: {  	v41 =	vor.u32 $0x80, v16;
	v4 =	vor.u32 $0x180, v16;
	[tilespmem:v30+s20+$0x0] =	vst.idx.add.f32.msk $0xffff, v0  }
0xdf: {  	v45 =	vor.u32 $0x80, v26;
	v43 =	vor.u32 $0x80, v24;
	v37 =	vor.u32 $0x80, v21;
	v0 =	vld.idx.msk [tilespmem:v32+s31+$0x0], $0xffff  }
0xe0: {  	v35 =	vor.u32 $0x100, v26;
	v28 =	vor.u32 $0x100, v16;
	v16 =	vor.u32 $0x180, v26;
	v26 =	vld [tilespmem:$0x1FFB0]  }
0xe1: {  	v2 =	vld.idx.msk [tilespmem:v38+s31+$0x0], $0xffff  }
0xe2: {  	v18 =	vor.u32 $0x180, v24;
	v24 =	vld.idx.msk [tilespmem:v44+s31+$0x0], $0xffff  }
0xe3: {  	v58 =	vld [tilespmem:$0x1FFC0];
	v1 =	vmul.f32 v1, v9  }
0xe4: {  	v38 =	vld.idx.msk [tilespmem:v37+s31+$0x0], $0xffff;
	v0 =	vmul.f32 v0, v8  }
0xe5: {  	v47 =	vor.u32 $0x80, v22;
	[tilespmem:v43+s20+$0x0] =	vst.idx.add.f32.msk $0xffff, v1  }
0xe6: {  	v46 =	vor.u32 $0x80, v27;
	[tilespmem:v42+s20+$0x0] =	vst.idx.add.f32.msk $0xffff, v0;
	v0 =	vmul.f32 v2, v10  }
0xe7: {  	v51 =	vor.u32 $0x80, v31;
	v41 =	vld.idx.msk [tilespmem:v41+s31+$0x0], $0xffff  }
0xe8: {  	[tilespmem:v45+s20+$0x0] =	vst.idx.add.f32.msk $0xffff, v0;
	v0 =	vmul.f32 v40, v12  }
0xe9: {  	v23 =	vor.u32 $0x80, v30;
	[tilespmem:v26+s20+$0x0] =	vst.idx.add.f32.msk $0xffff, v6;
	v1 =	vmul.f32 v38, v11  }
0xea: {  	v54 =	vor.u32 $0x100, v20;
	[tilespmem:v47+s20+$0x0] =	vst.idx.add.f32.msk $0xffff, v0;
	v0 =	vmul.f32 v24, v7  }
0xeb: {  	[tilespmem:v46+s20+$0x0] =	vst.idx.add.f32.msk $0xffff, v1  }
0xec: {  	v25 =	vor.u32 $0x100, v19;
	v1 =	vmul.f32 v41, v13;
	[tilespmem:v51+s20+$0x0] =	vst.idx.add.f32.msk $0xffff, v0  }
0xed: {  	v55 =	vor.u32 $0x100, v21;
	v0 =	vld.idx.msk [tilespmem:v49+s31+$0x0], $0xffff  }
0xee: {  	[tilespmem:v23+s20+$0x0] =	vst.idx.add.f32.msk $0xffff, v1  }
0xef: {  	v2 =	vld.idx.msk [tilespmem:v54+s31+$0x0], $0xffff  }
0xf0: {  	v1 =	vld.idx.msk [tilespmem:v53+s31+$0x0], $0xffff  }
0xf1: {  	v53 =	vld.idx.msk [tilespmem:v25+s31+$0x0], $0xffff  }
0xf2: {  	v6 =	vld.idx.msk [tilespmem:v55+s31+$0x0], $0xffff;
	v0 =	vmul.f32 v0, v8  }
0xf3: {  	v52 =	vor.u32 $0x100, v22;
	v55 =	vld.idx.msk [tilespmem:v60+s31+$0x0], $0xffff  }
0xf4: {  	[tilespmem:v61+s20+$0x0] =	vst.idx.add.f32.msk $0xffff, v0;
	v0 =	vmul.f32 v2, v10  }
0xf5: {  	v29 =	vor.u32 $0x100, v31;
	v2 =	vld [tilespmem:$0x1FFD0]  }
0xf6: {  	[tilespmem:v35+s20+$0x0] =	vst.idx.add.f32.msk $0xffff, v0;
	v0 =	vmul.f32 v53, v12  }
0xf7: {  	v54 =	vld.idx.msk [tilespmem:v28+s31+$0x0], $0xffff  }
0xf8: {  	[tilespmem:v52+s20+$0x0] =	vst.idx.add.f32.msk $0xffff, v0;
	v0 =	vmul.f32 v55, v7  }
0xf9: {  	[tilespmem:v58+s20+$0x0] =	vst.idx.add.f32.msk $0xffff, v3  }
0xfa: {  	v48 =	vor.u32 $0x100, v27;
	[tilespmem:v29+s20+$0x0] =	vst.idx.add.f32.msk $0xffff, v0  }
0xfb: {  	v1 =	vmul.f32 v1, v9;
	v0 =	vld.idx.msk [tilespmem:v56+s31+$0x0], $0xffff  }
0xfc: {  	v3 =	vld [tilespmem:$0x1FFE0]  }
0xfd: {  	[tilespmem:v2+s20+$0x0] =	vst.idx.add.f32.msk $0xffff, v1;
	v1 =	vmul.f32 v6, v11  }
0xfe: {  	v39 =	vor.u32 $0x100, v30  }
0xff: {  	[tilespmem:v48+s20+$0x0] =	vst.idx.add.f32.msk $0xffff, v1  }
0x100: {  	v20 =	vor.u32 $0x180, v20;
	v0 =	vmul.f32 v0, v8;
	v8 =	vld.idx.msk [tilespmem:v62+s31+$0x0], $0xffff  }
0x101: {  	v21 =	vor.u32 $0x180, v21;
	v1 =	vmul.f32 v54, v13;
	[tilespmem:v15+s20+$0x0] =	vst.idx.add.f32.msk $0xffff, v3  }
0x102: {  	v19 =	vor.u32 $0x180, v19;
	v3 =	vld [tilespmem:$0x1FFF0]  }
0x103: {  	[tilespmem:v39+s20+$0x0] =	vst.idx.add.f32.msk $0xffff, v1  }
0x104: {  	v1 =	vld.idx.msk [tilespmem:v57+s31+$0x0], $0xffff  }
0x105: {  	v2 =	vld.idx.msk [tilespmem:v20+s31+$0x0], $0xffff  }
0x106: {  	v59 =	vor.u32 $0x180, v30;
	v6 =	vld.idx.msk [tilespmem:v21+s31+$0x0], $0xffff  }
0x107: {  	s2 =	sadd.s32 $0x8, s2;
	v24 =	vmov v59;
	v59 =	vld.idx.msk [tilespmem:v19+s31+$0x0], $0xffff  }
0x108: {  	p0 =	slt.u32 s2, $0xF0;
	v36 =	vor.u32 $0x180, v27;
	v4 =	vld.idx.msk [tilespmem:v4+s31+$0x0], $0xffff  }
.Ltmp6:
0x109: {  	v1 =	vmul.f32 v1, v9;
	(pc) =	sbr.rel @p0 .LBB2_6-.Ltmp6, $4  }
0x10a: {  	[tilespmem:v3+s20+$0x0] =	vst.idx.add.f32.msk $0xffff, v0;
	v0 =	vmul.f32 v2, v10  }
0x10b: {  	v50 =	vor.u32 $0x180, v22;
	[tilespmem:v18+s20+$0x0] =	vst.idx.add.f32.msk $0xffff, v1;
	v1 =	vmul.f32 v6, v11  }
0x10c: {  	v5 =	vor.u32 $0x180, v31;
	v26 =	vmov v50;
	[tilespmem:v16+s20+$0x0] =	vst.idx.add.f32.msk $0xffff, v0  }
0x10d: {  	s14 =	sadd.s32 $0x80, s14;
	v62 =	vmov v5;
	v6 =	vmul.f32 v59, v12;
	v3 =	vmul.f32 v4, v13;
	[tilespmem:v36+s20+$0x0] =	vst.idx.add.f32.msk $0xffff, v1  }
0x10e: {  	_ =	sdelay $0x3  }
0x10f: {  	v0 =	vmul.f32 v8, v7;
	[tilespmem:v26+s20+$0x0] =	vst.idx.add.f32.msk $0xffff, v6  }
0x110: {  	[tilespmem:v24+s20+$0x0] =	vst.idx.add.f32.msk $0xffff, v3  }
0x111: {  	[tilespmem:v62+s20+$0x0] =	vst.idx.add.f32.msk $0xffff, v0  }
.LBB2_8:
0x112: {  	s0 =	sshra.s32 s31, $0x2  }
0x113: {  	v0 =	vld [tilespmem:s0+$0x19300];
	_ =	sdelay $0x1  }
0x114: {  	v1 =	vld [tilespmem:s0+$0x17300];
	_ =	sdelay $0x2  }
0x115: {  	v2 =	vshll.u32 v0, $0x2  }
0x116: {  	v0 =	vand.u32 $0x7F, v0;
	v2 =	vand.u32 $0xFFFFFE00, v2  }
0x117: {  	v0 =	vor.u32 v0, v2;
	_ =	sdelay $0x1  }
0x118: {  	v59 =	vld [tilespmem:s0+$0x1B300]  }
0x119: {  	v3 =	vld.idx.msk [tilespmem:v1+s13+$0x0], $0xffff;
	_ =	sdelay $0x1  }
0x11a: {  	v5 =	vshll.u32 v1, $0x2;
	v4 =	vld.idx.msk [tilespmem:v0+s3+$0x0], $0xffff  }
0x11b: {  	v5 =	vand.u32 $0xFFFFFE00, v5;
	v1 =	vand.u32 $0x7F, v1  }
0x11c: {  	v1 =	vor.u32 v1, v5  }
0x11d: {  	v60 =	vor.u32 $0x80, v0;
	v2 =	vmul.f32 v3, v59;
	_ =	sdelay $0x1  }
0x11e: {  	v4 =	vmul.f32 v2, v4;
	_ =	sdelay $0x1  }
0x11f: {  	[tilespmem:v1+s20+$0x0] =	vst.idx.add.f32.msk $0xffff, v4  }
0x120: {  	v3 =	vld.idx.msk [tilespmem:v60+s3+$0x0], $0xffff;
	_ =	sdelay $0x1  }
0x121: {  	v61 =	vor.u32 $0x80, v1  }
0x122: {  	v62 =	vor.u32 $0x100, v0;
	_ =	sdelay $0x1  }
0x123: {  	v3 =	vmul.f32 v3, v2;
	_ =	sdelay $0x1  }
0x124: {  	[tilespmem:v61+s20+$0x0] =	vst.idx.add.f32.msk $0xffff, v3  }
0x125: {  	v3 =	vld.idx.msk [tilespmem:v62+s3+$0x0], $0xffff;
	_ =	sdelay $0x1  }
0x126: {  	v63 =	vor.u32 $0x100, v1  }
0x127: {  	v0 =	vor.u32 $0x180, v0;
	_ =	sdelay $0x1  }
0x128: {  	v3 =	vmul.f32 v3, v2;
	_ =	sdelay $0x1  }
0x129: {  	[tilespmem:v63+s20+$0x0] =	vst.idx.add.f32.msk $0xffff, v3  }
0x12a: {  	v0 =	vld.idx.msk [tilespmem:v0+s3+$0x0], $0xffff;
	_ =	sdelay $0x1  }
0x12b: {  	p0 =	sne.s32 s31, $0x40;
	v1 =	vor.u32 $0x180, v1  }
.Ltmp7:
0x12c: {  	_ = 	snop;
	(pc) =	sbr.rel @p0 .LBB2_8-.Ltmp7, $3  }
0x12d: {  	_ = 	snop  }
0x12e: {  	v0 =	vmul.f32 v0, v2;
	_ =	sdelay $0x1  }
0x12f: {  	s31 =	sadd.s32 $0x40, s31;
	[tilespmem:v1+s20+$0x0] =	vst.idx.add.f32.msk $0xffff, v0  }
0x130: {  	p0 =	seq.s32 s30, $0x0  }
.Ltmp8:
0x131: {  	_ = 	snop;
	(pc) =	sbr.rel @p0 .LBB2_14-.Ltmp8, $1  }
0x132: {  	_ =	sdelay $0x3  }
.LBB2_10:
0x133: {  	p0 =	seq.s32 s29, $0x4F  }
0x134: {  	s0 =	smul.u32 @!p0 $0xFA0, s29;
	_ =	sdelay $0x1  }
0x135: {  	s0 =	sshrl.u32 @!p0 s0, $0x3  }
0x136: {  	s0 =	sadd.s32 @!p0 $0x1F4, s0  }
0x137: {  	s2 =	simm.s32 @!p0 $0x0;
	s14 =	simm.s32 @!p0 $0x16380;
	s1 =	sadd.s32 @!p0 s4, s0  }
0x138: {  	[tilespmem:s14], [sflag:$0x1] =	stream.linear.gather @!p0 [hbm4b:s1+s2], $0xFA0, $0x38;
	[tilespmem:$0x1C380] =	vst v63  }
0x139: {  	s1 =	sadd.s32 @!p0 s5, s0;
	s14 =	simm.s32 @!p0 $0x18380  }
0x13a: {  	[tilespmem:s14], [sflag:$0x3] =	stream.linear.gather @!p0 [hbm4b:s1+s2], $0xFA0, $0x38;
	[tilespmem:$0x1C380] =	vst v63  }
0x13b: {  	s0 =	sadd.s32 @!p0 s6, s0;
	s1 =	simm.s32 @!p0 $0x1A380  }
0x13c: {  	[tilespmem:s1], [sflag:$0x5] =	stream.linear.gather @!p0 [hbm4b:s0+s2], $0xFA0, $0x38;
	[tilespmem:$0x1C380] =	vst v63  }
0x13d: {  	_ =	swait.ge [sflag:s17], $0xFA0  }
0x13e: {  	[sflag:s17] =	ssyncset.done $0x0  }
0x13f: {  	[sflag:s17] =	ssyncadd.s32 $0xFFFFF060  }
0x140: {  	_ =	swait.ge [sflag:s18], $0xFA0  }
0x141: {  	[sflag:s18] =	ssyncset.done $0x0  }
0x142: {  	[sflag:s18] =	ssyncadd.s32 $0xFFFFF060  }
0x143: {  	_ =	swait.ge [sflag:s19], $0xFA0  }
0x144: {  	[sflag:s19] =	ssyncset.done $0x0  }
0x145: {  	s31 =	simm.s32 $0x193C0;
	[sflag:s19] =	ssyncadd.s32 $0xFFFFF060  }
0x146: {  	v0 =	vld [tilespmem:s31+$0x30]  }
0x147: {  	s1 =	simm.s32 $0x173C0;
	v1 =	vld [tilespmem:s31+$0xFFFFFFC0]  }
0x148: {  	v2 =	vld [tilespmem:s1+$0x30]  }
0x149: {  	v3 =	vld [tilespmem:s31+$0xFFFFFFD0]  }
0x14a: {  	v4 =	vld [tilespmem:s31+$0xFFFFFFE0]  }
0x14b: {  	v5 =	vld [tilespmem:s31+$0xFFFFFFF0]  }
0x14c: {  	v7 =	vld [tilespmem:s31+$0x0]  }
0x14d: {  	v8 =	vld [tilespmem:s31+$0x10]  }
0x14e: {  	v9 =	vld [tilespmem:s31+$0x20]  }
0x14f: {  	s0 =	simm.s32 $0x1B3C0;
	v10 =	vld [tilespmem:s1+$0xFFFFFFD0]  }
0x150: {  	v11 =	vld [tilespmem:s0+$0x30];
	v6 =	vshll.u32 v0, $0x2  }
0x151: {  	v13 =	vld [tilespmem:s1+$0xFFFFFFE0];
	v0 =	vand.u32 $0x7F, v0;
	v6 =	vand.u32 $0xFFFFFE00, v6  }
0x152: {  	v15 =	vld [tilespmem:s1+$0xFFFFFFF0];
	v0 =	vor.u32 v0, v6  }
0x153: {  	v16 =	vld [tilespmem:s1+$0x0]  }
0x154: {  	v17 =	vld [tilespmem:s1+$0x10]  }
0x155: {  	v6 =	vld.idx.msk [tilespmem:v2+s13+$0x0], $0xffff  }
0x156: {  	s30 =	simm.s32 $0x0;
	v18 =	vld [tilespmem:s1+$0x20]  }
0x157: {  	v14 =	vshll.u32 v2, $0x2;
	v12 =	vld.idx.msk [tilespmem:v0+s30+$0x0], $0xffff  }
0x158: {  	v19 =	vld [tilespmem:s1+$0xFFFFFFC0];
	v14 =	vand.u32 $0xFFFFFE00, v14;
	v2 =	vand.u32 $0x7F, v2  }
0x159: {  	v31 =	vld [tilespmem:s0+$0xFFFFFFC0];
	v14 =	vor.u32 v2, v14  }
0x15a: {  	v57 =	vld [tilespmem:s0+$0xFFFFFFF0];
	v2 =	vor.u32 $0x80, v0;
	v11 =	vmul.f32 v6, v11  }
0x15b: {  	v59 =	vld [tilespmem:s0+$0x0]  }
0x15c: {  	v61 =	vld [tilespmem:s0+$0x10];
	v6 =	vmul.f32 v11, v12  }
0x15d: {  	v36 =	vld [tilespmem:s0+$0x20];
	v23 =	vand.u32 $0x7F, v3;
	v3 =	vshll.u32 v3, $0x2  }
0x15e: {  	v26 =	vand.u32 $0x7F, v4;
	v4 =	vshll.u32 v4, $0x2;
	v28 =	vshll.u32 v5, $0x2;
	[tilespmem:v14+s20+$0x0] =	vst.idx.add.f32.msk $0xffff, v6  }
0x15f: {  	v5 =	vand.u32 $0x7F, v5;
	v30 =	vshll.u32 v7, $0x2;
	v6 =	vshll.u32 v1, $0x2;
	v2 =	vld.idx.msk [tilespmem:v2+s30+$0x0], $0xffff  }
0x160: {  	v7 =	vand.u32 $0x7F, v7;
	v56 =	vld.idx.msk [tilespmem:v10+s13+$0x0], $0xffff;
	v1 =	vand.u32 $0x7F, v1;
	v6 =	vand.u32 $0xFFFFFE00, v6  }
0x161: {  	v32 =	vshll.u32 v8, $0x2;
	v20 =	vld.idx.msk [tilespmem:v13+s13+$0x0], $0xffff;
	v1 =	vor.u32 v1, v6;
	v6 =	vor.u32 $0x80, v14  }
0x162: {  	v33 =	vand.u32 $0x7F, v8;
	v60 =	vshll.u32 v15, $0x2;
	v21 =	vld.idx.msk [tilespmem:v15+s13+$0x0], $0xffff;
	v25 =	vor.u32 $0x100, v0  }
0x163: {  	v35 =	vshll.u32 v16, $0x2;
	v37 =	vshll.u32 v17, $0x2;
	v39 =	vshll.u32 v18, $0x2;
	v22 =	vld.idx.msk [tilespmem:v16+s13+$0x0], $0xffff  }
0x164: {  	v3 =	vand.u32 $0xFFFFFE00, v3;
	v4 =	vand.u32 $0xFFFFFE00, v4;
	v24 =	vld.idx.msk [tilespmem:v17+s13+$0x0], $0xffff;
	v2 =	vmul.f32 v2, v11  }
0x165: {  	v28 =	vand.u32 $0xFFFFFE00, v28;
	v30 =	vand.u32 $0xFFFFFE00, v30;
	v32 =	vand.u32 $0xFFFFFE00, v32;
	v27 =	vld.idx.msk [tilespmem:v19+s13+$0x0], $0xffff  }
0x166: {  	v35 =	vand.u32 $0xFFFFFE00, v35;
	v62 =	vand.u32 $0xFFFFFE00, v39;
	v8 =	vor.u32 v26, v4;
	[tilespmem:v6+s20+$0x0] =	vst.idx.add.f32.msk $0xffff, v2  }
0x167: {  	v4 =	vor.u32 v5, v28;
	v26 =	vshll.u32 v10, $0x2;
	v6 =	vor.u32 v23, v3;
	v25 =	vld.idx.msk [tilespmem:v25+s30+$0x0], $0xffff  }
0x168: {  	v29 =	vld.idx.msk [tilespmem:v18+s13+$0x0], $0xffff;
	v26 =	vand.u32 $0xFFFFFE00, v26;
	v10 =	vand.u32 $0x7F, v10;
	v15 =	vand.u32 $0x7F, v15  }
0x169: {  	v16 =	vand.u32 $0x7F, v16;
	v58 =	vor.u32 $0x100, v14;
	v38 =	vld.idx.msk [tilespmem:v1+s30+$0x0], $0xffff;
	v2 =	vshll.u32 v9, $0x2  }
0x16a: {  	v0 =	vor.u32 $0x180, v0;
	v9 =	vand.u32 $0x7F, v9;
	v23 =	vld [tilespmem:s0+$0xFFFFFFD0];
	v34 =	vand.u32 $0xFFFFFE00, v2  }
0x16b: {  	v18 =	vand.u32 $0x7F, v18;
	v2 =	vor.u32 v7, v30;
	v7 =	vld [tilespmem:s0+$0xFFFFFFE0];
	v5 =	vor.u32 v9, v34  }
0x16c: {  	v10 =	vor.u32 v10, v26;
	v18 =	vor.u32 v18, v62;
	v63 =	vld.idx.msk [tilespmem:v6+s30+$0x0], $0xffff;
	v25 =	vmul.f32 v25, v11  }
0x16d: {  	v26 =	vmul.f32 v27, v31;
	v27 =	vld.idx.msk [tilespmem:v4+s30+$0x0], $0xffff;
	v14 =	vor.u32 $0x180, v14;
	v3 =	vor.u32 v33, v32  }
0x16e: {  	v33 =	vand.u32 $0xFFFFFE00, v60;
	[tilespmem:v58+s20+$0x0] =	vst.idx.add.f32.msk $0xffff, v25;
	v25 =	vand.u32 $0x7F, v19;
	v19 =	vshll.u32 v19, $0x2  }
0x16f: {  	v9 =	vshll.u32 v13, $0x2;
	v12 =	vmul.f32 v56, v23;
	v0 =	vld.idx.msk [tilespmem:v0+s30+$0x0], $0xffff;
	v19 =	vand.u32 $0xFFFFFE00, v19  }
0x170: {  	v13 =	vand.u32 $0x7F, v13;
	v23 =	vmul.f32 v26, v38;
	v38 =	vld.idx.msk [tilespmem:v5+s30+$0x0], $0xffff;
	v19 =	vor.u32 v25, v19  }
0x171: {  	v9 =	vand.u32 $0xFFFFFE00, v9;
	v20 =	vmul.f32 v20, v7;
	v25 =	vld.idx.msk [tilespmem:v8+s30+$0x0], $0xffff;
	v7 =	vmul.f32 v12, v63  }
0x172: {  	v9 =	vor.u32 v13, v9;
	v13 =	vor.u32 v15, v33;
	v15 =	vor.u32 v16, v35;
	v35 =	vld.idx.msk [tilespmem:v2+s30+$0x0], $0xffff  }
0x173: {  	v37 =	vand.u32 $0xFFFFFE00, v37;
	v17 =	vand.u32 $0x7F, v17;
	[tilespmem:v10+s20+$0x0] =	vst.idx.add.f32.msk $0xffff, v7;
	v7 =	vmul.f32 v29, v36  }
0x174: {  	v17 =	vor.u32 v17, v37;
	v37 =	vld.idx.msk [tilespmem:v3+s30+$0x0], $0xffff;
	v0 =	vmul.f32 v0, v11  }
0x175: {  	v11 =	vmul.f32 v21, v57;
	v42 =	vmul.f32 v7, v38;
	[tilespmem:v19+s20+$0x0] =	vst.idx.add.f32.msk $0xffff, v23  }
0x176: {  	v43 =	vor.u32 $0x80, v2;
	v21 =	vmul.f32 v22, v59;
	v22 =	vmul.f32 v20, v25;
	[tilespmem:v14+s20+$0x0] =	vst.idx.add.f32.msk $0xffff, v0  }
0x177: {  	v40 =	vmul.f32 v11, v27;
	[tilespmem:v18+s20+$0x0] =	vst.idx.add.f32.msk $0xffff, v42  }
0x178: {  	v23 =	vor.u32 $0x80, v1;
	v0 =	vmul.f32 v24, v61;
	v16 =	vmul.f32 v21, v35;
	[tilespmem:v9+s20+$0x0] =	vst.idx.add.f32.msk $0xffff, v22  }
0x179: {  	v44 =	vor.u32 $0x80, v3;
	[tilespmem:v13+s20+$0x0] =	vst.idx.add.f32.msk $0xffff, v40  }
0x17a: {  	v25 =	vor.u32 $0x80, v4;
	v41 =	vmul.f32 v0, v37;
	[tilespmem:v15+s20+$0x0] =	vst.idx.add.f32.msk $0xffff, v16  }
0x17b: {  	v22 =	vor.u32 $0x80, v6;
	v14 =	vld.idx.msk [tilespmem:v43+s30+$0x0], $0xffff  }
0x17c: {  	v24 =	vor.u32 $0x80, v8;
	[tilespmem:v17+s20+$0x0] =	vst.idx.add.f32.msk $0xffff, v41  }
0x17d: {  	v27 =	vor.u32 $0x80, v5;
	v23 =	vld.idx.msk [tilespmem:v23+s30+$0x0], $0xffff  }
0x17e: {  	v49 =	vor.u32 $0x80, v15;
	v16 =	vld.idx.msk [tilespmem:v44+s30+$0x0], $0xffff  }
0x17f: {  	v45 =	vor.u32 $0x80, v19;
	v25 =	vld.idx.msk [tilespmem:v25+s30+$0x0], $0xffff  }
0x180: {  	v50 =	vor.u32 $0x80, v17;
	v22 =	vld.idx.msk [tilespmem:v22+s30+$0x0], $0xffff  }
0x181: {  	v52 =	vor.u32 $0x100, v2;
	v24 =	vld.idx.msk [tilespmem:v24+s30+$0x0], $0xffff;
	v14 =	vmul.f32 v14, v21  }
0x182: {  	v46 =	vor.u32 $0x80, v10;
	v27 =	vld.idx.msk [tilespmem:v27+s30+$0x0], $0xffff;
	v23 =	vmul.f32 v23, v26  }
0x183: {  	v47 =	vor.u32 $0x80, v9;
	v16 =	vmul.f32 v16, v0;
	[tilespmem:v49+s20+$0x0] =	vst.idx.add.f32.msk $0xffff, v14  }
0x184: {  	v53 =	vor.u32 $0x100, v3;
	[tilespmem:v45+s20+$0x0] =	vst.idx.add.f32.msk $0xffff, v23  }
0x185: {  	v48 =	vor.u32 $0x80, v13;
	v22 =	vmul.f32 v22, v12;
	[tilespmem:v50+s20+$0x0] =	vst.idx.add.f32.msk $0xffff, v16  }
0x186: {  	v23 =	vmul.f32 v24, v20;
	v24 =	vor.u32 $0x80, v18;
	v16 =	vld.idx.msk [tilespmem:v52+s30+$0x0], $0xffff  }
0x187: {  	v51 =	vmul.f32 v27, v7;
	v27 =	vor.u32 $0x100, v4;
	[tilespmem:v46+s20+$0x0] =	vst.idx.add.f32.msk $0xffff, v22  }
0x188: {  	v22 =	vmul.f32 v25, v11;
	v25 =	vor.u32 $0x100, v1;
	[tilespmem:v47+s20+$0x0] =	vst.idx.add.f32.msk $0xffff, v23  }
0x189: {  	v23 =	vor.u32 $0x100, v6;
	v14 =	vld.idx.msk [tilespmem:v53+s30+$0x0], $0xffff  }
0x18a: {  	v58 =	vor.u32 $0x100, v15;
	[tilespmem:v48+s20+$0x0] =	vst.idx.add.f32.msk $0xffff, v22  }
0x18b: {  	v22 =	vor.u32 $0x100, v8;
	[tilespmem:v24+s20+$0x0] =	vst.idx.add.f32.msk $0xffff, v51  }
0x18c: {  	v59 =	vor.u32 $0x100, v17;
	v27 =	vld.idx.msk [tilespmem:v27+s30+$0x0], $0xffff  }
0x18d: {  	v2 =	vor.u32 $0x180, v2;
	v16 =	vmul.f32 v16, v21;
	v24 =	vld.idx.msk [tilespmem:v25+s30+$0x0], $0xffff  }
0x18e: {  	v25 =	vor.u32 $0x100, v5;
	v23 =	vld.idx.msk [tilespmem:v23+s30+$0x0], $0xffff  }
0x18f: {  	v54 =	vor.u32 $0x100, v19;
	v14 =	vmul.f32 v14, v0;
	[tilespmem:v58+s20+$0x0] =	vst.idx.add.f32.msk $0xffff, v16  }
0x190: {  	v55 =	vor.u32 $0x100, v10;
	v22 =	vld.idx.msk [tilespmem:v22+s30+$0x0], $0xffff  }
0x191: {  	v1 =	vor.u32 $0x180, v1;
	[tilespmem:v59+s20+$0x0] =	vst.idx.add.f32.msk $0xffff, v14  }
0x192: {  	v6 =	vor.u32 $0x180, v6;
	v63 =	vld.idx.msk [tilespmem:v2+s30+$0x0], $0xffff;
	v24 =	vmul.f32 v24, v26  }
0x193: {  	v56 =	vor.u32 $0x100, v9;
	v25 =	vld.idx.msk [tilespmem:v25+s30+$0x0], $0xffff;
	v23 =	vmul.f32 v23, v12  }
0x194: {  	v57 =	vor.u32 $0x100, v13;
	[tilespmem:v54+s20+$0x0] =	vst.idx.add.f32.msk $0xffff, v24  }
0x195: {  	v8 =	vor.u32 $0x180, v8;
	[tilespmem:v55+s20+$0x0] =	vst.idx.add.f32.msk $0xffff, v23  }
0x196: {  	v4 =	vor.u32 $0x180, v4;
	v22 =	vmul.f32 v22, v20;
	v1 =	vld.idx.msk [tilespmem:v1+s30+$0x0], $0xffff  }
0x197: {  	v3 =	vor.u32 $0x180, v3;
	v23 =	vmul.f32 v27, v11;
	v6 =	vld.idx.msk [tilespmem:v6+s30+$0x0], $0xffff  }
0x198: {  	v24 =	vor.u32 $0x100, v18;
	[tilespmem:v56+s20+$0x0] =	vst.idx.add.f32.msk $0xffff, v22  }
0x199: {  	v5 =	vor.u32 $0x180, v5;
	[tilespmem:v57+s20+$0x0] =	vst.idx.add.f32.msk $0xffff, v23  }
0x19a: {  	v61 =	vor.u32 $0x180, v19;
	v62 =	vld.idx.msk [tilespmem:v8+s30+$0x0], $0xffff  }
0x19b: {  	v10 =	vor.u32 $0x180, v10;
	v60 =	vmul.f32 v25, v7;
	v4 =	vld.idx.msk [tilespmem:v4+s30+$0x0], $0xffff  }
0x19c: {  	v9 =	vor.u32 $0x180, v9;
	v22 =	vld.idx.msk [tilespmem:v3+s30+$0x0], $0xffff  }
0x19d: {  	v13 =	vor.u32 $0x180, v13;
	[tilespmem:v24+s20+$0x0] =	vst.idx.add.f32.msk $0xffff, v60;
	v1 =	vmul.f32 v1, v26  }
0x19e: {  	v8 =	vld.idx.msk [tilespmem:v5+s30+$0x0], $0xffff;
	v2 =	vmul.f32 v6, v12  }
0x19f: {  	[tilespmem:v61+s20+$0x0] =	vst.idx.add.f32.msk $0xffff, v1;
	v3 =	vmul.f32 v62, v20  }
0x1a0: {  	[tilespmem:v10+s20+$0x0] =	vst.idx.add.f32.msk $0xffff, v2;
	v1 =	vmul.f32 v4, v11  }
0x1a1: {  	v23 =	vor.u32 $0x180, v17;
	v25 =	vor.u32 $0x180, v15;
	[tilespmem:v9+s20+$0x0] =	vst.idx.add.f32.msk $0xffff, v3  }
0x1a2: {  	s14 =	simm.s32 $0x19440;
	s2 =	simm.s32 $0x0;
	v6 =	vmul.f32 v63, v21;
	v3 =	vor.u32 $0x180, v18;
	[tilespmem:v13+s20+$0x0] =	vst.idx.add.f32.msk $0xffff, v1;
	v1 =	vmul.f32 v22, v0  }
.LBB2_11:
0x1a3: {  	v0 =	vld [tilespmem:s14+$0x30]  }
0x1a4: {  	v10 =	vld [tilespmem:s14+$0xFFFFFFD0]  }
0x1a5: {  	v11 =	vld [tilespmem:s14+$0xFFFFFFE0]  }
0x1a6: {  	v12 =	vld [tilespmem:s14+$0xFFFFFFF0]  }
0x1a7: {  	v14 =	vld [tilespmem:s14+$0x0]  }
0x1a8: {  	v15 =	vld [tilespmem:s14+$0x10]  }
0x1a9: {  	v53 =	vld [tilespmem:s14+$0x20]  }
0x1aa: {  	s1 =	sadd.s32 $0x80, s1;
	[tilespmem:$0x1FF70] =	vst v1;
	v1 =	vmul.f32 v8, v7;
	v7 =	vld [tilespmem:s14+$0xFFFFFFC0]  }
0x1ab: {  	v8 =	vld [tilespmem:s1+$0x30]  }
0x1ac: {  	s0 =	sadd.s32 $0x80, s0;
	v22 =	vld [tilespmem:s1+$0xFFFFFFD0]  }
0x1ad: {  	v21 =	vld [tilespmem:s0+$0x30]  }
0x1ae: {  	v27 =	vld [tilespmem:s1+$0xFFFFFFE0]  }
0x1af: {  	v29 =	vld [tilespmem:s1+$0xFFFFFFF0]  }
0x1b0: {  	v58 =	vld [tilespmem:s1+$0x20];
	v9 =	vshll.u32 v0, $0x2;
	v0 =	vand.u32 $0x7F, v0;
	v16 =	vand.u32 $0x7F, v11  }
0x1b1: {  	v59 =	vld [tilespmem:s1+$0xFFFFFFC0];
	v11 =	vshll.u32 v11, $0x2;
	v17 =	vand.u32 $0x7F, v12;
	v9 =	vand.u32 $0xFFFFFE00, v9  }
0x1b2: {  	[tilespmem:$0x1FF80] =	vst v23;
	v63 =	vld [tilespmem:s0+$0xFFFFFFC0];
	v12 =	vshll.u32 v12, $0x2;
	v23 =	vand.u32 $0x7F, v14;
	v9 =	vor.u32 v0, v9  }
0x1b3: {  	[tilespmem:$0x1FF60] =	vst v25;
	v43 =	vld [tilespmem:s0+$0xFFFFFFE0];
	v14 =	vshll.u32 v14, $0x2;
	v25 =	vand.u32 $0x7F, v15;
	v54 =	vshll.u32 v15, $0x2  }
0x1b4: {  	v49 =	vld [tilespmem:s0+$0x0];
	v55 =	vshll.u32 v53, $0x2;
	v13 =	vshll.u32 v7, $0x2;
	v7 =	vand.u32 $0x7F, v7  }
0x1b5: {  	v11 =	vand.u32 $0xFFFFFE00, v11;
	v24 =	vand.u32 $0xFFFFFE00, v14;
	v28 =	vand.u32 $0xFFFFFE00, v54;
	v19 =	vld.idx.msk [tilespmem:v8+s13+$0x0], $0xffff  }
0x1b6: {  	v56 =	vshll.u32 v8, $0x2;
	v30 =	vand.u32 $0xFFFFFE00, v55;
	v62 =	vand.u32 $0x7F, v27;
	v55 =	vld [tilespmem:s0+$0x10]  }
0x1b7: {  	v0 =	vand.u32 $0x7F, v10;
	v10 =	vshll.u32 v10, $0x2;
	v57 =	vand.u32 $0xFFFFFE00, v56;
	v26 =	vld.idx.msk [tilespmem:v9+s30+$0x0], $0xffff  }
0x1b8: {  	v20 =	vor.u32 v16, v11;
	v56 =	vld [tilespmem:s0+$0x20];
	v10 =	vand.u32 $0xFFFFFE00, v10;
	v8 =	vand.u32 $0x7F, v8  }
0x1b9: {  	v16 =	vor.u32 v25, v28;
	v15 =	vor.u32 v0, v10;
	v0 =	vld [tilespmem:s1+$0x0];
	v18 =	vor.u32 v8, v57  }
0x1ba: {  	v25 =	vshll.u32 v27, $0x2;
	v11 =	vor.u32 $0x80, v9;
	v27 =	vld.idx.msk [tilespmem:v27+s13+$0x0], $0xffff;
	v14 =	vmul.f32 v19, v21  }
0x1bb: {  	v12 =	vand.u32 $0xFFFFFE00, v12;
	v13 =	vand.u32 $0xFFFFFE00, v13;
	v10 =	vand.u32 $0x7F, v53;
	v8 =	vld [tilespmem:s1+$0x10]  }
0x1bc: {  	v34 =	vld.idx.msk [tilespmem:v29+s13+$0x0], $0xffff;
	v21 =	vor.u32 v17, v12;
	v17 =	vor.u32 v10, v30;
	v10 =	vmul.f32 v14, v26  }
0x1bd: {  	v7 =	vor.u32 v7, v13;
	v13 =	vld.idx.msk [tilespmem:v59+s13+$0x0], $0xffff  }
0x1be: {  	[tilespmem:v18+s20+$0x0] =	vst.idx.add.f32.msk $0xffff, v10  }
0x1bf: {  	v31 =	vshll.u32 v58, $0x2;
	v32 =	vand.u32 $0x7F, v59;
	v11 =	vld.idx.msk [tilespmem:v11+s30+$0x0], $0xffff  }
0x1c0: {  	v33 =	vshll.u32 v59, $0x2;
	v19 =	vor.u32 v23, v24;
	v23 =	vshll.u32 v22, $0x2;
	v24 =	vld.idx.msk [tilespmem:v22+s13+$0x0], $0xffff  }
0x1c1: {  	v33 =	vand.u32 $0xFFFFFE00, v33;
	v36 =	vor.u32 $0x80, v18;
	v12 =	vld [tilespmem:s0+$0xFFFFFFF0];
	v23 =	vand.u32 $0xFFFFFE00, v23  }
0x1c2: {  	v61 =	vshll.u32 v8, $0x2;
	v37 =	vand.u32 $0x7F, v8;
	v26 =	vshll.u32 v29, $0x2;
	v35 =	vld.idx.msk [tilespmem:v0+s13+$0x0], $0xffff  }
0x1c3: {  	v29 =	vand.u32 $0x7F, v29;
	v26 =	vand.u32 $0xFFFFFE00, v26;
	v38 =	vld.idx.msk [tilespmem:v8+s13+$0x0], $0xffff;
	v8 =	vor.u32 $0x100, v9  }
0x1c4: {  	v10 =	vand.u32 $0x7F, v22;
	v26 =	vor.u32 v29, v26;
	v29 =	vld.idx.msk [tilespmem:v58+s13+$0x0], $0xffff;
	v11 =	vmul.f32 v11, v14  }
0x1c5: {  	v32 =	vor.u32 v32, v33;
	v23 =	vor.u32 v10, v23;
	v10 =	vand.u32 $0x7F, v58;
	v58 =	vld.idx.msk [tilespmem:v7+s30+$0x0], $0xffff  }
0x1c6: {  	v31 =	vand.u32 $0xFFFFFE00, v31;
	v2 =	vor.u32 $0x180, v32;
	v60 =	vshll.u32 v0, $0x2;
	[tilespmem:v36+s20+$0x0] =	vst.idx.add.f32.msk $0xffff, v11  }
0x1c7: {  	v28 =	vand.u32 $0xFFFFFE00, v61;
	v0 =	vand.u32 $0x7F, v0;
	v22 =	vand.u32 $0xFFFFFE00, v60;
	v11 =	vld [tilespmem:s0+$0xFFFFFFD0]  }
0x1c8: {  	v0 =	vor.u32 v0, v22;
	v22 =	vor.u32 v37, v28;
	v28 =	vor.u32 v10, v31;
	v10 =	vld.idx.msk [tilespmem:v8+s30+$0x0], $0xffff  }
0x1c9: {  	v25 =	vand.u32 $0xFFFFFE00, v25;
	v51 =	vor.u32 $0x180, v9;
	[tilespmem:$0x1FFA0] =	vst v2;
	v2 =	vld.idx.msk [tilespmem:v16+s30+$0x0], $0xffff;
	v8 =	vmul.f32 v13, v63  }
0x1ca: {  	[tilespmem:$0x1FF90] =	vst v1;
	v25 =	vor.u32 v62, v25;
	v48 =	vor.u32 $0x100, v7;
	v1 =	vld.idx.msk [tilespmem:v19+s30+$0x0], $0xffff;
	v13 =	vor.u32 $0x100, v18  }
0x1cb: {  	v52 =	vor.u32 $0x100, v15;
	v30 =	vor.u32 $0x80, v7;
	v61 =	vld.idx.msk [tilespmem:v20+s30+$0x0], $0xffff;
	v58 =	vmul.f32 v8, v58  }
0x1cc: {  	v42 =	vor.u32 $0x80, v17;
	v62 =	vld.idx.msk [tilespmem:v21+s30+$0x0], $0xffff;
	v9 =	vmul.f32 v24, v11;
	v11 =	vmul.f32 v34, v12  }
0x1cd: {  	v37 =	vor.u32 $0x80, v19;
	v12 =	vmul.f32 v35, v49;
	v49 =	vld.idx.msk [tilespmem:v15+s30+$0x0], $0xffff;
	v57 =	vmul.f32 v10, v14  }
0x1ce: {  	v31 =	vor.u32 $0x80, v15;
	[tilespmem:v32+s20+$0x0] =	vst.idx.add.f32.msk $0xffff, v58;
	v10 =	vmul.f32 v27, v43;
	v43 =	vor.u32 $0x100, v17  }
0x1cf: {  	v1 =	vmul.f32 v12, v1;
	[tilespmem:v13+s20+$0x0] =	vst.idx.add.f32.msk $0xffff, v57;
	v13 =	vmul.f32 v38, v55;
	v55 =	vor.u32 $0x180, v7  }
0x1d0: {  	v7 =	vmul.f32 v29, v56;
	v56 =	vor.u32 $0x180, v15;
	v15 =	vmovc v3;
	v3 =	vor.u32 $0x180, v17;
	v17 =	vld.idx.msk [tilespmem:v17+s30+$0x0], $0xffff  }
0x1d1: {  	v33 =	vor.u32 $0x80, v20;
	v39 =	vor.u32 $0x80, v16;
	v58 =	vmul.f32 v10, v61;
	v35 =	vld.idx.msk [tilespmem:v51+s30+$0x0], $0xffff  }
0x1d2: {  	v4 =	vor.u32 $0x180, v16;
	v40 =	vor.u32 $0x80, v32;
	v59 =	vor.u32 $0x100, v32;
	[tilespmem:v0+s20+$0x0] =	vst.idx.add.f32.msk $0xffff, v1  }
0x1d3: {  	v44 =	vor.u32 $0x80, v25;
	v46 =	vor.u32 $0x80, v0;
	v34 =	vor.u32 $0x100, v25;
	[tilespmem:v25+s20+$0x0] =	vst.idx.add.f32.msk $0xffff, v58  }
0x1d4: {  	v27 =	vor.u32 $0x100, v16;
	v16 =	vor.u32 $0x180, v25;
	v32 =	vmul.f32 v9, v49;
	v37 =	vld.idx.msk [tilespmem:v37+s30+$0x0], $0xffff  }
0x1d5: {  	v51 =	vor.u32 $0x100, v0;
	v49 =	vor.u32 $0x180, v0;
	v25 =	vld [tilespmem:$0x1FF60];
	v0 =	vmul.f32 v7, v17  }
0x1d6: {  	[tilespmem:v23+s20+$0x0] =	vst.idx.add.f32.msk $0xffff, v32  }
0x1d7: {  	v2 =	vmul.f32 v13, v2;
	[tilespmem:v28+s20+$0x0] =	vst.idx.add.f32.msk $0xffff, v0  }
0x1d8: {  	v63 =	vor.u32 $0x180, v18;
	v0 =	vld.idx.msk [tilespmem:v30+s30+$0x0], $0xffff  }
0x1d9: {  	[tilespmem:v22+s20+$0x0] =	vst.idx.add.f32.msk $0xffff, v2  }
0x1da: {  	v32 =	vmul.f32 v11, v62;
	v2 =	vld.idx.msk [tilespmem:v33+s30+$0x0], $0xffff  }
0x1db: {  	v36 =	vor.u32 $0x80, v21;
	v1 =	vld.idx.msk [tilespmem:v31+s30+$0x0], $0xffff;
	v14 =	vmul.f32 v35, v14  }
0x1dc: {  	[tilespmem:v26+s20+$0x0] =	vst.idx.add.f32.msk $0xffff, v32  }
0x1dd: {  	[tilespmem:v63+s20+$0x0] =	vst.idx.add.f32.msk $0xffff, v14;
	v0 =	vmul.f32 v0, v8  }
0x1de: {  	v41 =	vor.u32 $0x80, v23;
	v60 =	vor.u32 $0x100, v23;
	v18 =	vor.u32 $0x180, v23;
	v23 =	vld.idx.msk [tilespmem:v42+s30+$0x0], $0xffff  }
0x1df: {  	[tilespmem:v40+s20+$0x0] =	vst.idx.add.f32.msk $0xffff, v0;
	v0 =	vmul.f32 v2, v10  }
0x1e0: {  	v50 =	vor.u32 $0x80, v28;
	v14 =	vld.idx.msk [tilespmem:v36+s30+$0x0], $0xffff  }
0x1e1: {  	[tilespmem:v44+s20+$0x0] =	vst.idx.add.f32.msk $0xffff, v0;
	v0 =	vmul.f32 v37, v12  }
0x1e2: {  	[tilespmem:v25+s20+$0x0] =	vst.idx.add.f32.msk $0xffff, v6  }
0x1e3: {  	v53 =	vor.u32 $0x100, v20;
	v45 =	vor.u32 $0x80, v26;
	[tilespmem:v46+s20+$0x0] =	vst.idx.add.f32.msk $0xffff, v0;
	v0 =	vmul.f32 v23, v7  }
0x1e4: {  	v47 =	vor.u32 $0x80, v22;
	v38 =	vor.u32 $0x100, v22;
	v61 =	vor.u32 $0x180, v22;
	v22 =	vld.idx.msk [tilespmem:v39+s30+$0x0], $0xffff  }
0x1e5: {  	v24 =	vor.u32 $0x100, v19;
	v1 =	vmul.f32 v1, v9;
	[tilespmem:v50+s20+$0x0] =	vst.idx.add.f32.msk $0xffff, v0  }
0x1e6: {  	v54 =	vor.u32 $0x100, v21;
	v0 =	vld.idx.msk [tilespmem:v48+s30+$0x0], $0xffff  }
0x1e7: {  	[tilespmem:v41+s20+$0x0] =	vst.idx.add.f32.msk $0xffff, v1;
	v1 =	vmul.f32 v14, v11  }
0x1e8: {  	v2 =	vld.idx.msk [tilespmem:v53+s30+$0x0], $0xffff  }
0x1e9: {  	[tilespmem:v45+s20+$0x0] =	vst.idx.add.f32.msk $0xffff, v1  }
0x1ea: {  	v58 =	vld.idx.msk [tilespmem:v24+s30+$0x0], $0xffff  }
0x1eb: {  	v6 =	vld.idx.msk [tilespmem:v54+s30+$0x0], $0xffff;
	v0 =	vmul.f32 v0, v8  }
0x1ec: {  	v1 =	vmul.f32 v22, v13;
	v22 =	vld.idx.msk [tilespmem:v43+s30+$0x0], $0xffff  }
0x1ed: {  	[tilespmem:v59+s20+$0x0] =	vst.idx.add.f32.msk $0xffff, v0;
	v0 =	vmul.f32 v2, v10  }
0x1ee: {  	v29 =	vor.u32 $0x100, v28;
	[tilespmem:v47+s20+$0x0] =	vst.idx.add.f32.msk $0xffff, v1  }
0x1ef: {  	[tilespmem:v34+s20+$0x0] =	vst.idx.add.f32.msk $0xffff, v0;
	v0 =	vmul.f32 v58, v12  }
0x1f0: {  	v1 =	vld.idx.msk [tilespmem:v52+s30+$0x0], $0xffff  }
0x1f1: {  	[tilespmem:v51+s20+$0x0] =	vst.idx.add.f32.msk $0xffff, v0;
	v0 =	vmul.f32 v22, v7  }
0x1f2: {  	v24 =	vld [tilespmem:$0x1FF80]  }
0x1f3: {  	[tilespmem:v29+s20+$0x0] =	vst.idx.add.f32.msk $0xffff, v0  }
0x1f4: {  	v0 =	vld.idx.msk [tilespmem:v55+s30+$0x0], $0xffff;
	_ =	sdelay $0x1  }
0x1f5: {  	v57 =	vor.u32 $0x100, v26;
	v62 =	vld.idx.msk [tilespmem:v27+s30+$0x0], $0xffff;
	v1 =	vmul.f32 v1, v9  }
0x1f6: {  	v23 =	vld [tilespmem:$0x1FF70]  }
0x1f7: {  	[tilespmem:v60+s20+$0x0] =	vst.idx.add.f32.msk $0xffff, v1  }
0x1f8: {  	v1 =	vmul.f32 v6, v11;
	v0 =	vmul.f32 v0, v8;
	v8 =	vld.idx.msk [tilespmem:v3+s30+$0x0], $0xffff  }
0x1f9: {  	v3 =	vld [tilespmem:$0x1FF90]  }
0x1fa: {  	[tilespmem:v57+s20+$0x0] =	vst.idx.add.f32.msk $0xffff, v1;
	v1 =	vmul.f32 v62, v13  }
0x1fb: {  	[tilespmem:v24+s20+$0x0] =	vst.idx.add.f32.msk $0xffff, v23  }
0x1fc: {  	v21 =	vor.u32 $0x180, v21;
	[tilespmem:v38+s20+$0x0] =	vst.idx.add.f32.msk $0xffff, v1  }
0x1fd: {  	v20 =	vor.u32 $0x180, v20;
	v1 =	vld.idx.msk [tilespmem:v56+s30+$0x0], $0xffff  }
0x1fe: {  	v5 =	vor.u32 $0x180, v28;
	[tilespmem:v15+s20+$0x0] =	vst.idx.add.f32.msk $0xffff, v3  }
0x1ff: {  	v19 =	vor.u32 $0x180, v19;
	v3 =	vmov v5;
	v5 =	vld [tilespmem:$0x1FFA0];
	_ =	sdelay $0x1  }
0x200: {  	v6 =	vld.idx.msk [tilespmem:v21+s30+$0x0], $0xffff  }
0x201: {  	v2 =	vld.idx.msk [tilespmem:v20+s30+$0x0], $0xffff  }
0x202: {  	s2 =	sadd.s32 $0x8, s2;
	v35 =	vor.u32 $0x180, v26;
	v4 =	vld.idx.msk [tilespmem:v4+s30+$0x0], $0xffff  }
0x203: {  	p0 =	slt.u32 s2, $0xF0;
	v63 =	vld.idx.msk [tilespmem:v19+s30+$0x0], $0xffff;
	v1 =	vmul.f32 v1, v9  }
.Ltmp9:
0x204: {  	_ = 	snop;
	(pc) =	sbr.rel @p0 .LBB2_11-.Ltmp9, $4  }
0x205: {  	[tilespmem:v18+s20+$0x0] =	vst.idx.add.f32.msk $0xffff, v1;
	v1 =	vmul.f32 v6, v11  }
0x206: {  	[tilespmem:v5+s20+$0x0] =	vst.idx.add.f32.msk $0xffff, v0;
	v0 =	vmul.f32 v2, v10  }
0x207: {  	v25 =	vmov v49;
	[tilespmem:v35+s20+$0x0] =	vst.idx.add.f32.msk $0xffff, v1  }
0x208: {  	s14 =	sadd.s32 $0x80, s14;
	v23 =	vmov v61;
	v6 =	vmul.f32 v63, v12;
	v1 =	vmul.f32 v4, v13;
	[tilespmem:v16+s20+$0x0] =	vst.idx.add.f32.msk $0xffff, v0  }
0x209: {  	_ =	sdelay $0x3  }
0x20a: {  	v0 =	vmul.f32 v8, v7;
	[tilespmem:v25+s20+$0x0] =	vst.idx.add.f32.msk $0xffff, v6  }
0x20b: {  	[tilespmem:v23+s20+$0x0] =	vst.idx.add.f32.msk $0xffff, v1  }
0x20c: {  	[tilespmem:v3+s20+$0x0] =	vst.idx.add.f32.msk $0xffff, v0  }
.LBB2_13:
0x20d: {  	s0 =	sshra.s32 s30, $0x2  }
0x20e: {  	v0 =	vld [tilespmem:s0+$0x1A300];
	_ =	sdelay $0x1  }
0x20f: {  	v1 =	vld [tilespmem:s0+$0x18300];
	_ =	sdelay $0x2  }
0x210: {  	v2 =	vshll.u32 v0, $0x2  }
0x211: {  	v0 =	vand.u32 $0x7F, v0;
	v2 =	vand.u32 $0xFFFFFE00, v2  }
0x212: {  	v0 =	vor.u32 v0, v2;
	_ =	sdelay $0x1  }
0x213: {  	v59 =	vld [tilespmem:s0+$0x1C300]  }
0x214: {  	v3 =	vld.idx.msk [tilespmem:v1+s13+$0x0], $0xffff;
	_ =	sdelay $0x1  }
0x215: {  	v5 =	vshll.u32 v1, $0x2;
	v4 =	vld.idx.msk [tilespmem:v0+s3+$0x0], $0xffff  }
0x216: {  	v5 =	vand.u32 $0xFFFFFE00, v5;
	v1 =	vand.u32 $0x7F, v1  }
0x217: {  	v1 =	vor.u32 v1, v5  }
0x218: {  	v60 =	vor.u32 $0x80, v0;
	v2 =	vmul.f32 v3, v59;
	_ =	sdelay $0x1  }
0x219: {  	v4 =	vmul.f32 v2, v4;
	_ =	sdelay $0x1  }
0x21a: {  	[tilespmem:v1+s20+$0x0] =	vst.idx.add.f32.msk $0xffff, v4  }
0x21b: {  	v3 =	vld.idx.msk [tilespmem:v60+s3+$0x0], $0xffff;
	_ =	sdelay $0x1  }
0x21c: {  	v61 =	vor.u32 $0x80, v1  }
0x21d: {  	v62 =	vor.u32 $0x100, v0;
	_ =	sdelay $0x1  }
0x21e: {  	v3 =	vmul.f32 v3, v2;
	_ =	sdelay $0x1  }
0x21f: {  	[tilespmem:v61+s20+$0x0] =	vst.idx.add.f32.msk $0xffff, v3  }
0x220: {  	v3 =	vld.idx.msk [tilespmem:v62+s3+$0x0], $0xffff;
	_ =	sdelay $0x1  }
0x221: {  	v63 =	vor.u32 $0x100, v1  }
0x222: {  	v0 =	vor.u32 $0x180, v0;
	_ =	sdelay $0x1  }
0x223: {  	v3 =	vmul.f32 v3, v2;
	_ =	sdelay $0x1  }
0x224: {  	[tilespmem:v63+s20+$0x0] =	vst.idx.add.f32.msk $0xffff, v3  }
0x225: {  	v0 =	vld.idx.msk [tilespmem:v0+s3+$0x0], $0xffff;
	_ =	sdelay $0x1  }
0x226: {  	p0 =	sne.s32 s30, $0x40;
	v1 =	vor.u32 $0x180, v1  }
.Ltmp10:
0x227: {  	_ = 	snop;
	(pc) =	sbr.rel @p0 .LBB2_13-.Ltmp10, $3  }
0x228: {  	_ = 	snop  }
0x229: {  	v0 =	vmul.f32 v0, v2;
	_ =	sdelay $0x1  }
0x22a: {  	s30 =	sadd.s32 $0x40, s30;
	[tilespmem:v1+s20+$0x0] =	vst.idx.add.f32.msk $0xffff, v0  }
.Ltmp11:
0x22b: {  	_ = 	snop;
	(pc) =	sbr.rel .LBB2_14-.Ltmp11, $1  }
0x22c: {  	_ =	sdelay $0x3  }
.LBB2_16:
0x22d: {  	_ =	sfence.sel $0x180000  }
0x22e: {  	[bflag:$0x0] =	sbarrier.arrive $0xFFFF  }
0x22f: {  	_ =	strace $0x9000004D  }
0x230: {  	s0 =	stileid.u32;
	[bflag:$0x2] =	sbarrier.arrive $0xFFFF  }
0x231: {  	p0 =	sne.s32 s0, $0x0;
	s0 =	rddreg [dreg:$0x2]  }
0x232: {  	s0 =	sadd.s32 @!p0 $0x100000, s0  }
0x233: {  	[sflag:s0] =	ssyncadd.tile.s32 @!p0 $0x1;
	_ =	shalt  }
.Lfunc_end2:
_tile_overlayer_lowered:
.L_overlay_start_2:
0x234: {  	(tag) =	ssettag $0x2  }
0x235: {  	s0 =	rddreg [dreg:$0x0];
	s2 =	stileid.u32  }
0x236: {  	s1 =	rddreg [dreg:$0x1];
	p0 =	sne.s32 s2, $0x0  }
0x237: {  	s3 =	rddreg [dreg:$0x2];
	[bflag:$0x3] =	sbarrier.arrive $0xFFFF;
	s2 =	simm.s32 @!p0 $0x1C07  }
0x238: {  	[timem:s3], [sflag:s2] =	dma.local @!p0 [hbm:s0], s1  }
0x239: {  	s0 =	simm.s32 @!p0 $0x7  }
0x23a: {  	_ =	swait.ge @!p0 [sflag:s0], s1  }
0x23b: {  	s1 =	ssub.s32 @!p0 $0x0, s1;
	[sflag:s0] =	ssyncset.done @!p0 $0x0  }
0x23c: {  	[sflag:s0] =	ssyncadd.s32 @!p0 s1  }
0x23d: {  	[bflag:$0x3] =	sbarrier.arrive $0xFFFF  }
0x23e: {  	_ =	shalt  }

// kernel: kernel.8.cloned.1.call-start
scs
__scs_entry_jumppad:
0x0: {  	(pc) =	sbr.rel $0x88, $3  }
0x1: {  	(tag) =	ssettag $0x0;
	lr =	simm.s32 $0x1  }
0x2: {  	[smem:$0x3F9E] =	sst lr;
	_ =	strace $0xD0000000  }
0x3: {  	_ = 	snop  }
0x4: {  	_ = 	snop  }
0x5: {  	_ = 	snop  }
0x6: {  	_ = 	snop  }
0x7: {  	_ = 	snop  }
__scs_overlays_trampoline_lowered:
0x8: {  	[smem:$0x3FAD] =	sst s0  }
0x9: {  	[smem:$0x3FAE] =	sst s1  }
0xa: {  	[smem:$0x3FAF] =	sst s2  }
0xb: {  	[smem:$0x3FB0] =	sst s3  }
0xc: {  	[smem:$0x3FB1] =	sst s4  }
0xd: {  	[smem:$0x3FB2] =	sst s5  }
0xe: {  	[smem:$0x3FB3] =	sst s6  }
0xf: {  	[smem:$0x3FB4] =	sst s7  }
0x10: {  	[smem:$0x3FB5] =	sst s8  }
0x11: {  	[smem:$0x3FB6] =	sst s9;
	s0 =	simm.s32 @!p0 $0x0  }
0x12: {  	s1 =	sld [smem:$0x3F9C];
	s0 =	simm.s32 @p0 $0x1  }
0x13: {  	[smem:$0x3FB7] =	sst s0;
	s0 =	simm.s32 @!p1 $0x0  }
0x14: {  	s2 =	sld [smem:$0x3F9B];
	s0 =	simm.s32 @p1 $0x1  }
0x15: {  	[smem:$0x3FB8] =	sst s0;
	s0 =	simm.s32 @!p2 $0x0  }
0x16: {  	s3 =	sld [smem:$0x3FDB];
	s0 =	simm.s32 @p2 $0x1  }
0x17: {  	s4 =	simm.s32 $0x1BF5;
	[smem:$0x3FBA] =	sst s0  }
0x18: {  	s0 =	sld [smem:$0x3F9D];
	_ =	swait.ge [sflag:s4], $0x0  }
0x19: {  	s7 =	sld [smem:$0x3F9E]  }
0x1a: {  	s8 =	sadd.s32 $0xFFFFE003, lr  }
0x1b: {  	s9 =	sadd.s32 $0xFFFFFEF7, lr;
	s5 =	simm.s32 $0xFFFFFFFF;
	p2 =	slt.u32 s8, $0xFFFFF086  }
0x1c: {  	p1 =	slt.u32 s9, $0xF7A;
	s5 =	simm.s32 @!p2 $0x0  }
0x1d: {  	s5 =	simm.s32 @p1 $0x1;
	p0 =	seq.s32 s7, s2  }
0x1e: {  	s7 =	smul.u32 @!p0 $0xF7A, s2;
	p2 =	seq.s32 @!p0 s5, $0x0  }
0x1f: {  	s9 =	smul.u32 $0xF7A, s1;
	s8 =	simm.s32 @!p0 $0x1BF5;
	p2 =	por !p2, p0  }
0x20: {  	[sflag:s8] =	ssyncset.s32 @!p0 $0xFFFFF086;
	s6 =	sadd.s32 @!p0 s3, s7;
	s7 =	simm.s32 @!p0 $0x108  }
0x21: {  	s3 =	sadd.s32 s3, s9;
	s6 =	sadd.s32 @!p0 $0x88, s6;
	s7 =	simm.s32 @p2 $0x1082  }
0x22: {  	[simem:s7], [sflag:s8] =	dma.local @!p0 [hbm:s6], $0xF7A  }
0x23: {  	s9 =	sor.u32 $0xD0000000, s2;
	s6 =	simm.s32 $0x108;
	_ =	swait.ge @!p0 [sflag:s8], $0x0  }
0x24: {  	s3 =	sadd.s32 $0x88, s3;
	s6 =	simm.s32 @!p1 $0x1082;
	[sflag:s4] =	ssyncset.s32 $0xFFFFF086  }
0x25: {  	[simem:s6], [sflag:s4] =	dma.local [hbm:s3], $0xF7A  }
0x26: {  	[smem:$0x3F9E] =	sst s1;
	(tag) =	ssettag s2;
	_ =	strace s9  }
0x27: {  	s1 =	sld [smem:$0x3FAE]  }
0x28: {  	s2 =	sld [smem:$0x3FAF]  }
0x29: {  	s4 =	sld [smem:$0x3FB1]  }
0x2a: {  	p0 =	seq.s32 s5, $0x0;
	s5 =	sld [smem:$0x3FB2]  }
0x2b: {  	s6 =	sld [smem:$0x3FB3]  }
0x2c: {  	s7 =	sld [smem:$0x3FB4]  }
0x2d: {  	s3 =	simm.s32 $0x108;
	s8 =	sld [smem:$0x3FB5]  }
0x2e: {  	s3 =	simm.s32 @!p0 $0x1082;
	s9 =	sld [smem:$0x3FB6]  }
0x2f: {  	lr =	sadd.s32 s0, s3;
	s0 =	sld [smem:$0x3FAD]  }
0x30: {  	s3 =	sld [smem:$0x3FB0]  }
0x31: {  	[smem:$0x3FB9] =	sst s10  }
0x32: {  	s10 =	sld [smem:$0x3FB7];
	_ =	sdelay $0x3  }
0x33: {  	p0 =	seq.s32 s10, $0x1;
	s10 =	sld [smem:$0x3FB9];
	_ =	sdelay $0x3  }
0x34: {  	[smem:$0x3FB9] =	sst s10  }
0x35: {  	s10 =	sld [smem:$0x3FB8];
	_ =	sdelay $0x3  }
0x36: {  	p1 =	seq.s32 s10, $0x1;
	s10 =	sld [smem:$0x3FB9];
	_ =	sdelay $0x3  }
0x37: {  	[smem:$0x3FB9] =	sst s10  }
0x38: {  	s10 =	sld [smem:$0x3FBA]  }
0x39: {  	_ = 	snop;
	(pc) =	sbr.ind lr, $3  }
0x3a: {  	_ = 	snop  }
0x3b: {  	_ = 	snop  }
0x3c: {  	p2 =	seq.s32 s10, $0x1;
	s10 =	sld [smem:$0x3FB9]  }
0x3d: {  	_ =	shalt  }
0x3e: {  	_ =	shalt  }
0x3f: {  	_ =	shalt  }
0x40: {  	_ =	shalt  }
0x41: {  	_ =	shalt  }
0x42: {  	_ =	shalt  }
0x43: {  	_ =	shalt  }
0x44: {  	_ =	shalt  }
0x45: {  	_ =	shalt  }
0x46: {  	_ =	shalt  }
0x47: {  	_ =	shalt  }
0x48: {  	_ =	shalt  }
0x49: {  	_ =	shalt  }
0x4a: {  	_ =	shalt  }
0x4b: {  	_ =	shalt  }
0x4c: {  	_ =	shalt  }
0x4d: {  	_ =	shalt  }
0x4e: {  	_ =	shalt  }
0x4f: {  	_ =	shalt  }
0x50: {  	_ =	shalt  }
0x51: {  	_ =	shalt  }
0x52: {  	_ =	shalt  }
0x53: {  	_ =	shalt  }
0x54: {  	_ =	shalt  }
0x55: {  	_ =	shalt  }
0x56: {  	_ =	shalt  }
0x57: {  	_ =	shalt  }
0x58: {  	_ =	shalt  }
0x59: {  	_ =	shalt  }
0x5a: {  	_ =	shalt  }
0x5b: {  	_ =	shalt  }
0x5c: {  	_ =	shalt  }
0x5d: {  	_ =	shalt  }
0x5e: {  	_ =	shalt  }
0x5f: {  	_ =	shalt  }
0x60: {  	_ =	shalt  }
0x61: {  	_ =	shalt  }
0x62: {  	_ =	shalt  }
0x63: {  	_ =	shalt  }
0x64: {  	_ =	shalt  }
0x65: {  	_ =	shalt  }
0x66: {  	_ =	shalt  }
0x67: {  	_ =	shalt  }
0x68: {  	_ =	shalt  }
0x69: {  	_ =	shalt  }
0x6a: {  	_ =	shalt  }
0x6b: {  	_ =	shalt  }
0x6c: {  	_ =	shalt  }
0x6d: {  	_ =	shalt  }
0x6e: {  	_ =	shalt  }
0x6f: {  	_ =	shalt  }
0x70: {  	_ =	shalt  }
0x71: {  	_ =	shalt  }
0x72: {  	_ =	shalt  }
0x73: {  	_ =	shalt  }
0x74: {  	_ =	shalt  }
0x75: {  	_ =	shalt  }
0x76: {  	_ =	shalt  }
0x77: {  	_ =	shalt  }
0x78: {  	_ =	shalt  }
0x79: {  	_ =	shalt  }
0x7a: {  	_ =	shalt  }
0x7b: {  	_ =	shalt  }
0x7c: {  	_ =	shalt  }
0x7d: {  	_ =	shalt  }
0x7e: {  	_ =	shalt  }
0x7f: {  	_ =	shalt  }
0x80: {  	_ =	shalt  }
0x81: {  	_ =	shalt  }
0x82: {  	_ =	shalt  }
0x83: {  	_ =	shalt  }
0x84: {  	_ =	shalt  }
0x85: {  	_ =	shalt  }
0x86: {  	_ =	shalt  }
0x87: {  	_ =	shalt  }
.Lfunc_end0:
.L_simem_size_0:
called_computation_lowered:
.L_overlay_start_0:
0x88: {  	s2 =	sld [smem:$0x3FD9]  }
0x89: {  	s3 =	sld [smem:$0x3FFE];
	_ =	sdelay $0x1  }
0x8a: {  	s1 =	srdreg.scid  }
0x8b: {  	s0 =	sand.u32 $0x1, s1  }
0x8c: {  	s16 =	sshll.u32 s0, $0xA;
	s2 =	sadd.s32 s3, s2  }
0x8d: {  	s2 =	sadd.s32 s2, s16  }
0x8e: {  	[smem:$0x3FC5] =	sst s2  }
0x8f: {  	_ = 	snop  }
0x90: {  	(tm) =	ssettm $0x1  }
0x91: {  	s17 =	sld [smem:$0x3FFB];
	_ =	sdelay $0x3  }
0x92: {  	_ =	strace s17  }
0x93: {  	s2 =	sld [smem:$0x3FFC];
	_ =	sdelay $0x3  }
0x94: {  	_ =	strace s2  }
0x95: {  	s2 =	sld [smem:$0x3FFD];
	_ =	sdelay $0x3  }
0x96: {  	_ =	strace s2  }
0x97: {  	_ =	strace $0x8FFFFFFF  }
0x98: {  	s18 =	sld [smem:$0x3FDB];
	_ =	sdelay $0x1  }
0x99: {  	s19 =	simm.s32 $_scs_section_size  }
0x9a: {  	s4 =	simm.s32 $_size__tile_overlayer_lowered;
	s5 =	simm.s32 $_tile_overlayer_lowered  }
0x9b: {  	s22 =	simm.s32 $0x1BFF;
	s21 =	sshll.u32 s5, $0x1;
	s2 =	sadd.s32 s19, s18  }
0x9c: {  	s6 =	simm.s32 $0x0;
	s20 =	sshll.u32 s4, $0x1;
	s4 =	sadd.s32 s21, s2  }
0x9d: {  	[timem:s6], [sflag:s22] =	dma.local [hbm:s4], s20  }
0x9e: {  	_ =	swait.ge [sflag:s22], s20  }
0x9f: {  	s3 =	ssub.s32 $0x0, s20;
	[sflag:s22] =	ssyncset.done $0x0  }
0xa0: {  	[sflag:s22] =	ssyncadd.s32 s3;
	_ =	sdelay $0x1  }
0xa1: {  	s23 =	simm.s32 $0x1B8B  }
0xa2: {  	_ =	swait.ge [sflag:s23], $0x1  }
0xa3: {  	[sflag:s23] =	ssyncset.done $0x0  }
0xa4: {  	s25 =	simm.s32 $0x1B8E;
	s24 =	sld [smem:$0x3FFE];
	[sflag:s23] =	ssyncadd.s32 $0xFFFFFFFF  }
0xa5: {  	s26 =	simm.s32 $execute0_lowered;
	[smem:$0x3FD2] =	sst s25  }
0xa6: {  	s4 =	sshll.u32 s26, $0x1;
	_ =	strace $0x80000046;
	[dreg:$0x1] =	wrdreg $0xFFFFFFFF  }
0xa7: {  	s28 =	simm.s32 $_size_execute0_lowered;
	s2 =	sadd.s32 s2, s4;
	[dreg:$0x0] =	wrdreg $0x0  }
0xa8: {  	s4 =	sshll.u32 s28, $0x1;
	[dreg:$0x2] =	wrdreg s2  }
0xa9: {  	[dreg:$0x3] =	wrdreg s4  }
0xaa: {  	[dreg:$0x4] =	wrdreg $0xC0  }
0xab: {  	_ =	task [dreg:s6], $0x5FFFF  }
0xac: {  	[dreg:$0x1] =	wrdreg $0xFFFFFFFF  }
0xad: {  	[dreg:$0x0] =	wrdreg $0x60  }
0xae: {  	[dreg:$0x2] =	wrdreg s24  }
0xaf: {  	[dreg:$0x3] =	wrdreg $0x9  }
0xb0: {  	_ =	task.clear_ibuf [dreg:s6], $0x4FFFF;
	_ =	strace $0x90000046  }
0xb1: {  	s29 =	simm.s32 $0x9;
	_ =	strace $0x80000048  }
0xb2: {  	_ =	swait.ge [sflag:s29], $0x1  }
0xb3: {  	[sflag:s29] =	ssyncadd.s32 $0xFFFFFFFF  }
0xb4: {  	_ =	strace $0x90000048  }
0xb5: {  	_ =	sfence  }
0xb6: {  	s30 =	sld [smem:$0x0];
	_ =	sdelay $0x2  }
0xb7: {  	s31 =	sshll.u32 s1, $0xD;
	s1 =	sshrl.u32 s1, $0x2  }
0xb8: {  	s3 =	sand.u32 $0x4000, s31;
	s1 =	sadd.s32 s1, s30  }
0xb9: {  	s0 =	sor.u32 s3, s0;
	s1 =	sshll.u32 s1, $0x11  }
0xba: {  	s0 =	sor.u32 s1, s0  }
0xbb: {  	s0 =	sadd.s32 $0x8F2B, s0  }
0xbc: {  	[sflag:s0] =	ssyncadd.remote.s32 $0x1  }
0xbd: {  	_ =	sfence.sel $0xFFFF  }
0xbe: {  	[dreg:$0x0] =	wrdreg $0xFFFFFFFF;
	(pc) =	sbr.abs _section_cstart, $3  }
0xbf: {  	[dreg:$0x1] =	wrdreg $0xFFFFFFFF  }
0xc0: {  	_ =	task.clear_ibuf [dreg:s6], $0x2FFFF;
	_ =	strace $0x9FFFFFFF  }
0xc1: {  	(tm) =	ssettm $0x7FFFFFFF  }
tec
execute0_lowered:
.L_overlay_start_1:
0x0: {  	(tag) =	ssettag $0x1  }
0x1: {  	s0 =	rddreg [dreg:$0x0]  }
0x2: {  	s2 =	simm.s32 $0x0;
	s7 =	stileid.u32;
	s3 =	srdreg.scid  }
0x3: {  	s12 =	simm.s32 $0x7;
	s15 =	simm.s32 $0x2;
	s16 =	simm.s32 $0x4  }
0x4: {  	s17 =	simm.s32 $0x18C00;
	s18 =	simm.s32 $0x5;
	s19 =	simm.s32 $0x6  }
0x5: {  	s20 =	simm.s32 $0x14C00;
	s21 =	simm.s32 $0x16C00;
	s22 =	simm.s32 $0x1  }
0x6: {  	s23 =	simm.s32 $0x3;
	s24 =	simm.s32 $0x17C00;
	s25 =	simm.s32 $0x0  }
0x7: {  	[smem:$0x7FF] =	sst s2;
	s1 =	smul.u32 $0x2780, s7;
	s6 =	sand.u32 $0x1, s3  }
0x8: {  	s3 =	sadd.s32 $0xA200, s0;
	s4 =	sadd.s32 $0x400, s0;
	s10 =	smul.u32 $0x27100, s6  }
.Ltmp0:
0x9: {  	s5 =	sadd.s32 $0x3B800, s0;
	s31 =	ssub.s32 $0x2, s6;
	(pc) =	sbr.rel .LBB2_1-.Ltmp0, $4  }
0xa: {  	s11 =	smul.u32 $0x4E200, s7;
	_ =	strace $0x80000047;
	s6 =	sshrl.u32 s31, $0x1  }
0xb: {  	s1 =	sadd.s32 s1, s0;
	s8 =	sshrl.u32 s10, $0x3;
	s0 =	ssub.s32 s31, s6  }
0xc: {  	s6 =	sadd.s32 $0x14000, s1;
	s9 =	sadd.s32 $0xFA0, s10;
	s10 =	sadd.s32 s10, s11  }
0xd: {  	s7 =	sadd.s32 s3, s8;
	s8 =	sadd.s32 s4, s8;
	s11 =	smax.u32 s0, $0x1  }
.LBB2_14:
0xe: {  	s25 =	sadd.s32 $0x1, s25  }
0xf: {  	_ =	swait.ge [sflag:s18], $0xFA0;
	p0 =	sne.s32 s25, s11  }
.Ltmp1:
0x10: {  	[sflag:s18] =	ssyncset.done $0x0;
	(pc) =	sbr.rel @!p0 .LBB2_15-.Ltmp1, $4  }
0x11: {  	[sflag:s18] =	ssyncadd.s32 $0xFFFFF060  }
0x12: {  	_ =	swait.ge [sflag:s19], $0xFA0  }
0x13: {  	[sflag:s19] =	ssyncset.done $0x0  }
0x14: {  	[sflag:s19] =	ssyncadd.s32 $0xFFFFF060  }
.LBB2_1:
0x15: {  	[tilespmem:s2], [sflag:$0x7] =	stream.linear.gather [hbm4b:s6+s2], $0x13C00, $0x38;
	[tilespmem:$0x19C00] =	vst v63  }
0x16: {  	_ =	swait.ge [sflag:s12], $0x13C00  }
.Ltmp2:
0x17: {  	[sflag:s12] =	ssyncset.done $0x0;
	(pc) =	sbr.rel .LBB2_2-.Ltmp2, $4  }
0x18: {  	s0 =	simm.s32 $0x13C00;
	[sflag:s12] =	ssyncadd.s32 $0xFFFEC400  }
0x19: {  	[tilespmem:s0], [sflag:$0x1] =	stream.linear.gather [hbm4b:s7+s2], $0xFA0, $0x38;
	[tilespmem:$0x19C00] =	vst v63  }
0x1a: {  	s31 =	simm.s32 $0x15C00;
	s26 =	simm.s32 $0x0  }
0x1b: {  	[tilespmem:s31], [sflag:$0x3] =	stream.linear.gather [hbm4b:s8+s2], $0xFA0, $0x38;
	[tilespmem:$0x19C00] =	vst v63  }
.LBB2_13:
0x1c: {  	s26 =	sadd.s32 $0x1, s26  }
0x1d: {  	p0 =	sne.s32 s26, $0x28  }
.Ltmp3:
0x1e: {  	_ = 	snop;
	(pc) =	sbr.rel @!p0 .LBB2_14-.Ltmp3, $1  }
0x1f: {  	_ =	sdelay $0x3  }
.LBB2_2:
0x20: {  	s28 =	sand.u32 $0x1, s26  }
0x21: {  	p0 =	seq.s32 s28, $0x1  }
.Ltmp4:
0x22: {  	_ = 	snop;
	(pc) =	sbr.rel @p0 .LBB2_8-.Ltmp4, $1  }
0x23: {  	_ =	sdelay $0x3  }
0x24: {  	s29 =	smul.u32 $0xFA0, s26;
	_ =	sdelay $0x1  }
0x25: {  	s0 =	sadd.s32 s29, s9  }
0x26: {  	s0 =	sshrl.u32 s0, $0x3  }
0x27: {  	s1 =	sadd.s32 s3, s0  }
0x28: {  	[tilespmem:s20], [sflag:$0x2] =	stream.linear.gather [hbm4b:s1+s2], $0xFA0, $0x38;
	[tilespmem:$0x19C00] =	vst v63  }
0x29: {  	s0 =	sadd.s32 s4, s0  }
0x2a: {  	[tilespmem:s21], [sflag:$0x4] =	stream.linear.gather [hbm4b:s0+s2], $0xFA0, $0x38;
	[tilespmem:$0x19C00] =	vst v63  }
0x2b: {  	_ =	swait.ge [sflag:s22], $0xFA0  }
0x2c: {  	[sflag:s22] =	ssyncset.done $0x0  }
0x2d: {  	[sflag:s22] =	ssyncadd.s32 $0xFFFFF060  }
0x2e: {  	_ =	swait.ge [sflag:s23], $0xFA0  }
0x2f: {  	p0 =	slt.u32 s26, $0x2;
	[sflag:s23] =	ssyncset.done $0x0  }
0x30: {  	s0 =	simm.s32 @!p0 $0x5;
	[sflag:s23] =	ssyncadd.s32 $0xFFFFF060  }
0x31: {  	_ =	swait.ge @!p0 [sflag:s0], $0xFA0  }
0x32: {  	[sflag:s0] =	ssyncset.done @!p0 $0x0  }
0x33: {  	s14 =	simm.s32 $0x13C40;
	[sflag:s0] =	ssyncadd.s32 @!p0 $0xFFFFF060  }
0x34: {  	v0 =	vld [tilespmem:s14+$0x30];
	_ =	sdelay $0x4  }
0x35: {  	s31 =	simm.s32 $0x15C40;
	v6 =	vshll.u32 v0, $0x3  }
0x36: {  	v1 =	vld [tilespmem:s31+$0x30];
	v0 =	vand.u32 $0x7F, v0;
	v6 =	vand.u32 $0xFFFFFC00, v6  }
0x37: {  	v2 =	vld [tilespmem:s31+$0xFFFFFFC0];
	v0 =	vor.u32 v0, v6  }
0x38: {  	v3 =	vld [tilespmem:s14+$0xFFFFFFD0]  }
0x39: {  	v4 =	vld [tilespmem:s31+$0xFFFFFFD0]  }
0x3a: {  	v5 =	vld [tilespmem:s14+$0xFFFFFFE0]  }
0x3b: {  	s30 =	simm.s32 $0x0;
	v7 =	vld [tilespmem:s31+$0xFFFFFFE0]  }
0x3c: {  	v15 =	vld.idx.msk [tilespmem:v0+s30+$0x0], $0xffff  }
0x3d: {  	v9 =	vld [tilespmem:s14+$0xFFFFFFF0];
	v10 =	vor.u32 $0x80, v0  }
0x3e: {  	v11 =	vld [tilespmem:s31+$0x0]  }
0x3f: {  	v14 =	vld [tilespmem:s14+$0x10];
	v8 =	vshll.u32 v1, $0x3  }
0x40: {  	v1 =	vand.u32 $0x7F, v1;
	v6 =	vand.u32 $0xFFFFFC00, v8;
	v8 =	vld [tilespmem:s31+$0xFFFFFFF0]  }
0x41: {  	v1 =	vor.u32 v1, v6;
	v6 =	vld [tilespmem:s14+$0x0];
	[tilespmem:$0x1FE30] =	vst v15  }
0x42: {  	v10 =	vld.idx.msk [tilespmem:v10+s30+$0x0], $0xffff  }
0x43: {  	v12 =	vor.u32 $0x80, v1;
	_ =	sdelay $0x3  }
0x44: {  	v28 =	vld.idx.msk [tilespmem:v1+s30+$0x0], $0xffff;
	[tilespmem:$0x1FE40] =	vst v10  }
0x45: {  	v12 =	vld.idx.msk [tilespmem:v12+s30+$0x0], $0xffff  }
0x46: {  	v13 =	vor.u32 $0x100, v0;
	_ =	sdelay $0x3  }
0x47: {  	[tilespmem:$0x1FE50] =	vst v12  }
0x48: {  	v13 =	vld.idx.msk [tilespmem:v13+s30+$0x0], $0xffff  }
0x49: {  	v15 =	vor.u32 $0x100, v1;
	_ =	sdelay $0x3  }
0x4a: {  	[tilespmem:$0x1FE60] =	vst v13  }
0x4b: {  	v15 =	vld.idx.msk [tilespmem:v15+s30+$0x0], $0xffff  }
0x4c: {  	v17 =	vor.u32 $0x180, v0;
	_ =	sdelay $0x3  }
0x4d: {  	[tilespmem:$0x1FE70] =	vst v15  }
0x4e: {  	v17 =	vld.idx.msk [tilespmem:v17+s30+$0x0], $0xffff  }
0x4f: {  	v10 =	vor.u32 $0x180, v1;
	_ =	sdelay $0x3  }
0x50: {  	[tilespmem:$0x1FE80] =	vst v17  }
0x51: {  	v10 =	vld.idx.msk [tilespmem:v10+s30+$0x0], $0xffff  }
0x52: {  	v21 =	vor.u32 $0x200, v0;
	_ =	sdelay $0x3  }
0x53: {  	[tilespmem:$0x1FE90] =	vst v10  }
0x54: {  	v21 =	vld.idx.msk [tilespmem:v21+s30+$0x0], $0xffff  }
0x55: {  	v24 =	vor.u32 $0x280, v1;
	_ =	sdelay $0x1  }
0x56: {  	v13 =	vshll.u32 v9, $0x3  }
0x57: {  	v57 =	vand.u32 $0xFFFFFC00, v13;
	v13 =	vshll.u32 v6, $0x3  }
0x58: {  	v22 =	vor.u32 $0x200, v1;
	v30 =	vand.u32 $0xFFFFFC00, v13;
	v13 =	vshll.u32 v14, $0x3;
	v26 =	vld [tilespmem:s14+$0xFFFFFFC0];
	[tilespmem:$0x1FEA0] =	vst v21  }
0x59: {  	v23 =	vor.u32 $0x280, v0;
	v32 =	vand.u32 $0xFFFFFC00, v13;
	v13 =	vld.idx.msk [tilespmem:v24+s30+$0x0], $0xffff  }
0x5a: {  	v58 =	vor.u32 $0x300, v0;
	_ =	sdelay $0x1  }
0x5b: {  	v10 =	vshll.u32 v11, $0x3  }
0x5c: {  	v31 =	vand.u32 $0xFFFFFC00, v10;
	v10 =	vld.idx.msk [tilespmem:v22+s30+$0x0], $0xffff  }
0x5d: {  	v19 =	vshll.u32 v4, $0x3;
	v60 =	vand.u32 $0x7F, v4;
	v4 =	vld.idx.msk [tilespmem:v23+s30+$0x0], $0xffff;
	[tilespmem:$0x1FEB0] =	vst v13  }
0x5e: {  	v56 =	vshll.u32 v8, $0x3;
	v61 =	vand.u32 $0x7F, v8;
	v8 =	vld.idx.msk [tilespmem:v58+s30+$0x0], $0xffff  }
0x5f: {  	v59 =	vor.u32 $0x300, v1;
	_ =	sdelay $0x2  }
0x60: {  	v16 =	vshll.u32 v2, $0x3  }
0x61: {  	v2 =	vand.u32 $0x7F, v2;
	v16 =	vand.u32 $0xFFFFFC00, v16;
	[tilespmem:$0x1FEC0] =	vst v8  }
0x62: {  	v39 =	vor.u32 v2, v16;
	v2 =	vld.idx.msk [tilespmem:v59+s30+$0x0], $0xffff  }
0x63: {  	v0 =	vor.u32 $0x380, v0;
	_ =	sdelay $0x3  }
0x64: {  	[tilespmem:$0x1FED0] =	vst v2  }
0x65: {  	v0 =	vld.idx.msk [tilespmem:v0+s30+$0x0], $0xffff;
	_ =	sdelay $0x4  }
0x66: {  	[tilespmem:$0x1FEE0] =	vst v0;
	v0 =	vor.u32 $0x80, v39  }
0x67: {  	v20 =	vshll.u32 v5, $0x3  }
0x68: {  	v5 =	vand.u32 $0x7F, v5;
	v20 =	vand.u32 $0xFFFFFC00, v20  }
0x69: {  	v55 =	vshll.u32 v7, $0x3;
	v7 =	vand.u32 $0x7F, v7;
	v29 =	vor.u32 v5, v20  }
0x6a: {  	v1 =	vor.u32 $0x380, v1;
	v12 =	vand.u32 $0xFFFFFC00, v19;
	v9 =	vand.u32 $0x7F, v9  }
0x6b: {  	v25 =	vor.u32 v60, v12;
	v40 =	vor.u32 v9, v57;
	v15 =	vand.u32 $0xFFFFFC00, v55;
	v0 =	vld.idx.msk [tilespmem:v0+s30+$0x0], $0xffff  }
0x6c: {  	v38 =	vor.u32 v7, v15;
	v7 =	vor.u32 $0x80, v25;
	v8 =	vshll.u32 v26, $0x3;
	v12 =	vld [tilespmem:s14+$0x20]  }
0x6d: {  	v9 =	vor.u32 $0x80, v29;
	v8 =	vand.u32 $0xFFFFFC00, v8;
	v2 =	vand.u32 $0x7F, v26  }
0x6e: {  	v18 =	vshll.u32 v3, $0x3;
	v19 =	vor.u32 v2, v8;
	v33 =	vld [tilespmem:s31+$0x10]  }
0x6f: {  	v3 =	vand.u32 $0x7F, v3;
	v18 =	vand.u32 $0xFFFFFC00, v18;
	v34 =	vor.u32 $0x80, v19;
	v15 =	vld [tilespmem:s31+$0x20]  }
0x70: {  	v27 =	vand.u32 $0xFFFFFC00, v56;
	v62 =	vand.u32 $0x7F, v6;
	v26 =	vor.u32 v3, v18;
	v44 =	vld.idx.msk [tilespmem:v1+s30+$0x0], $0xffff;
	[tilespmem:$0x1FEF0] =	vst v0  }
0x71: {  	v14 =	vand.u32 $0x7F, v14;
	v35 =	vor.u32 $0x80, v26;
	v54 =	vshll.u32 v12, $0x3;
	v48 =	vld.idx.msk [tilespmem:v7+s30+$0x0], $0xffff  }
0x72: {  	v37 =	vor.u32 $0x80, v38;
	v7 =	vand.u32 $0xFFFFFC00, v54;
	v47 =	vld.idx.msk [tilespmem:v9+s30+$0x0], $0xffff;
	v9 =	vand.u32 $0x7F, v12  }
0x73: {  	v43 =	vor.u32 v14, v32;
	v14 =	vor.u32 $0x80, v40;
	v20 =	vor.u32 v9, v7  }
0x74: {  	v41 =	vor.u32 v61, v27;
	v30 =	vor.u32 v62, v30;
	v62 =	vld.idx.msk [tilespmem:v34+s30+$0x0], $0xffff;
	v34 =	vor.u32 $0x80, v20  }
0x75: {  	v63 =	vand.u32 $0x7F, v11;
	v23 =	vor.u32 $0x80, v41  }
0x76: {  	v56 =	vor.u32 $0x80, v30;
	v42 =	vor.u32 v63, v31;
	v53 =	vshll.u32 v33, $0x3;
	v51 =	vld.idx.msk [tilespmem:v35+s30+$0x0], $0xffff  }
0x77: {  	v31 =	vor.u32 $0x80, v42;
	v18 =	vand.u32 $0x7F, v33;
	v17 =	vand.u32 $0xFFFFFC00, v53;
	v46 =	vld.idx.msk [tilespmem:v37+s30+$0x0], $0xffff  }
0x78: {  	v32 =	vor.u32 $0x80, v43;
	v55 =	vshll.u32 v15, $0x3;
	v18 =	vor.u32 v18, v17;
	v45 =	vld.idx.msk [tilespmem:v14+s30+$0x0], $0xffff  }
0x79: {  	v15 =	vand.u32 $0x7F, v15;
	v22 =	vand.u32 $0xFFFFFC00, v55;
	v33 =	vor.u32 $0x80, v18;
	v0 =	vld.idx.msk [tilespmem:v34+s30+$0x0], $0xffff  }
0x7a: {  	v57 =	vor.u32 $0x100, v19;
	v21 =	vor.u32 v15, v22;
	v22 =	vld.idx.msk [tilespmem:v23+s30+$0x0], $0xffff  }
0x7b: {  	v24 =	vld.idx.msk [tilespmem:v56+s30+$0x0], $0xffff  }
0x7c: {  	v23 =	vld.idx.msk [tilespmem:v31+s30+$0x0], $0xffff  }
0x7d: {  	v50 =	vld.idx.msk [tilespmem:v32+s30+$0x0], $0xffff  }
0x7e: {  	v49 =	vld.idx.msk [tilespmem:v33+s30+$0x0], $0xffff;
	[tilespmem:$0x1FF00] =	vst v0  }
0x7f: {  	v35 =	vor.u32 $0x80, v21;
	v0 =	vld.idx.msk [tilespmem:v57+s30+$0x0], $0xffff  }
0x80: {  	v59 =	vor.u32 $0x100, v26;
	_ =	sdelay $0x3  }
0x81: {  	v63 =	vld.idx.msk [tilespmem:v35+s30+$0x0], $0xffff;
	[tilespmem:$0x1FF10] =	vst v0  }
0x82: {  	v58 =	vor.u32 $0x100, v39;
	v0 =	vld.idx.msk [tilespmem:v59+s30+$0x0], $0xffff  }
0x83: {  	v17 =	vor.u32 $0x100, v29;
	_ =	sdelay $0x3  }
0x84: {  	v55 =	vld.idx.msk [tilespmem:v58+s30+$0x0], $0xffff;
	[tilespmem:$0x1FF20] =	vst v0  }
0x85: {  	v16 =	vor.u32 $0x100, v25;
	v0 =	vld.idx.msk [tilespmem:v17+s30+$0x0], $0xffff  }
0x86: {  	v37 =	vor.u32 $0x100, v40;
	_ =	sdelay $0x3  }
0x87: {  	v56 =	vld.idx.msk [tilespmem:v16+s30+$0x0], $0xffff;
	[tilespmem:$0x1FF30] =	vst v0  }
0x88: {  	v36 =	vor.u32 $0x100, v38;
	v0 =	vld.idx.msk [tilespmem:v37+s30+$0x0], $0xffff  }
0x89: {  	v60 =	vor.u32 $0x100, v30;
	_ =	sdelay $0x3  }
0x8a: {  	v57 =	vld.idx.msk [tilespmem:v36+s30+$0x0], $0xffff;
	[tilespmem:$0x1FF40] =	vst v0  }
0x8b: {  	v53 =	vor.u32 $0x100, v41;
	v0 =	vld.idx.msk [tilespmem:v60+s30+$0x0], $0xffff  }
0x8c: {  	v16 =	vor.u32 $0x100, v43;
	_ =	sdelay $0x3  }
0x8d: {  	v58 =	vld.idx.msk [tilespmem:v53+s30+$0x0], $0xffff;
	[tilespmem:$0x1FF50] =	vst v0  }
0x8e: {  	v61 =	vor.u32 $0x100, v42;
	v0 =	vld.idx.msk [tilespmem:v16+s30+$0x0], $0xffff  }
0x8f: {  	v36 =	vor.u32 $0x100, v20;
	_ =	sdelay $0x3  }
0x90: {  	v59 =	vld.idx.msk [tilespmem:v61+s30+$0x0], $0xffff;
	[tilespmem:$0x1FF60] =	vst v0  }
0x91: {  	v17 =	vor.u32 $0x100, v18;
	v0 =	vld.idx.msk [tilespmem:v36+s30+$0x0], $0xffff  }
0x92: {  	v53 =	vor.u32 $0x180, v19;
	_ =	sdelay $0x3  }
0x93: {  	v60 =	vld.idx.msk [tilespmem:v17+s30+$0x0], $0xffff;
	[tilespmem:$0x1FF70] =	vst v0  }
0x94: {  	v37 =	vor.u32 $0x100, v21;
	v0 =	vld.idx.msk [tilespmem:v53+s30+$0x0], $0xffff  }
0x95: {  	v16 =	vor.u32 $0x180, v26;
	_ =	sdelay $0x3  }
0x96: {  	v61 =	vld.idx.msk [tilespmem:v37+s30+$0x0], $0xffff;
	[tilespmem:$0x1FF80] =	vst v0  }
0x97: {  	v54 =	vor.u32 $0x180, v39;
	v0 =	vld.idx.msk [tilespmem:v16+s30+$0x0], $0xffff  }
0x98: {  	v17 =	vor.u32 $0x180, v25;
	_ =	sdelay $0x3  }
0x99: {  	v32 =	vld.idx.msk [tilespmem:v54+s30+$0x0], $0xffff;
	[tilespmem:$0x1FF90] =	vst v0  }
0x9a: {  	v0 =	vld.idx.msk [tilespmem:v17+s30+$0x0], $0xffff  }
0x9b: {  	v52 =	vor.u32 $0x180, v29;
	_ =	sdelay $0x3  }
0x9c: {  	[tilespmem:$0x1FFA0] =	vst v0  }
0x9d: {  	v0 =	vld.idx.msk [tilespmem:v52+s30+$0x0], $0xffff  }
0x9e: {  	v36 =	vor.u32 $0x180, v38;
	_ =	sdelay $0x3  }
0x9f: {  	[tilespmem:$0x1FFB0] =	vst v0  }
0xa0: {  	v0 =	vld.idx.msk [tilespmem:v36+s30+$0x0], $0xffff  }
0xa1: {  	v53 =	vor.u32 $0x180, v40;
	_ =	sdelay $0x3  }
0xa2: {  	[tilespmem:$0x1FFC0] =	vst v0  }
0xa3: {  	v0 =	vld.idx.msk [tilespmem:v53+s30+$0x0], $0xffff  }
0xa4: {  	v54 =	vor.u32 $0x180, v41  }
0xa5: {  	v31 =	vor.u32 $0x180, v43  }
0xa6: {  	v1 =	vor.u32 $0x180, v21  }
0xa7: {  	v27 =	vor.u32 $0x200, v19  }
0xa8: {  	[tilespmem:$0x1FFD0] =	vst v0  }
0xa9: {  	v16 =	vor.u32 $0x180, v30;
	v33 =	vld.idx.msk [tilespmem:v54+s30+$0x0], $0xffff  }
0xaa: {  	v17 =	vor.u32 $0x180, v42;
	v35 =	vld.idx.msk [tilespmem:v31+s30+$0x0], $0xffff  }
0xab: {  	v37 =	vor.u32 $0x180, v18;
	v31 =	vld.idx.msk [tilespmem:v1+s30+$0x0], $0xffff  }
0xac: {  	v54 =	vor.u32 $0x180, v20;
	v1 =	vld.idx.msk [tilespmem:v27+s30+$0x0], $0xffff  }
0xad: {  	v0 =	vor.u32 $0x200, v39  }
0xae: {  	v34 =	vld.idx.msk [tilespmem:v16+s30+$0x0], $0xffff  }
0xaf: {  	v52 =	vld.idx.msk [tilespmem:v17+s30+$0x0], $0xffff  }
0xb0: {  	v53 =	vld.idx.msk [tilespmem:v37+s30+$0x0], $0xffff  }
0xb1: {  	v36 =	vld.idx.msk [tilespmem:v54+s30+$0x0], $0xffff;
	[tilespmem:$0x1FFE0] =	vst v1  }
0xb2: {  	v27 =	vld.idx.msk [tilespmem:v0+s30+$0x0], $0xffff  }
0xb3: {  	v16 =	vor.u32 $0x200, v26;
	v0 =	vld [tilespmem:$0x1FE30];
	_ =	sdelay $0x4  }
0xb4: {  	v28 =	vmul.f32 v28, v0;
	v0 =	vld.idx.msk [tilespmem:v16+s30+$0x0], $0xffff;
	_ =	sdelay $0x3  }
0xb5: {  	v1 =	vld [tilespmem:$0x1FE50]  }
0xb6: {  	[tilespmem:$0x1FFF0] =	vst v0;
	v0 =	vld [tilespmem:$0x1FE40];
	_ =	sdelay $0x4  }
0xb7: {  	v54 =	vmul.f32 v1, v0;
	v0 =	vld [tilespmem:$0x1FE60]  }
0xb8: {  	v1 =	vld [tilespmem:$0x1FE70];
	_ =	sdelay $0x2  }
0xb9: {  	v28 =	vadd.f32 $0.0e+00, v28  }
0xba: {  	v17 =	vor.u32 $0x200, v25  }
0xbb: {  	v28 =	vadd.f32 v54, v28;
	v54 =	vmul.f32 v1, v0;
	v0 =	vld [tilespmem:$0x1FE80]  }
0xbc: {  	v1 =	vld [tilespmem:$0x1FE90]  }
0xbd: {  	v2 =	vld [tilespmem:$0x1FED0]  }
0xbe: {  	v3 =	vld [tilespmem:$0x1FEE0]  }
0xbf: {  	v37 =	vld.idx.msk [tilespmem:v17+s30+$0x0], $0xffff  }
0xc0: {  	v16 =	vld.idx.msk [tilespmem:v26+s30+$0x0], $0xffff  }
0xc1: {  	v28 =	vadd.f32 v54, v28;
	v54 =	vmul.f32 v1, v0;
	v0 =	vld [tilespmem:$0x1FEA0]  }
0xc2: {  	v14 =	vld.idx.msk [tilespmem:v25+s30+$0x0], $0xffff  }
0xc3: {  	v15 =	vld.idx.msk [tilespmem:v29+s30+$0x0], $0xffff  }
0xc4: {  	v13 =	vld.idx.msk [tilespmem:v40+s30+$0x0], $0xffff  }
0xc5: {  	v11 =	vld.idx.msk [tilespmem:v41+s30+$0x0], $0xffff  }
0xc6: {  	v28 =	vadd.f32 v54, v28;
	v54 =	vmul.f32 v10, v0;
	v0 =	vld [tilespmem:$0x1FEB0]  }
0xc7: {  	v12 =	vld.idx.msk [tilespmem:v38+s30+$0x0], $0xffff  }
0xc8: {  	v1 =	vld [tilespmem:$0x1FEC0]  }
0xc9: {  	v8 =	vld.idx.msk [tilespmem:v42+s30+$0x0], $0xffff  }
0xca: {  	v11 =	vmul.f32 v11, v13;
	v13 =	vld [tilespmem:$0x1FEF0]  }
0xcb: {  	v10 =	vld.idx.msk [tilespmem:v30+s30+$0x0], $0xffff;
	v28 =	vadd.f32 v54, v28;
	v54 =	vmul.f32 v0, v4  }
0xcc: {  	v44 =	vmul.f32 v44, v3;
	v9 =	vld.idx.msk [tilespmem:v43+s30+$0x0], $0xffff  }
0xcd: {  	v3 =	vor.u32 $0x200, v41;
	v6 =	vld.idx.msk [tilespmem:v18+s30+$0x0], $0xffff;
	v28 =	vadd.f32 v54, v28;
	v54 =	vmul.f32 v2, v1  }
0xce: {  	v5 =	vor.u32 $0x200, v30;
	v4 =	vld.idx.msk [tilespmem:v21+s30+$0x0], $0xffff  }
0xcf: {  	v13 =	vmul.f32 v13, v62;
	v62 =	vor.u32 $0x280, v26;
	v28 =	vadd.f32 v54, v28;
	v54 =	vld.idx.msk [tilespmem:v20+s30+$0x0], $0xffff  }
0xd0: {  	v46 =	vmul.f32 v46, v47;
	v17 =	vld.idx.msk [tilespmem:v39+s30+$0x0], $0xffff;
	v8 =	vmul.f32 v8, v10  }
0xd1: {  	v23 =	vmul.f32 v23, v24;
	v47 =	vor.u32 $0x280, v38;
	v7 =	vld.idx.msk [tilespmem:v19+s30+$0x0], $0xffff;
	v14 =	vmul.f32 v14, v16  }
0xd2: {  	v24 =	vor.u32 $0x280, v41;
	v3 =	vld.idx.msk [tilespmem:v3+s30+$0x0], $0xffff;
	v12 =	vmul.f32 v12, v15;
	v8 =	vadd.f32 $0.0e+00, v8  }
0xd3: {  	v5 =	vld.idx.msk [tilespmem:v5+s30+$0x0], $0xffff;
	v15 =	vor.u32 $0x200, v43;
	v6 =	vmul.f32 v6, v9;
	v14 =	vadd.f32 $0.0e+00, v14  }
0xd4: {  	v8 =	vadd.f32 v23, v8;
	v23 =	vld.idx.msk [tilespmem:v62+s30+$0x0], $0xffff;
	v4 =	vmul.f32 v4, v54;
	v54 =	vmul.f32 v48, v51  }
0xd5: {  	v9 =	vor.u32 $0x200, v20;
	v62 =	vld [tilespmem:$0x1FF00]  }
0xd6: {  	v47 =	vld.idx.msk [tilespmem:v47+s30+$0x0], $0xffff;
	v6 =	vadd.f32 $0.0e+00, v6;
	v14 =	vadd.f32 v54, v14;
	v54 =	vmul.f32 v49, v50  }
0xd7: {  	v24 =	vld.idx.msk [tilespmem:v24+s30+$0x0], $0xffff;
	v7 =	vmul.f32 v17, v7;
	v16 =	vor.u32 $0x200, v21  }
0xd8: {  	v6 =	vadd.f32 v54, v6;
	v54 =	vld [tilespmem:$0x1FF10]  }
0xd9: {  	v17 =	vor.u32 $0x280, v29;
	v7 =	vadd.f32 $0.0e+00, v7;
	v15 =	vld.idx.msk [tilespmem:v15+s30+$0x0], $0xffff  }
0xda: {  	v22 =	vmul.f32 v22, v45;
	v49 =	vmul.f32 v63, v62;
	v62 =	vld [tilespmem:$0x1FF30]  }
0xdb: {  	v11 =	vadd.f32 $0.0e+00, v11;
	v9 =	vld.idx.msk [tilespmem:v9+s30+$0x0], $0xffff;
	v7 =	vadd.f32 v13, v7;
	v13 =	vor.u32 $0x280, v25  }
0xdc: {  	v16 =	vld.idx.msk [tilespmem:v16+s30+$0x0], $0xffff;
	v0 =	vor.u32 $0x200, v29  }
0xdd: {  	v11 =	vadd.f32 v22, v11;
	v2 =	vor.u32 $0x200, v40;
	v22 =	vmul.f32 v55, v54;
	v55 =	vld [tilespmem:$0x1FF20]  }
0xde: {  	v17 =	vld.idx.msk [tilespmem:v17+s30+$0x0], $0xffff;
	v10 =	vor.u32 $0x200, v18  }
0xdf: {  	v7 =	vadd.f32 v22, v7;
	v22 =	vmul.f32 v57, v62;
	v57 =	vld [tilespmem:$0x1FF40]  }
0xe0: {  	v13 =	vld.idx.msk [tilespmem:v13+s30+$0x0], $0xffff;
	v1 =	vor.u32 $0x200, v38;
	v4 =	vadd.f32 $0.0e+00, v4  }
0xe1: {  	v0 =	vld.idx.msk [tilespmem:v0+s30+$0x0], $0xffff;
	v28 =	vadd.f32 v44, v28;
	v44 =	vor.u32 $0x200, v42  }
0xe2: {  	v2 =	vld.idx.msk [tilespmem:v2+s30+$0x0], $0xffff;
	v48 =	vor.u32 $0x280, v19;
	v4 =	vadd.f32 v49, v4;
	v49 =	vmul.f32 v56, v55  }
0xe3: {  	v10 =	vld.idx.msk [tilespmem:v10+s30+$0x0], $0xffff;
	v51 =	vor.u32 $0x280, v39  }
0xe4: {  	v14 =	vadd.f32 v49, v14;
	v49 =	vmul.f32 v58, v57;
	v58 =	vld [tilespmem:$0x1FF50]  }
0xe5: {  	v12 =	vadd.f32 $0.0e+00, v12;
	v1 =	vld.idx.msk [tilespmem:v1+s30+$0x0], $0xffff  }
0xe6: {  	v44 =	vld.idx.msk [tilespmem:v44+s30+$0x0], $0xffff;
	v50 =	vor.u32 $0x280, v30  }
0xe7: {  	v12 =	vadd.f32 v46, v12;
	v2 =	vmul.f32 v3, v2;
	v3 =	vor.u32 $0x300, v20;
	v46 =	vld.idx.msk [tilespmem:v48+s30+$0x0], $0xffff  }
0xe8: {  	v45 =	vld.idx.msk [tilespmem:v51+s30+$0x0], $0xffff;
	v48 =	vor.u32 $0x280, v40  }
0xe9: {  	v12 =	vadd.f32 v22, v12;
	v22 =	vmul.f32 v59, v58;
	v59 =	vld [tilespmem:$0x1FF60]  }
0xea: {  	v51 =	vor.u32 $0x280, v42;
	v62 =	vld [tilespmem:$0x1FF80]  }
0xeb: {  	v50 =	vld.idx.msk [tilespmem:v50+s30+$0x0], $0xffff;
	v54 =	vor.u32 $0x280, v43  }
0xec: {  	v3 =	vld.idx.msk [tilespmem:v3+s30+$0x0], $0xffff  }
0xed: {  	v48 =	vld.idx.msk [tilespmem:v48+s30+$0x0], $0xffff;
	v56 =	vor.u32 $0x280, v20  }
0xee: {  	v11 =	vadd.f32 v49, v11;
	v49 =	vmul.f32 v60, v59;
	v60 =	vld [tilespmem:$0x1FF70]  }
0xef: {  	v51 =	vld.idx.msk [tilespmem:v51+s30+$0x0], $0xffff;
	v32 =	vmul.f32 v32, v62  }
0xf0: {  	v54 =	vld.idx.msk [tilespmem:v54+s30+$0x0], $0xffff  }
0xf1: {  	v63 =	vor.u32 $0x280, v18;
	v7 =	vadd.f32 v32, v7;
	v32 =	vld [tilespmem:$0x1FFB0]  }
0xf2: {  	v56 =	vld.idx.msk [tilespmem:v56+s30+$0x0], $0xffff  }
0xf3: {  	v55 =	vor.u32 $0x300, v26;
	v8 =	vadd.f32 v22, v8;
	v22 =	vmul.f32 v61, v60;
	v60 =	vld [tilespmem:$0x1FFA0]  }
0xf4: {  	v61 =	vld [tilespmem:$0x1FFC0]  }
0xf5: {  	v57 =	vor.u32 $0x280, v21;
	v4 =	vadd.f32 v22, v4;
	v22 =	vld [tilespmem:$0x1FF90]  }
0xf6: {  	v62 =	vmul.f32 v53, v35;
	v58 =	vor.u32 $0x300, v19;
	v6 =	vadd.f32 v49, v6;
	v49 =	vld.idx.msk [tilespmem:v63+s30+$0x0], $0xffff  }
0xf7: {  	v0 =	vmul.f32 v1, v0;
	v1 =	vor.u32 $0x300, v18;
	v63 =	vld [tilespmem:$0x1FFD0]  }
0xf8: {  	v10 =	vmul.f32 v10, v15;
	v53 =	vld.idx.msk [tilespmem:v55+s30+$0x0], $0xffff;
	v59 =	vor.u32 $0x300, v39;
	v6 =	vadd.f32 v62, v6  }
0xf9: {  	v55 =	vld [tilespmem:$0x1FFE0];
	v32 =	vmul.f32 v61, v32;
	v61 =	vor.u32 $0x300, v29  }
0xfa: {  	v57 =	vld.idx.msk [tilespmem:v57+s30+$0x0], $0xffff;
	v6 =	vadd.f32 v10, v6;
	v22 =	vmul.f32 v60, v22;
	v60 =	vor.u32 $0x300, v25  }
0xfb: {  	v58 =	vld.idx.msk [tilespmem:v58+s30+$0x0], $0xffff;
	v10 =	vmul.f32 v45, v46;
	v12 =	vadd.f32 v32, v12;
	v32 =	vmul.f32 v52, v34  }
0xfc: {  	v46 =	vld.idx.msk [tilespmem:v1+s30+$0x0], $0xffff;
	v34 =	vor.u32 $0x300, v40;
	v14 =	vadd.f32 v22, v14;
	v22 =	vmul.f32 v33, v63  }
0xfd: {  	v31 =	vmul.f32 v31, v36;
	v52 =	vld.idx.msk [tilespmem:v59+s30+$0x0], $0xffff;
	v59 =	vor.u32 $0x300, v42  }
0xfe: {  	v45 =	vor.u32 $0x380, v26;
	v11 =	vadd.f32 v22, v11;
	v22 =	vmul.f32 v27, v55;
	v55 =	vld.idx.msk [tilespmem:v61+s30+$0x0], $0xffff  }
0xff: {  	v5 =	vmul.f32 v44, v5;
	v33 =	vor.u32 $0x300, v38;
	v36 =	vld.idx.msk [tilespmem:v60+s30+$0x0], $0xffff  }
0x100: {  	v4 =	vadd.f32 v31, v4;
	v63 =	vor.u32 $0x300, v41;
	v8 =	vadd.f32 v32, v8;
	v60 =	vld [tilespmem:$0x1FFF0]  }
0x101: {  	v32 =	vor.u32 $0x300, v30;
	v0 =	vadd.f32 v0, v12;
	v12 =	vor.u32 $0x300, v21;
	v62 =	vld.idx.msk [tilespmem:v34+s30+$0x0], $0xffff  }
0x102: {  	v61 =	vor.u32 $0x300, v43;
	v5 =	vadd.f32 v5, v8;
	v15 =	vld.idx.msk [tilespmem:v59+s30+$0x0], $0xffff;
	v7 =	vadd.f32 v22, v7  }
0x103: {  	v8 =	vmul.f32 v16, v9;
	v2 =	vadd.f32 v2, v11;
	v11 =	vor.u32 $0x380, v19;
	v19 =	vld.idx.msk [tilespmem:v45+s30+$0x0], $0xffff  }
0x104: {  	v9 =	vor.u32 $0x380, v39;
	v33 =	vld.idx.msk [tilespmem:v33+s30+$0x0], $0xffff;
	v7 =	vadd.f32 v10, v7;
	v10 =	vmul.f32 v47, v17  }
0x105: {  	v20 =	vor.u32 $0x380, v20;
	v1 =	vadd.f32 v8, v4;
	v63 =	vld.idx.msk [tilespmem:v63+s30+$0x0], $0xffff;
	v31 =	vmul.f32 v37, v60  }
0x106: {  	v8 =	vor.u32 $0x380, v25;
	v32 =	vld.idx.msk [tilespmem:v32+s30+$0x0], $0xffff;
	v0 =	vadd.f32 v10, v0;
	v10 =	vmul.f32 v51, v50  }
0x107: {  	v4 =	vmul.f32 v13, v23;
	v13 =	vor.u32 $0x380, v29;
	v12 =	vld.idx.msk [tilespmem:v12+s30+$0x0], $0xffff;
	v14 =	vadd.f32 v31, v14  }
0x108: {  	v44 =	vld.idx.msk [tilespmem:v61+s30+$0x0], $0xffff;
	v51 =	vor.u32 $0x380, v40;
	v10 =	vadd.f32 v10, v5;
	v5 =	vmul.f32 v57, v56  }
0x109: {  	v9 =	vld.idx.msk [tilespmem:v9+s30+$0x0], $0xffff;
	v4 =	vadd.f32 v4, v14;
	v14 =	vmul.f32 v24, v48;
	v48 =	vor.u32 $0x380, v38  }
0x10a: {  	v60 =	vor.u32 $0x380, v43;
	v11 =	vld.idx.msk [tilespmem:v11+s30+$0x0], $0xffff;
	v59 =	vadd.f32 v5, v1;
	v1 =	vmul.f32 v36, v53  }
0x10b: {  	v8 =	vld.idx.msk [tilespmem:v8+s30+$0x0], $0xffff;
	v2 =	vadd.f32 v14, v2;
	v14 =	vmul.f32 v49, v54;
	v54 =	vor.u32 $0x380, v41  }
0x10c: {  	v21 =	vor.u32 $0x380, v21;
	v13 =	vld.idx.msk [tilespmem:v13+s30+$0x0], $0xffff;
	v57 =	vor.u32 $0x380, v30;
	v5 =	vmul.f32 v33, v55  }
0x10d: {  	v22 =	vmul.f32 v63, v62;
	v12 =	vmul.f32 v12, v3;
	v61 =	vld.idx.msk [tilespmem:v51+s30+$0x0], $0xffff;
	v4 =	vadd.f32 v1, v4  }
0x10e: {  	v63 =	vadd.f32 v5, v0;
	v6 =	vadd.f32 v14, v6;
	v14 =	vmul.f32 v52, v58;
	v17 =	vld.idx.msk [tilespmem:v48+s30+$0x0], $0xffff  }
0x10f: {  	v3 =	vld.idx.msk [tilespmem:v60+s30+$0x0], $0xffff;
	v0 =	vmul.f32 v9, v11;
	v9 =	vmul.f32 v15, v32;
	v58 =	vor.u32 $0x380, v42  }
0x110: {  	v8 =	vmul.f32 v8, v19;
	v7 =	vadd.f32 v14, v7;
	v14 =	vor.u32 $0x380, v18;
	v62 =	vld.idx.msk [tilespmem:v54+s30+$0x0], $0xffff  }
0x111: {  	s0 =	simm.s32 $0x17C40;
	v11 =	vmul.f32 v46, v44;
	v1 =	vld.idx.msk [tilespmem:v57+s30+$0x0], $0xffff  }
0x112: {  	[tilespmem:s0+$0x30] =	vst v28;
	v9 =	vadd.f32 v9, v10;
	v8 =	vadd.f32 v8, v4;
	v4 =	vld.idx.msk [tilespmem:v20+s30+$0x0], $0xffff  }
0x113: {  	v15 =	vadd.f32 v0, v7;
	v0 =	vadd.f32 v11, v6;
	v6 =	vld.idx.msk [tilespmem:v21+s30+$0x0], $0xffff;
	v10 =	vmul.f32 v17, v13  }
0x114: {  	v12 =	vadd.f32 v12, v59;
	v2 =	vadd.f32 v22, v2;
	[tilespmem:s0+$0xFFFFFFD0] =	vst v8;
	v5 =	vld.idx.msk [tilespmem:v58+s30+$0x0], $0xffff  }
0x115: {  	s13 =	simm.s32 $0x0;
	s1 =	simm.s32 $0x17C40;
	s14 =	simm.s32 $0x13CC0;
	[tilespmem:s0+$0xFFFFFFC0] =	vst v15;
	v7 =	vld.idx.msk [tilespmem:v14+s30+$0x0], $0xffff;
	v10 =	vadd.f32 v10, v63;
	v11 =	vmul.f32 v62, v61  }
.LBB2_4:
0x116: {  	v8 =	vld [tilespmem:s14+$0x30]  }
0x117: {  	s31 =	sadd.s32 $0x80, s31;
	v59 =	vld [tilespmem:s14+$0xFFFFFFC0]  }
0x118: {  	[tilespmem:$0x1FD50] =	vst v12;
	v12 =	vld [tilespmem:s31+$0x30];
	v2 =	vadd.f32 v11, v2  }
0x119: {  	[tilespmem:s0+$0xFFFFFFE0] =	vst v10;
	v10 =	vld [tilespmem:s14+$0xFFFFFFD0];
	v1 =	vmul.f32 v5, v1  }
0x11a: {  	[tilespmem:s0+$0xFFFFFFF0] =	vst v2;
	v5 =	vld [tilespmem:s31+$0xFFFFFFC0];
	v2 =	vmul.f32 v7, v3  }
0x11b: {  	v3 =	vld [tilespmem:s31+$0xFFFFFFD0];
	v1 =	vadd.f32 v1, v9  }
0x11c: {  	v7 =	vld [tilespmem:s14+$0xFFFFFFE0];
	v9 =	vshll.u32 v8, $0x3;
	v0 =	vadd.f32 v2, v0;
	v2 =	vand.u32 $0x7F, v8  }
0x11d: {  	v11 =	vld [tilespmem:s31+$0xFFFFFFF0];
	[tilespmem:s0+$0x0] =	vst v1;
	v1 =	vmul.f32 v6, v4;
	v4 =	vand.u32 $0xFFFFFC00, v9;
	v6 =	vshll.u32 v12, $0x3  }
0x11e: {  	v8 =	vld [tilespmem:s14+$0xFFFFFFF0];
	v2 =	vor.u32 v2, v4;
	v4 =	vand.u32 $0x7F, v12;
	v6 =	vand.u32 $0xFFFFFC00, v6  }
0x11f: {  	v12 =	vld [tilespmem:s14+$0x0];
	v4 =	vor.u32 v4, v6  }
0x120: {  	[tilespmem:s0+$0x10] =	vst v0;
	v15 =	vld [tilespmem:s31+$0x0];
	v13 =	vor.u32 $0x80, v2  }
0x121: {  	v18 =	vld [tilespmem:s14+$0x10];
	v19 =	vor.u32 $0x100, v2  }
0x122: {  	[tilespmem:$0x1FD60] =	vst v1;
	v1 =	vld [tilespmem:s31+$0xFFFFFFE0];
	v25 =	vor.u32 $0x180, v2  }
0x123: {  	v29 =	vor.u32 $0x200, v2;
	v21 =	vld.idx.msk [tilespmem:v2+s30+$0x0], $0xffff  }
0x124: {  	v9 =	vshll.u32 v10, $0x3;
	v10 =	vand.u32 $0x7F, v10;
	v32 =	vor.u32 $0x280, v2;
	v24 =	vld.idx.msk [tilespmem:v4+s30+$0x0], $0xffff  }
0x125: {  	v0 =	vshll.u32 v5, $0x3;
	v9 =	vand.u32 $0xFFFFFC00, v9;
	v51 =	vor.u32 $0x300, v2;
	v13 =	vld.idx.msk [tilespmem:v13+s30+$0x0], $0xffff  }
0x126: {  	v14 =	vshll.u32 v7, $0x3;
	v23 =	vshll.u32 v11, $0x3;
	v16 =	vor.u32 $0x80, v4;
	v19 =	vld.idx.msk [tilespmem:v19+s30+$0x0], $0xffff  }
0x127: {  	v5 =	vand.u32 $0x7F, v5;
	v7 =	vand.u32 $0x7F, v7;
	v22 =	vor.u32 $0x100, v4;
	v25 =	vld.idx.msk [tilespmem:v25+s30+$0x0], $0xffff  }
0x128: {  	v35 =	vand.u32 $0x7F, v11;
	v0 =	vand.u32 $0xFFFFFC00, v0;
	v27 =	vor.u32 $0x180, v4;
	v29 =	vld.idx.msk [tilespmem:v29+s30+$0x0], $0xffff  }
0x129: {  	v6 =	vshll.u32 v3, $0x3;
	v14 =	vand.u32 $0xFFFFFC00, v14;
	v31 =	vor.u32 $0x200, v4;
	v32 =	vld.idx.msk [tilespmem:v32+s30+$0x0], $0xffff  }
0x12a: {  	v23 =	vand.u32 $0xFFFFFC00, v23;
	v3 =	vand.u32 $0x7F, v3;
	v33 =	vor.u32 $0x280, v4;
	v55 =	vld.idx.msk [tilespmem:v51+s30+$0x0], $0xffff  }
0x12b: {  	v53 =	vor.u32 $0x380, v2;
	v9 =	vor.u32 v10, v9;
	v34 =	vor.u32 $0x300, v4;
	v16 =	vld.idx.msk [tilespmem:v16+s30+$0x0], $0xffff  }
0x12c: {  	v26 =	vshll.u32 v12, $0x3;
	v28 =	vshll.u32 v15, $0x3;
	v30 =	vshll.u32 v18, $0x3;
	v22 =	vld.idx.msk [tilespmem:v22+s30+$0x0], $0xffff  }
0x12d: {  	v12 =	vand.u32 $0x7F, v12;
	v17 =	vshll.u32 v1, $0x3;
	v26 =	vand.u32 $0xFFFFFC00, v26;
	v50 =	vld.idx.msk [tilespmem:v27+s30+$0x0], $0xffff  }
0x12e: {  	v36 =	vand.u32 $0xFFFFFC00, v28;
	v37 =	vand.u32 $0xFFFFFC00, v30;
	v4 =	vor.u32 $0x380, v4;
	v52 =	vld.idx.msk [tilespmem:v31+s30+$0x0], $0xffff  }
0x12f: {  	v1 =	vand.u32 $0x7F, v1;
	v30 =	vor.u32 v5, v0;
	v54 =	vld.idx.msk [tilespmem:v33+s30+$0x0], $0xffff;
	v21 =	vmul.f32 v24, v21  }
0x130: {  	v17 =	vand.u32 $0xFFFFFC00, v17;
	v28 =	vor.u32 v12, v26;
	v12 =	vld [tilespmem:s14+$0x20];
	v58 =	vor.u32 $0x80, v30  }
0x131: {  	v56 =	vld.idx.msk [tilespmem:v34+s30+$0x0], $0xffff;
	v45 =	vor.u32 $0x100, v30;
	v13 =	vmul.f32 v16, v13;
	v21 =	vadd.f32 $0.0e+00, v21  }
0x132: {  	v6 =	vand.u32 $0xFFFFFC00, v6;
	v20 =	vshll.u32 v8, $0x3;
	v27 =	vor.u32 v1, v17;
	v1 =	vld.idx.msk [tilespmem:v53+s30+$0x0], $0xffff  }
0x133: {  	v8 =	vand.u32 $0x7F, v8;
	v57 =	vld.idx.msk [tilespmem:v4+s30+$0x0], $0xffff;
	v11 =	vadd.f32 v13, v21;
	v13 =	vmul.f32 v22, v19  }
0x134: {  	v20 =	vand.u32 $0xFFFFFC00, v20;
	v0 =	vand.u32 $0x7F, v15;
	v15 =	vand.u32 $0x7F, v18;
	v18 =	vld.idx.msk [tilespmem:v30+s30+$0x0], $0xffff  }
0x135: {  	v61 =	vshll.u32 v12, $0x3;
	v44 =	vld.idx.msk [tilespmem:v58+s30+$0x0], $0xffff;
	v10 =	vadd.f32 v13, v11;
	v13 =	vmul.f32 v50, v25  }
0x136: {  	v12 =	vand.u32 $0x7F, v12;
	v45 =	vld.idx.msk [tilespmem:v45+s30+$0x0], $0xffff;
	v19 =	vor.u32 $0x80, v9;
	v11 =	vor.u32 v3, v6  }
0x137: {  	v2 =	vld.idx.msk [tilespmem:v27+s30+$0x0], $0xffff;
	v25 =	vor.u32 v7, v14;
	v14 =	vmul.f32 v52, v29;
	v13 =	vadd.f32 v13, v10  }
0x138: {  	v22 =	vshll.u32 v59, $0x3;
	v7 =	vor.u32 v8, v20;
	v29 =	vor.u32 v0, v36;
	v0 =	vld [tilespmem:s31+$0x10]  }
0x139: {  	v8 =	vor.u32 v15, v37;
	v15 =	vld [tilespmem:s31+$0x20];
	v13 =	vadd.f32 v14, v13;
	v14 =	vmul.f32 v54, v32  }
0x13a: {  	v1 =	vmul.f32 v57, v1;
	v22 =	vand.u32 $0xFFFFFC00, v22;
	v3 =	vld.idx.msk [tilespmem:v9+s30+$0x0], $0xffff;
	v20 =	vor.u32 $0x80, v11  }
0x13b: {  	v26 =	vor.u32 $0x80, v25;
	v16 =	vld.idx.msk [tilespmem:v11+s30+$0x0], $0xffff;
	v13 =	vadd.f32 v14, v13;
	v14 =	vmul.f32 v56, v55  }
0x13c: {  	v36 =	vor.u32 $0x80, v8;
	v10 =	vor.u32 v35, v23;
	v23 =	vand.u32 $0xFFFFFC00, v61;
	v4 =	vld.idx.msk [tilespmem:v25+s30+$0x0], $0xffff  }
0x13d: {  	v12 =	vor.u32 v12, v23;
	v60 =	vshll.u32 v0, $0x3;
	v31 =	vld.idx.msk [tilespmem:v7+s30+$0x0], $0xffff;
	v13 =	vadd.f32 v14, v13  }
0x13e: {  	v0 =	vand.u32 $0x7F, v0;
	v62 =	vshll.u32 v15, $0x3;
	v63 =	vand.u32 $0x7F, v15;
	v32 =	vld.idx.msk [tilespmem:v29+s30+$0x0], $0xffff  }
0x13f: {  	v37 =	vld.idx.msk [tilespmem:v8+s30+$0x0], $0xffff;
	v14 =	vand.u32 $0xFFFFFC00, v60;
	v1 =	vadd.f32 v1, v13;
	v13 =	vand.u32 $0x7F, v59  }
0x140: {  	v24 =	vand.u32 $0xFFFFFC00, v62;
	v20 =	vld.idx.msk [tilespmem:v20+s30+$0x0], $0xffff;
	v15 =	vor.u32 v13, v22;
	v13 =	vor.u32 v0, v14  }
0x141: {  	v36 =	vld.idx.msk [tilespmem:v36+s30+$0x0], $0xffff;
	v14 =	vor.u32 v63, v24  }
0x142: {  	v50 =	vld.idx.msk [tilespmem:v12+s30+$0x0], $0xffff  }
0x143: {  	v60 =	vld.idx.msk [tilespmem:v19+s30+$0x0], $0xffff;
	v0 =	vor.u32 $0x80, v15  }
0x144: {  	v6 =	vor.u32 $0x80, v7;
	v63 =	vld.idx.msk [tilespmem:v26+s30+$0x0], $0xffff  }
0x145: {  	v21 =	vor.u32 $0x80, v27;
	v46 =	vld.idx.msk [tilespmem:v13+s30+$0x0], $0xffff  }
0x146: {  	s0 =	sadd.s32 $0x80, s0;
	v5 =	vor.u32 $0x80, v10;
	v55 =	vld.idx.msk [tilespmem:v14+s30+$0x0], $0xffff  }
0x147: {  	v53 =	vmul.f32 v2, v4;
	[tilespmem:s0+$0x30] =	vst v1;
	v1 =	vld.idx.msk [tilespmem:v10+s30+$0x0], $0xffff;
	v2 =	vor.u32 $0x100, v14  }
0x148: {  	[tilespmem:$0x1FCC0] =	vst v2;
	v58 =	vld.idx.msk [tilespmem:v0+s30+$0x0], $0xffff;
	v0 =	vor.u32 $0x180, v9  }
0x149: {  	v23 =	vor.u32 $0x100, v10;
	v2 =	vld.idx.msk [tilespmem:v6+s30+$0x0], $0xffff;
	[tilespmem:$0x1FCD0] =	vst v0;
	v0 =	vor.u32 $0x180, v11  }
0x14a: {  	v38 =	vor.u32 $0x80, v13;
	[tilespmem:$0x1FCE0] =	vst v0;
	v0 =	vor.u32 $0x180, v25;
	v26 =	vmul.f32 v46, v37;
	v46 =	vld.idx.msk [tilespmem:v21+s30+$0x0], $0xffff  }
0x14b: {  	v40 =	vor.u32 $0x100, v15;
	[tilespmem:$0x1FCF0] =	vst v0;
	v0 =	vor.u32 $0x180, v27;
	v21 =	vmul.f32 v55, v50;
	v50 =	vld.idx.msk [tilespmem:v5+s30+$0x0], $0xffff  }
0x14c: {  	v47 =	vor.u32 $0x100, v9;
	v33 =	vor.u32 $0x80, v28;
	v22 =	vld.idx.msk [tilespmem:v28+s30+$0x0], $0xffff;
	[tilespmem:$0x1FD00] =	vst v0;
	v0 =	vor.u32 $0x180, v7  }
0x14d: {  	v35 =	vor.u32 $0x80, v29;
	v56 =	vor.u32 $0x100, v7;
	v24 =	vld.idx.msk [tilespmem:v15+s30+$0x0], $0xffff;
	[tilespmem:$0x1FD10] =	vst v0;
	v0 =	vor.u32 $0x180, v10  }
0x14e: {  	v41 =	vor.u32 $0x80, v12;
	v23 =	vld.idx.msk [tilespmem:v23+s30+$0x0], $0xffff;
	v59 =	vmul.f32 v1, v31;
	[tilespmem:$0x1FD20] =	vst v0;
	v0 =	vor.u32 $0x180, v29  }
0x14f: {  	v51 =	vmul.f32 v16, v3;
	v38 =	vld.idx.msk [tilespmem:v38+s30+$0x0], $0xffff;
	v44 =	vmul.f32 v44, v58;
	[tilespmem:$0x1FD30] =	vst v0;
	v0 =	vor.u32 $0x180, v8  }
0x150: {  	v40 =	vld.idx.msk [tilespmem:v40+s30+$0x0], $0xffff;
	v58 =	vadd.f32 $0.0e+00, v59;
	[tilespmem:$0x1FD40] =	vst v0;
	v0 =	vor.u32 $0x180, v13;
	v2 =	vmul.f32 v50, v2  }
0x151: {  	v43 =	vor.u32 $0x80, v14;
	v32 =	vmul.f32 v32, v22;
	v59 =	vld.idx.msk [tilespmem:v33+s30+$0x0], $0xffff;
	[tilespmem:$0x1FD70] =	vst v0;
	v0 =	vor.u32 $0x180, v12  }
0x152: {  	v62 =	vmul.f32 v18, v24;
	[tilespmem:$0x1FD80] =	vst v0;
	v0 =	vor.u32 $0x180, v14;
	v22 =	vadd.f32 v2, v58;
	v2 =	vld.idx.msk [tilespmem:v56+s30+$0x0], $0xffff  }
0x153: {  	v48 =	vor.u32 $0x100, v11;
	v52 =	vor.u32 $0x100, v25;
	[tilespmem:$0x1FD90] =	vst v0;
	v0 =	vld.idx.msk [tilespmem:v35+s30+$0x0], $0xffff  }
0x154: {  	v17 =	vadd.f32 $0.0e+00, v51;
	v4 =	vmul.f32 v20, v60;
	v16 =	vadd.f32 $0.0e+00, v62  }
0x155: {  	v41 =	vld.idx.msk [tilespmem:v41+s30+$0x0], $0xffff;
	v53 =	vadd.f32 $0.0e+00, v53;
	v36 =	vmul.f32 v38, v36;
	v20 =	vadd.f32 $0.0e+00, v26  }
0x156: {  	v54 =	vor.u32 $0x100, v27;
	v3 =	vld.idx.msk [tilespmem:v43+s30+$0x0], $0xffff;
	v18 =	vadd.f32 v4, v17;
	v16 =	vadd.f32 v44, v16  }
0x157: {  	v17 =	vld.idx.msk [tilespmem:v47+s30+$0x0], $0xffff;
	v38 =	vadd.f32 v36, v20;
	v36 =	vmul.f32 v45, v40;
	v2 =	vmul.f32 v23, v2  }
0x158: {  	v44 =	vld.idx.msk [tilespmem:v48+s30+$0x0], $0xffff;
	v1 =	vmul.f32 v46, v63;
	v59 =	vmul.f32 v0, v59;
	v0 =	vor.u32 $0x200, v12  }
0x159: {  	v20 =	vadd.f32 v36, v16;
	[tilespmem:$0x1FDB0] =	vst v0;
	v0 =	vor.u32 $0x200, v14;
	v16 =	vadd.f32 v2, v22;
	v2 =	vld [tilespmem:$0x1FCD0]  }
0x15a: {  	v42 =	vor.u32 $0x100, v8;
	v19 =	vadd.f32 v1, v53;
	v1 =	vld.idx.msk [tilespmem:v52+s30+$0x0], $0xffff;
	[tilespmem:$0x1FDC0] =	vst v0;
	v0 =	vor.u32 $0x280, v15  }
0x15b: {  	v34 =	vor.u32 $0x100, v28;
	[tilespmem:$0x1FDD0] =	vst v0;
	v0 =	vld.idx.msk [tilespmem:v54+s30+$0x0], $0xffff;
	_ =	sdelay $0x2  }
0x15c: {  	v39 =	vor.u32 $0x100, v29;
	v31 =	vor.u32 $0x180, v30  }
0x15d: {  	v6 =	vld.idx.msk [tilespmem:v42+s30+$0x0], $0xffff;
	v5 =	vor.u32 $0x200, v13;
	v3 =	vmul.f32 v3, v41;
	v21 =	vadd.f32 $0.0e+00, v21  }
0x15e: {  	v37 =	vor.u32 $0x180, v28;
	[tilespmem:$0x1FDA0] =	vst v5;
	v5 =	vld.idx.msk [tilespmem:v34+s30+$0x0], $0xffff;
	v17 =	vmul.f32 v44, v17;
	v0 =	vmul.f32 v0, v1  }
0x15f: {  	v62 =	vor.u32 $0x200, v11;
	v24 =	vadd.f32 v3, v21;
	v22 =	vld.idx.msk [tilespmem:v2+s30+$0x0], $0xffff;
	v2 =	vor.u32 $0x300, v13  }
0x160: {  	v21 =	vadd.f32 v17, v18;
	v18 =	vadd.f32 v0, v19;
	v0 =	vld [tilespmem:$0x1FCC0];
	[tilespmem:$0x1FE10] =	vst v2;
	v2 =	vor.u32 $0x300, v12  }
0x161: {  	v49 =	vor.u32 $0x100, v13;
	v3 =	vor.u32 $0x280, v12;
	[tilespmem:$0x1FE20] =	vst v2;
	v2 =	vld [tilespmem:$0x1FCE0]  }
0x162: {  	v61 =	vor.u32 $0x100, v12;
	v34 =	vld.idx.msk [tilespmem:v39+s30+$0x0], $0xffff;
	[tilespmem:$0x1FDE0] =	vst v3;
	v3 =	vor.u32 $0x300, v15  }
0x163: {  	v37 =	vld.idx.msk [tilespmem:v37+s30+$0x0], $0xffff;
	[tilespmem:$0x1FDF0] =	vst v3;
	v3 =	vor.u32 $0x300, v25  }
0x164: {  	[tilespmem:$0x1FE00] =	vst v3;
	v3 =	vld.idx.msk [tilespmem:v31+s30+$0x0], $0xffff  }
0x165: {  	v46 =	vor.u32 $0x200, v28;
	v62 =	vld.idx.msk [tilespmem:v62+s30+$0x0], $0xffff  }
0x166: {  	v1 =	vld.idx.msk [tilespmem:v49+s30+$0x0], $0xffff  }
0x167: {  	v57 =	vor.u32 $0x180, v15;
	v17 =	vld.idx.msk [tilespmem:v61+s30+$0x0], $0xffff  }
0x168: {  	v0 =	vld.idx.msk [tilespmem:v0+s30+$0x0], $0xffff  }
0x169: {  	v42 =	vor.u32 $0x300, v11;
	v32 =	vadd.f32 $0.0e+00, v32;
	v4 =	vld.idx.msk [tilespmem:v2+s30+$0x0], $0xffff  }
0x16a: {  	v26 =	vor.u32 $0x200, v15;
	v53 =	vor.u32 $0x280, v11;
	v11 =	vor.u32 $0x380, v11;
	v46 =	vld.idx.msk [tilespmem:v46+s30+$0x0], $0xffff  }
0x16b: {  	v63 =	vor.u32 $0x200, v25;
	v15 =	vor.u32 $0x380, v15;
	v1 =	vmul.f32 v1, v6;
	v2 =	vld [tilespmem:$0x1FCF0]  }
0x16c: {  	v32 =	vadd.f32 v59, v32;
	v59 =	vor.u32 $0x280, v25;
	v54 =	vor.u32 $0x280, v27;
	v49 =	vld.idx.msk [tilespmem:v57+s30+$0x0], $0xffff  }
0x16d: {  	v38 =	vadd.f32 v1, v38;
	v1 =	vmul.f32 v0, v17;
	v0 =	vor.u32 $0x380, v25;
	v25 =	vld [tilespmem:$0x1FD10]  }
0x16e: {  	v22 =	vmul.f32 v4, v22;
	v4 =	vld [tilespmem:$0x1FD30]  }
0x16f: {  	v11 =	vld.idx.msk [tilespmem:v11+s30+$0x0], $0xffff  }
0x170: {  	v15 =	vld.idx.msk [tilespmem:v15+s30+$0x0], $0xffff  }
0x171: {  	v49 =	vmul.f32 v3, v49;
	v3 =	vld [tilespmem:$0x1FD20]  }
0x172: {  	v54 =	vld.idx.msk [tilespmem:v54+s30+$0x0], $0xffff;
	v19 =	vor.u32 $0x300, v10  }
0x173: {  	v6 =	vld.idx.msk [tilespmem:v2+s30+$0x0], $0xffff  }
0x174: {  	v51 =	vor.u32 $0x200, v7;
	v60 =	vor.u32 $0x200, v27;
	v45 =	vor.u32 $0x280, v29;
	v2 =	vld [tilespmem:$0x1FD00]  }
0x175: {  	v50 =	vor.u32 $0x200, v29;
	v61 =	vor.u32 $0x300, v27;
	v17 =	vor.u32 $0x380, v27;
	v27 =	vld.idx.msk [tilespmem:v25+s30+$0x0], $0xffff  }
0x176: {  	v5 =	vmul.f32 v34, v5;
	v31 =	vor.u32 $0x300, v29;
	v25 =	vor.u32 $0x380, v29;
	v29 =	vld.idx.msk [tilespmem:v4+s30+$0x0], $0xffff  }
0x177: {  	v43 =	vor.u32 $0x200, v8;
	v40 =	vor.u32 $0x280, v8;
	v34 =	vor.u32 $0x300, v8;
	v19 =	vld.idx.msk [tilespmem:v19+s30+$0x0], $0xffff  }
0x178: {  	v56 =	vor.u32 $0x280, v28;
	v44 =	vor.u32 $0x280, v14;
	v5 =	vadd.f32 v5, v32;
	v4 =	vld [tilespmem:$0x1FD40]  }
0x179: {  	v32 =	vor.u32 $0x300, v14;
	v57 =	vor.u32 $0x300, v28;
	v3 =	vld.idx.msk [tilespmem:v3+s30+$0x0], $0xffff;
	v24 =	vadd.f32 v1, v24  }
0x17a: {  	v1 =	vor.u32 $0x380, v28;
	v28 =	vor.u32 $0x380, v8;
	v8 =	vor.u32 $0x380, v14;
	v14 =	vld [tilespmem:$0x1FD60]  }
0x17b: {  	v17 =	vld.idx.msk [tilespmem:v17+s30+$0x0], $0xffff;
	v37 =	vmul.f32 v29, v37  }
0x17c: {  	v2 =	vld.idx.msk [tilespmem:v2+s30+$0x0], $0xffff  }
0x17d: {  	v5 =	vadd.f32 v37, v5;
	v37 =	vld.idx.msk [tilespmem:v51+s30+$0x0], $0xffff  }
0x17e: {  	v52 =	vor.u32 $0x280, v10;
	v51 =	vld.idx.msk [tilespmem:v50+s30+$0x0], $0xffff  }
0x17f: {  	v23 =	vor.u32 $0x300, v7;
	v50 =	vld.idx.msk [tilespmem:v53+s30+$0x0], $0xffff  }
0x180: {  	v20 =	vadd.f32 v49, v20;
	v49 =	vld.idx.msk [tilespmem:v4+s30+$0x0], $0xffff  }
0x181: {  	v4 =	vor.u32 $0x380, v12;
	v12 =	vld [tilespmem:$0x1FD50]  }
0x182: {  	v35 =	vor.u32 $0x200, v30;
	v53 =	vld.idx.msk [tilespmem:v59+s30+$0x0], $0xffff  }
0x183: {  	v59 =	vld.idx.msk [tilespmem:v52+s30+$0x0], $0xffff  }
0x184: {  	v52 =	vld.idx.msk [tilespmem:v23+s30+$0x0], $0xffff  }
0x185: {  	v2 =	vmul.f32 v2, v6;
	v6 =	vld [tilespmem:$0x1FD70]  }
0x186: {  	v33 =	vor.u32 $0x200, v9;
	v12 =	vadd.f32 v14, v12;
	v14 =	vadd.f32 v22, v21;
	v21 =	vld [tilespmem:$0x1FD80]  }
0x187: {  	v22 =	vld.idx.msk [tilespmem:v35+s30+$0x0], $0xffff  }
0x188: {  	v35 =	vld.idx.msk [tilespmem:v60+s30+$0x0], $0xffff  }
0x189: {  	v36 =	vor.u32 $0x300, v9;
	v60 =	vld [tilespmem:$0x1FDA0]  }
0x18a: {  	v2 =	vadd.f32 v2, v18;
	v18 =	vld.idx.msk [tilespmem:v26+s30+$0x0], $0xffff  }
0x18b: {  	v26 =	vld.idx.msk [tilespmem:v33+s30+$0x0], $0xffff  }
0x18c: {  	v33 =	vld.idx.msk [tilespmem:v63+s30+$0x0], $0xffff;
	v46 =	vmul.f32 v51, v46  }
0x18d: {  	v6 =	vld.idx.msk [tilespmem:v6+s30+$0x0], $0xffff  }
0x18e: {  	v5 =	vadd.f32 v46, v5;
	v46 =	vld.idx.msk [tilespmem:v36+s30+$0x0], $0xffff  }
0x18f: {  	v18 =	vmul.f32 v22, v18;
	v21 =	vld.idx.msk [tilespmem:v21+s30+$0x0], $0xffff  }
0x190: {  	v55 =	vor.u32 $0x200, v10;
	[tilespmem:s1+$0x20] =	vst v12;
	v12 =	vld [tilespmem:$0x1FD90]  }
0x191: {  	v18 =	vadd.f32 v18, v20;
	v20 =	vld.idx.msk [tilespmem:v60+s30+$0x0], $0xffff  }
0x192: {  	v58 =	vor.u32 $0x280, v30;
	v6 =	vmul.f32 v6, v49;
	v49 =	vmul.f32 v62, v26;
	v62 =	vld [tilespmem:$0x1FDB0]  }
0x193: {  	v47 =	vor.u32 $0x280, v9;
	v60 =	vld.idx.msk [tilespmem:v56+s30+$0x0], $0xffff  }
0x194: {  	v48 =	vor.u32 $0x280, v7;
	v56 =	vld.idx.msk [tilespmem:v34+s30+$0x0], $0xffff  }
0x195: {  	v6 =	vadd.f32 v6, v38;
	v38 =	vld.idx.msk [tilespmem:v55+s30+$0x0], $0xffff  }
0x196: {  	v55 =	vld.idx.msk [tilespmem:v43+s30+$0x0], $0xffff  }
0x197: {  	v43 =	vld.idx.msk [tilespmem:v58+s30+$0x0], $0xffff  }
0x198: {  	v14 =	vadd.f32 v49, v14;
	v49 =	vld.idx.msk [tilespmem:v47+s30+$0x0], $0xffff  }
0x199: {  	v58 =	vld.idx.msk [tilespmem:v48+s30+$0x0], $0xffff  }
0x19a: {  	v47 =	vld.idx.msk [tilespmem:v42+s30+$0x0], $0xffff  }
0x19b: {  	v63 =	vmul.f32 v38, v37;
	v37 =	vld [tilespmem:$0x1FDC0]  }
0x19c: {  	v39 =	vor.u32 $0x300, v30;
	v38 =	vld [tilespmem:$0x1FDD0]  }
0x19d: {  	v30 =	vor.u32 $0x380, v30;
	v51 =	vmul.f32 v20, v55;
	v20 =	vmul.f32 v54, v53;
	v54 =	vld.idx.msk [tilespmem:v57+s30+$0x0], $0xffff  }
0x19e: {  	v12 =	vld.idx.msk [tilespmem:v12+s30+$0x0], $0xffff  }
0x19f: {  	v3 =	vmul.f32 v3, v27;
	v29 =	vld.idx.msk [tilespmem:v62+s30+$0x0], $0xffff  }
0x1a0: {  	v62 =	vmul.f32 v50, v49;
	v49 =	vld [tilespmem:$0x1FE00]  }
0x1a1: {  	v3 =	vadd.f32 v3, v16;
	v50 =	vld.idx.msk [tilespmem:v61+s30+$0x0], $0xffff  }
0x1a2: {  	v41 =	vor.u32 $0x280, v13;
	v61 =	vld.idx.msk [tilespmem:v30+s30+$0x0], $0xffff  }
0x1a3: {  	v3 =	vadd.f32 v63, v3;
	v63 =	vld.idx.msk [tilespmem:v45+s30+$0x0], $0xffff  }
0x1a4: {  	v22 =	vld.idx.msk [tilespmem:v38+s30+$0x0], $0xffff  }
0x1a5: {  	v12 =	vmul.f32 v12, v21;
	v21 =	vld.idx.msk [tilespmem:v37+s30+$0x0], $0xffff  }
0x1a6: {  	v37 =	vld.idx.msk [tilespmem:v40+s30+$0x0], $0xffff  }
0x1a7: {  	v38 =	vld.idx.msk [tilespmem:v41+s30+$0x0], $0xffff  }
0x1a8: {  	v41 =	vmul.f32 v59, v58;
	v58 =	vld [tilespmem:$0x1FE10]  }
0x1a9: {  	v22 =	vmul.f32 v43, v22;
	v43 =	vld.idx.msk [tilespmem:v44+s30+$0x0], $0xffff  }
0x1aa: {  	v9 =	vor.u32 $0x380, v9;
	v44 =	vld [tilespmem:$0x1FDF0]  }
0x1ab: {  	v40 =	vld [tilespmem:$0x1FDE0]  }
0x1ac: {  	v16 =	vmul.f32 v35, v33;
	v18 =	vadd.f32 v22, v18;
	v22 =	vld.idx.msk [tilespmem:v49+s30+$0x0], $0xffff  }
0x1ad: {  	v59 =	vld [tilespmem:$0x1FE20]  }
0x1ae: {  	v2 =	vadd.f32 v16, v2;
	v45 =	vld.idx.msk [tilespmem:v39+s30+$0x0], $0xffff;
	v12 =	vadd.f32 v12, v24;
	v55 =	vmul.f32 v21, v29  }
0x1af: {  	v14 =	vadd.f32 v62, v14;
	v62 =	vld.idx.msk [tilespmem:v9+s30+$0x0], $0xffff  }
0x1b0: {  	v2 =	vadd.f32 v20, v2;
	v20 =	vmul.f32 v47, v46;
	v12 =	vadd.f32 v55, v12;
	v55 =	vld.idx.msk [tilespmem:v31+s30+$0x0], $0xffff  }
0x1b1: {  	v57 =	vmul.f32 v50, v22;
	v22 =	vld.idx.msk [tilespmem:v58+s30+$0x0], $0xffff  }
0x1b2: {  	v10 =	vor.u32 $0x380, v10;
	v14 =	vadd.f32 v20, v14;
	v16 =	vmul.f32 v63, v60;
	v29 =	vld.idx.msk [tilespmem:v44+s30+$0x0], $0xffff  }
0x1b3: {  	v3 =	vadd.f32 v41, v3;
	v27 =	vld.idx.msk [tilespmem:v40+s30+$0x0], $0xffff;
	v20 =	vadd.f32 v57, v2;
	v2 =	vmul.f32 v19, v52  }
0x1b4: {  	v7 =	vor.u32 $0x380, v7;
	v6 =	vadd.f32 v51, v6;
	v60 =	vld.idx.msk [tilespmem:v32+s30+$0x0], $0xffff;
	v48 =	vmul.f32 v38, v37  }
0x1b5: {  	v5 =	vadd.f32 v16, v5;
	v26 =	vld.idx.msk [tilespmem:v59+s30+$0x0], $0xffff;
	v2 =	vadd.f32 v2, v3;
	v3 =	vmul.f32 v55, v54  }
0x1b6: {  	v1 =	vld.idx.msk [tilespmem:v1+s30+$0x0], $0xffff;
	v6 =	vadd.f32 v48, v6  }
0x1b7: {  	v63 =	vld.idx.msk [tilespmem:v0+s30+$0x0], $0xffff;
	v53 =	vmul.f32 v45, v29;
	v9 =	vadd.f32 v3, v5;
	v3 =	vmul.f32 v22, v56  }
0x1b8: {  	s13 =	sadd.s32 $0x8, s13;
	v13 =	vor.u32 $0x380, v13;
	v51 =	vmul.f32 v43, v27;
	v5 =	vmul.f32 v61, v15;
	v15 =	vld.idx.msk [tilespmem:v10+s30+$0x0], $0xffff  }
0x1b9: {  	p0 =	slt.u32 s13, $0xF0;
	v18 =	vadd.f32 v53, v18;
	v0 =	vadd.f32 v3, v6;
	v6 =	vld.idx.msk [tilespmem:v7+s30+$0x0], $0xffff  }
.Ltmp5:
0x1ba: {  	v4 =	vld.idx.msk [tilespmem:v4+s30+$0x0], $0xffff;
	v12 =	vadd.f32 v51, v12;
	v10 =	vmul.f32 v11, v62;
	v3 =	vmul.f32 v60, v26;
	(pc) =	sbr.rel @p0 .LBB2_4-.Ltmp5, $4  }
0x1bb: {  	v7 =	vadd.f32 v5, v18;
	v5 =	vld.idx.msk [tilespmem:v25+s30+$0x0], $0xffff  }
0x1bc: {  	v11 =	vmul.f32 v17, v63;
	v10 =	vadd.f32 v10, v14;
	v12 =	vadd.f32 v3, v12;
	v3 =	vld.idx.msk [tilespmem:v28+s30+$0x0], $0xffff  }
0x1bd: {  	[tilespmem:s0+$0xFFFFFFC0] =	vst v7;
	v7 =	vld.idx.msk [tilespmem:v13+s30+$0x0], $0xffff  }
0x1be: {  	s14 =	sadd.s32 $0x80, s14;
	s1 =	smov.u32 s0;
	[tilespmem:s0+$0xFFFFFFD0] =	vst v10;
	v10 =	vadd.f32 v11, v20;
	v11 =	vmul.f32 v15, v6;
	v6 =	vld.idx.msk [tilespmem:v8+s30+$0x0], $0xffff  }
0x1bf: {  	_ =	sdelay $0x1  }
0x1c0: {  	v1 =	vmul.f32 v5, v1  }
0x1c1: {  	v2 =	vadd.f32 v11, v2;
	v3 =	vmul.f32 v7, v3  }
0x1c2: {  	[tilespmem:s0+$0xFFFFFFE0] =	vst v10;
	v1 =	vadd.f32 v1, v9;
	v4 =	vmul.f32 v6, v4  }
0x1c3: {  	[tilespmem:s0+$0xFFFFFFF0] =	vst v2;
	v0 =	vadd.f32 v3, v0  }
0x1c4: {  	[tilespmem:s0+$0x0] =	vst v1;
	v63 =	vadd.f32 v4, v12  }
0x1c5: {  	[tilespmem:s0+$0x10] =	vst v0  }
0x1c6: {  	[tilespmem:s1+$0x20] =	vst v63  }
.LBB2_6:
0x1c7: {  	s0 =	sshra.s32 s30, $0x2  }
0x1c8: {  	v0 =	vld [tilespmem:s0+$0x14B80]  }
0x1c9: {  	v1 =	vld [tilespmem:s0+$0x16B80];
	_ =	sdelay $0x3  }
0x1ca: {  	v2 =	vshll.u32 v0, $0x3  }
0x1cb: {  	v0 =	vand.u32 $0x7F, v0;
	v3 =	vshll.u32 v1, $0x3;
	v2 =	vand.u32 $0xFFFFFC00, v2  }
0x1cc: {  	v1 =	vand.u32 $0x7F, v1;
	v50 =	vand.u32 $0xFFFFFC00, v3;
	v0 =	vor.u32 v0, v2  }
0x1cd: {  	v1 =	vor.u32 v1, v50  }
0x1ce: {  	v51 =	vor.u32 $0x80, v0  }
0x1cf: {  	v52 =	vor.u32 $0x80, v1  }
0x1d0: {  	v4 =	vor.u32 $0x100, v0  }
0x1d1: {  	v6 =	vor.u32 $0x100, v1;
	v5 =	vld.idx.msk [tilespmem:v0+s2+$0x0], $0xffff  }
0x1d2: {  	v8 =	vor.u32 $0x180, v0;
	v7 =	vld.idx.msk [tilespmem:v1+s2+$0x0], $0xffff  }
0x1d3: {  	v9 =	vor.u32 $0x180, v1;
	v2 =	vld.idx.msk [tilespmem:v51+s2+$0x0], $0xffff  }
0x1d4: {  	v10 =	vor.u32 $0x200, v0;
	v3 =	vld.idx.msk [tilespmem:v52+s2+$0x0], $0xffff  }
0x1d5: {  	v11 =	vor.u32 $0x200, v1;
	v4 =	vld.idx.msk [tilespmem:v4+s2+$0x0], $0xffff  }
0x1d6: {  	v12 =	vor.u32 $0x280, v0;
	v6 =	vld.idx.msk [tilespmem:v6+s2+$0x0], $0xffff  }
0x1d7: {  	v54 =	vor.u32 $0x280, v1;
	v53 =	vld.idx.msk [tilespmem:v8+s2+$0x0], $0xffff;
	v5 =	vmul.f32 v7, v5  }
0x1d8: {  	v13 =	vor.u32 $0x300, v0;
	v9 =	vld.idx.msk [tilespmem:v9+s2+$0x0], $0xffff  }
0x1d9: {  	v56 =	vor.u32 $0x300, v1;
	v55 =	vld.idx.msk [tilespmem:v10+s2+$0x0], $0xffff;
	v2 =	vmul.f32 v3, v2;
	v5 =	vadd.f32 $0.0e+00, v5  }
0x1da: {  	v0 =	vor.u32 $0x380, v0;
	v11 =	vld.idx.msk [tilespmem:v11+s2+$0x0], $0xffff  }
0x1db: {  	v1 =	vor.u32 $0x380, v1;
	v57 =	vld.idx.msk [tilespmem:v12+s2+$0x0], $0xffff;
	v4 =	vmul.f32 v6, v4;
	v2 =	vadd.f32 v2, v5  }
0x1dc: {  	v58 =	vld.idx.msk [tilespmem:v54+s2+$0x0], $0xffff  }
0x1dd: {  	v60 =	vld.idx.msk [tilespmem:v13+s2+$0x0], $0xffff;
	v59 =	vmul.f32 v9, v53;
	v2 =	vadd.f32 v4, v2  }
0x1de: {  	v61 =	vld.idx.msk [tilespmem:v56+s2+$0x0], $0xffff  }
0x1df: {  	v0 =	vld.idx.msk [tilespmem:v0+s2+$0x0], $0xffff;
	v3 =	vmul.f32 v11, v55;
	v2 =	vadd.f32 v59, v2  }
0x1e0: {  	v1 =	vld.idx.msk [tilespmem:v1+s2+$0x0], $0xffff  }
0x1e1: {  	v62 =	vmul.f32 v58, v57;
	v2 =	vadd.f32 v3, v2;
	_ =	sdelay $0x1  }
0x1e2: {  	v63 =	vmul.f32 v61, v60;
	v2 =	vadd.f32 v62, v2  }
0x1e3: {  	p0 =	sne.s32 s30, $0x40  }
.Ltmp6:
0x1e4: {  	v0 =	vmul.f32 v1, v0;
	v2 =	vadd.f32 v63, v2;
	(pc) =	sbr.rel @p0 .LBB2_6-.Ltmp6, $3  }
0x1e5: {  	_ = 	snop  }
0x1e6: {  	v0 =	vadd.f32 v0, v2;
	_ =	sdelay $0x1  }
0x1e7: {  	s30 =	sadd.s32 $0x40, s30;
	[tilespmem:s0+$0x18B80] =	vst v0  }
0x1e8: {  	p0 =	seq.s32 s28, $0x0  }
.Ltmp7:
0x1e9: {  	_ = 	snop;
	(pc) =	sbr.rel @p0 .LBB2_13-.Ltmp7, $4  }
0x1ea: {  	s0 =	sadd.s32 s29, s10  }
0x1eb: {  	s0 =	sshrl.u32 s0, $0x3  }
0x1ec: {  	s0 =	sadd.s32 s5, s0  }
0x1ed: {  	[hbm4b:s0+s2] =	stream.linear.scatter [tilespmem:s24], [sflag:$0x5], $0xFA0, $0x38;
	[tilespmem:$0x19C00] =	vst v63  }
.LBB2_8:
0x1ee: {  	p0 =	seq.s32 s26, $0x27  }
0x1ef: {  	s28 =	smul.u32 @!p0 $0xFA0, s26;
	_ =	sdelay $0x1  }
0x1f0: {  	s0 =	sadd.s32 @!p0 s28, s9  }
0x1f1: {  	s0 =	sshrl.u32 @!p0 s0, $0x3  }
0x1f2: {  	s13 =	simm.s32 @!p0 $0x0;
	s14 =	simm.s32 @!p0 $0x13C00;
	s1 =	sadd.s32 @!p0 s3, s0  }
0x1f3: {  	[tilespmem:s14], [sflag:$0x1] =	stream.linear.gather @!p0 [hbm4b:s1+s13], $0xFA0, $0x38;
	[tilespmem:$0x19C00] =	vst v63  }
0x1f4: {  	s0 =	sadd.s32 @!p0 s4, s0;
	s1 =	simm.s32 @!p0 $0x15C00  }
0x1f5: {  	[tilespmem:s1], [sflag:$0x3] =	stream.linear.gather @!p0 [hbm4b:s0+s13], $0xFA0, $0x38;
	[tilespmem:$0x19C00] =	vst v63  }
0x1f6: {  	_ =	swait.ge [sflag:s15], $0xFA0  }
0x1f7: {  	[sflag:s15] =	ssyncset.done $0x0  }
0x1f8: {  	[sflag:s15] =	ssyncadd.s32 $0xFFFFF060  }
0x1f9: {  	_ =	swait.ge [sflag:s16], $0xFA0  }
0x1fa: {  	p1 =	slt.u32 s26, $0x2;
	[sflag:s16] =	ssyncset.done $0x0  }
0x1fb: {  	s0 =	simm.s32 @!p1 $0x6;
	[sflag:s16] =	ssyncadd.s32 $0xFFFFF060  }
0x1fc: {  	_ =	swait.ge @!p1 [sflag:s0], $0xFA0  }
0x1fd: {  	[sflag:s0] =	ssyncset.done @!p1 $0x0  }
0x1fe: {  	s14 =	simm.s32 $0x14C40;
	[sflag:s0] =	ssyncadd.s32 @!p1 $0xFFFFF060  }
0x1ff: {  	v0 =	vld [tilespmem:s14+$0x30];
	_ =	sdelay $0x4  }
0x200: {  	s30 =	simm.s32 $0x16C40;
	v6 =	vshll.u32 v0, $0x3  }
0x201: {  	v1 =	vld [tilespmem:s30+$0x30];
	v0 =	vand.u32 $0x7F, v0;
	v6 =	vand.u32 $0xFFFFFC00, v6  }
0x202: {  	v2 =	vld [tilespmem:s30+$0xFFFFFFC0];
	v0 =	vor.u32 v0, v6  }
0x203: {  	v3 =	vld [tilespmem:s14+$0xFFFFFFD0]  }
0x204: {  	v4 =	vld [tilespmem:s30+$0xFFFFFFD0]  }
0x205: {  	v5 =	vld [tilespmem:s14+$0xFFFFFFE0]  }
0x206: {  	s29 =	simm.s32 $0x0;
	v7 =	vld [tilespmem:s30+$0xFFFFFFE0]  }
0x207: {  	v15 =	vld.idx.msk [tilespmem:v0+s29+$0x0], $0xffff  }
0x208: {  	v9 =	vld [tilespmem:s14+$0xFFFFFFF0];
	v10 =	vor.u32 $0x80, v0  }
0x209: {  	v11 =	vld [tilespmem:s30+$0x0]  }
0x20a: {  	v14 =	vld [tilespmem:s14+$0x10];
	v8 =	vshll.u32 v1, $0x3  }
0x20b: {  	v1 =	vand.u32 $0x7F, v1;
	v6 =	vand.u32 $0xFFFFFC00, v8;
	v8 =	vld [tilespmem:s30+$0xFFFFFFF0]  }
0x20c: {  	v1 =	vor.u32 v1, v6;
	v6 =	vld [tilespmem:s14+$0x0];
	[tilespmem:$0x1FAF0] =	vst v15  }
0x20d: {  	v10 =	vld.idx.msk [tilespmem:v10+s29+$0x0], $0xffff  }
0x20e: {  	v12 =	vor.u32 $0x80, v1;
	_ =	sdelay $0x3  }
0x20f: {  	v28 =	vld.idx.msk [tilespmem:v1+s29+$0x0], $0xffff;
	[tilespmem:$0x1FB00] =	vst v10  }
0x210: {  	v12 =	vld.idx.msk [tilespmem:v12+s29+$0x0], $0xffff  }
0x211: {  	v13 =	vor.u32 $0x100, v0;
	_ =	sdelay $0x3  }
0x212: {  	[tilespmem:$0x1FB10] =	vst v12  }
0x213: {  	v13 =	vld.idx.msk [tilespmem:v13+s29+$0x0], $0xffff  }
0x214: {  	v15 =	vor.u32 $0x100, v1;
	_ =	sdelay $0x3  }
0x215: {  	[tilespmem:$0x1FB20] =	vst v13  }
0x216: {  	v15 =	vld.idx.msk [tilespmem:v15+s29+$0x0], $0xffff  }
0x217: {  	v17 =	vor.u32 $0x180, v0;
	_ =	sdelay $0x3  }
0x218: {  	[tilespmem:$0x1FB30] =	vst v15  }
0x219: {  	v17 =	vld.idx.msk [tilespmem:v17+s29+$0x0], $0xffff  }
0x21a: {  	v10 =	vor.u32 $0x180, v1;
	_ =	sdelay $0x3  }
0x21b: {  	[tilespmem:$0x1FB40] =	vst v17  }
0x21c: {  	v10 =	vld.idx.msk [tilespmem:v10+s29+$0x0], $0xffff  }
0x21d: {  	v21 =	vor.u32 $0x200, v0;
	_ =	sdelay $0x3  }
0x21e: {  	[tilespmem:$0x1FB50] =	vst v10  }
0x21f: {  	v21 =	vld.idx.msk [tilespmem:v21+s29+$0x0], $0xffff  }
0x220: {  	v24 =	vor.u32 $0x280, v1;
	_ =	sdelay $0x1  }
0x221: {  	v13 =	vshll.u32 v9, $0x3  }
0x222: {  	v57 =	vand.u32 $0xFFFFFC00, v13;
	v13 =	vshll.u32 v6, $0x3  }
0x223: {  	v22 =	vor.u32 $0x200, v1;
	v30 =	vand.u32 $0xFFFFFC00, v13;
	v13 =	vshll.u32 v14, $0x3;
	v26 =	vld [tilespmem:s14+$0xFFFFFFC0];
	[tilespmem:$0x1FB60] =	vst v21  }
0x224: {  	v23 =	vor.u32 $0x280, v0;
	v32 =	vand.u32 $0xFFFFFC00, v13;
	v13 =	vld.idx.msk [tilespmem:v24+s29+$0x0], $0xffff  }
0x225: {  	v58 =	vor.u32 $0x300, v0;
	_ =	sdelay $0x1  }
0x226: {  	v10 =	vshll.u32 v11, $0x3  }
0x227: {  	v31 =	vand.u32 $0xFFFFFC00, v10;
	v10 =	vld.idx.msk [tilespmem:v22+s29+$0x0], $0xffff  }
0x228: {  	v19 =	vshll.u32 v4, $0x3;
	v60 =	vand.u32 $0x7F, v4;
	v4 =	vld.idx.msk [tilespmem:v23+s29+$0x0], $0xffff;
	[tilespmem:$0x1FB70] =	vst v13  }
0x229: {  	v56 =	vshll.u32 v8, $0x3;
	v61 =	vand.u32 $0x7F, v8;
	v8 =	vld.idx.msk [tilespmem:v58+s29+$0x0], $0xffff  }
0x22a: {  	v59 =	vor.u32 $0x300, v1;
	_ =	sdelay $0x2  }
0x22b: {  	v16 =	vshll.u32 v2, $0x3  }
0x22c: {  	v2 =	vand.u32 $0x7F, v2;
	v16 =	vand.u32 $0xFFFFFC00, v16;
	[tilespmem:$0x1FB80] =	vst v8  }
0x22d: {  	v39 =	vor.u32 v2, v16;
	v2 =	vld.idx.msk [tilespmem:v59+s29+$0x0], $0xffff  }
0x22e: {  	v0 =	vor.u32 $0x380, v0;
	_ =	sdelay $0x3  }
0x22f: {  	[tilespmem:$0x1FB90] =	vst v2  }
0x230: {  	v0 =	vld.idx.msk [tilespmem:v0+s29+$0x0], $0xffff;
	_ =	sdelay $0x4  }
0x231: {  	[tilespmem:$0x1FBA0] =	vst v0;
	v0 =	vor.u32 $0x80, v39  }
0x232: {  	v20 =	vshll.u32 v5, $0x3  }
0x233: {  	v5 =	vand.u32 $0x7F, v5;
	v20 =	vand.u32 $0xFFFFFC00, v20  }
0x234: {  	v55 =	vshll.u32 v7, $0x3;
	v7 =	vand.u32 $0x7F, v7;
	v29 =	vor.u32 v5, v20  }
0x235: {  	v1 =	vor.u32 $0x380, v1;
	v12 =	vand.u32 $0xFFFFFC00, v19;
	v9 =	vand.u32 $0x7F, v9  }
0x236: {  	v25 =	vor.u32 v60, v12;
	v40 =	vor.u32 v9, v57;
	v15 =	vand.u32 $0xFFFFFC00, v55;
	v0 =	vld.idx.msk [tilespmem:v0+s29+$0x0], $0xffff  }
0x237: {  	v38 =	vor.u32 v7, v15;
	v7 =	vor.u32 $0x80, v25;
	v8 =	vshll.u32 v26, $0x3;
	v12 =	vld [tilespmem:s14+$0x20]  }
0x238: {  	v9 =	vor.u32 $0x80, v29;
	v8 =	vand.u32 $0xFFFFFC00, v8;
	v2 =	vand.u32 $0x7F, v26  }
0x239: {  	v18 =	vshll.u32 v3, $0x3;
	v19 =	vor.u32 v2, v8;
	v33 =	vld [tilespmem:s30+$0x10]  }
0x23a: {  	v3 =	vand.u32 $0x7F, v3;
	v18 =	vand.u32 $0xFFFFFC00, v18;
	v34 =	vor.u32 $0x80, v19;
	v15 =	vld [tilespmem:s30+$0x20]  }
0x23b: {  	v27 =	vand.u32 $0xFFFFFC00, v56;
	v62 =	vand.u32 $0x7F, v6;
	v26 =	vor.u32 v3, v18;
	v44 =	vld.idx.msk [tilespmem:v1+s29+$0x0], $0xffff;
	[tilespmem:$0x1FBB0] =	vst v0  }
0x23c: {  	v14 =	vand.u32 $0x7F, v14;
	v35 =	vor.u32 $0x80, v26;
	v54 =	vshll.u32 v12, $0x3;
	v48 =	vld.idx.msk [tilespmem:v7+s29+$0x0], $0xffff  }
0x23d: {  	v37 =	vor.u32 $0x80, v38;
	v7 =	vand.u32 $0xFFFFFC00, v54;
	v47 =	vld.idx.msk [tilespmem:v9+s29+$0x0], $0xffff;
	v9 =	vand.u32 $0x7F, v12  }
0x23e: {  	v43 =	vor.u32 v14, v32;
	v14 =	vor.u32 $0x80, v40;
	v20 =	vor.u32 v9, v7  }
0x23f: {  	v41 =	vor.u32 v61, v27;
	v30 =	vor.u32 v62, v30;
	v62 =	vld.idx.msk [tilespmem:v34+s29+$0x0], $0xffff;
	v34 =	vor.u32 $0x80, v20  }
0x240: {  	v63 =	vand.u32 $0x7F, v11;
	v23 =	vor.u32 $0x80, v41  }
0x241: {  	v56 =	vor.u32 $0x80, v30;
	v42 =	vor.u32 v63, v31;
	v53 =	vshll.u32 v33, $0x3;
	v51 =	vld.idx.msk [tilespmem:v35+s29+$0x0], $0xffff  }
0x242: {  	v31 =	vor.u32 $0x80, v42;
	v18 =	vand.u32 $0x7F, v33;
	v17 =	vand.u32 $0xFFFFFC00, v53;
	v46 =	vld.idx.msk [tilespmem:v37+s29+$0x0], $0xffff  }
0x243: {  	v32 =	vor.u32 $0x80, v43;
	v55 =	vshll.u32 v15, $0x3;
	v18 =	vor.u32 v18, v17;
	v45 =	vld.idx.msk [tilespmem:v14+s29+$0x0], $0xffff  }
0x244: {  	v15 =	vand.u32 $0x7F, v15;
	v22 =	vand.u32 $0xFFFFFC00, v55;
	v33 =	vor.u32 $0x80, v18;
	v0 =	vld.idx.msk [tilespmem:v34+s29+$0x0], $0xffff  }
0x245: {  	v57 =	vor.u32 $0x100, v19;
	v21 =	vor.u32 v15, v22;
	v22 =	vld.idx.msk [tilespmem:v23+s29+$0x0], $0xffff  }
0x246: {  	v24 =	vld.idx.msk [tilespmem:v56+s29+$0x0], $0xffff  }
0x247: {  	v23 =	vld.idx.msk [tilespmem:v31+s29+$0x0], $0xffff  }
0x248: {  	v50 =	vld.idx.msk [tilespmem:v32+s29+$0x0], $0xffff  }
0x249: {  	v49 =	vld.idx.msk [tilespmem:v33+s29+$0x0], $0xffff;
	[tilespmem:$0x1FBC0] =	vst v0  }
0x24a: {  	v35 =	vor.u32 $0x80, v21;
	v0 =	vld.idx.msk [tilespmem:v57+s29+$0x0], $0xffff  }
0x24b: {  	v59 =	vor.u32 $0x100, v26;
	_ =	sdelay $0x3  }
0x24c: {  	v63 =	vld.idx.msk [tilespmem:v35+s29+$0x0], $0xffff;
	[tilespmem:$0x1FBD0] =	vst v0  }
0x24d: {  	v58 =	vor.u32 $0x100, v39;
	v0 =	vld.idx.msk [tilespmem:v59+s29+$0x0], $0xffff  }
0x24e: {  	v17 =	vor.u32 $0x100, v29;
	_ =	sdelay $0x3  }
0x24f: {  	v55 =	vld.idx.msk [tilespmem:v58+s29+$0x0], $0xffff;
	[tilespmem:$0x1FBE0] =	vst v0  }
0x250: {  	v16 =	vor.u32 $0x100, v25;
	v0 =	vld.idx.msk [tilespmem:v17+s29+$0x0], $0xffff  }
0x251: {  	v37 =	vor.u32 $0x100, v40;
	_ =	sdelay $0x3  }
0x252: {  	v56 =	vld.idx.msk [tilespmem:v16+s29+$0x0], $0xffff;
	[tilespmem:$0x1FBF0] =	vst v0  }
0x253: {  	v36 =	vor.u32 $0x100, v38;
	v0 =	vld.idx.msk [tilespmem:v37+s29+$0x0], $0xffff  }
0x254: {  	v60 =	vor.u32 $0x100, v30;
	_ =	sdelay $0x3  }
0x255: {  	v57 =	vld.idx.msk [tilespmem:v36+s29+$0x0], $0xffff;
	[tilespmem:$0x1FC00] =	vst v0  }
0x256: {  	v53 =	vor.u32 $0x100, v41;
	v0 =	vld.idx.msk [tilespmem:v60+s29+$0x0], $0xffff  }
0x257: {  	v16 =	vor.u32 $0x100, v43;
	_ =	sdelay $0x3  }
0x258: {  	v58 =	vld.idx.msk [tilespmem:v53+s29+$0x0], $0xffff;
	[tilespmem:$0x1FC10] =	vst v0  }
0x259: {  	v61 =	vor.u32 $0x100, v42;
	v0 =	vld.idx.msk [tilespmem:v16+s29+$0x0], $0xffff  }
0x25a: {  	v36 =	vor.u32 $0x100, v20;
	_ =	sdelay $0x3  }
0x25b: {  	v59 =	vld.idx.msk [tilespmem:v61+s29+$0x0], $0xffff;
	[tilespmem:$0x1FC20] =	vst v0  }
0x25c: {  	v17 =	vor.u32 $0x100, v18;
	v0 =	vld.idx.msk [tilespmem:v36+s29+$0x0], $0xffff  }
0x25d: {  	v53 =	vor.u32 $0x180, v19;
	_ =	sdelay $0x3  }
0x25e: {  	v60 =	vld.idx.msk [tilespmem:v17+s29+$0x0], $0xffff;
	[tilespmem:$0x1FC30] =	vst v0  }
0x25f: {  	v37 =	vor.u32 $0x100, v21;
	v0 =	vld.idx.msk [tilespmem:v53+s29+$0x0], $0xffff  }
0x260: {  	v16 =	vor.u32 $0x180, v26;
	_ =	sdelay $0x3  }
0x261: {  	v61 =	vld.idx.msk [tilespmem:v37+s29+$0x0], $0xffff;
	[tilespmem:$0x1FC40] =	vst v0  }
0x262: {  	v54 =	vor.u32 $0x180, v39;
	v0 =	vld.idx.msk [tilespmem:v16+s29+$0x0], $0xffff  }
0x263: {  	v17 =	vor.u32 $0x180, v25;
	_ =	sdelay $0x3  }
0x264: {  	v32 =	vld.idx.msk [tilespmem:v54+s29+$0x0], $0xffff;
	[tilespmem:$0x1FC50] =	vst v0  }
0x265: {  	v0 =	vld.idx.msk [tilespmem:v17+s29+$0x0], $0xffff  }
0x266: {  	v52 =	vor.u32 $0x180, v29;
	_ =	sdelay $0x3  }
0x267: {  	[tilespmem:$0x1FC60] =	vst v0  }
0x268: {  	v0 =	vld.idx.msk [tilespmem:v52+s29+$0x0], $0xffff  }
0x269: {  	v36 =	vor.u32 $0x180, v38;
	_ =	sdelay $0x3  }
0x26a: {  	[tilespmem:$0x1FC70] =	vst v0  }
0x26b: {  	v0 =	vld.idx.msk [tilespmem:v36+s29+$0x0], $0xffff  }
0x26c: {  	v53 =	vor.u32 $0x180, v40;
	_ =	sdelay $0x3  }
0x26d: {  	[tilespmem:$0x1FC80] =	vst v0  }
0x26e: {  	v0 =	vld.idx.msk [tilespmem:v53+s29+$0x0], $0xffff  }
0x26f: {  	v54 =	vor.u32 $0x180, v41  }
0x270: {  	v31 =	vor.u32 $0x180, v43  }
0x271: {  	v1 =	vor.u32 $0x180, v21  }
0x272: {  	v27 =	vor.u32 $0x200, v19  }
0x273: {  	[tilespmem:$0x1FC90] =	vst v0  }
0x274: {  	v16 =	vor.u32 $0x180, v30;
	v33 =	vld.idx.msk [tilespmem:v54+s29+$0x0], $0xffff  }
0x275: {  	v17 =	vor.u32 $0x180, v42;
	v35 =	vld.idx.msk [tilespmem:v31+s29+$0x0], $0xffff  }
0x276: {  	v37 =	vor.u32 $0x180, v18;
	v31 =	vld.idx.msk [tilespmem:v1+s29+$0x0], $0xffff  }
0x277: {  	v54 =	vor.u32 $0x180, v20;
	v1 =	vld.idx.msk [tilespmem:v27+s29+$0x0], $0xffff  }
0x278: {  	v0 =	vor.u32 $0x200, v39  }
0x279: {  	v34 =	vld.idx.msk [tilespmem:v16+s29+$0x0], $0xffff  }
0x27a: {  	v52 =	vld.idx.msk [tilespmem:v17+s29+$0x0], $0xffff  }
0x27b: {  	v53 =	vld.idx.msk [tilespmem:v37+s29+$0x0], $0xffff  }
0x27c: {  	v36 =	vld.idx.msk [tilespmem:v54+s29+$0x0], $0xffff;
	[tilespmem:$0x1FCA0] =	vst v1  }
0x27d: {  	v27 =	vld.idx.msk [tilespmem:v0+s29+$0x0], $0xffff  }
0x27e: {  	v16 =	vor.u32 $0x200, v26;
	v0 =	vld [tilespmem:$0x1FAF0];
	_ =	sdelay $0x4  }
0x27f: {  	v28 =	vmul.f32 v28, v0;
	v0 =	vld.idx.msk [tilespmem:v16+s29+$0x0], $0xffff;
	_ =	sdelay $0x3  }
0x280: {  	v1 =	vld [tilespmem:$0x1FB10]  }
0x281: {  	[tilespmem:$0x1FCB0] =	vst v0;
	v0 =	vld [tilespmem:$0x1FB00];
	_ =	sdelay $0x4  }
0x282: {  	v54 =	vmul.f32 v1, v0;
	v0 =	vld [tilespmem:$0x1FB20]  }
0x283: {  	v1 =	vld [tilespmem:$0x1FB30];
	_ =	sdelay $0x2  }
0x284: {  	v28 =	vadd.f32 $0.0e+00, v28  }
0x285: {  	v17 =	vor.u32 $0x200, v25  }
0x286: {  	v28 =	vadd.f32 v54, v28;
	v54 =	vmul.f32 v1, v0;
	v0 =	vld [tilespmem:$0x1FB40]  }
0x287: {  	v1 =	vld [tilespmem:$0x1FB50]  }
0x288: {  	v2 =	vld [tilespmem:$0x1FB90]  }
0x289: {  	v3 =	vld [tilespmem:$0x1FBA0]  }
0x28a: {  	v37 =	vld.idx.msk [tilespmem:v17+s29+$0x0], $0xffff  }
0x28b: {  	v16 =	vld.idx.msk [tilespmem:v26+s29+$0x0], $0xffff  }
0x28c: {  	v28 =	vadd.f32 v54, v28;
	v54 =	vmul.f32 v1, v0;
	v0 =	vld [tilespmem:$0x1FB60]  }
0x28d: {  	v14 =	vld.idx.msk [tilespmem:v25+s29+$0x0], $0xffff  }
0x28e: {  	v15 =	vld.idx.msk [tilespmem:v29+s29+$0x0], $0xffff  }
0x28f: {  	v13 =	vld.idx.msk [tilespmem:v40+s29+$0x0], $0xffff  }
0x290: {  	v11 =	vld.idx.msk [tilespmem:v41+s29+$0x0], $0xffff  }
0x291: {  	v28 =	vadd.f32 v54, v28;
	v54 =	vmul.f32 v10, v0;
	v0 =	vld [tilespmem:$0x1FB70]  }
0x292: {  	v12 =	vld.idx.msk [tilespmem:v38+s29+$0x0], $0xffff  }
0x293: {  	v1 =	vld [tilespmem:$0x1FB80]  }
0x294: {  	v8 =	vld.idx.msk [tilespmem:v42+s29+$0x0], $0xffff  }
0x295: {  	v11 =	vmul.f32 v11, v13;
	v13 =	vld [tilespmem:$0x1FBB0]  }
0x296: {  	v10 =	vld.idx.msk [tilespmem:v30+s29+$0x0], $0xffff;
	v28 =	vadd.f32 v54, v28;
	v54 =	vmul.f32 v0, v4  }
0x297: {  	v44 =	vmul.f32 v44, v3;
	v9 =	vld.idx.msk [tilespmem:v43+s29+$0x0], $0xffff  }
0x298: {  	v3 =	vor.u32 $0x200, v41;
	v6 =	vld.idx.msk [tilespmem:v18+s29+$0x0], $0xffff;
	v28 =	vadd.f32 v54, v28;
	v54 =	vmul.f32 v2, v1  }
0x299: {  	v5 =	vor.u32 $0x200, v30;
	v4 =	vld.idx.msk [tilespmem:v21+s29+$0x0], $0xffff  }
0x29a: {  	v13 =	vmul.f32 v13, v62;
	v62 =	vor.u32 $0x280, v26;
	v28 =	vadd.f32 v54, v28;
	v54 =	vld.idx.msk [tilespmem:v20+s29+$0x0], $0xffff  }
0x29b: {  	v46 =	vmul.f32 v46, v47;
	v17 =	vld.idx.msk [tilespmem:v39+s29+$0x0], $0xffff;
	v8 =	vmul.f32 v8, v10  }
0x29c: {  	v23 =	vmul.f32 v23, v24;
	v47 =	vor.u32 $0x280, v38;
	v7 =	vld.idx.msk [tilespmem:v19+s29+$0x0], $0xffff;
	v14 =	vmul.f32 v14, v16  }
0x29d: {  	v24 =	vor.u32 $0x280, v41;
	v3 =	vld.idx.msk [tilespmem:v3+s29+$0x0], $0xffff;
	v12 =	vmul.f32 v12, v15;
	v8 =	vadd.f32 $0.0e+00, v8  }
0x29e: {  	v5 =	vld.idx.msk [tilespmem:v5+s29+$0x0], $0xffff;
	v15 =	vor.u32 $0x200, v43;
	v6 =	vmul.f32 v6, v9;
	v14 =	vadd.f32 $0.0e+00, v14  }
0x29f: {  	v8 =	vadd.f32 v23, v8;
	v23 =	vld.idx.msk [tilespmem:v62+s29+$0x0], $0xffff;
	v4 =	vmul.f32 v4, v54;
	v54 =	vmul.f32 v48, v51  }
0x2a0: {  	v9 =	vor.u32 $0x200, v20;
	v62 =	vld [tilespmem:$0x1FBC0]  }
0x2a1: {  	v47 =	vld.idx.msk [tilespmem:v47+s29+$0x0], $0xffff;
	v6 =	vadd.f32 $0.0e+00, v6;
	v14 =	vadd.f32 v54, v14;
	v54 =	vmul.f32 v49, v50  }
0x2a2: {  	v24 =	vld.idx.msk [tilespmem:v24+s29+$0x0], $0xffff;
	v7 =	vmul.f32 v17, v7;
	v16 =	vor.u32 $0x200, v21  }
0x2a3: {  	v6 =	vadd.f32 v54, v6;
	v54 =	vld [tilespmem:$0x1FBD0]  }
0x2a4: {  	v17 =	vor.u32 $0x280, v29;
	v7 =	vadd.f32 $0.0e+00, v7;
	v15 =	vld.idx.msk [tilespmem:v15+s29+$0x0], $0xffff  }
0x2a5: {  	v22 =	vmul.f32 v22, v45;
	v49 =	vmul.f32 v63, v62;
	v62 =	vld [tilespmem:$0x1FBF0]  }
0x2a6: {  	v11 =	vadd.f32 $0.0e+00, v11;
	v9 =	vld.idx.msk [tilespmem:v9+s29+$0x0], $0xffff;
	v7 =	vadd.f32 v13, v7;
	v13 =	vor.u32 $0x280, v25  }
0x2a7: {  	v16 =	vld.idx.msk [tilespmem:v16+s29+$0x0], $0xffff;
	v0 =	vor.u32 $0x200, v29  }
0x2a8: {  	v11 =	vadd.f32 v22, v11;
	v2 =	vor.u32 $0x200, v40;
	v22 =	vmul.f32 v55, v54;
	v55 =	vld [tilespmem:$0x1FBE0]  }
0x2a9: {  	v17 =	vld.idx.msk [tilespmem:v17+s29+$0x0], $0xffff;
	v10 =	vor.u32 $0x200, v18  }
0x2aa: {  	v7 =	vadd.f32 v22, v7;
	v22 =	vmul.f32 v57, v62;
	v57 =	vld [tilespmem:$0x1FC00]  }
0x2ab: {  	v13 =	vld.idx.msk [tilespmem:v13+s29+$0x0], $0xffff;
	v1 =	vor.u32 $0x200, v38;
	v4 =	vadd.f32 $0.0e+00, v4  }
0x2ac: {  	v0 =	vld.idx.msk [tilespmem:v0+s29+$0x0], $0xffff;
	v28 =	vadd.f32 v44, v28;
	v44 =	vor.u32 $0x200, v42  }
0x2ad: {  	v2 =	vld.idx.msk [tilespmem:v2+s29+$0x0], $0xffff;
	v48 =	vor.u32 $0x280, v19;
	v4 =	vadd.f32 v49, v4;
	v49 =	vmul.f32 v56, v55  }
0x2ae: {  	v10 =	vld.idx.msk [tilespmem:v10+s29+$0x0], $0xffff;
	v51 =	vor.u32 $0x280, v39  }
0x2af: {  	v14 =	vadd.f32 v49, v14;
	v49 =	vmul.f32 v58, v57;
	v58 =	vld [tilespmem:$0x1FC10]  }
0x2b0: {  	v12 =	vadd.f32 $0.0e+00, v12;
	v1 =	vld.idx.msk [tilespmem:v1+s29+$0x0], $0xffff  }
0x2b1: {  	v44 =	vld.idx.msk [tilespmem:v44+s29+$0x0], $0xffff;
	v50 =	vor.u32 $0x280, v30  }
0x2b2: {  	v12 =	vadd.f32 v46, v12;
	v2 =	vmul.f32 v3, v2;
	v3 =	vor.u32 $0x300, v20;
	v46 =	vld.idx.msk [tilespmem:v48+s29+$0x0], $0xffff  }
0x2b3: {  	v45 =	vld.idx.msk [tilespmem:v51+s29+$0x0], $0xffff;
	v48 =	vor.u32 $0x280, v40  }
0x2b4: {  	v12 =	vadd.f32 v22, v12;
	v22 =	vmul.f32 v59, v58;
	v59 =	vld [tilespmem:$0x1FC20]  }
0x2b5: {  	v51 =	vor.u32 $0x280, v42;
	v62 =	vld [tilespmem:$0x1FC40]  }
0x2b6: {  	v50 =	vld.idx.msk [tilespmem:v50+s29+$0x0], $0xffff;
	v54 =	vor.u32 $0x280, v43  }
0x2b7: {  	v3 =	vld.idx.msk [tilespmem:v3+s29+$0x0], $0xffff  }
0x2b8: {  	v48 =	vld.idx.msk [tilespmem:v48+s29+$0x0], $0xffff;
	v56 =	vor.u32 $0x280, v20  }
0x2b9: {  	v11 =	vadd.f32 v49, v11;
	v49 =	vmul.f32 v60, v59;
	v60 =	vld [tilespmem:$0x1FC30]  }
0x2ba: {  	v51 =	vld.idx.msk [tilespmem:v51+s29+$0x0], $0xffff;
	v32 =	vmul.f32 v32, v62  }
0x2bb: {  	v54 =	vld.idx.msk [tilespmem:v54+s29+$0x0], $0xffff  }
0x2bc: {  	v63 =	vor.u32 $0x280, v18;
	v7 =	vadd.f32 v32, v7;
	v32 =	vld [tilespmem:$0x1FC70]  }
0x2bd: {  	v56 =	vld.idx.msk [tilespmem:v56+s29+$0x0], $0xffff  }
0x2be: {  	v55 =	vor.u32 $0x300, v26;
	v8 =	vadd.f32 v22, v8;
	v22 =	vmul.f32 v61, v60;
	v60 =	vld [tilespmem:$0x1FC60]  }
0x2bf: {  	v61 =	vld [tilespmem:$0x1FC80]  }
0x2c0: {  	v57 =	vor.u32 $0x280, v21;
	v4 =	vadd.f32 v22, v4;
	v22 =	vld [tilespmem:$0x1FC50]  }
0x2c1: {  	v62 =	vmul.f32 v53, v35;
	v58 =	vor.u32 $0x300, v19;
	v6 =	vadd.f32 v49, v6;
	v49 =	vld.idx.msk [tilespmem:v63+s29+$0x0], $0xffff  }
0x2c2: {  	v0 =	vmul.f32 v1, v0;
	v1 =	vor.u32 $0x300, v18;
	v63 =	vld [tilespmem:$0x1FC90]  }
0x2c3: {  	v10 =	vmul.f32 v10, v15;
	v53 =	vld.idx.msk [tilespmem:v55+s29+$0x0], $0xffff;
	v59 =	vor.u32 $0x300, v39;
	v6 =	vadd.f32 v62, v6  }
0x2c4: {  	v55 =	vld [tilespmem:$0x1FCA0];
	v32 =	vmul.f32 v61, v32;
	v61 =	vor.u32 $0x300, v29  }
0x2c5: {  	v57 =	vld.idx.msk [tilespmem:v57+s29+$0x0], $0xffff;
	v6 =	vadd.f32 v10, v6;
	v22 =	vmul.f32 v60, v22;
	v60 =	vor.u32 $0x300, v25  }
0x2c6: {  	v58 =	vld.idx.msk [tilespmem:v58+s29+$0x0], $0xffff;
	v10 =	vmul.f32 v45, v46;
	v12 =	vadd.f32 v32, v12;
	v32 =	vmul.f32 v52, v34  }
0x2c7: {  	v46 =	vld.idx.msk [tilespmem:v1+s29+$0x0], $0xffff;
	v34 =	vor.u32 $0x300, v40;
	v14 =	vadd.f32 v22, v14;
	v22 =	vmul.f32 v33, v63  }
0x2c8: {  	v31 =	vmul.f32 v31, v36;
	v52 =	vld.idx.msk [tilespmem:v59+s29+$0x0], $0xffff;
	v59 =	vor.u32 $0x300, v42  }
0x2c9: {  	v45 =	vor.u32 $0x380, v26;
	v11 =	vadd.f32 v22, v11;
	v22 =	vmul.f32 v27, v55;
	v55 =	vld.idx.msk [tilespmem:v61+s29+$0x0], $0xffff  }
0x2ca: {  	v5 =	vmul.f32 v44, v5;
	v33 =	vor.u32 $0x300, v38;
	v36 =	vld.idx.msk [tilespmem:v60+s29+$0x0], $0xffff  }
0x2cb: {  	v4 =	vadd.f32 v31, v4;
	v63 =	vor.u32 $0x300, v41;
	v8 =	vadd.f32 v32, v8;
	v60 =	vld [tilespmem:$0x1FCB0]  }
0x2cc: {  	v32 =	vor.u32 $0x300, v30;
	v0 =	vadd.f32 v0, v12;
	v12 =	vor.u32 $0x300, v21;
	v62 =	vld.idx.msk [tilespmem:v34+s29+$0x0], $0xffff  }
0x2cd: {  	v61 =	vor.u32 $0x300, v43;
	v5 =	vadd.f32 v5, v8;
	v15 =	vld.idx.msk [tilespmem:v59+s29+$0x0], $0xffff;
	v7 =	vadd.f32 v22, v7  }
0x2ce: {  	v8 =	vmul.f32 v16, v9;
	v2 =	vadd.f32 v2, v11;
	v11 =	vor.u32 $0x380, v19;
	v19 =	vld.idx.msk [tilespmem:v45+s29+$0x0], $0xffff  }
0x2cf: {  	v9 =	vor.u32 $0x380, v39;
	v33 =	vld.idx.msk [tilespmem:v33+s29+$0x0], $0xffff;
	v7 =	vadd.f32 v10, v7;
	v10 =	vmul.f32 v47, v17  }
0x2d0: {  	v20 =	vor.u32 $0x380, v20;
	v1 =	vadd.f32 v8, v4;
	v63 =	vld.idx.msk [tilespmem:v63+s29+$0x0], $0xffff;
	v31 =	vmul.f32 v37, v60  }
0x2d1: {  	v8 =	vor.u32 $0x380, v25;
	v32 =	vld.idx.msk [tilespmem:v32+s29+$0x0], $0xffff;
	v0 =	vadd.f32 v10, v0;
	v10 =	vmul.f32 v51, v50  }
0x2d2: {  	v4 =	vmul.f32 v13, v23;
	v13 =	vor.u32 $0x380, v29;
	v12 =	vld.idx.msk [tilespmem:v12+s29+$0x0], $0xffff;
	v14 =	vadd.f32 v31, v14  }
0x2d3: {  	v44 =	vld.idx.msk [tilespmem:v61+s29+$0x0], $0xffff;
	v51 =	vor.u32 $0x380, v40;
	v10 =	vadd.f32 v10, v5;
	v5 =	vmul.f32 v57, v56  }
0x2d4: {  	v9 =	vld.idx.msk [tilespmem:v9+s29+$0x0], $0xffff;
	v4 =	vadd.f32 v4, v14;
	v14 =	vmul.f32 v24, v48;
	v48 =	vor.u32 $0x380, v38  }
0x2d5: {  	v60 =	vor.u32 $0x380, v43;
	v11 =	vld.idx.msk [tilespmem:v11+s29+$0x0], $0xffff;
	v59 =	vadd.f32 v5, v1;
	v1 =	vmul.f32 v36, v53  }
0x2d6: {  	v8 =	vld.idx.msk [tilespmem:v8+s29+$0x0], $0xffff;
	v2 =	vadd.f32 v14, v2;
	v14 =	vmul.f32 v49, v54;
	v54 =	vor.u32 $0x380, v41  }
0x2d7: {  	v21 =	vor.u32 $0x380, v21;
	v13 =	vld.idx.msk [tilespmem:v13+s29+$0x0], $0xffff;
	v57 =	vor.u32 $0x380, v30;
	v5 =	vmul.f32 v33, v55  }
0x2d8: {  	v22 =	vmul.f32 v63, v62;
	v12 =	vmul.f32 v12, v3;
	v61 =	vld.idx.msk [tilespmem:v51+s29+$0x0], $0xffff;
	v4 =	vadd.f32 v1, v4  }
0x2d9: {  	v63 =	vadd.f32 v5, v0;
	v6 =	vadd.f32 v14, v6;
	v14 =	vmul.f32 v52, v58;
	v17 =	vld.idx.msk [tilespmem:v48+s29+$0x0], $0xffff  }
0x2da: {  	v3 =	vld.idx.msk [tilespmem:v60+s29+$0x0], $0xffff;
	v0 =	vmul.f32 v9, v11;
	v9 =	vmul.f32 v15, v32;
	v58 =	vor.u32 $0x380, v42  }
0x2db: {  	v8 =	vmul.f32 v8, v19;
	v7 =	vadd.f32 v14, v7;
	v14 =	vor.u32 $0x380, v18;
	v62 =	vld.idx.msk [tilespmem:v54+s29+$0x0], $0xffff  }
0x2dc: {  	s31 =	simm.s32 $0x18C40;
	v11 =	vmul.f32 v46, v44;
	v1 =	vld.idx.msk [tilespmem:v57+s29+$0x0], $0xffff  }
0x2dd: {  	[tilespmem:s31+$0x30] =	vst v28;
	v9 =	vadd.f32 v9, v10;
	v8 =	vadd.f32 v8, v4;
	v4 =	vld.idx.msk [tilespmem:v20+s29+$0x0], $0xffff  }
0x2de: {  	v15 =	vadd.f32 v0, v7;
	v0 =	vadd.f32 v11, v6;
	v6 =	vld.idx.msk [tilespmem:v21+s29+$0x0], $0xffff;
	v10 =	vmul.f32 v17, v13  }
0x2df: {  	s28 =	simm.s32 @p0 $0x26160;
	v12 =	vadd.f32 v12, v59;
	v2 =	vadd.f32 v22, v2;
	[tilespmem:s31+$0xFFFFFFD0] =	vst v8;
	v5 =	vld.idx.msk [tilespmem:v58+s29+$0x0], $0xffff  }
0x2e0: {  	s1 =	simm.s32 $0x0;
	s13 =	simm.s32 $0x14CC0;
	s0 =	simm.s32 $0x18C40;
	[tilespmem:s31+$0xFFFFFFC0] =	vst v15;
	v7 =	vld.idx.msk [tilespmem:v14+s29+$0x0], $0xffff;
	v10 =	vadd.f32 v10, v63;
	v11 =	vmul.f32 v62, v61  }
.LBB2_9:
0x2e1: {  	v8 =	vld [tilespmem:s13+$0x30]  }
0x2e2: {  	s30 =	sadd.s32 $0x80, s30;
	v59 =	vld [tilespmem:s13+$0xFFFFFFC0]  }
0x2e3: {  	[tilespmem:$0x1FA10] =	vst v12;
	v12 =	vld [tilespmem:s30+$0x30];
	v2 =	vadd.f32 v11, v2  }
0x2e4: {  	[tilespmem:s31+$0xFFFFFFE0] =	vst v10;
	v10 =	vld [tilespmem:s13+$0xFFFFFFD0];
	v1 =	vmul.f32 v5, v1  }
0x2e5: {  	[tilespmem:s31+$0xFFFFFFF0] =	vst v2;
	v5 =	vld [tilespmem:s30+$0xFFFFFFC0];
	v2 =	vmul.f32 v7, v3  }
0x2e6: {  	v3 =	vld [tilespmem:s30+$0xFFFFFFD0];
	v1 =	vadd.f32 v1, v9  }
0x2e7: {  	v7 =	vld [tilespmem:s13+$0xFFFFFFE0];
	v9 =	vshll.u32 v8, $0x3;
	v0 =	vadd.f32 v2, v0;
	v2 =	vand.u32 $0x7F, v8  }
0x2e8: {  	v11 =	vld [tilespmem:s30+$0xFFFFFFF0];
	[tilespmem:s31+$0x0] =	vst v1;
	v1 =	vmul.f32 v6, v4;
	v4 =	vand.u32 $0xFFFFFC00, v9;
	v6 =	vshll.u32 v12, $0x3  }
0x2e9: {  	v8 =	vld [tilespmem:s13+$0xFFFFFFF0];
	v2 =	vor.u32 v2, v4;
	v4 =	vand.u32 $0x7F, v12;
	v6 =	vand.u32 $0xFFFFFC00, v6  }
0x2ea: {  	v12 =	vld [tilespmem:s13+$0x0];
	v4 =	vor.u32 v4, v6  }
0x2eb: {  	[tilespmem:s31+$0x10] =	vst v0;
	v15 =	vld [tilespmem:s30+$0x0];
	v13 =	vor.u32 $0x80, v2  }
0x2ec: {  	v18 =	vld [tilespmem:s13+$0x10];
	v19 =	vor.u32 $0x100, v2  }
0x2ed: {  	[tilespmem:$0x1FA20] =	vst v1;
	v1 =	vld [tilespmem:s30+$0xFFFFFFE0];
	v25 =	vor.u32 $0x180, v2  }
0x2ee: {  	v29 =	vor.u32 $0x200, v2;
	v21 =	vld.idx.msk [tilespmem:v2+s29+$0x0], $0xffff  }
0x2ef: {  	v9 =	vshll.u32 v10, $0x3;
	v10 =	vand.u32 $0x7F, v10;
	v32 =	vor.u32 $0x280, v2;
	v24 =	vld.idx.msk [tilespmem:v4+s29+$0x0], $0xffff  }
0x2f0: {  	v0 =	vshll.u32 v5, $0x3;
	v9 =	vand.u32 $0xFFFFFC00, v9;
	v51 =	vor.u32 $0x300, v2;
	v13 =	vld.idx.msk [tilespmem:v13+s29+$0x0], $0xffff  }
0x2f1: {  	v14 =	vshll.u32 v7, $0x3;
	v23 =	vshll.u32 v11, $0x3;
	v16 =	vor.u32 $0x80, v4;
	v19 =	vld.idx.msk [tilespmem:v19+s29+$0x0], $0xffff  }
0x2f2: {  	v5 =	vand.u32 $0x7F, v5;
	v7 =	vand.u32 $0x7F, v7;
	v22 =	vor.u32 $0x100, v4;
	v25 =	vld.idx.msk [tilespmem:v25+s29+$0x0], $0xffff  }
0x2f3: {  	v35 =	vand.u32 $0x7F, v11;
	v0 =	vand.u32 $0xFFFFFC00, v0;
	v27 =	vor.u32 $0x180, v4;
	v29 =	vld.idx.msk [tilespmem:v29+s29+$0x0], $0xffff  }
0x2f4: {  	v6 =	vshll.u32 v3, $0x3;
	v14 =	vand.u32 $0xFFFFFC00, v14;
	v31 =	vor.u32 $0x200, v4;
	v32 =	vld.idx.msk [tilespmem:v32+s29+$0x0], $0xffff  }
0x2f5: {  	v23 =	vand.u32 $0xFFFFFC00, v23;
	v3 =	vand.u32 $0x7F, v3;
	v33 =	vor.u32 $0x280, v4;
	v55 =	vld.idx.msk [tilespmem:v51+s29+$0x0], $0xffff  }
0x2f6: {  	v53 =	vor.u32 $0x380, v2;
	v9 =	vor.u32 v10, v9;
	v34 =	vor.u32 $0x300, v4;
	v16 =	vld.idx.msk [tilespmem:v16+s29+$0x0], $0xffff  }
0x2f7: {  	v26 =	vshll.u32 v12, $0x3;
	v28 =	vshll.u32 v15, $0x3;
	v30 =	vshll.u32 v18, $0x3;
	v22 =	vld.idx.msk [tilespmem:v22+s29+$0x0], $0xffff  }
0x2f8: {  	v12 =	vand.u32 $0x7F, v12;
	v17 =	vshll.u32 v1, $0x3;
	v26 =	vand.u32 $0xFFFFFC00, v26;
	v50 =	vld.idx.msk [tilespmem:v27+s29+$0x0], $0xffff  }
0x2f9: {  	v36 =	vand.u32 $0xFFFFFC00, v28;
	v37 =	vand.u32 $0xFFFFFC00, v30;
	v4 =	vor.u32 $0x380, v4;
	v52 =	vld.idx.msk [tilespmem:v31+s29+$0x0], $0xffff  }
0x2fa: {  	v1 =	vand.u32 $0x7F, v1;
	v30 =	vor.u32 v5, v0;
	v54 =	vld.idx.msk [tilespmem:v33+s29+$0x0], $0xffff;
	v21 =	vmul.f32 v24, v21  }
0x2fb: {  	v17 =	vand.u32 $0xFFFFFC00, v17;
	v28 =	vor.u32 v12, v26;
	v12 =	vld [tilespmem:s13+$0x20];
	v58 =	vor.u32 $0x80, v30  }
0x2fc: {  	v56 =	vld.idx.msk [tilespmem:v34+s29+$0x0], $0xffff;
	v45 =	vor.u32 $0x100, v30;
	v13 =	vmul.f32 v16, v13;
	v21 =	vadd.f32 $0.0e+00, v21  }
0x2fd: {  	v6 =	vand.u32 $0xFFFFFC00, v6;
	v20 =	vshll.u32 v8, $0x3;
	v27 =	vor.u32 v1, v17;
	v1 =	vld.idx.msk [tilespmem:v53+s29+$0x0], $0xffff  }
0x2fe: {  	v8 =	vand.u32 $0x7F, v8;
	v57 =	vld.idx.msk [tilespmem:v4+s29+$0x0], $0xffff;
	v11 =	vadd.f32 v13, v21;
	v13 =	vmul.f32 v22, v19  }
0x2ff: {  	v20 =	vand.u32 $0xFFFFFC00, v20;
	v0 =	vand.u32 $0x7F, v15;
	v15 =	vand.u32 $0x7F, v18;
	v18 =	vld.idx.msk [tilespmem:v30+s29+$0x0], $0xffff  }
0x300: {  	v61 =	vshll.u32 v12, $0x3;
	v44 =	vld.idx.msk [tilespmem:v58+s29+$0x0], $0xffff;
	v10 =	vadd.f32 v13, v11;
	v13 =	vmul.f32 v50, v25  }
0x301: {  	v12 =	vand.u32 $0x7F, v12;
	v45 =	vld.idx.msk [tilespmem:v45+s29+$0x0], $0xffff;
	v19 =	vor.u32 $0x80, v9;
	v11 =	vor.u32 v3, v6  }
0x302: {  	v2 =	vld.idx.msk [tilespmem:v27+s29+$0x0], $0xffff;
	v25 =	vor.u32 v7, v14;
	v14 =	vmul.f32 v52, v29;
	v13 =	vadd.f32 v13, v10  }
0x303: {  	v22 =	vshll.u32 v59, $0x3;
	v7 =	vor.u32 v8, v20;
	v29 =	vor.u32 v0, v36;
	v0 =	vld [tilespmem:s30+$0x10]  }
0x304: {  	v8 =	vor.u32 v15, v37;
	v15 =	vld [tilespmem:s30+$0x20];
	v13 =	vadd.f32 v14, v13;
	v14 =	vmul.f32 v54, v32  }
0x305: {  	v1 =	vmul.f32 v57, v1;
	v22 =	vand.u32 $0xFFFFFC00, v22;
	v3 =	vld.idx.msk [tilespmem:v9+s29+$0x0], $0xffff;
	v20 =	vor.u32 $0x80, v11  }
0x306: {  	v26 =	vor.u32 $0x80, v25;
	v16 =	vld.idx.msk [tilespmem:v11+s29+$0x0], $0xffff;
	v13 =	vadd.f32 v14, v13;
	v14 =	vmul.f32 v56, v55  }
0x307: {  	v36 =	vor.u32 $0x80, v8;
	v10 =	vor.u32 v35, v23;
	v23 =	vand.u32 $0xFFFFFC00, v61;
	v4 =	vld.idx.msk [tilespmem:v25+s29+$0x0], $0xffff  }
0x308: {  	v12 =	vor.u32 v12, v23;
	v60 =	vshll.u32 v0, $0x3;
	v31 =	vld.idx.msk [tilespmem:v7+s29+$0x0], $0xffff;
	v13 =	vadd.f32 v14, v13  }
0x309: {  	v0 =	vand.u32 $0x7F, v0;
	v62 =	vshll.u32 v15, $0x3;
	v63 =	vand.u32 $0x7F, v15;
	v32 =	vld.idx.msk [tilespmem:v29+s29+$0x0], $0xffff  }
0x30a: {  	v37 =	vld.idx.msk [tilespmem:v8+s29+$0x0], $0xffff;
	v14 =	vand.u32 $0xFFFFFC00, v60;
	v1 =	vadd.f32 v1, v13;
	v13 =	vand.u32 $0x7F, v59  }
0x30b: {  	v24 =	vand.u32 $0xFFFFFC00, v62;
	v20 =	vld.idx.msk [tilespmem:v20+s29+$0x0], $0xffff;
	v15 =	vor.u32 v13, v22;
	v13 =	vor.u32 v0, v14  }
0x30c: {  	v36 =	vld.idx.msk [tilespmem:v36+s29+$0x0], $0xffff;
	v14 =	vor.u32 v63, v24  }
0x30d: {  	v50 =	vld.idx.msk [tilespmem:v12+s29+$0x0], $0xffff  }
0x30e: {  	v60 =	vld.idx.msk [tilespmem:v19+s29+$0x0], $0xffff;
	v0 =	vor.u32 $0x80, v15  }
0x30f: {  	v6 =	vor.u32 $0x80, v7;
	v63 =	vld.idx.msk [tilespmem:v26+s29+$0x0], $0xffff  }
0x310: {  	v21 =	vor.u32 $0x80, v27;
	v46 =	vld.idx.msk [tilespmem:v13+s29+$0x0], $0xffff  }
0x311: {  	s31 =	sadd.s32 $0x80, s31;
	v5 =	vor.u32 $0x80, v10;
	v55 =	vld.idx.msk [tilespmem:v14+s29+$0x0], $0xffff  }
0x312: {  	v53 =	vmul.f32 v2, v4;
	[tilespmem:s31+$0x30] =	vst v1;
	v1 =	vld.idx.msk [tilespmem:v10+s29+$0x0], $0xffff;
	v2 =	vor.u32 $0x100, v14  }
0x313: {  	[tilespmem:$0x1F980] =	vst v2;
	v58 =	vld.idx.msk [tilespmem:v0+s29+$0x0], $0xffff;
	v0 =	vor.u32 $0x180, v9  }
0x314: {  	v23 =	vor.u32 $0x100, v10;
	v2 =	vld.idx.msk [tilespmem:v6+s29+$0x0], $0xffff;
	[tilespmem:$0x1F990] =	vst v0;
	v0 =	vor.u32 $0x180, v11  }
0x315: {  	v38 =	vor.u32 $0x80, v13;
	[tilespmem:$0x1F9A0] =	vst v0;
	v0 =	vor.u32 $0x180, v25;
	v26 =	vmul.f32 v46, v37;
	v46 =	vld.idx.msk [tilespmem:v21+s29+$0x0], $0xffff  }
0x316: {  	v40 =	vor.u32 $0x100, v15;
	[tilespmem:$0x1F9B0] =	vst v0;
	v0 =	vor.u32 $0x180, v27;
	v21 =	vmul.f32 v55, v50;
	v50 =	vld.idx.msk [tilespmem:v5+s29+$0x0], $0xffff  }
0x317: {  	v47 =	vor.u32 $0x100, v9;
	v33 =	vor.u32 $0x80, v28;
	v22 =	vld.idx.msk [tilespmem:v28+s29+$0x0], $0xffff;
	[tilespmem:$0x1F9C0] =	vst v0;
	v0 =	vor.u32 $0x180, v7  }
0x318: {  	v35 =	vor.u32 $0x80, v29;
	v56 =	vor.u32 $0x100, v7;
	v24 =	vld.idx.msk [tilespmem:v15+s29+$0x0], $0xffff;
	[tilespmem:$0x1F9D0] =	vst v0;
	v0 =	vor.u32 $0x180, v10  }
0x319: {  	v41 =	vor.u32 $0x80, v12;
	v23 =	vld.idx.msk [tilespmem:v23+s29+$0x0], $0xffff;
	v59 =	vmul.f32 v1, v31;
	[tilespmem:$0x1F9E0] =	vst v0;
	v0 =	vor.u32 $0x180, v29  }
0x31a: {  	v51 =	vmul.f32 v16, v3;
	v38 =	vld.idx.msk [tilespmem:v38+s29+$0x0], $0xffff;
	v44 =	vmul.f32 v44, v58;
	[tilespmem:$0x1F9F0] =	vst v0;
	v0 =	vor.u32 $0x180, v8  }
0x31b: {  	v40 =	vld.idx.msk [tilespmem:v40+s29+$0x0], $0xffff;
	v58 =	vadd.f32 $0.0e+00, v59;
	[tilespmem:$0x1FA00] =	vst v0;
	v0 =	vor.u32 $0x180, v13;
	v2 =	vmul.f32 v50, v2  }
0x31c: {  	v43 =	vor.u32 $0x80, v14;
	v32 =	vmul.f32 v32, v22;
	v59 =	vld.idx.msk [tilespmem:v33+s29+$0x0], $0xffff;
	[tilespmem:$0x1FA30] =	vst v0;
	v0 =	vor.u32 $0x180, v12  }
0x31d: {  	v62 =	vmul.f32 v18, v24;
	[tilespmem:$0x1FA40] =	vst v0;
	v0 =	vor.u32 $0x180, v14;
	v22 =	vadd.f32 v2, v58;
	v2 =	vld.idx.msk [tilespmem:v56+s29+$0x0], $0xffff  }
0x31e: {  	v48 =	vor.u32 $0x100, v11;
	v52 =	vor.u32 $0x100, v25;
	[tilespmem:$0x1FA50] =	vst v0;
	v0 =	vld.idx.msk [tilespmem:v35+s29+$0x0], $0xffff  }
0x31f: {  	v17 =	vadd.f32 $0.0e+00, v51;
	v4 =	vmul.f32 v20, v60;
	v16 =	vadd.f32 $0.0e+00, v62  }
0x320: {  	v41 =	vld.idx.msk [tilespmem:v41+s29+$0x0], $0xffff;
	v53 =	vadd.f32 $0.0e+00, v53;
	v36 =	vmul.f32 v38, v36;
	v20 =	vadd.f32 $0.0e+00, v26  }
0x321: {  	v54 =	vor.u32 $0x100, v27;
	v3 =	vld.idx.msk [tilespmem:v43+s29+$0x0], $0xffff;
	v18 =	vadd.f32 v4, v17;
	v16 =	vadd.f32 v44, v16  }
0x322: {  	v17 =	vld.idx.msk [tilespmem:v47+s29+$0x0], $0xffff;
	v38 =	vadd.f32 v36, v20;
	v36 =	vmul.f32 v45, v40;
	v2 =	vmul.f32 v23, v2  }
0x323: {  	v44 =	vld.idx.msk [tilespmem:v48+s29+$0x0], $0xffff;
	v1 =	vmul.f32 v46, v63;
	v59 =	vmul.f32 v0, v59;
	v0 =	vor.u32 $0x200, v12  }
0x324: {  	v20 =	vadd.f32 v36, v16;
	[tilespmem:$0x1FA70] =	vst v0;
	v0 =	vor.u32 $0x200, v14;
	v16 =	vadd.f32 v2, v22;
	v2 =	vld [tilespmem:$0x1F990]  }
0x325: {  	v42 =	vor.u32 $0x100, v8;
	v19 =	vadd.f32 v1, v53;
	v1 =	vld.idx.msk [tilespmem:v52+s29+$0x0], $0xffff;
	[tilespmem:$0x1FA80] =	vst v0;
	v0 =	vor.u32 $0x280, v15  }
0x326: {  	v34 =	vor.u32 $0x100, v28;
	[tilespmem:$0x1FA90] =	vst v0;
	v0 =	vld.idx.msk [tilespmem:v54+s29+$0x0], $0xffff;
	_ =	sdelay $0x2  }
0x327: {  	v39 =	vor.u32 $0x100, v29;
	v31 =	vor.u32 $0x180, v30  }
0x328: {  	v6 =	vld.idx.msk [tilespmem:v42+s29+$0x0], $0xffff;
	v5 =	vor.u32 $0x200, v13;
	v3 =	vmul.f32 v3, v41;
	v21 =	vadd.f32 $0.0e+00, v21  }
0x329: {  	v37 =	vor.u32 $0x180, v28;
	[tilespmem:$0x1FA60] =	vst v5;
	v5 =	vld.idx.msk [tilespmem:v34+s29+$0x0], $0xffff;
	v17 =	vmul.f32 v44, v17;
	v0 =	vmul.f32 v0, v1  }
0x32a: {  	v62 =	vor.u32 $0x200, v11;
	v24 =	vadd.f32 v3, v21;
	v22 =	vld.idx.msk [tilespmem:v2+s29+$0x0], $0xffff;
	v2 =	vor.u32 $0x300, v13  }
0x32b: {  	v21 =	vadd.f32 v17, v18;
	v18 =	vadd.f32 v0, v19;
	v0 =	vld [tilespmem:$0x1F980];
	[tilespmem:$0x1FAD0] =	vst v2;
	v2 =	vor.u32 $0x300, v12  }
0x32c: {  	v49 =	vor.u32 $0x100, v13;
	v3 =	vor.u32 $0x280, v12;
	[tilespmem:$0x1FAE0] =	vst v2;
	v2 =	vld [tilespmem:$0x1F9A0]  }
0x32d: {  	v61 =	vor.u32 $0x100, v12;
	v34 =	vld.idx.msk [tilespmem:v39+s29+$0x0], $0xffff;
	[tilespmem:$0x1FAA0] =	vst v3;
	v3 =	vor.u32 $0x300, v15  }
0x32e: {  	v37 =	vld.idx.msk [tilespmem:v37+s29+$0x0], $0xffff;
	[tilespmem:$0x1FAB0] =	vst v3;
	v3 =	vor.u32 $0x300, v25  }
0x32f: {  	[tilespmem:$0x1FAC0] =	vst v3;
	v3 =	vld.idx.msk [tilespmem:v31+s29+$0x0], $0xffff  }
0x330: {  	v46 =	vor.u32 $0x200, v28;
	v62 =	vld.idx.msk [tilespmem:v62+s29+$0x0], $0xffff  }
0x331: {  	v1 =	vld.idx.msk [tilespmem:v49+s29+$0x0], $0xffff  }
0x332: {  	v57 =	vor.u32 $0x180, v15;
	v17 =	vld.idx.msk [tilespmem:v61+s29+$0x0], $0xffff  }
0x333: {  	v0 =	vld.idx.msk [tilespmem:v0+s29+$0x0], $0xffff  }
0x334: {  	v42 =	vor.u32 $0x300, v11;
	v32 =	vadd.f32 $0.0e+00, v32;
	v4 =	vld.idx.msk [tilespmem:v2+s29+$0x0], $0xffff  }
0x335: {  	v26 =	vor.u32 $0x200, v15;
	v53 =	vor.u32 $0x280, v11;
	v11 =	vor.u32 $0x380, v11;
	v46 =	vld.idx.msk [tilespmem:v46+s29+$0x0], $0xffff  }
0x336: {  	v63 =	vor.u32 $0x200, v25;
	v15 =	vor.u32 $0x380, v15;
	v1 =	vmul.f32 v1, v6;
	v2 =	vld [tilespmem:$0x1F9B0]  }
0x337: {  	v32 =	vadd.f32 v59, v32;
	v59 =	vor.u32 $0x280, v25;
	v54 =	vor.u32 $0x280, v27;
	v49 =	vld.idx.msk [tilespmem:v57+s29+$0x0], $0xffff  }
0x338: {  	v38 =	vadd.f32 v1, v38;
	v1 =	vmul.f32 v0, v17;
	v0 =	vor.u32 $0x380, v25;
	v25 =	vld [tilespmem:$0x1F9D0]  }
0x339: {  	v22 =	vmul.f32 v4, v22;
	v4 =	vld [tilespmem:$0x1F9F0]  }
0x33a: {  	v11 =	vld.idx.msk [tilespmem:v11+s29+$0x0], $0xffff  }
0x33b: {  	v15 =	vld.idx.msk [tilespmem:v15+s29+$0x0], $0xffff  }
0x33c: {  	v49 =	vmul.f32 v3, v49;
	v3 =	vld [tilespmem:$0x1F9E0]  }
0x33d: {  	v54 =	vld.idx.msk [tilespmem:v54+s29+$0x0], $0xffff;
	v19 =	vor.u32 $0x300, v10  }
0x33e: {  	v6 =	vld.idx.msk [tilespmem:v2+s29+$0x0], $0xffff  }
0x33f: {  	v51 =	vor.u32 $0x200, v7;
	v60 =	vor.u32 $0x200, v27;
	v45 =	vor.u32 $0x280, v29;
	v2 =	vld [tilespmem:$0x1F9C0]  }
0x340: {  	v50 =	vor.u32 $0x200, v29;
	v61 =	vor.u32 $0x300, v27;
	v17 =	vor.u32 $0x380, v27;
	v27 =	vld.idx.msk [tilespmem:v25+s29+$0x0], $0xffff  }
0x341: {  	v5 =	vmul.f32 v34, v5;
	v31 =	vor.u32 $0x300, v29;
	v25 =	vor.u32 $0x380, v29;
	v29 =	vld.idx.msk [tilespmem:v4+s29+$0x0], $0xffff  }
0x342: {  	v43 =	vor.u32 $0x200, v8;
	v40 =	vor.u32 $0x280, v8;
	v34 =	vor.u32 $0x300, v8;
	v19 =	vld.idx.msk [tilespmem:v19+s29+$0x0], $0xffff  }
0x343: {  	v56 =	vor.u32 $0x280, v28;
	v44 =	vor.u32 $0x280, v14;
	v5 =	vadd.f32 v5, v32;
	v4 =	vld [tilespmem:$0x1FA00]  }
0x344: {  	v32 =	vor.u32 $0x300, v14;
	v57 =	vor.u32 $0x300, v28;
	v3 =	vld.idx.msk [tilespmem:v3+s29+$0x0], $0xffff;
	v24 =	vadd.f32 v1, v24  }
0x345: {  	v1 =	vor.u32 $0x380, v28;
	v28 =	vor.u32 $0x380, v8;
	v8 =	vor.u32 $0x380, v14;
	v14 =	vld [tilespmem:$0x1FA20]  }
0x346: {  	v17 =	vld.idx.msk [tilespmem:v17+s29+$0x0], $0xffff;
	v37 =	vmul.f32 v29, v37  }
0x347: {  	v2 =	vld.idx.msk [tilespmem:v2+s29+$0x0], $0xffff  }
0x348: {  	v5 =	vadd.f32 v37, v5;
	v37 =	vld.idx.msk [tilespmem:v51+s29+$0x0], $0xffff  }
0x349: {  	v52 =	vor.u32 $0x280, v10;
	v51 =	vld.idx.msk [tilespmem:v50+s29+$0x0], $0xffff  }
0x34a: {  	v23 =	vor.u32 $0x300, v7;
	v50 =	vld.idx.msk [tilespmem:v53+s29+$0x0], $0xffff  }
0x34b: {  	v20 =	vadd.f32 v49, v20;
	v49 =	vld.idx.msk [tilespmem:v4+s29+$0x0], $0xffff  }
0x34c: {  	v4 =	vor.u32 $0x380, v12;
	v12 =	vld [tilespmem:$0x1FA10]  }
0x34d: {  	v35 =	vor.u32 $0x200, v30;
	v53 =	vld.idx.msk [tilespmem:v59+s29+$0x0], $0xffff  }
0x34e: {  	v59 =	vld.idx.msk [tilespmem:v52+s29+$0x0], $0xffff  }
0x34f: {  	v52 =	vld.idx.msk [tilespmem:v23+s29+$0x0], $0xffff  }
0x350: {  	v2 =	vmul.f32 v2, v6;
	v6 =	vld [tilespmem:$0x1FA30]  }
0x351: {  	v33 =	vor.u32 $0x200, v9;
	v12 =	vadd.f32 v14, v12;
	v14 =	vadd.f32 v22, v21;
	v21 =	vld [tilespmem:$0x1FA40]  }
0x352: {  	v22 =	vld.idx.msk [tilespmem:v35+s29+$0x0], $0xffff  }
0x353: {  	v35 =	vld.idx.msk [tilespmem:v60+s29+$0x0], $0xffff  }
0x354: {  	v36 =	vor.u32 $0x300, v9;
	v60 =	vld [tilespmem:$0x1FA60]  }
0x355: {  	v2 =	vadd.f32 v2, v18;
	v18 =	vld.idx.msk [tilespmem:v26+s29+$0x0], $0xffff  }
0x356: {  	v26 =	vld.idx.msk [tilespmem:v33+s29+$0x0], $0xffff  }
0x357: {  	v33 =	vld.idx.msk [tilespmem:v63+s29+$0x0], $0xffff;
	v46 =	vmul.f32 v51, v46  }
0x358: {  	v6 =	vld.idx.msk [tilespmem:v6+s29+$0x0], $0xffff  }
0x359: {  	v5 =	vadd.f32 v46, v5;
	v46 =	vld.idx.msk [tilespmem:v36+s29+$0x0], $0xffff  }
0x35a: {  	v18 =	vmul.f32 v22, v18;
	v21 =	vld.idx.msk [tilespmem:v21+s29+$0x0], $0xffff  }
0x35b: {  	v55 =	vor.u32 $0x200, v10;
	[tilespmem:s0+$0x20] =	vst v12;
	v12 =	vld [tilespmem:$0x1FA50]  }
0x35c: {  	v18 =	vadd.f32 v18, v20;
	v20 =	vld.idx.msk [tilespmem:v60+s29+$0x0], $0xffff  }
0x35d: {  	v58 =	vor.u32 $0x280, v30;
	v6 =	vmul.f32 v6, v49;
	v49 =	vmul.f32 v62, v26;
	v62 =	vld [tilespmem:$0x1FA70]  }
0x35e: {  	v47 =	vor.u32 $0x280, v9;
	v60 =	vld.idx.msk [tilespmem:v56+s29+$0x0], $0xffff  }
0x35f: {  	v48 =	vor.u32 $0x280, v7;
	v56 =	vld.idx.msk [tilespmem:v34+s29+$0x0], $0xffff  }
0x360: {  	v6 =	vadd.f32 v6, v38;
	v38 =	vld.idx.msk [tilespmem:v55+s29+$0x0], $0xffff  }
0x361: {  	v55 =	vld.idx.msk [tilespmem:v43+s29+$0x0], $0xffff  }
0x362: {  	v43 =	vld.idx.msk [tilespmem:v58+s29+$0x0], $0xffff  }
0x363: {  	v14 =	vadd.f32 v49, v14;
	v49 =	vld.idx.msk [tilespmem:v47+s29+$0x0], $0xffff  }
0x364: {  	v58 =	vld.idx.msk [tilespmem:v48+s29+$0x0], $0xffff  }
0x365: {  	v47 =	vld.idx.msk [tilespmem:v42+s29+$0x0], $0xffff  }
0x366: {  	v63 =	vmul.f32 v38, v37;
	v37 =	vld [tilespmem:$0x1FA80]  }
0x367: {  	v39 =	vor.u32 $0x300, v30;
	v38 =	vld [tilespmem:$0x1FA90]  }
0x368: {  	v30 =	vor.u32 $0x380, v30;
	v51 =	vmul.f32 v20, v55;
	v20 =	vmul.f32 v54, v53;
	v54 =	vld.idx.msk [tilespmem:v57+s29+$0x0], $0xffff  }
0x369: {  	v12 =	vld.idx.msk [tilespmem:v12+s29+$0x0], $0xffff  }
0x36a: {  	v3 =	vmul.f32 v3, v27;
	v29 =	vld.idx.msk [tilespmem:v62+s29+$0x0], $0xffff  }
0x36b: {  	v62 =	vmul.f32 v50, v49;
	v49 =	vld [tilespmem:$0x1FAC0]  }
0x36c: {  	v3 =	vadd.f32 v3, v16;
	v50 =	vld.idx.msk [tilespmem:v61+s29+$0x0], $0xffff  }
0x36d: {  	v41 =	vor.u32 $0x280, v13;
	v61 =	vld.idx.msk [tilespmem:v30+s29+$0x0], $0xffff  }
0x36e: {  	v3 =	vadd.f32 v63, v3;
	v63 =	vld.idx.msk [tilespmem:v45+s29+$0x0], $0xffff  }
0x36f: {  	v22 =	vld.idx.msk [tilespmem:v38+s29+$0x0], $0xffff  }
0x370: {  	v12 =	vmul.f32 v12, v21;
	v21 =	vld.idx.msk [tilespmem:v37+s29+$0x0], $0xffff  }
0x371: {  	v37 =	vld.idx.msk [tilespmem:v40+s29+$0x0], $0xffff  }
0x372: {  	v38 =	vld.idx.msk [tilespmem:v41+s29+$0x0], $0xffff  }
0x373: {  	v41 =	vmul.f32 v59, v58;
	v58 =	vld [tilespmem:$0x1FAD0]  }
0x374: {  	v22 =	vmul.f32 v43, v22;
	v43 =	vld.idx.msk [tilespmem:v44+s29+$0x0], $0xffff  }
0x375: {  	v9 =	vor.u32 $0x380, v9;
	v44 =	vld [tilespmem:$0x1FAB0]  }
0x376: {  	v40 =	vld [tilespmem:$0x1FAA0]  }
0x377: {  	v16 =	vmul.f32 v35, v33;
	v18 =	vadd.f32 v22, v18;
	v22 =	vld.idx.msk [tilespmem:v49+s29+$0x0], $0xffff  }
0x378: {  	v59 =	vld [tilespmem:$0x1FAE0]  }
0x379: {  	v2 =	vadd.f32 v16, v2;
	v45 =	vld.idx.msk [tilespmem:v39+s29+$0x0], $0xffff;
	v12 =	vadd.f32 v12, v24;
	v55 =	vmul.f32 v21, v29  }
0x37a: {  	v14 =	vadd.f32 v62, v14;
	v62 =	vld.idx.msk [tilespmem:v9+s29+$0x0], $0xffff  }
0x37b: {  	v2 =	vadd.f32 v20, v2;
	v20 =	vmul.f32 v47, v46;
	v12 =	vadd.f32 v55, v12;
	v55 =	vld.idx.msk [tilespmem:v31+s29+$0x0], $0xffff  }
0x37c: {  	v57 =	vmul.f32 v50, v22;
	v22 =	vld.idx.msk [tilespmem:v58+s29+$0x0], $0xffff  }
0x37d: {  	v10 =	vor.u32 $0x380, v10;
	v14 =	vadd.f32 v20, v14;
	v16 =	vmul.f32 v63, v60;
	v29 =	vld.idx.msk [tilespmem:v44+s29+$0x0], $0xffff  }
0x37e: {  	v3 =	vadd.f32 v41, v3;
	v27 =	vld.idx.msk [tilespmem:v40+s29+$0x0], $0xffff;
	v20 =	vadd.f32 v57, v2;
	v2 =	vmul.f32 v19, v52  }
0x37f: {  	v7 =	vor.u32 $0x380, v7;
	v6 =	vadd.f32 v51, v6;
	v60 =	vld.idx.msk [tilespmem:v32+s29+$0x0], $0xffff;
	v48 =	vmul.f32 v38, v37  }
0x380: {  	v5 =	vadd.f32 v16, v5;
	v26 =	vld.idx.msk [tilespmem:v59+s29+$0x0], $0xffff;
	v2 =	vadd.f32 v2, v3;
	v3 =	vmul.f32 v55, v54  }
0x381: {  	v1 =	vld.idx.msk [tilespmem:v1+s29+$0x0], $0xffff;
	v6 =	vadd.f32 v48, v6  }
0x382: {  	v63 =	vld.idx.msk [tilespmem:v0+s29+$0x0], $0xffff;
	v53 =	vmul.f32 v45, v29;
	v9 =	vadd.f32 v3, v5;
	v3 =	vmul.f32 v22, v56  }
0x383: {  	s1 =	sadd.s32 $0x8, s1;
	v13 =	vor.u32 $0x380, v13;
	v51 =	vmul.f32 v43, v27;
	v5 =	vmul.f32 v61, v15;
	v15 =	vld.idx.msk [tilespmem:v10+s29+$0x0], $0xffff  }
0x384: {  	p0 =	slt.u32 s1, $0xF0;
	v18 =	vadd.f32 v53, v18;
	v0 =	vadd.f32 v3, v6;
	v6 =	vld.idx.msk [tilespmem:v7+s29+$0x0], $0xffff  }
.Ltmp8:
0x385: {  	v4 =	vld.idx.msk [tilespmem:v4+s29+$0x0], $0xffff;
	v12 =	vadd.f32 v51, v12;
	v10 =	vmul.f32 v11, v62;
	v3 =	vmul.f32 v60, v26;
	(pc) =	sbr.rel @p0 .LBB2_9-.Ltmp8, $4  }
0x386: {  	v7 =	vadd.f32 v5, v18;
	v5 =	vld.idx.msk [tilespmem:v25+s29+$0x0], $0xffff  }
0x387: {  	v11 =	vmul.f32 v17, v63;
	v10 =	vadd.f32 v10, v14;
	v12 =	vadd.f32 v3, v12;
	v3 =	vld.idx.msk [tilespmem:v28+s29+$0x0], $0xffff  }
0x388: {  	[tilespmem:s31+$0xFFFFFFC0] =	vst v7;
	v7 =	vld.idx.msk [tilespmem:v13+s29+$0x0], $0xffff  }
0x389: {  	s13 =	sadd.s32 $0x80, s13;
	s0 =	smov.u32 s31;
	[tilespmem:s31+$0xFFFFFFD0] =	vst v10;
	v10 =	vadd.f32 v11, v20;
	v11 =	vmul.f32 v15, v6;
	v6 =	vld.idx.msk [tilespmem:v8+s29+$0x0], $0xffff  }
0x38a: {  	_ =	sdelay $0x1  }
0x38b: {  	v1 =	vmul.f32 v5, v1  }
0x38c: {  	v2 =	vadd.f32 v11, v2;
	v3 =	vmul.f32 v7, v3  }
0x38d: {  	[tilespmem:s31+$0xFFFFFFE0] =	vst v10;
	v1 =	vadd.f32 v1, v9;
	v4 =	vmul.f32 v6, v4  }
0x38e: {  	[tilespmem:s31+$0xFFFFFFF0] =	vst v2;
	v0 =	vadd.f32 v3, v0  }
0x38f: {  	[tilespmem:s31+$0x0] =	vst v1;
	v63 =	vadd.f32 v4, v12  }
0x390: {  	[tilespmem:s31+$0x10] =	vst v0  }
0x391: {  	[tilespmem:s0+$0x20] =	vst v63  }
.LBB2_11:
0x392: {  	s0 =	sshra.s32 s29, $0x2  }
0x393: {  	v0 =	vld [tilespmem:s0+$0x15B80]  }
0x394: {  	v1 =	vld [tilespmem:s0+$0x17B80];
	_ =	sdelay $0x3  }
0x395: {  	v2 =	vshll.u32 v0, $0x3  }
0x396: {  	v0 =	vand.u32 $0x7F, v0;
	v3 =	vshll.u32 v1, $0x3;
	v2 =	vand.u32 $0xFFFFFC00, v2  }
0x397: {  	v1 =	vand.u32 $0x7F, v1;
	v50 =	vand.u32 $0xFFFFFC00, v3;
	v0 =	vor.u32 v0, v2  }
0x398: {  	v1 =	vor.u32 v1, v50  }
0x399: {  	v51 =	vor.u32 $0x80, v0  }
0x39a: {  	v52 =	vor.u32 $0x80, v1  }
0x39b: {  	v4 =	vor.u32 $0x100, v0  }
0x39c: {  	v6 =	vor.u32 $0x100, v1;
	v5 =	vld.idx.msk [tilespmem:v0+s2+$0x0], $0xffff  }
0x39d: {  	v8 =	vor.u32 $0x180, v0;
	v7 =	vld.idx.msk [tilespmem:v1+s2+$0x0], $0xffff  }
0x39e: {  	v9 =	vor.u32 $0x180, v1;
	v2 =	vld.idx.msk [tilespmem:v51+s2+$0x0], $0xffff  }
0x39f: {  	v10 =	vor.u32 $0x200, v0;
	v3 =	vld.idx.msk [tilespmem:v52+s2+$0x0], $0xffff  }
0x3a0: {  	v11 =	vor.u32 $0x200, v1;
	v4 =	vld.idx.msk [tilespmem:v4+s2+$0x0], $0xffff  }
0x3a1: {  	v12 =	vor.u32 $0x280, v0;
	v6 =	vld.idx.msk [tilespmem:v6+s2+$0x0], $0xffff  }
0x3a2: {  	v54 =	vor.u32 $0x280, v1;
	v53 =	vld.idx.msk [tilespmem:v8+s2+$0x0], $0xffff;
	v5 =	vmul.f32 v7, v5  }
0x3a3: {  	v13 =	vor.u32 $0x300, v0;
	v9 =	vld.idx.msk [tilespmem:v9+s2+$0x0], $0xffff  }
0x3a4: {  	v56 =	vor.u32 $0x300, v1;
	v55 =	vld.idx.msk [tilespmem:v10+s2+$0x0], $0xffff;
	v2 =	vmul.f32 v3, v2;
	v5 =	vadd.f32 $0.0e+00, v5  }
0x3a5: {  	v0 =	vor.u32 $0x380, v0;
	v11 =	vld.idx.msk [tilespmem:v11+s2+$0x0], $0xffff  }
0x3a6: {  	v1 =	vor.u32 $0x380, v1;
	v57 =	vld.idx.msk [tilespmem:v12+s2+$0x0], $0xffff;
	v4 =	vmul.f32 v6, v4;
	v2 =	vadd.f32 v2, v5  }
0x3a7: {  	v58 =	vld.idx.msk [tilespmem:v54+s2+$0x0], $0xffff  }
0x3a8: {  	v60 =	vld.idx.msk [tilespmem:v13+s2+$0x0], $0xffff;
	v59 =	vmul.f32 v9, v53;
	v2 =	vadd.f32 v4, v2  }
0x3a9: {  	v61 =	vld.idx.msk [tilespmem:v56+s2+$0x0], $0xffff  }
0x3aa: {  	v0 =	vld.idx.msk [tilespmem:v0+s2+$0x0], $0xffff;
	v3 =	vmul.f32 v11, v55;
	v2 =	vadd.f32 v59, v2  }
0x3ab: {  	v1 =	vld.idx.msk [tilespmem:v1+s2+$0x0], $0xffff  }
0x3ac: {  	v62 =	vmul.f32 v58, v57;
	v2 =	vadd.f32 v3, v2;
	_ =	sdelay $0x1  }
0x3ad: {  	v63 =	vmul.f32 v61, v60;
	v2 =	vadd.f32 v62, v2  }
0x3ae: {  	p0 =	sne.s32 s29, $0x40  }
.Ltmp9:
0x3af: {  	v0 =	vmul.f32 v1, v0;
	v2 =	vadd.f32 v63, v2;
	(pc) =	sbr.rel @p0 .LBB2_11-.Ltmp9, $3  }
0x3b0: {  	_ = 	snop  }
0x3b1: {  	v0 =	vadd.f32 v0, v2;
	_ =	sdelay $0x1  }
0x3b2: {  	s29 =	sadd.s32 $0x40, s29;
	[tilespmem:s0+$0x19B80] =	vst v0  }
.Ltmp10:
0x3b3: {  	(pc) =	sbr.rel .LBB2_13-.Ltmp10, $4  }
0x3b4: {  	s0 =	sadd.s32 s28, s10  }
0x3b5: {  	s0 =	sshrl.u32 s0, $0x3  }
0x3b6: {  	s0 =	sadd.s32 s5, s0  }
0x3b7: {  	[hbm4b:s0+s2] =	stream.linear.scatter [tilespmem:s17], [sflag:$0x6], $0xFA0, $0x38;
	[tilespmem:$0x19C00] =	vst v63  }
.LBB2_15:
0x3b8: {  	_ =	sfence.sel $0x180000  }
0x3b9: {  	[bflag:$0x0] =	sbarrier.arrive $0xFFFF  }
0x3ba: {  	_ =	strace $0x90000047  }
0x3bb: {  	s0 =	stileid.u32;
	[bflag:$0x2] =	sbarrier.arrive $0xFFFF  }
0x3bc: {  	p0 =	sne.s32 s0, $0x0;
	s0 =	rddreg [dreg:$0x1]  }
0x3bd: {  	s0 =	sadd.s32 @!p0 $0x100000, s0  }
0x3be: {  	[sflag:s0] =	ssyncadd.tile.s32 @!p0 $0x1;
	_ =	shalt  }
.Lfunc_end2:
_tile_overlayer_lowered:
.L_overlay_start_2:
0x3bf: {  	(tag) =	ssettag $0x2  }
0x3c0: {  	s0 =	rddreg [dreg:$0x0];
	s2 =	stileid.u32  }
0x3c1: {  	s1 =	rddreg [dreg:$0x1];
	p0 =	sne.s32 s2, $0x0  }
0x3c2: {  	s3 =	rddreg [dreg:$0x2];
	[bflag:$0x3] =	sbarrier.arrive $0xFFFF;
	s2 =	simm.s32 @!p0 $0x1C07  }
0x3c3: {  	[timem:s3], [sflag:s2] =	dma.local @!p0 [hbm:s0], s1  }
0x3c4: {  	s0 =	simm.s32 @!p0 $0x7  }
0x3c5: {  	_ =	swait.ge @!p0 [sflag:s0], s1  }
0x3c6: {  	s1 =	ssub.s32 @!p0 $0x0, s1;
	[sflag:s0] =	ssyncset.done @!p0 $0x0  }
0x3c7: {  	[sflag:s0] =	ssyncadd.s32 @!p0 s1  }
0x3c8: {  	[bflag:$0x3] =	sbarrier.arrive $0xFFFF  }
0x3c9: {  	_ =	shalt  }

</sc_bundles>
